<compile_context>
chip_gen: v7x
topology: tpu7x:2x2x1
jax: 0.10.2.dev20260603
libtpu: 0.0.44.dev20260713+nightly
codegen_flags: <defaults>
</compile_context>

<pallas_src>
import functools

import jax
import jax.numpy as jnp
from jax import lax
from jax.experimental import pallas as pl
from jax.experimental.pallas import tpu as pltpu
from jax.experimental.pallas import tpu_sc as plsc

N_NODES = 50000
N_EDGES = 800000
HID = 64
HALF = 32

NUM_CORES = 2
NUM_SUBCORES = 16

CHUNK = 128
E_PAD = 802816
CHUNKS_TOTAL = E_PAD // CHUNK
CHUNKS_PER_TILE = CHUNKS_TOTAL // NUM_SUBCORES
IDX_BLK = 49
N_OUTER = CHUNKS_PER_TILE // IDX_BLK

NPAD = 50176
ROWS_T = NPAD // NUM_SUBCORES
ROWS_W = NPAD // (NUM_CORES * NUM_SUBCORES)

_MESH = plsc.VectorSubcoreMesh(
    core_axis_name="c", subcore_axis_name="s",
    num_cores=NUM_CORES, num_subcores=NUM_SUBCORES)

_SC_PARAMS = pltpu.CompilerParams(use_tc_tiling_on_sc=False)

DEGW = 16


@functools.partial(
    pl.kernel,
    out_type=(jax.ShapeDtypeStruct((NPAD, DEGW), jnp.float32),
              jax.ShapeDtypeStruct((NPAD, DEGW), jnp.float32)),
    mesh=_MESH,
    scratch_types=[
        pltpu.VMEM_SHARED((NPAD, DEGW), jnp.float32),
        pltpu.VMEM((IDX_BLK, CHUNK), jnp.int32),
        pltpu.VMEM((CHUNK, DEGW), jnp.float32),
    ],
    compiler_params=_SC_PARAMS,
)
def _sc_degree(dst2, ones_hbm, zeros_hbm, deg0_hbm, deg1_hbm,
               accum, didx, ones_v):
    c = lax.axis_index("c")
    s = lax.axis_index("s")

    pltpu.sync_copy(ones_hbm, ones_v)
    tbase = pl.multiple_of(s * ROWS_T, 8)
    pltpu.sync_copy(zeros_hbm, accum.at[pl.ds(tbase, ROWS_T)])
    plsc.subcore_barrier()

    def outer(ob, carry):
        blk = s * N_OUTER + c * (N_OUTER // 2) + ob
        pltpu.sync_copy(dst2.at[blk], didx)

        def inner(j, carry2):
            pltpu.sync_copy(ones_v, accum.at[didx.at[j]], add=True)
            return carry2

        lax.fori_loop(0, IDX_BLK, inner, 0)
        return carry

    lax.fori_loop(0, N_OUTER // 2, outer, 0)
    plsc.subcore_barrier()

    @pl.when(c == 0)
    def _():
        pltpu.sync_copy(accum.at[pl.ds(tbase, ROWS_T)],
                        deg0_hbm.at[pl.ds(tbase, ROWS_T)])

    @pl.when(c == 1)
    def _():
        pltpu.sync_copy(accum.at[pl.ds(tbase, ROWS_T)],
                        deg1_hbm.at[pl.ds(tbase, ROWS_T)])


@functools.partial(
    pl.kernel,
    out_type=(jax.ShapeDtypeStruct((NPAD, HALF), jnp.float32),
              jax.ShapeDtypeStruct((NPAD, HALF), jnp.float32)),
    mesh=_MESH,
    scratch_types=[
        pltpu.VMEM_SHARED((NPAD, HALF), jnp.float32),
        pltpu.VMEM((IDX_BLK, CHUNK), jnp.int32),
        pltpu.VMEM((IDX_BLK, CHUNK), jnp.int32),
        pltpu.VMEM((CHUNK, HALF), jnp.float32),
        pltpu.VMEM((CHUNK, HALF), jnp.float32),
        pltpu.VMEM((CHUNK, HALF), jnp.float32),
        pltpu.VMEM((CHUNK, HALF), jnp.float32),
        pltpu.SemaphoreType.DMA,
        pltpu.SemaphoreType.DMA,
        pltpu.SemaphoreType.DMA,
        pltpu.SemaphoreType.DMA,
    ],
    compiler_params=_SC_PARAMS,
)
def _sc_segment(y_lo, y_hi, src2, dst2, agg_lo, agg_hi, accum, sidx, didx,
                rows_a, rows_b, rows_c, rows_d, sem_a, sem_b, sem_c, sem_d):
    c = lax.axis_index("c")
    s = lax.axis_index("s")
    tbase = pl.multiple_of(s * ROWS_T, 8)
    bufs = ((rows_a, sem_a), (rows_b, sem_b), (rows_c, sem_c), (rows_d, sem_d))

    def run(y_ref, agg_ref):
        pltpu.sync_copy(y_ref.at[pl.ds(tbase, ROWS_T)],
                        accum.at[pl.ds(tbase, ROWS_T)])
        plsc.subcore_barrier()

        def gather(k, slot):
            buf, sem = bufs[slot]
            pltpu.async_copy(y_ref.at[sidx.at[k]], buf, sem)

        def drain(k, slot):
            buf, sem = bufs[slot]
            pltpu.make_async_copy(y_ref.at[sidx.at[k]], buf, sem).wait()
            pltpu.sync_copy(buf, accum.at[didx.at[k]], add=True)

        def outer(ob, carry):
            pltpu.sync_copy(src2.at[s * N_OUTER + ob], sidx)
            pltpu.sync_copy(dst2.at[s * N_OUTER + ob], didx)
            gather(0, 0)
            gather(1, 1)
            gather(2, 2)

            def inner(jj, carry2):
                j = jj * 4
                gather(j + 3, 3)
                drain(j, 0)
                gather(j + 4, 0)
                drain(j + 1, 1)
                gather(j + 5, 1)
                drain(j + 2, 2)
                gather(j + 6, 2)
                drain(j + 3, 3)
                return carry2

            lax.fori_loop(0, (IDX_BLK - 5) // 4, inner, 0)
            gather(IDX_BLK - 2, 3)
            drain(IDX_BLK - 5, 0)
            gather(IDX_BLK - 1, 0)
            drain(IDX_BLK - 4, 1)
            drain(IDX_BLK - 3, 2)
            drain(IDX_BLK - 2, 3)
            drain(IDX_BLK - 1, 0)
            return carry

        lax.fori_loop(0, N_OUTER, outer, 0)
        plsc.subcore_barrier()
        pltpu.sync_copy(accum.at[pl.ds(tbase, ROWS_T)],
                        agg_ref.at[pl.ds(tbase, ROWS_T)])

    @pl.when(c == 0)
    def _():
        run(y_lo, agg_lo)

    @pl.when(c == 1)
    def _():
        run(y_hi, agg_hi)


BLK = 2000
GRID = N_NODES // BLK

_row_spec = lambda w: pl.BlockSpec((BLK, w), lambda i: (i, 0))
_full_spec = lambda r, w: pl.BlockSpec((r, w), lambda i: (0, 0))


def _tc_proj_body(x_ref, win_ref, bin_ref, wc0_ref, deg0_ref, deg1_ref,
                  h_ref, dinv_ref, ylo_ref, yhi_ref):
    h = jnp.dot(x_ref[...], win_ref[...],
                preferred_element_type=jnp.float32) + bin_ref[...]
    dinv = lax.rsqrt(deg0_ref[...][:, 0:1] + deg1_ref[...][:, 0:1] + 1.0)
    y = jnp.dot(h, wc0_ref[...], preferred_element_type=jnp.float32) * dinv
    h_ref[...] = h
    dinv_ref[...] = dinv
    ylo_ref[...] = y[:, :HALF]
    yhi_ref[...] = y[:, HALF:]


_tc_proj = pl.pallas_call(
    _tc_proj_body,
    grid=(GRID,),
    in_specs=[_row_spec(5), _full_spec(5, HID), _full_spec(1, HID),
              _full_spec(HID, HID), _row_spec(DEGW), _row_spec(DEGW)],
    out_specs=(_row_spec(HID), _row_spec(1), _row_spec(HALF), _row_spec(HALF)),
    out_shape=(jax.ShapeDtypeStruct((N_NODES, HID), jnp.float32),
               jax.ShapeDtypeStruct((N_NODES, 1), jnp.float32),
               jax.ShapeDtypeStruct((NPAD, HALF), jnp.float32),
               jax.ShapeDtypeStruct((NPAD, HALF), jnp.float32)),
)


def _layer_epilogue(h, agg, dinv, bc, g, be, relu):
    t = dinv * agg + bc
    mu = jnp.mean(t, axis=-1, keepdims=True)
    var = jnp.mean((t - mu) ** 2, axis=-1, keepdims=True)
    t = (t - mu) * lax.rsqrt(var + 1e-5) * g + be
    if relu:
        t = jnp.maximum(t, 0.0)
    return h + t


def _tc_mid_body(h_ref, alo_ref, ahi_ref, dinv_ref, bc_ref, g_ref, be_ref,
                 wn_ref, hn_ref, ylo_ref, yhi_ref):
    agg = jnp.concatenate([alo_ref[...], ahi_ref[...]], axis=1)
    dinv = dinv_ref[...]
    h_new = _layer_epilogue(h_ref[...], agg, dinv, bc_ref[...], g_ref[...],
                            be_ref[...], relu=True)
    y = jnp.dot(h_new, wn_ref[...], preferred_element_type=jnp.float32) * dinv
    hn_ref[...] = h_new
    ylo_ref[...] = y[:, :HALF]
    yhi_ref[...] = y[:, HALF:]


_tc_mid = pl.pallas_call(
    _tc_mid_body,
    grid=(GRID,),
    in_specs=[_row_spec(HID), _row_spec(HALF), _row_spec(HALF), _row_spec(1),
              _full_spec(1, HID), _full_spec(1, HID), _full_spec(1, HID),
              _full_spec(HID, HID)],
    out_specs=(_row_spec(HID), _row_spec(HALF), _row_spec(HALF)),
    out_shape=(jax.ShapeDtypeStruct((N_NODES, HID), jnp.float32),
               jax.ShapeDtypeStruct((NPAD, HALF), jnp.float32),
               jax.ShapeDtypeStruct((NPAD, HALF), jnp.float32)),
)


def _tc_fin_body(h_ref, alo_ref, ahi_ref, dinv_ref, bc_ref, g_ref, be_ref,
                 hn_ref):
    agg = jnp.concatenate([alo_ref[...], ahi_ref[...]], axis=1)
    hn_ref[...] = _layer_epilogue(h_ref[...], agg, dinv_ref[...], bc_ref[...],
                                  g_ref[...], be_ref[...], relu=False)


_tc_fin = pl.pallas_call(
    _tc_fin_body,
    grid=(GRID,),
    in_specs=[_row_spec(HID), _row_spec(HALF), _row_spec(HALF), _row_spec(1),
              _full_spec(1, HID), _full_spec(1, HID), _full_spec(1, HID)],
    out_specs=_row_spec(HID),
    out_shape=jax.ShapeDtypeStruct((N_NODES, HID), jnp.float32),
)


def kernel(x, edge_index, W_in, b_in, Wc0, bc0, g0, be0,
           Wc1, bc1, g1, be1, Wc2, bc2, g2, be2):
    epad = jnp.full((2, E_PAD - N_EDGES), NPAD - 1, jnp.int32)
    eip = jnp.concatenate([edge_index, epad], axis=1)
    src2 = eip[0].reshape(NUM_SUBCORES * N_OUTER, IDX_BLK, CHUNK)
    dst2 = eip[1].reshape(NUM_SUBCORES * N_OUTER, IDX_BLK, CHUNK)

    ones16 = jnp.ones((CHUNK, DEGW), jnp.float32)
    zeros16 = jnp.zeros((ROWS_T, DEGW), jnp.float32)
    deg0, deg1 = _sc_degree(dst2, ones16, zeros16)
    h, dinv, ylo, yhi = _tc_proj(x, W_in, b_in.reshape(1, HID), Wc0,
                                 deg0, deg1)

    params = ((bc0, g0, be0, Wc1), (bc1, g1, be1, Wc2), (bc2, g2, be2, None))
    for i, (bc, g, be, wnext) in enumerate(params):
        agg_lo, agg_hi = _sc_segment(ylo, yhi, src2, dst2)
        bc2d, g2d, be2d = (bc.reshape(1, HID), g.reshape(1, HID),
                           be.reshape(1, HID))
        if wnext is not None:
            h, ylo, yhi = _tc_mid(h, agg_lo, agg_hi, dinv, bc2d, g2d, be2d,
                                  wnext)
        else:
            h = _tc_fin(h, agg_lo, agg_hi, dinv, bc2d, g2d, be2d)
    return h

# --- scband reference (transcript-rebuilt; emitter-appended) ---
"""Pipeline reference for scband-energy-gnn-71683004170820 (READ-ONLY COPY).

The authoritative reference and input builder live on the scoring server;
editing this copy changes nothing except your own understanding.
"""

import jax, jax.numpy as jnp
import numpy as np

N = 50000
E = 800000
D_IN = 5
H = 64


def setup_inputs(seed: int = 0) -> dict:
    key = jax.random.key(seed)
    ks = jax.random.split(key, 20)
    inp = {}
    inp["x"] = jax.random.normal(ks[0], (N, D_IN), dtype=jnp.float32)
    inp["edge_index"] = jax.random.randint(ks[1], (2, E), 0, N, dtype=jnp.int32)
    # input projection Linear(5 -> 64)
    inp["W_in"] = jax.random.normal(ks[2], (D_IN, H), dtype=jnp.float32) * (1.0 / np.sqrt(D_IN))
    inp["b_in"] = jnp.zeros((H,), dtype=jnp.float32)
    # 3 GCN layers (64 -> 64) each with LayerNorm(gamma, beta)
    for i in range(3):
        inp[f"Wc{i}"] = jax.random.normal(ks[3 + 4 * i], (H, H), dtype=jnp.float32) * (1.0 / np.sqrt(H))
        inp[f"bc{i}"] = jnp.zeros((H,), dtype=jnp.float32)
        inp[f"g{i}"] = jnp.ones((H,), dtype=jnp.float32)
        inp[f"be{i}"] = jnp.zeros((H,), dtype=jnp.float32)
    return inp


def _layer_norm(h, gamma, beta, eps=1e-5):
    mu = jnp.mean(h, axis=-1, keepdims=True)
    var = jnp.mean((h - mu) ** 2, axis=-1, keepdims=True)
    return (h - mu) / jnp.sqrt(var + eps) * gamma + beta


def _gcn_conv(h, W, b, src, dst, num_nodes):
    # GCNConv: add self-loops, symmetric normalization, scatter-add aggregation
    xw = h @ W
    loop = jnp.arange(num_nodes, dtype=src.dtype)
    s = jnp.concatenate([src, loop])
    d = jnp.concatenate([dst, loop])
    deg = jax.ops.segment_sum(jnp.ones_like(d, dtype=xw.dtype), d, num_segments=num_nodes)
    dinv = jnp.where(deg > 0, 1.0 / jnp.sqrt(deg), 0.0)
    norm = dinv[s] * dinv[d]
    msg = xw[s] * norm[:, None]
    out = jax.ops.segment_sum(msg, d, num_segments=num_nodes)
    return out + b


def reference(x, edge_index, W_in, b_in, Wc0, bc0, g0, be0, Wc1, bc1, g1, be1, Wc2, bc2, g2, be2):
    src = edge_index[0]
    dst = edge_index[1]
    num_nodes = x.shape[0]
    h = x @ W_in + b_in
    layers = [(Wc0, bc0, g0, be0), (Wc1, bc1, g1, be1), (Wc2, bc2, g2, be2)]
    num_layers = len(layers)
    for i, (W, b, g, be) in enumerate(layers):
        h_new = _gcn_conv(h, W, b, src, dst, num_nodes)
        h_new = _layer_norm(h_new, g, be)
        if i < num_layers - 1:
            h_new = jax.nn.relu(h_new)
            # dropout is identity in eval mode
        # residual (dims match: hidden_dim == output_dim == 64)
        h = h + h_new
    return h

if __name__ == "__main__":
    import jax
    _d = setup_inputs()
    print(jax.jit(kernel)(*tuple(_d.values())))

</pallas_src>

<mosaic_0001>
#map = affine_map<(d0, d1) -> (0, 0)>
#map1 = affine_map<(d0, d1) -> (0, 0, 0)>
module attributes {stable_mosaic.version = 14 : i64} {
  func.func @_sc_segment(%arg0: i32, %arg1: i32, %arg2: memref<50176x32xf32, #tpu.memory_space<hbm>>, %arg3: memref<50176x32xf32, #tpu.memory_space<hbm>>, %arg4: memref<128x49x128xi32, #tpu.memory_space<hbm>>, %arg5: memref<128x49x128xi32, #tpu.memory_space<hbm>>, %arg6: memref<50176x32xf32, #tpu.memory_space<hbm>>, %arg7: memref<50176x32xf32, #tpu.memory_space<hbm>>, %arg8: memref<50176x32xf32, #tpu.memory_space<vmem_shared>>, %arg9: memref<49x128xi32, #tpu.memory_space<vmem>>, %arg10: memref<49x128xi32, #tpu.memory_space<vmem>>, %arg11: memref<128x32xf32, #tpu.memory_space<vmem>>, %arg12: memref<128x32xf32, #tpu.memory_space<vmem>>, %arg13: memref<128x32xf32, #tpu.memory_space<vmem>>, %arg14: memref<128x32xf32, #tpu.memory_space<vmem>>, %arg15: memref<!tpu.dma_semaphore, #tpu.memory_space<semaphore_mem>>, %arg16: memref<!tpu.dma_semaphore, #tpu.memory_space<semaphore_mem>>, %arg17: memref<!tpu.dma_semaphore, #tpu.memory_space<semaphore_mem>>, %arg18: memref<!tpu.dma_semaphore, #tpu.memory_space<semaphore_mem>>) attributes {dimension_semantics = [#tpu.dimension_semantics<core_parallel>, #tpu.dimension_semantics<subcore_parallel>], iteration_bounds = array<i64: 2, 16>, scalar_prefetch = 0 : i64, scratch_operands = 11 : i64, tpu.core_type = #tpu.core_type<sc_vector_subcore>, window_params = [{transform_indices = #map}, {transform_indices = #map}, {transform_indices = #map1}, {transform_indices = #map1}, {transform_indices = #map}, {transform_indices = #map}]} {
    %mul3A = arith.constant 3136 : i32
    %mul3A_0 = arith.muli %arg1, %mul3A : i32
    %multiple_of3A = tpu.assume_multiple %mul3A_0, 8 : i32
    %eq3A = arith.constant 0 : i32
    %eq3A_1 = arith.cmpi eq, %arg0, %eq3A : i32
    %convert_element_type3A = arith.extui %eq3A_1 : i1 to i32
    %cond3A = arith.constant 0 : i32
    %cond3A_2 = arith.cmpi ne, %convert_element_type3A, %cond3A : i32
    scf.if %cond3A_2 {
      "tpu.region"() ({
        %run_scoped3A = tpu.sem_alloc : memref<!tpu.dma_semaphore, #tpu.memory_space<semaphore_mem>>
        %dma_start3A = arith.constant 0 : i32
        %dma_start3A_14 = tpu.memref_slice %arg8[%multiple_of3A, %dma_start3A] : memref<50176x32xf32, #tpu.memory_space<vmem_shared>> -> memref<3136x32xf32, #tpu.memory_space<vmem_shared>>
        %dma_start3A_15 = arith.constant 0 : i32
        %dma_start3A_16 = tpu.memref_slice %arg2[%multiple_of3A, %dma_start3A_15] : memref<50176x32xf32, #tpu.memory_space<hbm>> -> memref<3136x32xf32, #tpu.memory_space<hbm>>
        tpu.enqueue_dma source(%dma_start3A_16 : memref<3136x32xf32, #tpu.memory_space<hbm>>) target(%dma_start3A_14 : memref<3136x32xf32, #tpu.memory_space<vmem_shared>>) target_semaphore(%run_scoped3A : memref<!tpu.dma_semaphore, #tpu.memory_space<semaphore_mem>>)
        %dma_wait3A = arith.constant 0 : i32
        %dma_wait3A_17 = tpu.memref_slice %arg8[%multiple_of3A, %dma_wait3A] : memref<50176x32xf32, #tpu.memory_space<vmem_shared>> -> memref<3136x32xf32, #tpu.memory_space<vmem_shared>>
        %dma_wait3A_18 = arith.constant 0 : i32
        %dma_wait3A_19 = tpu.memref_slice %arg2[%multiple_of3A, %dma_wait3A_18] : memref<50176x32xf32, #tpu.memory_space<hbm>> -> memref<3136x32xf32, #tpu.memory_space<hbm>>
        tpu.wait_dma2 semaphore(%run_scoped3A : memref<!tpu.dma_semaphore, #tpu.memory_space<semaphore_mem>>) src(%dma_wait3A_19 : memref<3136x32xf32, #tpu.memory_space<hbm>>) dst(%dma_wait3A_17 : memref<3136x32xf32, #tpu.memory_space<vmem_shared>>)
        tpu.yield
      }) : () -> ()
      %barrier3A = arith.constant 0 : index
      tpu.barrier barrier_id(%barrier3A)
      %scan3A = arith.constant 0 : i32
      %scan3A_8 = arith.constant 0 : i32
      %scan3A_9 = arith.constant 8 : i32
      %scan3A_10 = arith.addi %scan3A_8, %scan3A_9 : i32
      %scan3A_11 = arith.constant 1 : i32
      scf.for %scan3A_14 = %scan3A_8 to %scan3A_10 step %scan3A_11  : i32 {
        %mul3A_15 = arith.constant 8 : i32
        %mul3A_16 = arith.muli %arg1, %mul3A_15 : i32
        %add3A = arith.addi %mul3A_16, %scan3A_14 : i32
        "tpu.region"() ({
          %run_scoped3A_98 = tpu.sem_alloc : memref<!tpu.dma_semaphore, #tpu.memory_space<semaphore_mem>>
          %dma_start3A_99 = arith.constant 0 : i32
          %dma_start3A_100 = arith.constant 0 : i32
          %dma_start3A_101 = tpu.memref_slice %arg4[%add3A, %dma_start3A_99, %dma_start3A_100] : memref<128x49x128xi32, #tpu.memory_space<hbm>> -> memref<1x49x128xi32, #tpu.memory_space<hbm>>
          %dma_start3A_102 = tpu.memref_squeeze %dma_start3A_101 : memref<1x49x128xi32, #tpu.memory_space<hbm>> -> memref<49x128xi32, #tpu.memory_space<hbm>>
          %dma_start3A_103 = arith.constant 0 : i32
          %dma_start3A_104 = arith.constant 0 : i32
          %dma_start3A_105 = tpu.memref_slice %arg4[%add3A, %dma_start3A_103, %dma_start3A_104] : memref<128x49x128xi32, #tpu.memory_space<hbm>> -> memref<1x49x128xi32, #tpu.memory_space<hbm>>
          %dma_start3A_106 = tpu.memref_squeeze %dma_start3A_105 : memref<1x49x128xi32, #tpu.memory_space<hbm>> -> memref<49x128xi32, #tpu.memory_space<hbm>>
          tpu.enqueue_dma source(%dma_start3A_106 : memref<49x128xi32, #tpu.memory_space<hbm>>) target(%arg9 : memref<49x128xi32, #tpu.memory_space<vmem>>) target_semaphore(%run_scoped3A_98 : memref<!tpu.dma_semaphore, #tpu.memory_space<semaphore_mem>>)
          %dma_wait3A_107 = arith.constant 0 : i32
          %dma_wait3A_108 = arith.constant 0 : i32
          %dma_wait3A_109 = tpu.memref_slice %arg4[%add3A, %dma_wait3A_107, %dma_wait3A_108] : memref<128x49x128xi32, #tpu.memory_space<hbm>> -> memref<1x49x128xi32, #tpu.memory_space<hbm>>
          %dma_wait3A_110 = tpu.memref_squeeze %dma_wait3A_109 : memref<1x49x128xi32, #tpu.memory_space<hbm>> -> memref<49x128xi32, #tpu.memory_space<hbm>>
          %dma_wait3A_111 = arith.constant 0 : i32
          %dma_wait3A_112 = arith.constant 0 : i32
          %dma_wait3A_113 = tpu.memref_slice %arg4[%add3A, %dma_wait3A_111, %dma_wait3A_112] : memref<128x49x128xi32, #tpu.memory_space<hbm>> -> memref<1x49x128xi32, #tpu.memory_space<hbm>>
          %dma_wait3A_114 = tpu.memref_squeeze %dma_wait3A_113 : memref<1x49x128xi32, #tpu.memory_space<hbm>> -> memref<49x128xi32, #tpu.memory_space<hbm>>
          tpu.wait_dma2 semaphore(%run_scoped3A_98 : memref<!tpu.dma_semaphore, #tpu.memory_space<semaphore_mem>>) src(%dma_wait3A_114 : memref<49x128xi32, #tpu.memory_space<hbm>>) dst(%arg9 : memref<49x128xi32, #tpu.memory_space<vmem>>)
          tpu.yield
        }) : () -> ()
        %mul3A_17 = arith.constant 8 : i32
        %mul3A_18 = arith.muli %arg1, %mul3A_17 : i32
        %add3A_19 = arith.addi %mul3A_18, %scan3A_14 : i32
        "tpu.region"() ({
          %run_scoped3A_98 = tpu.sem_alloc : memref<!tpu.dma_semaphore, #tpu.memory_space<semaphore_mem>>
          %dma_start3A_99 = arith.constant 0 : i32
          %dma_start3A_100 = arith.constant 0 : i32
          %dma_start3A_101 = tpu.memref_slice %arg5[%add3A_19, %dma_start3A_99, %dma_start3A_100] : memref<128x49x128xi32, #tpu.memory_space<hbm>> -> memref<1x49x128xi32, #tpu.memory_space<hbm>>
          %dma_start3A_102 = tpu.memref_squeeze %dma_start3A_101 : memref<1x49x128xi32, #tpu.memory_space<hbm>> -> memref<49x128xi32, #tpu.memory_space<hbm>>
          %dma_start3A_103 = arith.constant 0 : i32
          %dma_start3A_104 = arith.constant 0 : i32
          %dma_start3A_105 = tpu.memref_slice %arg5[%add3A_19, %dma_start3A_103, %dma_start3A_104] : memref<128x49x128xi32, #tpu.memory_space<hbm>> -> memref<1x49x128xi32, #tpu.memory_space<hbm>>
          %dma_start3A_106 = tpu.memref_squeeze %dma_start3A_105 : memref<1x49x128xi32, #tpu.memory_space<hbm>> -> memref<49x128xi32, #tpu.memory_space<hbm>>
          tpu.enqueue_dma source(%dma_start3A_106 : memref<49x128xi32, #tpu.memory_space<hbm>>) target(%arg10 : memref<49x128xi32, #tpu.memory_space<vmem>>) target_semaphore(%run_scoped3A_98 : memref<!tpu.dma_semaphore, #tpu.memory_space<semaphore_mem>>)
          %dma_wait3A_107 = arith.constant 0 : i32
          %dma_wait3A_108 = arith.constant 0 : i32
          %dma_wait3A_109 = tpu.memref_slice %arg5[%add3A_19, %dma_wait3A_107, %dma_wait3A_108] : memref<128x49x128xi32, #tpu.memory_space<hbm>> -> memref<1x49x128xi32, #tpu.memory_space<hbm>>
          %dma_wait3A_110 = tpu.memref_squeeze %dma_wait3A_109 : memref<1x49x128xi32, #tpu.memory_space<hbm>> -> memref<49x128xi32, #tpu.memory_space<hbm>>
          %dma_wait3A_111 = arith.constant 0 : i32
          %dma_wait3A_112 = arith.constant 0 : i32
          %dma_wait3A_113 = tpu.memref_slice %arg5[%add3A_19, %dma_wait3A_111, %dma_wait3A_112] : memref<128x49x128xi32, #tpu.memory_space<hbm>> -> memref<1x49x128xi32, #tpu.memory_space<hbm>>
          %dma_wait3A_114 = tpu.memref_squeeze %dma_wait3A_113 : memref<1x49x128xi32, #tpu.memory_space<hbm>> -> memref<49x128xi32, #tpu.memory_space<hbm>>
          tpu.wait_dma2 semaphore(%run_scoped3A_98 : memref<!tpu.dma_semaphore, #tpu.memory_space<semaphore_mem>>) src(%dma_wait3A_114 : memref<49x128xi32, #tpu.memory_space<hbm>>) dst(%arg10 : memref<49x128xi32, #tpu.memory_space<vmem>>)
          tpu.yield
        }) : () -> ()
        %dma_start3A = arith.constant 0 : i32
        %dma_start3A_20 = arith.constant 0 : i32
        %dma_start3A_21 = tpu.memref_slice %arg9[%dma_start3A, %dma_start3A_20] : memref<49x128xi32, #tpu.memory_space<vmem>> -> memref<1x128xi32, #tpu.memory_space<vmem>>
        %dma_start3A_22 = tpu.memref_squeeze %dma_start3A_21 : memref<1x128xi32, #tpu.memory_space<vmem>> -> memref<128xi32, #tpu.memory_space<vmem>>
        %dma_start3A_23 = arith.constant 0 : i32
        %dma_start3A_24 = arith.constant 0 : i32
        %dma_start3A_25 = tpu.memref_slice %arg2[%dma_start3A_23, %dma_start3A_24] : memref<50176x32xf32, #tpu.memory_space<hbm>> -> memref<50176x32xf32, #tpu.memory_space<hbm>>
        tpu.enqueue_indirect_dma source(%dma_start3A_25 : memref<50176x32xf32, #tpu.memory_space<hbm>>) target(%arg11 : memref<128x32xf32, #tpu.memory_space<vmem>>) offsets(%dma_start3A_22 : memref<128xi32, #tpu.memory_space<vmem>>) semaphore(%arg15 : memref<!tpu.dma_semaphore, #tpu.memory_space<semaphore_mem>>)
        %dma_start3A_26 = arith.constant 1 : i32
        %dma_start3A_27 = arith.constant 0 : i32
        %dma_start3A_28 = tpu.memref_slice %arg9[%dma_start3A_26, %dma_start3A_27] : memref<49x128xi32, #tpu.memory_space<vmem>> -> memref<1x128xi32, #tpu.memory_space<vmem>>
        %dma_start3A_29 = tpu.memref_squeeze %dma_start3A_28 : memref<1x128xi32, #tpu.memory_space<vmem>> -> memref<128xi32, #tpu.memory_space<vmem>>
        %dma_start3A_30 = arith.constant 0 : i32
        %dma_start3A_31 = arith.constant 0 : i32
        %dma_start3A_32 = tpu.memref_slice %arg2[%dma_start3A_30, %dma_start3A_31] : memref<50176x32xf32, #tpu.memory_space<hbm>> -> memref<50176x32xf32, #tpu.memory_space<hbm>>
        tpu.enqueue_indirect_dma source(%dma_start3A_32 : memref<50176x32xf32, #tpu.memory_space<hbm>>) target(%arg12 : memref<128x32xf32, #tpu.memory_space<vmem>>) offsets(%dma_start3A_29 : memref<128xi32, #tpu.memory_space<vmem>>) semaphore(%arg16 : memref<!tpu.dma_semaphore, #tpu.memory_space<semaphore_mem>>)
        %dma_start3A_33 = arith.constant 2 : i32
        %dma_start3A_34 = arith.constant 0 : i32
        %dma_start3A_35 = tpu.memref_slice %arg9[%dma_start3A_33, %dma_start3A_34] : memref<49x128xi32, #tpu.memory_space<vmem>> -> memref<1x128xi32, #tpu.memory_space<vmem>>
        %dma_start3A_36 = tpu.memref_squeeze %dma_start3A_35 : memref<1x128xi32, #tpu.memory_space<vmem>> -> memref<128xi32, #tpu.memory_space<vmem>>
        %dma_start3A_37 = arith.constant 0 : i32
        %dma_start3A_38 = arith.constant 0 : i32
        %dma_start3A_39 = tpu.memref_slice %arg2[%dma_start3A_37, %dma_start3A_38] : memref<50176x32xf32, #tpu.memory_space<hbm>> -> memref<50176x32xf32, #tpu.memory_space<hbm>>
        tpu.enqueue_indirect_dma source(%dma_start3A_39 : memref<50176x32xf32, #tpu.memory_space<hbm>>) target(%arg13 : memref<128x32xf32, #tpu.memory_space<vmem>>) offsets(%dma_start3A_36 : memref<128xi32, #tpu.memory_space<vmem>>) semaphore(%arg17 : memref<!tpu.dma_semaphore, #tpu.memory_space<semaphore_mem>>)
        %scan3A_40 = arith.constant 0 : i32
        %scan3A_41 = arith.constant 0 : i32
        %scan3A_42 = arith.constant 11 : i32
        %scan3A_43 = arith.addi %scan3A_41, %scan3A_42 : i32
        %scan3A_44 = arith.constant 1 : i32
        scf.for %scan3A_98 = %scan3A_41 to %scan3A_43 step %scan3A_44  : i32 {
          %mul3A_99 = arith.constant 4 : i32
          %mul3A_100 = arith.muli %scan3A_98, %mul3A_99 : i32
          %add3A_101 = arith.constant 3 : i32
          %add3A_102 = arith.addi %mul3A_100, %add3A_101 : i32
          %dma_start3A_103 = arith.constant 0 : i32
          %dma_start3A_104 = tpu.memref_slice %arg9[%add3A_102, %dma_start3A_103] : memref<49x128xi32, #tpu.memory_space<vmem>> -> memref<1x128xi32, #tpu.memory_space<vmem>>
          %dma_start3A_105 = tpu.memref_squeeze %dma_start3A_104 : memref<1x128xi32, #tpu.memory_space<vmem>> -> memref<128xi32, #tpu.memory_space<vmem>>
          %dma_start3A_106 = arith.constant 0 : i32
          %dma_start3A_107 = arith.constant 0 : i32
          %dma_start3A_108 = tpu.memref_slice %arg2[%dma_start3A_106, %dma_start3A_107] : memref<50176x32xf32, #tpu.memory_space<hbm>> -> memref<50176x32xf32, #tpu.memory_space<hbm>>
          tpu.enqueue_indirect_dma source(%dma_start3A_108 : memref<50176x32xf32, #tpu.memory_space<hbm>>) target(%arg14 : memref<128x32xf32, #tpu.memory_space<vmem>>) offsets(%dma_start3A_105 : memref<128xi32, #tpu.memory_space<vmem>>) semaphore(%arg18 : memref<!tpu.dma_semaphore, #tpu.memory_space<semaphore_mem>>)
          %dma_wait3A_109 = arith.constant 0 : i32
          %dma_wait3A_110 = tpu.memref_slice %arg9[%mul3A_100, %dma_wait3A_109] : memref<49x128xi32, #tpu.memory_space<vmem>> -> memref<1x128xi32, #tpu.memory_space<vmem>>
          %dma_wait3A_111 = tpu.memref_squeeze %dma_wait3A_110 : memref<1x128xi32, #tpu.memory_space<vmem>> -> memref<128xi32, #tpu.memory_space<vmem>>
          %dma_wait3A_112 = arith.constant 0 : i32
          %dma_wait3A_113 = arith.constant 0 : i32
          %dma_wait3A_114 = tpu.memref_slice %arg2[%dma_wait3A_112, %dma_wait3A_113] : memref<50176x32xf32, #tpu.memory_space<hbm>> -> memref<50176x32xf32, #tpu.memory_space<hbm>>
          tpu.wait_indirect_dma semaphore(%arg15 : memref<!tpu.dma_semaphore, #tpu.memory_space<semaphore_mem>>) src(%dma_wait3A_114 : memref<50176x32xf32, #tpu.memory_space<hbm>>) dst(%arg11 : memref<128x32xf32, #tpu.memory_space<vmem>>)
          "tpu.region"() ({
            %run_scoped3A_163 = tpu.sem_alloc : memref<!tpu.dma_semaphore, #tpu.memory_space<semaphore_mem>>
            %dma_start3A_164 = arith.constant 0 : i32
            %dma_start3A_165 = tpu.memref_slice %arg10[%mul3A_100, %dma_start3A_164] : memref<49x128xi32, #tpu.memory_space<vmem>> -> memref<1x128xi32, #tpu.memory_space<vmem>>
            %dma_start3A_166 = tpu.memref_squeeze %dma_start3A_165 : memref<1x128xi32, #tpu.memory_space<vmem>> -> memref<128xi32, #tpu.memory_space<vmem>>
            %dma_start3A_167 = arith.constant 0 : i32
            %dma_start3A_168 = arith.constant 0 : i32
            %dma_start3A_169 = tpu.memref_slice %arg8[%dma_start3A_167, %dma_start3A_168] : memref<50176x32xf32, #tpu.memory_space<vmem_shared>> -> memref<50176x32xf32, #tpu.memory_space<vmem_shared>>
            tpu.enqueue_indirect_dma source(%arg11 : memref<128x32xf32, #tpu.memory_space<vmem>>) target(%dma_start3A_169 : memref<50176x32xf32, #tpu.memory_space<vmem_shared>>) offsets(%dma_start3A_166 : memref<128xi32, #tpu.memory_space<vmem>>) semaphore(%run_scoped3A_163 : memref<!tpu.dma_semaphore, #tpu.memory_space<semaphore_mem>>) {add = true}
            %dma_wait3A_170 = arith.constant 0 : i32
            %dma_wait3A_171 = tpu.memref_slice %arg10[%mul3A_100, %dma_wait3A_170] : memref<49x128xi32, #tpu.memory_space<vmem>> -> memref<1x128xi32, #tpu.memory_space<vmem>>
            %dma_wait3A_172 = tpu.memref_squeeze %dma_wait3A_171 : memref<1x128xi32, #tpu.memory_space<vmem>> -> memref<128xi32, #tpu.memory_space<vmem>>
            %dma_wait3A_173 = arith.constant 0 : i32
            %dma_wait3A_174 = arith.constant 0 : i32
            %dma_wait3A_175 = tpu.memref_slice %arg8[%dma_wait3A_173, %dma_wait3A_174] : memref<50176x32xf32, #tpu.memory_space<vmem_shared>> -> memref<50176x32xf32, #tpu.memory_space<vmem_shared>>
            tpu.wait_indirect_dma semaphore(%run_scoped3A_163 : memref<!tpu.dma_semaphore, #tpu.memory_space<semaphore_mem>>) src(%arg11 : memref<128x32xf32, #tpu.memory_space<vmem>>) dst(%dma_wait3A_175 : memref<50176x32xf32, #tpu.memory_space<vmem_shared>>)
            tpu.yield
          }) : () -> ()
          %add3A_115 = arith.constant 4 : i32
          %add3A_116 = arith.addi %mul3A_100, %add3A_115 : i32
          %dma_start3A_117 = arith.constant 0 : i32
          %dma_start3A_118 = tpu.memref_slice %arg9[%add3A_116, %dma_start3A_117] : memref<49x128xi32, #tpu.memory_space<vmem>> -> memref<1x128xi32, #tpu.memory_space<vmem>>
          %dma_start3A_119 = tpu.memref_squeeze %dma_start3A_118 : memref<1x128xi32, #tpu.memory_space<vmem>> -> memref<128xi32, #tpu.memory_space<vmem>>
          %dma_start3A_120 = arith.constant 0 : i32
          %dma_start3A_121 = arith.constant 0 : i32
          %dma_start3A_122 = tpu.memref_slice %arg2[%dma_start3A_120, %dma_start3A_121] : memref<50176x32xf32, #tpu.memory_space<hbm>> -> memref<50176x32xf32, #tpu.memory_space<hbm>>
          tpu.enqueue_indirect_dma source(%dma_start3A_122 : memref<50176x32xf32, #tpu.memory_space<hbm>>) target(%arg11 : memref<128x32xf32, #tpu.memory_space<vmem>>) offsets(%dma_start3A_119 : memref<128xi32, #tpu.memory_space<vmem>>) semaphore(%arg15 : memref<!tpu.dma_semaphore, #tpu.memory_space<semaphore_mem>>)
          %add3A_123 = arith.constant 1 : i32
          %add3A_124 = arith.addi %mul3A_100, %add3A_123 : i32
          %dma_wait3A_125 = arith.constant 0 : i32
          %dma_wait3A_126 = tpu.memref_slice %arg9[%add3A_124, %dma_wait3A_125] : memref<49x128xi32, #tpu.memory_space<vmem>> -> memref<1x128xi32, #tpu.memory_space<vmem>>
          %dma_wait3A_127 = tpu.memref_squeeze %dma_wait3A_126 : memref<1x128xi32, #tpu.memory_space<vmem>> -> memref<128xi32, #tpu.memory_space<vmem>>
          %dma_wait3A_128 = arith.constant 0 : i32
          %dma_wait3A_129 = arith.constant 0 : i32
          %dma_wait3A_130 = tpu.memref_slice %arg2[%dma_wait3A_128, %dma_wait3A_129] : memref<50176x32xf32, #tpu.memory_space<hbm>> -> memref<50176x32xf32, #tpu.memory_space<hbm>>
          tpu.wait_indirect_dma semaphore(%arg16 : memref<!tpu.dma_semaphore, #tpu.memory_space<semaphore_mem>>) src(%dma_wait3A_130 : memref<50176x32xf32, #tpu.memory_space<hbm>>) dst(%arg12 : memref<128x32xf32, #tpu.memory_space<vmem>>)
          "tpu.region"() ({
            %run_scoped3A_163 = tpu.sem_alloc : memref<!tpu.dma_semaphore, #tpu.memory_space<semaphore_mem>>
            %dma_start3A_164 = arith.constant 0 : i32
            %dma_start3A_165 = tpu.memref_slice %arg10[%add3A_124, %dma_start3A_164] : memref<49x128xi32, #tpu.memory_space<vmem>> -> memref<1x128xi32, #tpu.memory_space<vmem>>
            %dma_start3A_166 = tpu.memref_squeeze %dma_start3A_165 : memref<1x128xi32, #tpu.memory_space<vmem>> -> memref<128xi32, #tpu.memory_space<vmem>>
            %dma_start3A_167 = arith.constant 0 : i32
            %dma_start3A_168 = arith.constant 0 : i32
            %dma_start3A_169 = tpu.memref_slice %arg8[%dma_start3A_167, %dma_start3A_168] : memref<50176x32xf32, #tpu.memory_space<vmem_shared>> -> memref<50176x32xf32, #tpu.memory_space<vmem_shared>>
            tpu.enqueue_indirect_dma source(%arg12 : memref<128x32xf32, #tpu.memory_space<vmem>>) target(%dma_start3A_169 : memref<50176x32xf32, #tpu.memory_space<vmem_shared>>) offsets(%dma_start3A_166 : memref<128xi32, #tpu.memory_space<vmem>>) semaphore(%run_scoped3A_163 : memref<!tpu.dma_semaphore, #tpu.memory_space<semaphore_mem>>) {add = true}
            %dma_wait3A_170 = arith.constant 0 : i32
            %dma_wait3A_171 = tpu.memref_slice %arg10[%add3A_124, %dma_wait3A_170] : memref<49x128xi32, #tpu.memory_space<vmem>> -> memref<1x128xi32, #tpu.memory_space<vmem>>
            %dma_wait3A_172 = tpu.memref_squeeze %dma_wait3A_171 : memref<1x128xi32, #tpu.memory_space<vmem>> -> memref<128xi32, #tpu.memory_space<vmem>>
            %dma_wait3A_173 = arith.constant 0 : i32
            %dma_wait3A_174 = arith.constant 0 : i32
            %dma_wait3A_175 = tpu.memref_slice %arg8[%dma_wait3A_173, %dma_wait3A_174] : memref<50176x32xf32, #tpu.memory_space<vmem_shared>> -> memref<50176x32xf32, #tpu.memory_space<vmem_shared>>
            tpu.wait_indirect_dma semaphore(%run_scoped3A_163 : memref<!tpu.dma_semaphore, #tpu.memory_space<semaphore_mem>>) src(%arg12 : memref<128x32xf32, #tpu.memory_space<vmem>>) dst(%dma_wait3A_175 : memref<50176x32xf32, #tpu.memory_space<vmem_shared>>)
            tpu.yield
          }) : () -> ()
          %add3A_131 = arith.constant 5 : i32
          %add3A_132 = arith.addi %mul3A_100, %add3A_131 : i32
          %dma_start3A_133 = arith.constant 0 : i32
          %dma_start3A_134 = tpu.memref_slice %arg9[%add3A_132, %dma_start3A_133] : memref<49x128xi32, #tpu.memory_space<vmem>> -> memref<1x128xi32, #tpu.memory_space<vmem>>
          %dma_start3A_135 = tpu.memref_squeeze %dma_start3A_134 : memref<1x128xi32, #tpu.memory_space<vmem>> -> memref<128xi32, #tpu.memory_space<vmem>>
          %dma_start3A_136 = arith.constant 0 : i32
          %dma_start3A_137 = arith.constant 0 : i32
          %dma_start3A_138 = tpu.memref_slice %arg2[%dma_start3A_136, %dma_start3A_137] : memref<50176x32xf32, #tpu.memory_space<hbm>> -> memref<50176x32xf32, #tpu.memory_space<hbm>>
          tpu.enqueue_indirect_dma source(%dma_start3A_138 : memref<50176x32xf32, #tpu.memory_space<hbm>>) target(%arg12 : memref<128x32xf32, #tpu.memory_space<vmem>>) offsets(%dma_start3A_135 : memref<128xi32, #tpu.memory_space<vmem>>) semaphore(%arg16 : memref<!tpu.dma_semaphore, #tpu.memory_space<semaphore_mem>>)
          %add3A_139 = arith.constant 2 : i32
          %add3A_140 = arith.addi %mul3A_100, %add3A_139 : i32
          %dma_wait3A_141 = arith.constant 0 : i32
          %dma_wait3A_142 = tpu.memref_slice %arg9[%add3A_140, %dma_wait3A_141] : memref<49x128xi32, #tpu.memory_space<vmem>> -> memref<1x128xi32, #tpu.memory_space<vmem>>
          %dma_wait3A_143 = tpu.memref_squeeze %dma_wait3A_142 : memref<1x128xi32, #tpu.memory_space<vmem>> -> memref<128xi32, #tpu.memory_space<vmem>>
          %dma_wait3A_144 = arith.constant 0 : i32
          %dma_wait3A_145 = arith.constant 0 : i32
          %dma_wait3A_146 = tpu.memref_slice %arg2[%dma_wait3A_144, %dma_wait3A_145] : memref<50176x32xf32, #tpu.memory_space<hbm>> -> memref<50176x32xf32, #tpu.memory_space<hbm>>
          tpu.wait_indirect_dma semaphore(%arg17 : memref<!tpu.dma_semaphore, #tpu.memory_space<semaphore_mem>>) src(%dma_wait3A_146 : memref<50176x32xf32, #tpu.memory_space<hbm>>) dst(%arg13 : memref<128x32xf32, #tpu.memory_space<vmem>>)
          "tpu.region"() ({
            %run_scoped3A_163 = tpu.sem_alloc : memref<!tpu.dma_semaphore, #tpu.memory_space<semaphore_mem>>
            %dma_start3A_164 = arith.constant 0 : i32
            %dma_start3A_165 = tpu.memref_slice %arg10[%add3A_140, %dma_start3A_164] : memref<49x128xi32, #tpu.memory_space<vmem>> -> memref<1x128xi32, #tpu.memory_space<vmem>>
            %dma_start3A_166 = tpu.memref_squeeze %dma_start3A_165 : memref<1x128xi32, #tpu.memory_space<vmem>> -> memref<128xi32, #tpu.memory_space<vmem>>
            %dma_start3A_167 = arith.constant 0 : i32
            %dma_start3A_168 = arith.constant 0 : i32
            %dma_start3A_169 = tpu.memref_slice %arg8[%dma_start3A_167, %dma_start3A_168] : memref<50176x32xf32, #tpu.memory_space<vmem_shared>> -> memref<50176x32xf32, #tpu.memory_space<vmem_shared>>
            tpu.enqueue_indirect_dma source(%arg13 : memref<128x32xf32, #tpu.memory_space<vmem>>) target(%dma_start3A_169 : memref<50176x32xf32, #tpu.memory_space<vmem_shared>>) offsets(%dma_start3A_166 : memref<128xi32, #tpu.memory_space<vmem>>) semaphore(%run_scoped3A_163 : memref<!tpu.dma_semaphore, #tpu.memory_space<semaphore_mem>>) {add = true}
            %dma_wait3A_170 = arith.constant 0 : i32
            %dma_wait3A_171 = tpu.memref_slice %arg10[%add3A_140, %dma_wait3A_170] : memref<49x128xi32, #tpu.memory_space<vmem>> -> memref<1x128xi32, #tpu.memory_space<vmem>>
            %dma_wait3A_172 = tpu.memref_squeeze %dma_wait3A_171 : memref<1x128xi32, #tpu.memory_space<vmem>> -> memref<128xi32, #tpu.memory_space<vmem>>
            %dma_wait3A_173 = arith.constant 0 : i32
            %dma_wait3A_174 = arith.constant 0 : i32
            %dma_wait3A_175 = tpu.memref_slice %arg8[%dma_wait3A_173, %dma_wait3A_174] : memref<50176x32xf32, #tpu.memory_space<vmem_shared>> -> memref<50176x32xf32, #tpu.memory_space<vmem_shared>>
            tpu.wait_indirect_dma semaphore(%run_scoped3A_163 : memref<!tpu.dma_semaphore, #tpu.memory_space<semaphore_mem>>) src(%arg13 : memref<128x32xf32, #tpu.memory_space<vmem>>) dst(%dma_wait3A_175 : memref<50176x32xf32, #tpu.memory_space<vmem_shared>>)
            tpu.yield
          }) : () -> ()
          %add3A_147 = arith.constant 6 : i32
          %add3A_148 = arith.addi %mul3A_100, %add3A_147 : i32
          %dma_start3A_149 = arith.constant 0 : i32
          %dma_start3A_150 = tpu.memref_slice %arg9[%add3A_148, %dma_start3A_149] : memref<49x128xi32, #tpu.memory_space<vmem>> -> memref<1x128xi32, #tpu.memory_space<vmem>>
          %dma_start3A_151 = tpu.memref_squeeze %dma_start3A_150 : memref<1x128xi32, #tpu.memory_space<vmem>> -> memref<128xi32, #tpu.memory_space<vmem>>
          %dma_start3A_152 = arith.constant 0 : i32
          %dma_start3A_153 = arith.constant 0 : i32
          %dma_start3A_154 = tpu.memref_slice %arg2[%dma_start3A_152, %dma_start3A_153] : memref<50176x32xf32, #tpu.memory_space<hbm>> -> memref<50176x32xf32, #tpu.memory_space<hbm>>
          tpu.enqueue_indirect_dma source(%dma_start3A_154 : memref<50176x32xf32, #tpu.memory_space<hbm>>) target(%arg13 : memref<128x32xf32, #tpu.memory_space<vmem>>) offsets(%dma_start3A_151 : memref<128xi32, #tpu.memory_space<vmem>>) semaphore(%arg17 : memref<!tpu.dma_semaphore, #tpu.memory_space<semaphore_mem>>)
          %add3A_155 = arith.constant 3 : i32
          %add3A_156 = arith.addi %mul3A_100, %add3A_155 : i32
          %dma_wait3A_157 = arith.constant 0 : i32
          %dma_wait3A_158 = tpu.memref_slice %arg9[%add3A_156, %dma_wait3A_157] : memref<49x128xi32, #tpu.memory_space<vmem>> -> memref<1x128xi32, #tpu.memory_space<vmem>>
          %dma_wait3A_159 = tpu.memref_squeeze %dma_wait3A_158 : memref<1x128xi32, #tpu.memory_space<vmem>> -> memref<128xi32, #tpu.memory_space<vmem>>
          %dma_wait3A_160 = arith.constant 0 : i32
          %dma_wait3A_161 = arith.constant 0 : i32
          %dma_wait3A_162 = tpu.memref_slice %arg2[%dma_wait3A_160, %dma_wait3A_161] : memref<50176x32xf32, #tpu.memory_space<hbm>> -> memref<50176x32xf32, #tpu.memory_space<hbm>>
          tpu.wait_indirect_dma semaphore(%arg18 : memref<!tpu.dma_semaphore, #tpu.memory_space<semaphore_mem>>) src(%dma_wait3A_162 : memref<50176x32xf32, #tpu.memory_space<hbm>>) dst(%arg14 : memref<128x32xf32, #tpu.memory_space<vmem>>)
          "tpu.region"() ({
            %run_scoped3A_163 = tpu.sem_alloc : memref<!tpu.dma_semaphore, #tpu.memory_space<semaphore_mem>>
            %dma_start3A_164 = arith.constant 0 : i32
            %dma_start3A_165 = tpu.memref_slice %arg10[%add3A_156, %dma_start3A_164] : memref<49x128xi32, #tpu.memory_space<vmem>> -> memref<1x128xi32, #tpu.memory_space<vmem>>
            %dma_start3A_166 = tpu.memref_squeeze %dma_start3A_165 : memref<1x128xi32, #tpu.memory_space<vmem>> -> memref<128xi32, #tpu.memory_space<vmem>>
            %dma_start3A_167 = arith.constant 0 : i32
            %dma_start3A_168 = arith.constant 0 : i32
            %dma_start3A_169 = tpu.memref_slice %arg8[%dma_start3A_167, %dma_start3A_168] : memref<50176x32xf32, #tpu.memory_space<vmem_shared>> -> memref<50176x32xf32, #tpu.memory_space<vmem_shared>>
            tpu.enqueue_indirect_dma source(%arg14 : memref<128x32xf32, #tpu.memory_space<vmem>>) target(%dma_start3A_169 : memref<50176x32xf32, #tpu.memory_space<vmem_shared>>) offsets(%dma_start3A_166 : memref<128xi32, #tpu.memory_space<vmem>>) semaphore(%run_scoped3A_163 : memref<!tpu.dma_semaphore, #tpu.memory_space<semaphore_mem>>) {add = true}
            %dma_wait3A_170 = arith.constant 0 : i32
            %dma_wait3A_171 = tpu.memref_slice %arg10[%add3A_156, %dma_wait3A_170] : memref<49x128xi32, #tpu.memory_space<vmem>> -> memref<1x128xi32, #tpu.memory_space<vmem>>
            %dma_wait3A_172 = tpu.memref_squeeze %dma_wait3A_171 : memref<1x128xi32, #tpu.memory_space<vmem>> -> memref<128xi32, #tpu.memory_space<vmem>>
            %dma_wait3A_173 = arith.constant 0 : i32
            %dma_wait3A_174 = arith.constant 0 : i32
            %dma_wait3A_175 = tpu.memref_slice %arg8[%dma_wait3A_173, %dma_wait3A_174] : memref<50176x32xf32, #tpu.memory_space<vmem_shared>> -> memref<50176x32xf32, #tpu.memory_space<vmem_shared>>
            tpu.wait_indirect_dma semaphore(%run_scoped3A_163 : memref<!tpu.dma_semaphore, #tpu.memory_space<semaphore_mem>>) src(%arg14 : memref<128x32xf32, #tpu.memory_space<vmem>>) dst(%dma_wait3A_175 : memref<50176x32xf32, #tpu.memory_space<vmem_shared>>)
            tpu.yield
          }) : () -> ()
        }
        %scan3A_45 = arith.constant 11 : i32
        %dma_start3A_46 = arith.constant 47 : i32
        %dma_start3A_47 = arith.constant 0 : i32
        %dma_start3A_48 = tpu.memref_slice %arg9[%dma_start3A_46, %dma_start3A_47] : memref<49x128xi32, #tpu.memory_space<vmem>> -> memref<1x128xi32, #tpu.memory_space<vmem>>
        %dma_start3A_49 = tpu.memref_squeeze %dma_start3A_48 : memref<1x128xi32, #tpu.memory_space<vmem>> -> memref<128xi32, #tpu.memory_space<vmem>>
        %dma_start3A_50 = arith.constant 0 : i32
        %dma_start3A_51 = arith.constant 0 : i32
        %dma_start3A_52 = tpu.memref_slice %arg2[%dma_start3A_50, %dma_start3A_51] : memref<50176x32xf32, #tpu.memory_space<hbm>> -> memref<50176x32xf32, #tpu.memory_space<hbm>>
        tpu.enqueue_indirect_dma source(%dma_start3A_52 : memref<50176x32xf32, #tpu.memory_space<hbm>>) target(%arg14 : memref<128x32xf32, #tpu.memory_space<vmem>>) offsets(%dma_start3A_49 : memref<128xi32, #tpu.memory_space<vmem>>) semaphore(%arg18 : memref<!tpu.dma_semaphore, #tpu.memory_space<semaphore_mem>>)
        %dma_wait3A = arith.constant 44 : i32
        %dma_wait3A_53 = arith.constant 0 : i32
        %dma_wait3A_54 = tpu.memref_slice %arg9[%dma_wait3A, %dma_wait3A_53] : memref<49x128xi32, #tpu.memory_space<vmem>> -> memref<1x128xi32, #tpu.memory_space<vmem>>
        %dma_wait3A_55 = tpu.memref_squeeze %dma_wait3A_54 : memref<1x128xi32, #tpu.memory_space<vmem>> -> memref<128xi32, #tpu.memory_space<vmem>>
        %dma_wait3A_56 = arith.constant 0 : i32
        %dma_wait3A_57 = arith.constant 0 : i32
        %dma_wait3A_58 = tpu.memref_slice %arg2[%dma_wait3A_56, %dma_wait3A_57] : memref<50176x32xf32, #tpu.memory_space<hbm>> -> memref<50176x32xf32, #tpu.memory_space<hbm>>
        tpu.wait_indirect_dma semaphore(%arg15 : memref<!tpu.dma_semaphore, #tpu.memory_space<semaphore_mem>>) src(%dma_wait3A_58 : memref<50176x32xf32, #tpu.memory_space<hbm>>) dst(%arg11 : memref<128x32xf32, #tpu.memory_space<vmem>>)
        %run_scoped3A = arith.constant 44 : i32
        "tpu.region"() ({
          %run_scoped3A_98 = tpu.sem_alloc : memref<!tpu.dma_semaphore, #tpu.memory_space<semaphore_mem>>
          %dma_start3A_99 = arith.constant 0 : i32
          %dma_start3A_100 = tpu.memref_slice %arg10[%run_scoped3A, %dma_start3A_99] : memref<49x128xi32, #tpu.memory_space<vmem>> -> memref<1x128xi32, #tpu.memory_space<vmem>>
          %dma_start3A_101 = tpu.memref_squeeze %dma_start3A_100 : memref<1x128xi32, #tpu.memory_space<vmem>> -> memref<128xi32, #tpu.memory_space<vmem>>
          %dma_start3A_102 = arith.constant 0 : i32
          %dma_start3A_103 = arith.constant 0 : i32
          %dma_start3A_104 = tpu.memref_slice %arg8[%dma_start3A_102, %dma_start3A_103] : memref<50176x32xf32, #tpu.memory_space<vmem_shared>> -> memref<50176x32xf32, #tpu.memory_space<vmem_shared>>
          tpu.enqueue_indirect_dma source(%arg11 : memref<128x32xf32, #tpu.memory_space<vmem>>) target(%dma_start3A_104 : memref<50176x32xf32, #tpu.memory_space<vmem_shared>>) offsets(%dma_start3A_101 : memref<128xi32, #tpu.memory_space<vmem>>) semaphore(%run_scoped3A_98 : memref<!tpu.dma_semaphore, #tpu.memory_space<semaphore_mem>>) {add = true}
          %dma_wait3A_105 = arith.constant 0 : i32
          %dma_wait3A_106 = tpu.memref_slice %arg10[%run_scoped3A, %dma_wait3A_105] : memref<49x128xi32, #tpu.memory_space<vmem>> -> memref<1x128xi32, #tpu.memory_space<vmem>>
          %dma_wait3A_107 = tpu.memref_squeeze %dma_wait3A_106 : memref<1x128xi32, #tpu.memory_space<vmem>> -> memref<128xi32, #tpu.memory_space<vmem>>
          %dma_wait3A_108 = arith.constant 0 : i32
          %dma_wait3A_109 = arith.constant 0 : i32
          %dma_wait3A_110 = tpu.memref_slice %arg8[%dma_wait3A_108, %dma_wait3A_109] : memref<50176x32xf32, #tpu.memory_space<vmem_shared>> -> memref<50176x32xf32, #tpu.memory_space<vmem_shared>>
          tpu.wait_indirect_dma semaphore(%run_scoped3A_98 : memref<!tpu.dma_semaphore, #tpu.memory_space<semaphore_mem>>) src(%arg11 : memref<128x32xf32, #tpu.memory_space<vmem>>) dst(%dma_wait3A_110 : memref<50176x32xf32, #tpu.memory_space<vmem_shared>>)
          tpu.yield
        }) : () -> ()
        %dma_start3A_59 = arith.constant 48 : i32
        %dma_start3A_60 = arith.constant 0 : i32
        %dma_start3A_61 = tpu.memref_slice %arg9[%dma_start3A_59, %dma_start3A_60] : memref<49x128xi32, #tpu.memory_space<vmem>> -> memref<1x128xi32, #tpu.memory_space<vmem>>
        %dma_start3A_62 = tpu.memref_squeeze %dma_start3A_61 : memref<1x128xi32, #tpu.memory_space<vmem>> -> memref<128xi32, #tpu.memory_space<vmem>>
        %dma_start3A_63 = arith.constant 0 : i32
        %dma_start3A_64 = arith.constant 0 : i32
        %dma_start3A_65 = tpu.memref_slice %arg2[%dma_start3A_63, %dma_start3A_64] : memref<50176x32xf32, #tpu.memory_space<hbm>> -> memref<50176x32xf32, #tpu.memory_space<hbm>>
        tpu.enqueue_indirect_dma source(%dma_start3A_65 : memref<50176x32xf32, #tpu.memory_space<hbm>>) target(%arg11 : memref<128x32xf32, #tpu.memory_space<vmem>>) offsets(%dma_start3A_62 : memref<128xi32, #tpu.memory_space<vmem>>) semaphore(%arg15 : memref<!tpu.dma_semaphore, #tpu.memory_space<semaphore_mem>>)
        %dma_wait3A_66 = arith.constant 45 : i32
        %dma_wait3A_67 = arith.constant 0 : i32
        %dma_wait3A_68 = tpu.memref_slice %arg9[%dma_wait3A_66, %dma_wait3A_67] : memref<49x128xi32, #tpu.memory_space<vmem>> -> memref<1x128xi32, #tpu.memory_space<vmem>>
        %dma_wait3A_69 = tpu.memref_squeeze %dma_wait3A_68 : memref<1x128xi32, #tpu.memory_space<vmem>> -> memref<128xi32, #tpu.memory_space<vmem>>
        %dma_wait3A_70 = arith.constant 0 : i32
        %dma_wait3A_71 = arith.constant 0 : i32
        %dma_wait3A_72 = tpu.memref_slice %arg2[%dma_wait3A_70, %dma_wait3A_71] : memref<50176x32xf32, #tpu.memory_space<hbm>> -> memref<50176x32xf32, #tpu.memory_space<hbm>>
        tpu.wait_indirect_dma semaphore(%arg16 : memref<!tpu.dma_semaphore, #tpu.memory_space<semaphore_mem>>) src(%dma_wait3A_72 : memref<50176x32xf32, #tpu.memory_space<hbm>>) dst(%arg12 : memref<128x32xf32, #tpu.memory_space<vmem>>)
        %run_scoped3A_73 = arith.constant 45 : i32
        "tpu.region"() ({
          %run_scoped3A_98 = tpu.sem_alloc : memref<!tpu.dma_semaphore, #tpu.memory_space<semaphore_mem>>
          %dma_start3A_99 = arith.constant 0 : i32
          %dma_start3A_100 = tpu.memref_slice %arg10[%run_scoped3A_73, %dma_start3A_99] : memref<49x128xi32, #tpu.memory_space<vmem>> -> memref<1x128xi32, #tpu.memory_space<vmem>>
          %dma_start3A_101 = tpu.memref_squeeze %dma_start3A_100 : memref<1x128xi32, #tpu.memory_space<vmem>> -> memref<128xi32, #tpu.memory_space<vmem>>
          %dma_start3A_102 = arith.constant 0 : i32
          %dma_start3A_103 = arith.constant 0 : i32
          %dma_start3A_104 = tpu.memref_slice %arg8[%dma_start3A_102, %dma_start3A_103] : memref<50176x32xf32, #tpu.memory_space<vmem_shared>> -> memref<50176x32xf32, #tpu.memory_space<vmem_shared>>
          tpu.enqueue_indirect_dma source(%arg12 : memref<128x32xf32, #tpu.memory_space<vmem>>) target(%dma_start3A_104 : memref<50176x32xf32, #tpu.memory_space<vmem_shared>>) offsets(%dma_start3A_101 : memref<128xi32, #tpu.memory_space<vmem>>) semaphore(%run_scoped3A_98 : memref<!tpu.dma_semaphore, #tpu.memory_space<semaphore_mem>>) {add = true}
          %dma_wait3A_105 = arith.constant 0 : i32
          %dma_wait3A_106 = tpu.memref_slice %arg10[%run_scoped3A_73, %dma_wait3A_105] : memref<49x128xi32, #tpu.memory_space<vmem>> -> memref<1x128xi32, #tpu.memory_space<vmem>>
          %dma_wait3A_107 = tpu.memref_squeeze %dma_wait3A_106 : memref<1x128xi32, #tpu.memory_space<vmem>> -> memref<128xi32, #tpu.memory_space<vmem>>
          %dma_wait3A_108 = arith.constant 0 : i32
          %dma_wait3A_109 = arith.constant 0 : i32
          %dma_wait3A_110 = tpu.memref_slice %arg8[%dma_wait3A_108, %dma_wait3A_109] : memref<50176x32xf32, #tpu.memory_space<vmem_shared>> -> memref<50176x32xf32, #tpu.memory_space<vmem_shared>>
          tpu.wait_indirect_dma semaphore(%run_scoped3A_98 : memref<!tpu.dma_semaphore, #tpu.memory_space<semaphore_mem>>) src(%arg12 : memref<128x32xf32, #tpu.memory_space<vmem>>) dst(%dma_wait3A_110 : memref<50176x32xf32, #tpu.memory_space<vmem_shared>>)
          tpu.yield
        }) : () -> ()
        %dma_wait3A_74 = arith.constant 46 : i32
        %dma_wait3A_75 = arith.constant 0 : i32
        %dma_wait3A_76 = tpu.memref_slice %arg9[%dma_wait3A_74, %dma_wait3A_75] : memref<49x128xi32, #tpu.memory_space<vmem>> -> memref<1x128xi32, #tpu.memory_space<vmem>>
        %dma_wait3A_77 = tpu.memref_squeeze %dma_wait3A_76 : memref<1x128xi32, #tpu.memory_space<vmem>> -> memref<128xi32, #tpu.memory_space<vmem>>
        %dma_wait3A_78 = arith.constant 0 : i32
        %dma_wait3A_79 = arith.constant 0 : i32
        %dma_wait3A_80 = tpu.memref_slice %arg2[%dma_wait3A_78, %dma_wait3A_79] : memref<50176x32xf32, #tpu.memory_space<hbm>> -> memref<50176x32xf32, #tpu.memory_space<hbm>>
        tpu.wait_indirect_dma semaphore(%arg17 : memref<!tpu.dma_semaphore, #tpu.memory_space<semaphore_mem>>) src(%dma_wait3A_80 : memref<50176x32xf32, #tpu.memory_space<hbm>>) dst(%arg13 : memref<128x32xf32, #tpu.memory_space<vmem>>)
        %run_scoped3A_81 = arith.constant 46 : i32
        "tpu.region"() ({
          %run_scoped3A_98 = tpu.sem_alloc : memref<!tpu.dma_semaphore, #tpu.memory_space<semaphore_mem>>
          %dma_start3A_99 = arith.constant 0 : i32
          %dma_start3A_100 = tpu.memref_slice %arg10[%run_scoped3A_81, %dma_start3A_99] : memref<49x128xi32, #tpu.memory_space<vmem>> -> memref<1x128xi32, #tpu.memory_space<vmem>>
          %dma_start3A_101 = tpu.memref_squeeze %dma_start3A_100 : memref<1x128xi32, #tpu.memory_space<vmem>> -> memref<128xi32, #tpu.memory_space<vmem>>
          %dma_start3A_102 = arith.constant 0 : i32
          %dma_start3A_103 = arith.constant 0 : i32
          %dma_start3A_104 = tpu.memref_slice %arg8[%dma_start3A_102, %dma_start3A_103] : memref<50176x32xf32, #tpu.memory_space<vmem_shared>> -> memref<50176x32xf32, #tpu.memory_space<vmem_shared>>
          tpu.enqueue_indirect_dma source(%arg13 : memref<128x32xf32, #tpu.memory_space<vmem>>) target(%dma_start3A_104 : memref<50176x32xf32, #tpu.memory_space<vmem_shared>>) offsets(%dma_start3A_101 : memref<128xi32, #tpu.memory_space<vmem>>) semaphore(%run_scoped3A_98 : memref<!tpu.dma_semaphore, #tpu.memory_space<semaphore_mem>>) {add = true}
          %dma_wait3A_105 = arith.constant 0 : i32
          %dma_wait3A_106 = tpu.memref_slice %arg10[%run_scoped3A_81, %dma_wait3A_105] : memref<49x128xi32, #tpu.memory_space<vmem>> -> memref<1x128xi32, #tpu.memory_space<vmem>>
          %dma_wait3A_107 = tpu.memref_squeeze %dma_wait3A_106 : memref<1x128xi32, #tpu.memory_space<vmem>> -> memref<128xi32, #tpu.memory_space<vmem>>
          %dma_wait3A_108 = arith.constant 0 : i32
          %dma_wait3A_109 = arith.constant 0 : i32
          %dma_wait3A_110 = tpu.memref_slice %arg8[%dma_wait3A_108, %dma_wait3A_109] : memref<50176x32xf32, #tpu.memory_space<vmem_shared>> -> memref<50176x32xf32, #tpu.memory_space<vmem_shared>>
          tpu.wait_indirect_dma semaphore(%run_scoped3A_98 : memref<!tpu.dma_semaphore, #tpu.memory_space<semaphore_mem>>) src(%arg13 : memref<128x32xf32, #tpu.memory_space<vmem>>) dst(%dma_wait3A_110 : memref<50176x32xf32, #tpu.memory_space<vmem_shared>>)
          tpu.yield
        }) : () -> ()
        %dma_wait3A_82 = arith.constant 47 : i32
        %dma_wait3A_83 = arith.constant 0 : i32
        %dma_wait3A_84 = tpu.memref_slice %arg9[%dma_wait3A_82, %dma_wait3A_83] : memref<49x128xi32, #tpu.memory_space<vmem>> -> memref<1x128xi32, #tpu.memory_space<vmem>>
        %dma_wait3A_85 = tpu.memref_squeeze %dma_wait3A_84 : memref<1x128xi32, #tpu.memory_space<vmem>> -> memref<128xi32, #tpu.memory_space<vmem>>
        %dma_wait3A_86 = arith.constant 0 : i32
        %dma_wait3A_87 = arith.constant 0 : i32
        %dma_wait3A_88 = tpu.memref_slice %arg2[%dma_wait3A_86, %dma_wait3A_87] : memref<50176x32xf32, #tpu.memory_space<hbm>> -> memref<50176x32xf32, #tpu.memory_space<hbm>>
        tpu.wait_indirect_dma semaphore(%arg18 : memref<!tpu.dma_semaphore, #tpu.memory_space<semaphore_mem>>) src(%dma_wait3A_88 : memref<50176x32xf32, #tpu.memory_space<hbm>>) dst(%arg14 : memref<128x32xf32, #tpu.memory_space<vmem>>)
        %run_scoped3A_89 = arith.constant 47 : i32
        "tpu.region"() ({
          %run_scoped3A_98 = tpu.sem_alloc : memref<!tpu.dma_semaphore, #tpu.memory_space<semaphore_mem>>
          %dma_start3A_99 = arith.constant 0 : i32
          %dma_start3A_100 = tpu.memref_slice %arg10[%run_scoped3A_89, %dma_start3A_99] : memref<49x128xi32, #tpu.memory_space<vmem>> -> memref<1x128xi32, #tpu.memory_space<vmem>>
          %dma_start3A_101 = tpu.memref_squeeze %dma_start3A_100 : memref<1x128xi32, #tpu.memory_space<vmem>> -> memref<128xi32, #tpu.memory_space<vmem>>
          %dma_start3A_102 = arith.constant 0 : i32
          %dma_start3A_103 = arith.constant 0 : i32
          %dma_start3A_104 = tpu.memref_slice %arg8[%dma_start3A_102, %dma_start3A_103] : memref<50176x32xf32, #tpu.memory_space<vmem_shared>> -> memref<50176x32xf32, #tpu.memory_space<vmem_shared>>
          tpu.enqueue_indirect_dma source(%arg14 : memref<128x32xf32, #tpu.memory_space<vmem>>) target(%dma_start3A_104 : memref<50176x32xf32, #tpu.memory_space<vmem_shared>>) offsets(%dma_start3A_101 : memref<128xi32, #tpu.memory_space<vmem>>) semaphore(%run_scoped3A_98 : memref<!tpu.dma_semaphore, #tpu.memory_space<semaphore_mem>>) {add = true}
          %dma_wait3A_105 = arith.constant 0 : i32
          %dma_wait3A_106 = tpu.memref_slice %arg10[%run_scoped3A_89, %dma_wait3A_105] : memref<49x128xi32, #tpu.memory_space<vmem>> -> memref<1x128xi32, #tpu.memory_space<vmem>>
          %dma_wait3A_107 = tpu.memref_squeeze %dma_wait3A_106 : memref<1x128xi32, #tpu.memory_space<vmem>> -> memref<128xi32, #tpu.memory_space<vmem>>
          %dma_wait3A_108 = arith.constant 0 : i32
          %dma_wait3A_109 = arith.constant 0 : i32
          %dma_wait3A_110 = tpu.memref_slice %arg8[%dma_wait3A_108, %dma_wait3A_109] : memref<50176x32xf32, #tpu.memory_space<vmem_shared>> -> memref<50176x32xf32, #tpu.memory_space<vmem_shared>>
          tpu.wait_indirect_dma semaphore(%run_scoped3A_98 : memref<!tpu.dma_semaphore, #tpu.memory_space<semaphore_mem>>) src(%arg14 : memref<128x32xf32, #tpu.memory_space<vmem>>) dst(%dma_wait3A_110 : memref<50176x32xf32, #tpu.memory_space<vmem_shared>>)
          tpu.yield
        }) : () -> ()
        %dma_wait3A_90 = arith.constant 48 : i32
        %dma_wait3A_91 = arith.constant 0 : i32
        %dma_wait3A_92 = tpu.memref_slice %arg9[%dma_wait3A_90, %dma_wait3A_91] : memref<49x128xi32, #tpu.memory_space<vmem>> -> memref<1x128xi32, #tpu.memory_space<vmem>>
        %dma_wait3A_93 = tpu.memref_squeeze %dma_wait3A_92 : memref<1x128xi32, #tpu.memory_space<vmem>> -> memref<128xi32, #tpu.memory_space<vmem>>
        %dma_wait3A_94 = arith.constant 0 : i32
        %dma_wait3A_95 = arith.constant 0 : i32
        %dma_wait3A_96 = tpu.memref_slice %arg2[%dma_wait3A_94, %dma_wait3A_95] : memref<50176x32xf32, #tpu.memory_space<hbm>> -> memref<50176x32xf32, #tpu.memory_space<hbm>>
        tpu.wait_indirect_dma semaphore(%arg15 : memref<!tpu.dma_semaphore, #tpu.memory_space<semaphore_mem>>) src(%dma_wait3A_96 : memref<50176x32xf32, #tpu.memory_space<hbm>>) dst(%arg11 : memref<128x32xf32, #tpu.memory_space<vmem>>)
        %run_scoped3A_97 = arith.constant 48 : i32
        "tpu.region"() ({
          %run_scoped3A_98 = tpu.sem_alloc : memref<!tpu.dma_semaphore, #tpu.memory_space<semaphore_mem>>
          %dma_start3A_99 = arith.constant 0 : i32
          %dma_start3A_100 = tpu.memref_slice %arg10[%run_scoped3A_97, %dma_start3A_99] : memref<49x128xi32, #tpu.memory_space<vmem>> -> memref<1x128xi32, #tpu.memory_space<vmem>>
          %dma_start3A_101 = tpu.memref_squeeze %dma_start3A_100 : memref<1x128xi32, #tpu.memory_space<vmem>> -> memref<128xi32, #tpu.memory_space<vmem>>
          %dma_start3A_102 = arith.constant 0 : i32
          %dma_start3A_103 = arith.constant 0 : i32
          %dma_start3A_104 = tpu.memref_slice %arg8[%dma_start3A_102, %dma_start3A_103] : memref<50176x32xf32, #tpu.memory_space<vmem_shared>> -> memref<50176x32xf32, #tpu.memory_space<vmem_shared>>
          tpu.enqueue_indirect_dma source(%arg11 : memref<128x32xf32, #tpu.memory_space<vmem>>) target(%dma_start3A_104 : memref<50176x32xf32, #tpu.memory_space<vmem_shared>>) offsets(%dma_start3A_101 : memref<128xi32, #tpu.memory_space<vmem>>) semaphore(%run_scoped3A_98 : memref<!tpu.dma_semaphore, #tpu.memory_space<semaphore_mem>>) {add = true}
          %dma_wait3A_105 = arith.constant 0 : i32
          %dma_wait3A_106 = tpu.memref_slice %arg10[%run_scoped3A_97, %dma_wait3A_105] : memref<49x128xi32, #tpu.memory_space<vmem>> -> memref<1x128xi32, #tpu.memory_space<vmem>>
          %dma_wait3A_107 = tpu.memref_squeeze %dma_wait3A_106 : memref<1x128xi32, #tpu.memory_space<vmem>> -> memref<128xi32, #tpu.memory_space<vmem>>
          %dma_wait3A_108 = arith.constant 0 : i32
          %dma_wait3A_109 = arith.constant 0 : i32
          %dma_wait3A_110 = tpu.memref_slice %arg8[%dma_wait3A_108, %dma_wait3A_109] : memref<50176x32xf32, #tpu.memory_space<vmem_shared>> -> memref<50176x32xf32, #tpu.memory_space<vmem_shared>>
          tpu.wait_indirect_dma semaphore(%run_scoped3A_98 : memref<!tpu.dma_semaphore, #tpu.memory_space<semaphore_mem>>) src(%arg11 : memref<128x32xf32, #tpu.memory_space<vmem>>) dst(%dma_wait3A_110 : memref<50176x32xf32, #tpu.memory_space<vmem_shared>>)
          tpu.yield
        }) : () -> ()
      }
      %scan3A_12 = arith.constant 8 : i32
      %barrier3A_13 = arith.constant 0 : index
      tpu.barrier barrier_id(%barrier3A_13)
      "tpu.region"() ({
        %run_scoped3A = tpu.sem_alloc : memref<!tpu.dma_semaphore, #tpu.memory_space<semaphore_mem>>
        %dma_start3A = arith.constant 0 : i32
        %dma_start3A_14 = tpu.memref_slice %arg6[%multiple_of3A, %dma_start3A] : memref<50176x32xf32, #tpu.memory_space<hbm>> -> memref<3136x32xf32, #tpu.memory_space<hbm>>
        %dma_start3A_15 = arith.constant 0 : i32
        %dma_start3A_16 = tpu.memref_slice %arg8[%multiple_of3A, %dma_start3A_15] : memref<50176x32xf32, #tpu.memory_space<vmem_shared>> -> memref<3136x32xf32, #tpu.memory_space<vmem_shared>>
        tpu.enqueue_dma source(%dma_start3A_16 : memref<3136x32xf32, #tpu.memory_space<vmem_shared>>) target(%dma_start3A_14 : memref<3136x32xf32, #tpu.memory_space<hbm>>) target_semaphore(%run_scoped3A : memref<!tpu.dma_semaphore, #tpu.memory_space<semaphore_mem>>)
        %dma_wait3A = arith.constant 0 : i32
        %dma_wait3A_17 = tpu.memref_slice %arg6[%multiple_of3A, %dma_wait3A] : memref<50176x32xf32, #tpu.memory_space<hbm>> -> memref<3136x32xf32, #tpu.memory_space<hbm>>
        %dma_wait3A_18 = arith.constant 0 : i32
        %dma_wait3A_19 = tpu.memref_slice %arg8[%multiple_of3A, %dma_wait3A_18] : memref<50176x32xf32, #tpu.memory_space<vmem_shared>> -> memref<3136x32xf32, #tpu.memory_space<vmem_shared>>
        tpu.wait_dma2 semaphore(%run_scoped3A : memref<!tpu.dma_semaphore, #tpu.memory_space<semaphore_mem>>) src(%dma_wait3A_19 : memref<3136x32xf32, #tpu.memory_space<vmem_shared>>) dst(%dma_wait3A_17 : memref<3136x32xf32, #tpu.memory_space<hbm>>)
        tpu.yield
      }) : () -> ()
    } else {
    }
    %eq3A_3 = arith.constant 1 : i32
    %eq3A_4 = arith.cmpi eq, %arg0, %eq3A_3 : i32
    %convert_element_type3A_5 = arith.extui %eq3A_4 : i1 to i32
    %cond3A_6 = arith.constant 0 : i32
    %cond3A_7 = arith.cmpi ne, %convert_element_type3A_5, %cond3A_6 : i32
    scf.if %cond3A_7 {
      "tpu.region"() ({
        %run_scoped3A = tpu.sem_alloc : memref<!tpu.dma_semaphore, #tpu.memory_space<semaphore_mem>>
        %dma_start3A = arith.constant 0 : i32
        %dma_start3A_14 = tpu.memref_slice %arg8[%multiple_of3A, %dma_start3A] : memref<50176x32xf32, #tpu.memory_space<vmem_shared>> -> memref<3136x32xf32, #tpu.memory_space<vmem_shared>>
        %dma_start3A_15 = arith.constant 0 : i32
        %dma_start3A_16 = tpu.memref_slice %arg3[%multiple_of3A, %dma_start3A_15] : memref<50176x32xf32, #tpu.memory_space<hbm>> -> memref<3136x32xf32, #tpu.memory_space<hbm>>
        tpu.enqueue_dma source(%dma_start3A_16 : memref<3136x32xf32, #tpu.memory_space<hbm>>) target(%dma_start3A_14 : memref<3136x32xf32, #tpu.memory_space<vmem_shared>>) target_semaphore(%run_scoped3A : memref<!tpu.dma_semaphore, #tpu.memory_space<semaphore_mem>>)
        %dma_wait3A = arith.constant 0 : i32
        %dma_wait3A_17 = tpu.memref_slice %arg8[%multiple_of3A, %dma_wait3A] : memref<50176x32xf32, #tpu.memory_space<vmem_shared>> -> memref<3136x32xf32, #tpu.memory_space<vmem_shared>>
        %dma_wait3A_18 = arith.constant 0 : i32
        %dma_wait3A_19 = tpu.memref_slice %arg3[%multiple_of3A, %dma_wait3A_18] : memref<50176x32xf32, #tpu.memory_space<hbm>> -> memref<3136x32xf32, #tpu.memory_space<hbm>>
        tpu.wait_dma2 semaphore(%run_scoped3A : memref<!tpu.dma_semaphore, #tpu.memory_space<semaphore_mem>>) src(%dma_wait3A_19 : memref<3136x32xf32, #tpu.memory_space<hbm>>) dst(%dma_wait3A_17 : memref<3136x32xf32, #tpu.memory_space<vmem_shared>>)
        tpu.yield
      }) : () -> ()
      %barrier3A = arith.constant 0 : index
      tpu.barrier barrier_id(%barrier3A)
      %scan3A = arith.constant 0 : i32
      %scan3A_8 = arith.constant 0 : i32
      %scan3A_9 = arith.constant 8 : i32
      %scan3A_10 = arith.addi %scan3A_8, %scan3A_9 : i32
      %scan3A_11 = arith.constant 1 : i32
      scf.for %scan3A_14 = %scan3A_8 to %scan3A_10 step %scan3A_11  : i32 {
        %mul3A_15 = arith.constant 8 : i32
        %mul3A_16 = arith.muli %arg1, %mul3A_15 : i32
        %add3A = arith.addi %mul3A_16, %scan3A_14 : i32
        "tpu.region"() ({
          %run_scoped3A_98 = tpu.sem_alloc : memref<!tpu.dma_semaphore, #tpu.memory_space<semaphore_mem>>
          %dma_start3A_99 = arith.constant 0 : i32
          %dma_start3A_100 = arith.constant 0 : i32
          %dma_start3A_101 = tpu.memref_slice %arg4[%add3A, %dma_start3A_99, %dma_start3A_100] : memref<128x49x128xi32, #tpu.memory_space<hbm>> -> memref<1x49x128xi32, #tpu.memory_space<hbm>>
          %dma_start3A_102 = tpu.memref_squeeze %dma_start3A_101 : memref<1x49x128xi32, #tpu.memory_space<hbm>> -> memref<49x128xi32, #tpu.memory_space<hbm>>
          %dma_start3A_103 = arith.constant 0 : i32
          %dma_start3A_104 = arith.constant 0 : i32
          %dma_start3A_105 = tpu.memref_slice %arg4[%add3A, %dma_start3A_103, %dma_start3A_104] : memref<128x49x128xi32, #tpu.memory_space<hbm>> -> memref<1x49x128xi32, #tpu.memory_space<hbm>>
          %dma_start3A_106 = tpu.memref_squeeze %dma_start3A_105 : memref<1x49x128xi32, #tpu.memory_space<hbm>> -> memref<49x128xi32, #tpu.memory_space<hbm>>
          tpu.enqueue_dma source(%dma_start3A_106 : memref<49x128xi32, #tpu.memory_space<hbm>>) target(%arg9 : memref<49x128xi32, #tpu.memory_space<vmem>>) target_semaphore(%run_scoped3A_98 : memref<!tpu.dma_semaphore, #tpu.memory_space<semaphore_mem>>)
          %dma_wait3A_107 = arith.constant 0 : i32
          %dma_wait3A_108 = arith.constant 0 : i32
          %dma_wait3A_109 = tpu.memref_slice %arg4[%add3A, %dma_wait3A_107, %dma_wait3A_108] : memref<128x49x128xi32, #tpu.memory_space<hbm>> -> memref<1x49x128xi32, #tpu.memory_space<hbm>>
          %dma_wait3A_110 = tpu.memref_squeeze %dma_wait3A_109 : memref<1x49x128xi32, #tpu.memory_space<hbm>> -> memref<49x128xi32, #tpu.memory_space<hbm>>
          %dma_wait3A_111 = arith.constant 0 : i32
          %dma_wait3A_112 = arith.constant 0 : i32
          %dma_wait3A_113 = tpu.memref_slice %arg4[%add3A, %dma_wait3A_111, %dma_wait3A_112] : memref<128x49x128xi32, #tpu.memory_space<hbm>> -> memref<1x49x128xi32, #tpu.memory_space<hbm>>
          %dma_wait3A_114 = tpu.memref_squeeze %dma_wait3A_113 : memref<1x49x128xi32, #tpu.memory_space<hbm>> -> memref<49x128xi32, #tpu.memory_space<hbm>>
          tpu.wait_dma2 semaphore(%run_scoped3A_98 : memref<!tpu.dma_semaphore, #tpu.memory_space<semaphore_mem>>) src(%dma_wait3A_114 : memref<49x128xi32, #tpu.memory_space<hbm>>) dst(%arg9 : memref<49x128xi32, #tpu.memory_space<vmem>>)
          tpu.yield
        }) : () -> ()
        %mul3A_17 = arith.constant 8 : i32
        %mul3A_18 = arith.muli %arg1, %mul3A_17 : i32
        %add3A_19 = arith.addi %mul3A_18, %scan3A_14 : i32
        "tpu.region"() ({
          %run_scoped3A_98 = tpu.sem_alloc : memref<!tpu.dma_semaphore, #tpu.memory_space<semaphore_mem>>
          %dma_start3A_99 = arith.constant 0 : i32
          %dma_start3A_100 = arith.constant 0 : i32
          %dma_start3A_101 = tpu.memref_slice %arg5[%add3A_19, %dma_start3A_99, %dma_start3A_100] : memref<128x49x128xi32, #tpu.memory_space<hbm>> -> memref<1x49x128xi32, #tpu.memory_space<hbm>>
          %dma_start3A_102 = tpu.memref_squeeze %dma_start3A_101 : memref<1x49x128xi32, #tpu.memory_space<hbm>> -> memref<49x128xi32, #tpu.memory_space<hbm>>
          %dma_start3A_103 = arith.constant 0 : i32
          %dma_start3A_104 = arith.constant 0 : i32
          %dma_start3A_105 = tpu.memref_slice %arg5[%add3A_19, %dma_start3A_103, %dma_start3A_104] : memref<128x49x128xi32, #tpu.memory_space<hbm>> -> memref<1x49x128xi32, #tpu.memory_space<hbm>>
          %dma_start3A_106 = tpu.memref_squeeze %dma_start3A_105 : memref<1x49x128xi32, #tpu.memory_space<hbm>> -> memref<49x128xi32, #tpu.memory_space<hbm>>
          tpu.enqueue_dma source(%dma_start3A_106 : memref<49x128xi32, #tpu.memory_space<hbm>>) target(%arg10 : memref<49x128xi32, #tpu.memory_space<vmem>>) target_semaphore(%run_scoped3A_98 : memref<!tpu.dma_semaphore, #tpu.memory_space<semaphore_mem>>)
          %dma_wait3A_107 = arith.constant 0 : i32
          %dma_wait3A_108 = arith.constant 0 : i32
          %dma_wait3A_109 = tpu.memref_slice %arg5[%add3A_19, %dma_wait3A_107, %dma_wait3A_108] : memref<128x49x128xi32, #tpu.memory_space<hbm>> -> memref<1x49x128xi32, #tpu.memory_space<hbm>>
          %dma_wait3A_110 = tpu.memref_squeeze %dma_wait3A_109 : memref<1x49x128xi32, #tpu.memory_space<hbm>> -> memref<49x128xi32, #tpu.memory_space<hbm>>
          %dma_wait3A_111 = arith.constant 0 : i32
          %dma_wait3A_112 = arith.constant 0 : i32
          %dma_wait3A_113 = tpu.memref_slice %arg5[%add3A_19, %dma_wait3A_111, %dma_wait3A_112] : memref<128x49x128xi32, #tpu.memory_space<hbm>> -> memref<1x49x128xi32, #tpu.memory_space<hbm>>
          %dma_wait3A_114 = tpu.memref_squeeze %dma_wait3A_113 : memref<1x49x128xi32, #tpu.memory_space<hbm>> -> memref<49x128xi32, #tpu.memory_space<hbm>>
          tpu.wait_dma2 semaphore(%run_scoped3A_98 : memref<!tpu.dma_semaphore, #tpu.memory_space<semaphore_mem>>) src(%dma_wait3A_114 : memref<49x128xi32, #tpu.memory_space<hbm>>) dst(%arg10 : memref<49x128xi32, #tpu.memory_space<vmem>>)
          tpu.yield
        }) : () -> ()
        %dma_start3A = arith.constant 0 : i32
        %dma_start3A_20 = arith.constant 0 : i32
        %dma_start3A_21 = tpu.memref_slice %arg9[%dma_start3A, %dma_start3A_20] : memref<49x128xi32, #tpu.memory_space<vmem>> -> memref<1x128xi32, #tpu.memory_space<vmem>>
        %dma_start3A_22 = tpu.memref_squeeze %dma_start3A_21 : memref<1x128xi32, #tpu.memory_space<vmem>> -> memref<128xi32, #tpu.memory_space<vmem>>
        %dma_start3A_23 = arith.constant 0 : i32
        %dma_start3A_24 = arith.constant 0 : i32
        %dma_start3A_25 = tpu.memref_slice %arg3[%dma_start3A_23, %dma_start3A_24] : memref<50176x32xf32, #tpu.memory_space<hbm>> -> memref<50176x32xf32, #tpu.memory_space<hbm>>
        tpu.enqueue_indirect_dma source(%dma_start3A_25 : memref<50176x32xf32, #tpu.memory_space<hbm>>) target(%arg11 : memref<128x32xf32, #tpu.memory_space<vmem>>) offsets(%dma_start3A_22 : memref<128xi32, #tpu.memory_space<vmem>>) semaphore(%arg15 : memref<!tpu.dma_semaphore, #tpu.memory_space<semaphore_mem>>)
        %dma_start3A_26 = arith.constant 1 : i32
        %dma_start3A_27 = arith.constant 0 : i32
        %dma_start3A_28 = tpu.memref_slice %arg9[%dma_start3A_26, %dma_start3A_27] : memref<49x128xi32, #tpu.memory_space<vmem>> -> memref<1x128xi32, #tpu.memory_space<vmem>>
        %dma_start3A_29 = tpu.memref_squeeze %dma_start3A_28 : memref<1x128xi32, #tpu.memory_space<vmem>> -> memref<128xi32, #tpu.memory_space<vmem>>
        %dma_start3A_30 = arith.constant 0 : i32
        %dma_start3A_31 = arith.constant 0 : i32
        %dma_start3A_32 = tpu.memref_slice %arg3[%dma_start3A_30, %dma_start3A_31] : memref<50176x32xf32, #tpu.memory_space<hbm>> -> memref<50176x32xf32, #tpu.memory_space<hbm>>
        tpu.enqueue_indirect_dma source(%dma_start3A_32 : memref<50176x32xf32, #tpu.memory_space<hbm>>) target(%arg12 : memref<128x32xf32, #tpu.memory_space<vmem>>) offsets(%dma_start3A_29 : memref<128xi32, #tpu.memory_space<vmem>>) semaphore(%arg16 : memref<!tpu.dma_semaphore, #tpu.memory_space<semaphore_mem>>)
        %dma_start3A_33 = arith.constant 2 : i32
        %dma_start3A_34 = arith.constant 0 : i32
        %dma_start3A_35 = tpu.memref_slice %arg9[%dma_start3A_33, %dma_start3A_34] : memref<49x128xi32, #tpu.memory_space<vmem>> -> memref<1x128xi32, #tpu.memory_space<vmem>>
        %dma_start3A_36 = tpu.memref_squeeze %dma_start3A_35 : memref<1x128xi32, #tpu.memory_space<vmem>> -> memref<128xi32, #tpu.memory_space<vmem>>
        %dma_start3A_37 = arith.constant 0 : i32
        %dma_start3A_38 = arith.constant 0 : i32
        %dma_start3A_39 = tpu.memref_slice %arg3[%dma_start3A_37, %dma_start3A_38] : memref<50176x32xf32, #tpu.memory_space<hbm>> -> memref<50176x32xf32, #tpu.memory_space<hbm>>
        tpu.enqueue_indirect_dma source(%dma_start3A_39 : memref<50176x32xf32, #tpu.memory_space<hbm>>) target(%arg13 : memref<128x32xf32, #tpu.memory_space<vmem>>) offsets(%dma_start3A_36 : memref<128xi32, #tpu.memory_space<vmem>>) semaphore(%arg17 : memref<!tpu.dma_semaphore, #tpu.memory_space<semaphore_mem>>)
        %scan3A_40 = arith.constant 0 : i32
        %scan3A_41 = arith.constant 0 : i32
        %scan3A_42 = arith.constant 11 : i32
        %scan3A_43 = arith.addi %scan3A_41, %scan3A_42 : i32
        %scan3A_44 = arith.constant 1 : i32
        scf.for %scan3A_98 = %scan3A_41 to %scan3A_43 step %scan3A_44  : i32 {
          %mul3A_99 = arith.constant 4 : i32
          %mul3A_100 = arith.muli %scan3A_98, %mul3A_99 : i32
          %add3A_101 = arith.constant 3 : i32
          %add3A_102 = arith.addi %mul3A_100, %add3A_101 : i32
          %dma_start3A_103 = arith.constant 0 : i32
          %dma_start3A_104 = tpu.memref_slice %arg9[%add3A_102, %dma_start3A_103] : memref<49x128xi32, #tpu.memory_space<vmem>> -> memref<1x128xi32, #tpu.memory_space<vmem>>
          %dma_start3A_105 = tpu.memref_squeeze %dma_start3A_104 : memref<1x128xi32, #tpu.memory_space<vmem>> -> memref<128xi32, #tpu.memory_space<vmem>>
          %dma_start3A_106 = arith.constant 0 : i32
          %dma_start3A_107 = arith.constant 0 : i32
          %dma_start3A_108 = tpu.memref_slice %arg3[%dma_start3A_106, %dma_start3A_107] : memref<50176x32xf32, #tpu.memory_space<hbm>> -> memref<50176x32xf32, #tpu.memory_space<hbm>>
          tpu.enqueue_indirect_dma source(%dma_start3A_108 : memref<50176x32xf32, #tpu.memory_space<hbm>>) target(%arg14 : memref<128x32xf32, #tpu.memory_space<vmem>>) offsets(%dma_start3A_105 : memref<128xi32, #tpu.memory_space<vmem>>) semaphore(%arg18 : memref<!tpu.dma_semaphore, #tpu.memory_space<semaphore_mem>>)
          %dma_wait3A_109 = arith.constant 0 : i32
          %dma_wait3A_110 = tpu.memref_slice %arg9[%mul3A_100, %dma_wait3A_109] : memref<49x128xi32, #tpu.memory_space<vmem>> -> memref<1x128xi32, #tpu.memory_space<vmem>>
          %dma_wait3A_111 = tpu.memref_squeeze %dma_wait3A_110 : memref<1x128xi32, #tpu.memory_space<vmem>> -> memref<128xi32, #tpu.memory_space<vmem>>
          %dma_wait3A_112 = arith.constant 0 : i32
          %dma_wait3A_113 = arith.constant 0 : i32
          %dma_wait3A_114 = tpu.memref_slice %arg3[%dma_wait3A_112, %dma_wait3A_113] : memref<50176x32xf32, #tpu.memory_space<hbm>> -> memref<50176x32xf32, #tpu.memory_space<hbm>>
          tpu.wait_indirect_dma semaphore(%arg15 : memref<!tpu.dma_semaphore, #tpu.memory_space<semaphore_mem>>) src(%dma_wait3A_114 : memref<50176x32xf32, #tpu.memory_space<hbm>>) dst(%arg11 : memref<128x32xf32, #tpu.memory_space<vmem>>)
          "tpu.region"() ({
            %run_scoped3A_163 = tpu.sem_alloc : memref<!tpu.dma_semaphore, #tpu.memory_space<semaphore_mem>>
            %dma_start3A_164 = arith.constant 0 : i32
            %dma_start3A_165 = tpu.memref_slice %arg10[%mul3A_100, %dma_start3A_164] : memref<49x128xi32, #tpu.memory_space<vmem>> -> memref<1x128xi32, #tpu.memory_space<vmem>>
            %dma_start3A_166 = tpu.memref_squeeze %dma_start3A_165 : memref<1x128xi32, #tpu.memory_space<vmem>> -> memref<128xi32, #tpu.memory_space<vmem>>
            %dma_start3A_167 = arith.constant 0 : i32
            %dma_start3A_168 = arith.constant 0 : i32
            %dma_start3A_169 = tpu.memref_slice %arg8[%dma_start3A_167, %dma_start3A_168] : memref<50176x32xf32, #tpu.memory_space<vmem_shared>> -> memref<50176x32xf32, #tpu.memory_space<vmem_shared>>
            tpu.enqueue_indirect_dma source(%arg11 : memref<128x32xf32, #tpu.memory_space<vmem>>) target(%dma_start3A_169 : memref<50176x32xf32, #tpu.memory_space<vmem_shared>>) offsets(%dma_start3A_166 : memref<128xi32, #tpu.memory_space<vmem>>) semaphore(%run_scoped3A_163 : memref<!tpu.dma_semaphore, #tpu.memory_space<semaphore_mem>>) {add = true}
            %dma_wait3A_170 = arith.constant 0 : i32
            %dma_wait3A_171 = tpu.memref_slice %arg10[%mul3A_100, %dma_wait3A_170] : memref<49x128xi32, #tpu.memory_space<vmem>> -> memref<1x128xi32, #tpu.memory_space<vmem>>
            %dma_wait3A_172 = tpu.memref_squeeze %dma_wait3A_171 : memref<1x128xi32, #tpu.memory_space<vmem>> -> memref<128xi32, #tpu.memory_space<vmem>>
            %dma_wait3A_173 = arith.constant 0 : i32
            %dma_wait3A_174 = arith.constant 0 : i32
            %dma_wait3A_175 = tpu.memref_slice %arg8[%dma_wait3A_173, %dma_wait3A_174] : memref<50176x32xf32, #tpu.memory_space<vmem_shared>> -> memref<50176x32xf32, #tpu.memory_space<vmem_shared>>
            tpu.wait_indirect_dma semaphore(%run_scoped3A_163 : memref<!tpu.dma_semaphore, #tpu.memory_space<semaphore_mem>>) src(%arg11 : memref<128x32xf32, #tpu.memory_space<vmem>>) dst(%dma_wait3A_175 : memref<50176x32xf32, #tpu.memory_space<vmem_shared>>)
            tpu.yield
          }) : () -> ()
          %add3A_115 = arith.constant 4 : i32
          %add3A_116 = arith.addi %mul3A_100, %add3A_115 : i32
          %dma_start3A_117 = arith.constant 0 : i32
          %dma_start3A_118 = tpu.memref_slice %arg9[%add3A_116, %dma_start3A_117] : memref<49x128xi32, #tpu.memory_space<vmem>> -> memref<1x128xi32, #tpu.memory_space<vmem>>
          %dma_start3A_119 = tpu.memref_squeeze %dma_start3A_118 : memref<1x128xi32, #tpu.memory_space<vmem>> -> memref<128xi32, #tpu.memory_space<vmem>>
          %dma_start3A_120 = arith.constant 0 : i32
          %dma_start3A_121 = arith.constant 0 : i32
          %dma_start3A_122 = tpu.memref_slice %arg3[%dma_start3A_120, %dma_start3A_121] : memref<50176x32xf32, #tpu.memory_space<hbm>> -> memref<50176x32xf32, #tpu.memory_space<hbm>>
          tpu.enqueue_indirect_dma source(%dma_start3A_122 : memref<50176x32xf32, #tpu.memory_space<hbm>>) target(%arg11 : memref<128x32xf32, #tpu.memory_space<vmem>>) offsets(%dma_start3A_119 : memref<128xi32, #tpu.memory_space<vmem>>) semaphore(%arg15 : memref<!tpu.dma_semaphore, #tpu.memory_space<semaphore_mem>>)
          %add3A_123 = arith.constant 1 : i32
          %add3A_124 = arith.addi %mul3A_100, %add3A_123 : i32
          %dma_wait3A_125 = arith.constant 0 : i32
          %dma_wait3A_126 = tpu.memref_slice %arg9[%add3A_124, %dma_wait3A_125] : memref<49x128xi32, #tpu.memory_space<vmem>> -> memref<1x128xi32, #tpu.memory_space<vmem>>
          %dma_wait3A_127 = tpu.memref_squeeze %dma_wait3A_126 : memref<1x128xi32, #tpu.memory_space<vmem>> -> memref<128xi32, #tpu.memory_space<vmem>>
          %dma_wait3A_128 = arith.constant 0 : i32
          %dma_wait3A_129 = arith.constant 0 : i32
          %dma_wait3A_130 = tpu.memref_slice %arg3[%dma_wait3A_128, %dma_wait3A_129] : memref<50176x32xf32, #tpu.memory_space<hbm>> -> memref<50176x32xf32, #tpu.memory_space<hbm>>
          tpu.wait_indirect_dma semaphore(%arg16 : memref<!tpu.dma_semaphore, #tpu.memory_space<semaphore_mem>>) src(%dma_wait3A_130 : memref<50176x32xf32, #tpu.memory_space<hbm>>) dst(%arg12 : memref<128x32xf32, #tpu.memory_space<vmem>>)
          "tpu.region"() ({
            %run_scoped3A_163 = tpu.sem_alloc : memref<!tpu.dma_semaphore, #tpu.memory_space<semaphore_mem>>
            %dma_start3A_164 = arith.constant 0 : i32
            %dma_start3A_165 = tpu.memref_slice %arg10[%add3A_124, %dma_start3A_164] : memref<49x128xi32, #tpu.memory_space<vmem>> -> memref<1x128xi32, #tpu.memory_space<vmem>>
            %dma_start3A_166 = tpu.memref_squeeze %dma_start3A_165 : memref<1x128xi32, #tpu.memory_space<vmem>> -> memref<128xi32, #tpu.memory_space<vmem>>
            %dma_start3A_167 = arith.constant 0 : i32
            %dma_start3A_168 = arith.constant 0 : i32
            %dma_start3A_169 = tpu.memref_slice %arg8[%dma_start3A_167, %dma_start3A_168] : memref<50176x32xf32, #tpu.memory_space<vmem_shared>> -> memref<50176x32xf32, #tpu.memory_space<vmem_shared>>
            tpu.enqueue_indirect_dma source(%arg12 : memref<128x32xf32, #tpu.memory_space<vmem>>) target(%dma_start3A_169 : memref<50176x32xf32, #tpu.memory_space<vmem_shared>>) offsets(%dma_start3A_166 : memref<128xi32, #tpu.memory_space<vmem>>) semaphore(%run_scoped3A_163 : memref<!tpu.dma_semaphore, #tpu.memory_space<semaphore_mem>>) {add = true}
            %dma_wait3A_170 = arith.constant 0 : i32
            %dma_wait3A_171 = tpu.memref_slice %arg10[%add3A_124, %dma_wait3A_170] : memref<49x128xi32, #tpu.memory_space<vmem>> -> memref<1x128xi32, #tpu.memory_space<vmem>>
            %dma_wait3A_172 = tpu.memref_squeeze %dma_wait3A_171 : memref<1x128xi32, #tpu.memory_space<vmem>> -> memref<128xi32, #tpu.memory_space<vmem>>
            %dma_wait3A_173 = arith.constant 0 : i32
            %dma_wait3A_174 = arith.constant 0 : i32
            %dma_wait3A_175 = tpu.memref_slice %arg8[%dma_wait3A_173, %dma_wait3A_174] : memref<50176x32xf32, #tpu.memory_space<vmem_shared>> -> memref<50176x32xf32, #tpu.memory_space<vmem_shared>>
            tpu.wait_indirect_dma semaphore(%run_scoped3A_163 : memref<!tpu.dma_semaphore, #tpu.memory_space<semaphore_mem>>) src(%arg12 : memref<128x32xf32, #tpu.memory_space<vmem>>) dst(%dma_wait3A_175 : memref<50176x32xf32, #tpu.memory_space<vmem_shared>>)
            tpu.yield
          }) : () -> ()
          %add3A_131 = arith.constant 5 : i32
          %add3A_132 = arith.addi %mul3A_100, %add3A_131 : i32
          %dma_start3A_133 = arith.constant 0 : i32
          %dma_start3A_134 = tpu.memref_slice %arg9[%add3A_132, %dma_start3A_133] : memref<49x128xi32, #tpu.memory_space<vmem>> -> memref<1x128xi32, #tpu.memory_space<vmem>>
          %dma_start3A_135 = tpu.memref_squeeze %dma_start3A_134 : memref<1x128xi32, #tpu.memory_space<vmem>> -> memref<128xi32, #tpu.memory_space<vmem>>
          %dma_start3A_136 = arith.constant 0 : i32
          %dma_start3A_137 = arith.constant 0 : i32
          %dma_start3A_138 = tpu.memref_slice %arg3[%dma_start3A_136, %dma_start3A_137] : memref<50176x32xf32, #tpu.memory_space<hbm>> -> memref<50176x32xf32, #tpu.memory_space<hbm>>
          tpu.enqueue_indirect_dma source(%dma_start3A_138 : memref<50176x32xf32, #tpu.memory_space<hbm>>) target(%arg12 : memref<128x32xf32, #tpu.memory_space<vmem>>) offsets(%dma_start3A_135 : memref<128xi32, #tpu.memory_space<vmem>>) semaphore(%arg16 : memref<!tpu.dma_semaphore, #tpu.memory_space<semaphore_mem>>)
          %add3A_139 = arith.constant 2 : i32
          %add3A_140 = arith.addi %mul3A_100, %add3A_139 : i32
          %dma_wait3A_141 = arith.constant 0 : i32
          %dma_wait3A_142 = tpu.memref_slice %arg9[%add3A_140, %dma_wait3A_141] : memref<49x128xi32, #tpu.memory_space<vmem>> -> memref<1x128xi32, #tpu.memory_space<vmem>>
          %dma_wait3A_143 = tpu.memref_squeeze %dma_wait3A_142 : memref<1x128xi32, #tpu.memory_space<vmem>> -> memref<128xi32, #tpu.memory_space<vmem>>
          %dma_wait3A_144 = arith.constant 0 : i32
          %dma_wait3A_145 = arith.constant 0 : i32
          %dma_wait3A_146 = tpu.memref_slice %arg3[%dma_wait3A_144, %dma_wait3A_145] : memref<50176x32xf32, #tpu.memory_space<hbm>> -> memref<50176x32xf32, #tpu.memory_space<hbm>>
          tpu.wait_indirect_dma semaphore(%arg17 : memref<!tpu.dma_semaphore, #tpu.memory_space<semaphore_mem>>) src(%dma_wait3A_146 : memref<50176x32xf32, #tpu.memory_space<hbm>>) dst(%arg13 : memref<128x32xf32, #tpu.memory_space<vmem>>)
          "tpu.region"() ({
            %run_scoped3A_163 = tpu.sem_alloc : memref<!tpu.dma_semaphore, #tpu.memory_space<semaphore_mem>>
            %dma_start3A_164 = arith.constant 0 : i32
            %dma_start3A_165 = tpu.memref_slice %arg10[%add3A_140, %dma_start3A_164] : memref<49x128xi32, #tpu.memory_space<vmem>> -> memref<1x128xi32, #tpu.memory_space<vmem>>
            %dma_start3A_166 = tpu.memref_squeeze %dma_start3A_165 : memref<1x128xi32, #tpu.memory_space<vmem>> -> memref<128xi32, #tpu.memory_space<vmem>>
            %dma_start3A_167 = arith.constant 0 : i32
            %dma_start3A_168 = arith.constant 0 : i32
            %dma_start3A_169 = tpu.memref_slice %arg8[%dma_start3A_167, %dma_start3A_168] : memref<50176x32xf32, #tpu.memory_space<vmem_shared>> -> memref<50176x32xf32, #tpu.memory_space<vmem_shared>>
            tpu.enqueue_indirect_dma source(%arg13 : memref<128x32xf32, #tpu.memory_space<vmem>>) target(%dma_start3A_169 : memref<50176x32xf32, #tpu.memory_space<vmem_shared>>) offsets(%dma_start3A_166 : memref<128xi32, #tpu.memory_space<vmem>>) semaphore(%run_scoped3A_163 : memref<!tpu.dma_semaphore, #tpu.memory_space<semaphore_mem>>) {add = true}
            %dma_wait3A_170 = arith.constant 0 : i32
            %dma_wait3A_171 = tpu.memref_slice %arg10[%add3A_140, %dma_wait3A_170] : memref<49x128xi32, #tpu.memory_space<vmem>> -> memref<1x128xi32, #tpu.memory_space<vmem>>
            %dma_wait3A_172 = tpu.memref_squeeze %dma_wait3A_171 : memref<1x128xi32, #tpu.memory_space<vmem>> -> memref<128xi32, #tpu.memory_space<vmem>>
            %dma_wait3A_173 = arith.constant 0 : i32
            %dma_wait3A_174 = arith.constant 0 : i32
            %dma_wait3A_175 = tpu.memref_slice %arg8[%dma_wait3A_173, %dma_wait3A_174] : memref<50176x32xf32, #tpu.memory_space<vmem_shared>> -> memref<50176x32xf32, #tpu.memory_space<vmem_shared>>
            tpu.wait_indirect_dma semaphore(%run_scoped3A_163 : memref<!tpu.dma_semaphore, #tpu.memory_space<semaphore_mem>>) src(%arg13 : memref<128x32xf32, #tpu.memory_space<vmem>>) dst(%dma_wait3A_175 : memref<50176x32xf32, #tpu.memory_space<vmem_shared>>)
            tpu.yield
          }) : () -> ()
          %add3A_147 = arith.constant 6 : i32
          %add3A_148 = arith.addi %mul3A_100, %add3A_147 : i32
          %dma_start3A_149 = arith.constant 0 : i32
          %dma_start3A_150 = tpu.memref_slice %arg9[%add3A_148, %dma_start3A_149] : memref<49x128xi32, #tpu.memory_space<vmem>> -> memref<1x128xi32, #tpu.memory_space<vmem>>
          %dma_start3A_151 = tpu.memref_squeeze %dma_start3A_150 : memref<1x128xi32, #tpu.memory_space<vmem>> -> memref<128xi32, #tpu.memory_space<vmem>>
          %dma_start3A_152 = arith.constant 0 : i32
          %dma_start3A_153 = arith.constant 0 : i32
          %dma_start3A_154 = tpu.memref_slice %arg3[%dma_start3A_152, %dma_start3A_153] : memref<50176x32xf32, #tpu.memory_space<hbm>> -> memref<50176x32xf32, #tpu.memory_space<hbm>>
          tpu.enqueue_indirect_dma source(%dma_start3A_154 : memref<50176x32xf32, #tpu.memory_space<hbm>>) target(%arg13 : memref<128x32xf32, #tpu.memory_space<vmem>>) offsets(%dma_start3A_151 : memref<128xi32, #tpu.memory_space<vmem>>) semaphore(%arg17 : memref<!tpu.dma_semaphore, #tpu.memory_space<semaphore_mem>>)
          %add3A_155 = arith.constant 3 : i32
          %add3A_156 = arith.addi %mul3A_100, %add3A_155 : i32
          %dma_wait3A_157 = arith.constant 0 : i32
          %dma_wait3A_158 = tpu.memref_slice %arg9[%add3A_156, %dma_wait3A_157] : memref<49x128xi32, #tpu.memory_space<vmem>> -> memref<1x128xi32, #tpu.memory_space<vmem>>
          %dma_wait3A_159 = tpu.memref_squeeze %dma_wait3A_158 : memref<1x128xi32, #tpu.memory_space<vmem>> -> memref<128xi32, #tpu.memory_space<vmem>>
          %dma_wait3A_160 = arith.constant 0 : i32
          %dma_wait3A_161 = arith.constant 0 : i32
          %dma_wait3A_162 = tpu.memref_slice %arg3[%dma_wait3A_160, %dma_wait3A_161] : memref<50176x32xf32, #tpu.memory_space<hbm>> -> memref<50176x32xf32, #tpu.memory_space<hbm>>
          tpu.wait_indirect_dma semaphore(%arg18 : memref<!tpu.dma_semaphore, #tpu.memory_space<semaphore_mem>>) src(%dma_wait3A_162 : memref<50176x32xf32, #tpu.memory_space<hbm>>) dst(%arg14 : memref<128x32xf32, #tpu.memory_space<vmem>>)
          "tpu.region"() ({
            %run_scoped3A_163 = tpu.sem_alloc : memref<!tpu.dma_semaphore, #tpu.memory_space<semaphore_mem>>
            %dma_start3A_164 = arith.constant 0 : i32
            %dma_start3A_165 = tpu.memref_slice %arg10[%add3A_156, %dma_start3A_164] : memref<49x128xi32, #tpu.memory_space<vmem>> -> memref<1x128xi32, #tpu.memory_space<vmem>>
            %dma_start3A_166 = tpu.memref_squeeze %dma_start3A_165 : memref<1x128xi32, #tpu.memory_space<vmem>> -> memref<128xi32, #tpu.memory_space<vmem>>
            %dma_start3A_167 = arith.constant 0 : i32
            %dma_start3A_168 = arith.constant 0 : i32
            %dma_start3A_169 = tpu.memref_slice %arg8[%dma_start3A_167, %dma_start3A_168] : memref<50176x32xf32, #tpu.memory_space<vmem_shared>> -> memref<50176x32xf32, #tpu.memory_space<vmem_shared>>
            tpu.enqueue_indirect_dma source(%arg14 : memref<128x32xf32, #tpu.memory_space<vmem>>) target(%dma_start3A_169 : memref<50176x32xf32, #tpu.memory_space<vmem_shared>>) offsets(%dma_start3A_166 : memref<128xi32, #tpu.memory_space<vmem>>) semaphore(%run_scoped3A_163 : memref<!tpu.dma_semaphore, #tpu.memory_space<semaphore_mem>>) {add = true}
            %dma_wait3A_170 = arith.constant 0 : i32
            %dma_wait3A_171 = tpu.memref_slice %arg10[%add3A_156, %dma_wait3A_170] : memref<49x128xi32, #tpu.memory_space<vmem>> -> memref<1x128xi32, #tpu.memory_space<vmem>>
            %dma_wait3A_172 = tpu.memref_squeeze %dma_wait3A_171 : memref<1x128xi32, #tpu.memory_space<vmem>> -> memref<128xi32, #tpu.memory_space<vmem>>
            %dma_wait3A_173 = arith.constant 0 : i32
            %dma_wait3A_174 = arith.constant 0 : i32
            %dma_wait3A_175 = tpu.memref_slice %arg8[%dma_wait3A_173, %dma_wait3A_174] : memref<50176x32xf32, #tpu.memory_space<vmem_shared>> -> memref<50176x32xf32, #tpu.memory_space<vmem_shared>>
            tpu.wait_indirect_dma semaphore(%run_scoped3A_163 : memref<!tpu.dma_semaphore, #tpu.memory_space<semaphore_mem>>) src(%arg14 : memref<128x32xf32, #tpu.memory_space<vmem>>) dst(%dma_wait3A_175 : memref<50176x32xf32, #tpu.memory_space<vmem_shared>>)
            tpu.yield
          }) : () -> ()
        }
        %scan3A_45 = arith.constant 11 : i32
        %dma_start3A_46 = arith.constant 47 : i32
        %dma_start3A_47 = arith.constant 0 : i32
        %dma_start3A_48 = tpu.memref_slice %arg9[%dma_start3A_46, %dma_start3A_47] : memref<49x128xi32, #tpu.memory_space<vmem>> -> memref<1x128xi32, #tpu.memory_space<vmem>>
        %dma_start3A_49 = tpu.memref_squeeze %dma_start3A_48 : memref<1x128xi32, #tpu.memory_space<vmem>> -> memref<128xi32, #tpu.memory_space<vmem>>
        %dma_start3A_50 = arith.constant 0 : i32
        %dma_start3A_51 = arith.constant 0 : i32
        %dma_start3A_52 = tpu.memref_slice %arg3[%dma_start3A_50, %dma_start3A_51] : memref<50176x32xf32, #tpu.memory_space<hbm>> -> memref<50176x32xf32, #tpu.memory_space<hbm>>
        tpu.enqueue_indirect_dma source(%dma_start3A_52 : memref<50176x32xf32, #tpu.memory_space<hbm>>) target(%arg14 : memref<128x32xf32, #tpu.memory_space<vmem>>) offsets(%dma_start3A_49 : memref<128xi32, #tpu.memory_space<vmem>>) semaphore(%arg18 : memref<!tpu.dma_semaphore, #tpu.memory_space<semaphore_mem>>)
        %dma_wait3A = arith.constant 44 : i32
        %dma_wait3A_53 = arith.constant 0 : i32
        %dma_wait3A_54 = tpu.memref_slice %arg9[%dma_wait3A, %dma_wait3A_53] : memref<49x128xi32, #tpu.memory_space<vmem>> -> memref<1x128xi32, #tpu.memory_space<vmem>>
        %dma_wait3A_55 = tpu.memref_squeeze %dma_wait3A_54 : memref<1x128xi32, #tpu.memory_space<vmem>> -> memref<128xi32, #tpu.memory_space<vmem>>
        %dma_wait3A_56 = arith.constant 0 : i32
        %dma_wait3A_57 = arith.constant 0 : i32
        %dma_wait3A_58 = tpu.memref_slice %arg3[%dma_wait3A_56, %dma_wait3A_57] : memref<50176x32xf32, #tpu.memory_space<hbm>> -> memref<50176x32xf32, #tpu.memory_space<hbm>>
        tpu.wait_indirect_dma semaphore(%arg15 : memref<!tpu.dma_semaphore, #tpu.memory_space<semaphore_mem>>) src(%dma_wait3A_58 : memref<50176x32xf32, #tpu.memory_space<hbm>>) dst(%arg11 : memref<128x32xf32, #tpu.memory_space<vmem>>)
        %run_scoped3A = arith.constant 44 : i32
        "tpu.region"() ({
          %run_scoped3A_98 = tpu.sem_alloc : memref<!tpu.dma_semaphore, #tpu.memory_space<semaphore_mem>>
          %dma_start3A_99 = arith.constant 0 : i32
          %dma_start3A_100 = tpu.memref_slice %arg10[%run_scoped3A, %dma_start3A_99] : memref<49x128xi32, #tpu.memory_space<vmem>> -> memref<1x128xi32, #tpu.memory_space<vmem>>
          %dma_start3A_101 = tpu.memref_squeeze %dma_start3A_100 : memref<1x128xi32, #tpu.memory_space<vmem>> -> memref<128xi32, #tpu.memory_space<vmem>>
          %dma_start3A_102 = arith.constant 0 : i32
          %dma_start3A_103 = arith.constant 0 : i32
          %dma_start3A_104 = tpu.memref_slice %arg8[%dma_start3A_102, %dma_start3A_103] : memref<50176x32xf32, #tpu.memory_space<vmem_shared>> -> memref<50176x32xf32, #tpu.memory_space<vmem_shared>>
          tpu.enqueue_indirect_dma source(%arg11 : memref<128x32xf32, #tpu.memory_space<vmem>>) target(%dma_start3A_104 : memref<50176x32xf32, #tpu.memory_space<vmem_shared>>) offsets(%dma_start3A_101 : memref<128xi32, #tpu.memory_space<vmem>>) semaphore(%run_scoped3A_98 : memref<!tpu.dma_semaphore, #tpu.memory_space<semaphore_mem>>) {add = true}
          %dma_wait3A_105 = arith.constant 0 : i32
          %dma_wait3A_106 = tpu.memref_slice %arg10[%run_scoped3A, %dma_wait3A_105] : memref<49x128xi32, #tpu.memory_space<vmem>> -> memref<1x128xi32, #tpu.memory_space<vmem>>
          %dma_wait3A_107 = tpu.memref_squeeze %dma_wait3A_106 : memref<1x128xi32, #tpu.memory_space<vmem>> -> memref<128xi32, #tpu.memory_space<vmem>>
          %dma_wait3A_108 = arith.constant 0 : i32
          %dma_wait3A_109 = arith.constant 0 : i32
          %dma_wait3A_110 = tpu.memref_slice %arg8[%dma_wait3A_108, %dma_wait3A_109] : memref<50176x32xf32, #tpu.memory_space<vmem_shared>> -> memref<50176x32xf32, #tpu.memory_space<vmem_shared>>
          tpu.wait_indirect_dma semaphore(%run_scoped3A_98 : memref<!tpu.dma_semaphore, #tpu.memory_space<semaphore_mem>>) src(%arg11 : memref<128x32xf32, #tpu.memory_space<vmem>>) dst(%dma_wait3A_110 : memref<50176x32xf32, #tpu.memory_space<vmem_shared>>)
          tpu.yield
        }) : () -> ()
        %dma_start3A_59 = arith.constant 48 : i32
        %dma_start3A_60 = arith.constant 0 : i32
        %dma_start3A_61 = tpu.memref_slice %arg9[%dma_start3A_59, %dma_start3A_60] : memref<49x128xi32, #tpu.memory_space<vmem>> -> memref<1x128xi32, #tpu.memory_space<vmem>>
        %dma_start3A_62 = tpu.memref_squeeze %dma_start3A_61 : memref<1x128xi32, #tpu.memory_space<vmem>> -> memref<128xi32, #tpu.memory_space<vmem>>
        %dma_start3A_63 = arith.constant 0 : i32
        %dma_start3A_64 = arith.constant 0 : i32
        %dma_start3A_65 = tpu.memref_slice %arg3[%dma_start3A_63, %dma_start3A_64] : memref<50176x32xf32, #tpu.memory_space<hbm>> -> memref<50176x32xf32, #tpu.memory_space<hbm>>
        tpu.enqueue_indirect_dma source(%dma_start3A_65 : memref<50176x32xf32, #tpu.memory_space<hbm>>) target(%arg11 : memref<128x32xf32, #tpu.memory_space<vmem>>) offsets(%dma_start3A_62 : memref<128xi32, #tpu.memory_space<vmem>>) semaphore(%arg15 : memref<!tpu.dma_semaphore, #tpu.memory_space<semaphore_mem>>)
        %dma_wait3A_66 = arith.constant 45 : i32
        %dma_wait3A_67 = arith.constant 0 : i32
        %dma_wait3A_68 = tpu.memref_slice %arg9[%dma_wait3A_66, %dma_wait3A_67] : memref<49x128xi32, #tpu.memory_space<vmem>> -> memref<1x128xi32, #tpu.memory_space<vmem>>
        %dma_wait3A_69 = tpu.memref_squeeze %dma_wait3A_68 : memref<1x128xi32, #tpu.memory_space<vmem>> -> memref<128xi32, #tpu.memory_space<vmem>>
        %dma_wait3A_70 = arith.constant 0 : i32
        %dma_wait3A_71 = arith.constant 0 : i32
        %dma_wait3A_72 = tpu.memref_slice %arg3[%dma_wait3A_70, %dma_wait3A_71] : memref<50176x32xf32, #tpu.memory_space<hbm>> -> memref<50176x32xf32, #tpu.memory_space<hbm>>
        tpu.wait_indirect_dma semaphore(%arg16 : memref<!tpu.dma_semaphore, #tpu.memory_space<semaphore_mem>>) src(%dma_wait3A_72 : memref<50176x32xf32, #tpu.memory_space<hbm>>) dst(%arg12 : memref<128x32xf32, #tpu.memory_space<vmem>>)
        %run_scoped3A_73 = arith.constant 45 : i32
        "tpu.region"() ({
          %run_scoped3A_98 = tpu.sem_alloc : memref<!tpu.dma_semaphore, #tpu.memory_space<semaphore_mem>>
          %dma_start3A_99 = arith.constant 0 : i32
          %dma_start3A_100 = tpu.memref_slice %arg10[%run_scoped3A_73, %dma_start3A_99] : memref<49x128xi32, #tpu.memory_space<vmem>> -> memref<1x128xi32, #tpu.memory_space<vmem>>
          %dma_start3A_101 = tpu.memref_squeeze %dma_start3A_100 : memref<1x128xi32, #tpu.memory_space<vmem>> -> memref<128xi32, #tpu.memory_space<vmem>>
          %dma_start3A_102 = arith.constant 0 : i32
          %dma_start3A_103 = arith.constant 0 : i32
          %dma_start3A_104 = tpu.memref_slice %arg8[%dma_start3A_102, %dma_start3A_103] : memref<50176x32xf32, #tpu.memory_space<vmem_shared>> -> memref<50176x32xf32, #tpu.memory_space<vmem_shared>>
          tpu.enqueue_indirect_dma source(%arg12 : memref<128x32xf32, #tpu.memory_space<vmem>>) target(%dma_start3A_104 : memref<50176x32xf32, #tpu.memory_space<vmem_shared>>) offsets(%dma_start3A_101 : memref<128xi32, #tpu.memory_space<vmem>>) semaphore(%run_scoped3A_98 : memref<!tpu.dma_semaphore, #tpu.memory_space<semaphore_mem>>) {add = true}
          %dma_wait3A_105 = arith.constant 0 : i32
          %dma_wait3A_106 = tpu.memref_slice %arg10[%run_scoped3A_73, %dma_wait3A_105] : memref<49x128xi32, #tpu.memory_space<vmem>> -> memref<1x128xi32, #tpu.memory_space<vmem>>
          %dma_wait3A_107 = tpu.memref_squeeze %dma_wait3A_106 : memref<1x128xi32, #tpu.memory_space<vmem>> -> memref<128xi32, #tpu.memory_space<vmem>>
          %dma_wait3A_108 = arith.constant 0 : i32
          %dma_wait3A_109 = arith.constant 0 : i32
          %dma_wait3A_110 = tpu.memref_slice %arg8[%dma_wait3A_108, %dma_wait3A_109] : memref<50176x32xf32, #tpu.memory_space<vmem_shared>> -> memref<50176x32xf32, #tpu.memory_space<vmem_shared>>
          tpu.wait_indirect_dma semaphore(%run_scoped3A_98 : memref<!tpu.dma_semaphore, #tpu.memory_space<semaphore_mem>>) src(%arg12 : memref<128x32xf32, #tpu.memory_space<vmem>>) dst(%dma_wait3A_110 : memref<50176x32xf32, #tpu.memory_space<vmem_shared>>)
          tpu.yield
        }) : () -> ()
        %dma_wait3A_74 = arith.constant 46 : i32
        %dma_wait3A_75 = arith.constant 0 : i32
        %dma_wait3A_76 = tpu.memref_slice %arg9[%dma_wait3A_74, %dma_wait3A_75] : memref<49x128xi32, #tpu.memory_space<vmem>> -> memref<1x128xi32, #tpu.memory_space<vmem>>
        %dma_wait3A_77 = tpu.memref_squeeze %dma_wait3A_76 : memref<1x128xi32, #tpu.memory_space<vmem>> -> memref<128xi32, #tpu.memory_space<vmem>>
        %dma_wait3A_78 = arith.constant 0 : i32
        %dma_wait3A_79 = arith.constant 0 : i32
        %dma_wait3A_80 = tpu.memref_slice %arg3[%dma_wait3A_78, %dma_wait3A_79] : memref<50176x32xf32, #tpu.memory_space<hbm>> -> memref<50176x32xf32, #tpu.memory_space<hbm>>
        tpu.wait_indirect_dma semaphore(%arg17 : memref<!tpu.dma_semaphore, #tpu.memory_space<semaphore_mem>>) src(%dma_wait3A_80 : memref<50176x32xf32, #tpu.memory_space<hbm>>) dst(%arg13 : memref<128x32xf32, #tpu.memory_space<vmem>>)
        %run_scoped3A_81 = arith.constant 46 : i32
        "tpu.region"() ({
          %run_scoped3A_98 = tpu.sem_alloc : memref<!tpu.dma_semaphore, #tpu.memory_space<semaphore_mem>>
          %dma_start3A_99 = arith.constant 0 : i32
          %dma_start3A_100 = tpu.memref_slice %arg10[%run_scoped3A_81, %dma_start3A_99] : memref<49x128xi32, #tpu.memory_space<vmem>> -> memref<1x128xi32, #tpu.memory_space<vmem>>
          %dma_start3A_101 = tpu.memref_squeeze %dma_start3A_100 : memref<1x128xi32, #tpu.memory_space<vmem>> -> memref<128xi32, #tpu.memory_space<vmem>>
          %dma_start3A_102 = arith.constant 0 : i32
          %dma_start3A_103 = arith.constant 0 : i32
          %dma_start3A_104 = tpu.memref_slice %arg8[%dma_start3A_102, %dma_start3A_103] : memref<50176x32xf32, #tpu.memory_space<vmem_shared>> -> memref<50176x32xf32, #tpu.memory_space<vmem_shared>>
          tpu.enqueue_indirect_dma source(%arg13 : memref<128x32xf32, #tpu.memory_space<vmem>>) target(%dma_start3A_104 : memref<50176x32xf32, #tpu.memory_space<vmem_shared>>) offsets(%dma_start3A_101 : memref<128xi32, #tpu.memory_space<vmem>>) semaphore(%run_scoped3A_98 : memref<!tpu.dma_semaphore, #tpu.memory_space<semaphore_mem>>) {add = true}
          %dma_wait3A_105 = arith.constant 0 : i32
          %dma_wait3A_106 = tpu.memref_slice %arg10[%run_scoped3A_81, %dma_wait3A_105] : memref<49x128xi32, #tpu.memory_space<vmem>> -> memref<1x128xi32, #tpu.memory_space<vmem>>
          %dma_wait3A_107 = tpu.memref_squeeze %dma_wait3A_106 : memref<1x128xi32, #tpu.memory_space<vmem>> -> memref<128xi32, #tpu.memory_space<vmem>>
          %dma_wait3A_108 = arith.constant 0 : i32
          %dma_wait3A_109 = arith.constant 0 : i32
          %dma_wait3A_110 = tpu.memref_slice %arg8[%dma_wait3A_108, %dma_wait3A_109] : memref<50176x32xf32, #tpu.memory_space<vmem_shared>> -> memref<50176x32xf32, #tpu.memory_space<vmem_shared>>
          tpu.wait_indirect_dma semaphore(%run_scoped3A_98 : memref<!tpu.dma_semaphore, #tpu.memory_space<semaphore_mem>>) src(%arg13 : memref<128x32xf32, #tpu.memory_space<vmem>>) dst(%dma_wait3A_110 : memref<50176x32xf32, #tpu.memory_space<vmem_shared>>)
          tpu.yield
        }) : () -> ()
        %dma_wait3A_82 = arith.constant 47 : i32
        %dma_wait3A_83 = arith.constant 0 : i32
        %dma_wait3A_84 = tpu.memref_slice %arg9[%dma_wait3A_82, %dma_wait3A_83] : memref<49x128xi32, #tpu.memory_space<vmem>> -> memref<1x128xi32, #tpu.memory_space<vmem>>
        %dma_wait3A_85 = tpu.memref_squeeze %dma_wait3A_84 : memref<1x128xi32, #tpu.memory_space<vmem>> -> memref<128xi32, #tpu.memory_space<vmem>>
        %dma_wait3A_86 = arith.constant 0 : i32
        %dma_wait3A_87 = arith.constant 0 : i32
        %dma_wait3A_88 = tpu.memref_slice %arg3[%dma_wait3A_86, %dma_wait3A_87] : memref<50176x32xf32, #tpu.memory_space<hbm>> -> memref<50176x32xf32, #tpu.memory_space<hbm>>
        tpu.wait_indirect_dma semaphore(%arg18 : memref<!tpu.dma_semaphore, #tpu.memory_space<semaphore_mem>>) src(%dma_wait3A_88 : memref<50176x32xf32, #tpu.memory_space<hbm>>) dst(%arg14 : memref<128x32xf32, #tpu.memory_space<vmem>>)
        %run_scoped3A_89 = arith.constant 47 : i32
        "tpu.region"() ({
          %run_scoped3A_98 = tpu.sem_alloc : memref<!tpu.dma_semaphore, #tpu.memory_space<semaphore_mem>>
          %dma_start3A_99 = arith.constant 0 : i32
          %dma_start3A_100 = tpu.memref_slice %arg10[%run_scoped3A_89, %dma_start3A_99] : memref<49x128xi32, #tpu.memory_space<vmem>> -> memref<1x128xi32, #tpu.memory_space<vmem>>
          %dma_start3A_101 = tpu.memref_squeeze %dma_start3A_100 : memref<1x128xi32, #tpu.memory_space<vmem>> -> memref<128xi32, #tpu.memory_space<vmem>>
          %dma_start3A_102 = arith.constant 0 : i32
          %dma_start3A_103 = arith.constant 0 : i32
          %dma_start3A_104 = tpu.memref_slice %arg8[%dma_start3A_102, %dma_start3A_103] : memref<50176x32xf32, #tpu.memory_space<vmem_shared>> -> memref<50176x32xf32, #tpu.memory_space<vmem_shared>>
          tpu.enqueue_indirect_dma source(%arg14 : memref<128x32xf32, #tpu.memory_space<vmem>>) target(%dma_start3A_104 : memref<50176x32xf32, #tpu.memory_space<vmem_shared>>) offsets(%dma_start3A_101 : memref<128xi32, #tpu.memory_space<vmem>>) semaphore(%run_scoped3A_98 : memref<!tpu.dma_semaphore, #tpu.memory_space<semaphore_mem>>) {add = true}
          %dma_wait3A_105 = arith.constant 0 : i32
          %dma_wait3A_106 = tpu.memref_slice %arg10[%run_scoped3A_89, %dma_wait3A_105] : memref<49x128xi32, #tpu.memory_space<vmem>> -> memref<1x128xi32, #tpu.memory_space<vmem>>
          %dma_wait3A_107 = tpu.memref_squeeze %dma_wait3A_106 : memref<1x128xi32, #tpu.memory_space<vmem>> -> memref<128xi32, #tpu.memory_space<vmem>>
          %dma_wait3A_108 = arith.constant 0 : i32
          %dma_wait3A_109 = arith.constant 0 : i32
          %dma_wait3A_110 = tpu.memref_slice %arg8[%dma_wait3A_108, %dma_wait3A_109] : memref<50176x32xf32, #tpu.memory_space<vmem_shared>> -> memref<50176x32xf32, #tpu.memory_space<vmem_shared>>
          tpu.wait_indirect_dma semaphore(%run_scoped3A_98 : memref<!tpu.dma_semaphore, #tpu.memory_space<semaphore_mem>>) src(%arg14 : memref<128x32xf32, #tpu.memory_space<vmem>>) dst(%dma_wait3A_110 : memref<50176x32xf32, #tpu.memory_space<vmem_shared>>)
          tpu.yield
        }) : () -> ()
        %dma_wait3A_90 = arith.constant 48 : i32
        %dma_wait3A_91 = arith.constant 0 : i32
        %dma_wait3A_92 = tpu.memref_slice %arg9[%dma_wait3A_90, %dma_wait3A_91] : memref<49x128xi32, #tpu.memory_space<vmem>> -> memref<1x128xi32, #tpu.memory_space<vmem>>
        %dma_wait3A_93 = tpu.memref_squeeze %dma_wait3A_92 : memref<1x128xi32, #tpu.memory_space<vmem>> -> memref<128xi32, #tpu.memory_space<vmem>>
        %dma_wait3A_94 = arith.constant 0 : i32
        %dma_wait3A_95 = arith.constant 0 : i32
        %dma_wait3A_96 = tpu.memref_slice %arg3[%dma_wait3A_94, %dma_wait3A_95] : memref<50176x32xf32, #tpu.memory_space<hbm>> -> memref<50176x32xf32, #tpu.memory_space<hbm>>
        tpu.wait_indirect_dma semaphore(%arg15 : memref<!tpu.dma_semaphore, #tpu.memory_space<semaphore_mem>>) src(%dma_wait3A_96 : memref<50176x32xf32, #tpu.memory_space<hbm>>) dst(%arg11 : memref<128x32xf32, #tpu.memory_space<vmem>>)
        %run_scoped3A_97 = arith.constant 48 : i32
        "tpu.region"() ({
          %run_scoped3A_98 = tpu.sem_alloc : memref<!tpu.dma_semaphore, #tpu.memory_space<semaphore_mem>>
          %dma_start3A_99 = arith.constant 0 : i32
          %dma_start3A_100 = tpu.memref_slice %arg10[%run_scoped3A_97, %dma_start3A_99] : memref<49x128xi32, #tpu.memory_space<vmem>> -> memref<1x128xi32, #tpu.memory_space<vmem>>
          %dma_start3A_101 = tpu.memref_squeeze %dma_start3A_100 : memref<1x128xi32, #tpu.memory_space<vmem>> -> memref<128xi32, #tpu.memory_space<vmem>>
          %dma_start3A_102 = arith.constant 0 : i32
          %dma_start3A_103 = arith.constant 0 : i32
          %dma_start3A_104 = tpu.memref_slice %arg8[%dma_start3A_102, %dma_start3A_103] : memref<50176x32xf32, #tpu.memory_space<vmem_shared>> -> memref<50176x32xf32, #tpu.memory_space<vmem_shared>>
          tpu.enqueue_indirect_dma source(%arg11 : memref<128x32xf32, #tpu.memory_space<vmem>>) target(%dma_start3A_104 : memref<50176x32xf32, #tpu.memory_space<vmem_shared>>) offsets(%dma_start3A_101 : memref<128xi32, #tpu.memory_space<vmem>>) semaphore(%run_scoped3A_98 : memref<!tpu.dma_semaphore, #tpu.memory_space<semaphore_mem>>) {add = true}
          %dma_wait3A_105 = arith.constant 0 : i32
          %dma_wait3A_106 = tpu.memref_slice %arg10[%run_scoped3A_97, %dma_wait3A_105] : memref<49x128xi32, #tpu.memory_space<vmem>> -> memref<1x128xi32, #tpu.memory_space<vmem>>
          %dma_wait3A_107 = tpu.memref_squeeze %dma_wait3A_106 : memref<1x128xi32, #tpu.memory_space<vmem>> -> memref<128xi32, #tpu.memory_space<vmem>>
          %dma_wait3A_108 = arith.constant 0 : i32
          %dma_wait3A_109 = arith.constant 0 : i32
          %dma_wait3A_110 = tpu.memref_slice %arg8[%dma_wait3A_108, %dma_wait3A_109] : memref<50176x32xf32, #tpu.memory_space<vmem_shared>> -> memref<50176x32xf32, #tpu.memory_space<vmem_shared>>
          tpu.wait_indirect_dma semaphore(%run_scoped3A_98 : memref<!tpu.dma_semaphore, #tpu.memory_space<semaphore_mem>>) src(%arg11 : memref<128x32xf32, #tpu.memory_space<vmem>>) dst(%dma_wait3A_110 : memref<50176x32xf32, #tpu.memory_space<vmem_shared>>)
          tpu.yield
        }) : () -> ()
      }
      %scan3A_12 = arith.constant 8 : i32
      %barrier3A_13 = arith.constant 0 : index
      tpu.barrier barrier_id(%barrier3A_13)
      "tpu.region"() ({
        %run_scoped3A = tpu.sem_alloc : memref<!tpu.dma_semaphore, #tpu.memory_space<semaphore_mem>>
        %dma_start3A = arith.constant 0 : i32
        %dma_start3A_14 = tpu.memref_slice %arg7[%multiple_of3A, %dma_start3A] : memref<50176x32xf32, #tpu.memory_space<hbm>> -> memref<3136x32xf32, #tpu.memory_space<hbm>>
        %dma_start3A_15 = arith.constant 0 : i32
        %dma_start3A_16 = tpu.memref_slice %arg8[%multiple_of3A, %dma_start3A_15] : memref<50176x32xf32, #tpu.memory_space<vmem_shared>> -> memref<3136x32xf32, #tpu.memory_space<vmem_shared>>
        tpu.enqueue_dma source(%dma_start3A_16 : memref<3136x32xf32, #tpu.memory_space<vmem_shared>>) target(%dma_start3A_14 : memref<3136x32xf32, #tpu.memory_space<hbm>>) target_semaphore(%run_scoped3A : memref<!tpu.dma_semaphore, #tpu.memory_space<semaphore_mem>>)
        %dma_wait3A = arith.constant 0 : i32
        %dma_wait3A_17 = tpu.memref_slice %arg7[%multiple_of3A, %dma_wait3A] : memref<50176x32xf32, #tpu.memory_space<hbm>> -> memref<3136x32xf32, #tpu.memory_space<hbm>>
        %dma_wait3A_18 = arith.constant 0 : i32
        %dma_wait3A_19 = tpu.memref_slice %arg8[%multiple_of3A, %dma_wait3A_18] : memref<50176x32xf32, #tpu.memory_space<vmem_shared>> -> memref<3136x32xf32, #tpu.memory_space<vmem_shared>>
        tpu.wait_dma2 semaphore(%run_scoped3A : memref<!tpu.dma_semaphore, #tpu.memory_space<semaphore_mem>>) src(%dma_wait3A_19 : memref<3136x32xf32, #tpu.memory_space<vmem_shared>>) dst(%dma_wait3A_17 : memref<3136x32xf32, #tpu.memory_space<hbm>>)
        tpu.yield
      }) : () -> ()
    } else {
    }
    return
  }
}

#map = affine_map<(d0, d1) -> (0, 0, 0)>
#map1 = affine_map<(d0, d1) -> (0, 0)>
module attributes {stable_mosaic.version = 14 : i64} {
  func.func @_sc_degree(%arg0: i32, %arg1: i32, %arg2: memref<128x49x128xi32, #tpu.memory_space<hbm>>, %arg3: memref<128x16xf32, #tpu.memory_space<hbm>>, %arg4: memref<3136x16xf32, #tpu.memory_space<hbm>>, %arg5: memref<50176x16xf32, #tpu.memory_space<hbm>>, %arg6: memref<50176x16xf32, #tpu.memory_space<hbm>>, %arg7: memref<50176x16xf32, #tpu.memory_space<vmem_shared>>, %arg8: memref<49x128xi32, #tpu.memory_space<vmem>>, %arg9: memref<128x16xf32, #tpu.memory_space<vmem>>) attributes {dimension_semantics = [#tpu.dimension_semantics<core_parallel>, #tpu.dimension_semantics<subcore_parallel>], iteration_bounds = array<i64: 2, 16>, scalar_prefetch = 0 : i64, scratch_operands = 3 : i64, tpu.core_type = #tpu.core_type<sc_vector_subcore>, window_params = [{transform_indices = #map}, {transform_indices = #map1}, {transform_indices = #map1}, {transform_indices = #map1}, {transform_indices = #map1}]} {
    "tpu.region"() ({
      %run_scoped3A = tpu.sem_alloc : memref<!tpu.dma_semaphore, #tpu.memory_space<semaphore_mem>>
      tpu.enqueue_dma source(%arg3 : memref<128x16xf32, #tpu.memory_space<hbm>>) target(%arg9 : memref<128x16xf32, #tpu.memory_space<vmem>>) target_semaphore(%run_scoped3A : memref<!tpu.dma_semaphore, #tpu.memory_space<semaphore_mem>>)
      tpu.wait_dma2 semaphore(%run_scoped3A : memref<!tpu.dma_semaphore, #tpu.memory_space<semaphore_mem>>) src(%arg3 : memref<128x16xf32, #tpu.memory_space<hbm>>) dst(%arg9 : memref<128x16xf32, #tpu.memory_space<vmem>>)
      tpu.yield
    }) : () -> ()
    %mul3A = arith.constant 3136 : i32
    %mul3A_0 = arith.muli %arg1, %mul3A : i32
    %multiple_of3A = tpu.assume_multiple %mul3A_0, 8 : i32
    "tpu.region"() ({
      %run_scoped3A = tpu.sem_alloc : memref<!tpu.dma_semaphore, #tpu.memory_space<semaphore_mem>>
      %dma_start3A = arith.constant 0 : i32
      %dma_start3A_14 = tpu.memref_slice %arg7[%multiple_of3A, %dma_start3A] : memref<50176x16xf32, #tpu.memory_space<vmem_shared>> -> memref<3136x16xf32, #tpu.memory_space<vmem_shared>>
      tpu.enqueue_dma source(%arg4 : memref<3136x16xf32, #tpu.memory_space<hbm>>) target(%dma_start3A_14 : memref<3136x16xf32, #tpu.memory_space<vmem_shared>>) target_semaphore(%run_scoped3A : memref<!tpu.dma_semaphore, #tpu.memory_space<semaphore_mem>>)
      %dma_wait3A = arith.constant 0 : i32
      %dma_wait3A_15 = tpu.memref_slice %arg7[%multiple_of3A, %dma_wait3A] : memref<50176x16xf32, #tpu.memory_space<vmem_shared>> -> memref<3136x16xf32, #tpu.memory_space<vmem_shared>>
      tpu.wait_dma2 semaphore(%run_scoped3A : memref<!tpu.dma_semaphore, #tpu.memory_space<semaphore_mem>>) src(%arg4 : memref<3136x16xf32, #tpu.memory_space<hbm>>) dst(%dma_wait3A_15 : memref<3136x16xf32, #tpu.memory_space<vmem_shared>>)
      tpu.yield
    }) : () -> ()
    %barrier3A = arith.constant 0 : index
    tpu.barrier barrier_id(%barrier3A)
    %scan3A = arith.constant 0 : i32
    %scan3A_1 = arith.constant 0 : i32
    %scan3A_2 = arith.constant 4 : i32
    %scan3A_3 = arith.addi %scan3A_1, %scan3A_2 : i32
    %scan3A_4 = arith.constant 1 : i32
    scf.for %scan3A_14 = %scan3A_1 to %scan3A_3 step %scan3A_4  : i32 {
      %mul3A_15 = arith.constant 8 : i32
      %mul3A_16 = arith.muli %arg1, %mul3A_15 : i32
      %mul3A_17 = arith.constant 4 : i32
      %mul3A_18 = arith.muli %arg0, %mul3A_17 : i32
      %add3A = arith.addi %mul3A_16, %mul3A_18 : i32
      %add3A_19 = arith.addi %add3A, %scan3A_14 : i32
      "tpu.region"() ({
        %run_scoped3A = tpu.sem_alloc : memref<!tpu.dma_semaphore, #tpu.memory_space<semaphore_mem>>
        %dma_start3A = arith.constant 0 : i32
        %dma_start3A_26 = arith.constant 0 : i32
        %dma_start3A_27 = tpu.memref_slice %arg2[%add3A_19, %dma_start3A, %dma_start3A_26] : memref<128x49x128xi32, #tpu.memory_space<hbm>> -> memref<1x49x128xi32, #tpu.memory_space<hbm>>
        %dma_start3A_28 = tpu.memref_squeeze %dma_start3A_27 : memref<1x49x128xi32, #tpu.memory_space<hbm>> -> memref<49x128xi32, #tpu.memory_space<hbm>>
        %dma_start3A_29 = arith.constant 0 : i32
        %dma_start3A_30 = arith.constant 0 : i32
        %dma_start3A_31 = tpu.memref_slice %arg2[%add3A_19, %dma_start3A_29, %dma_start3A_30] : memref<128x49x128xi32, #tpu.memory_space<hbm>> -> memref<1x49x128xi32, #tpu.memory_space<hbm>>
        %dma_start3A_32 = tpu.memref_squeeze %dma_start3A_31 : memref<1x49x128xi32, #tpu.memory_space<hbm>> -> memref<49x128xi32, #tpu.memory_space<hbm>>
        tpu.enqueue_dma source(%dma_start3A_32 : memref<49x128xi32, #tpu.memory_space<hbm>>) target(%arg8 : memref<49x128xi32, #tpu.memory_space<vmem>>) target_semaphore(%run_scoped3A : memref<!tpu.dma_semaphore, #tpu.memory_space<semaphore_mem>>)
        %dma_wait3A = arith.constant 0 : i32
        %dma_wait3A_33 = arith.constant 0 : i32
        %dma_wait3A_34 = tpu.memref_slice %arg2[%add3A_19, %dma_wait3A, %dma_wait3A_33] : memref<128x49x128xi32, #tpu.memory_space<hbm>> -> memref<1x49x128xi32, #tpu.memory_space<hbm>>
        %dma_wait3A_35 = tpu.memref_squeeze %dma_wait3A_34 : memref<1x49x128xi32, #tpu.memory_space<hbm>> -> memref<49x128xi32, #tpu.memory_space<hbm>>
        %dma_wait3A_36 = arith.constant 0 : i32
        %dma_wait3A_37 = arith.constant 0 : i32
        %dma_wait3A_38 = tpu.memref_slice %arg2[%add3A_19, %dma_wait3A_36, %dma_wait3A_37] : memref<128x49x128xi32, #tpu.memory_space<hbm>> -> memref<1x49x128xi32, #tpu.memory_space<hbm>>
        %dma_wait3A_39 = tpu.memref_squeeze %dma_wait3A_38 : memref<1x49x128xi32, #tpu.memory_space<hbm>> -> memref<49x128xi32, #tpu.memory_space<hbm>>
        tpu.wait_dma2 semaphore(%run_scoped3A : memref<!tpu.dma_semaphore, #tpu.memory_space<semaphore_mem>>) src(%dma_wait3A_39 : memref<49x128xi32, #tpu.memory_space<hbm>>) dst(%arg8 : memref<49x128xi32, #tpu.memory_space<vmem>>)
        tpu.yield
      }) : () -> ()
      %scan3A_20 = arith.constant 0 : i32
      %scan3A_21 = arith.constant 0 : i32
      %scan3A_22 = arith.constant 49 : i32
      %scan3A_23 = arith.addi %scan3A_21, %scan3A_22 : i32
      %scan3A_24 = arith.constant 1 : i32
      scf.for %scan3A_26 = %scan3A_21 to %scan3A_23 step %scan3A_24  : i32 {
        "tpu.region"() ({
          %run_scoped3A = tpu.sem_alloc : memref<!tpu.dma_semaphore, #tpu.memory_space<semaphore_mem>>
          %dma_start3A = arith.constant 0 : i32
          %dma_start3A_27 = tpu.memref_slice %arg8[%scan3A_26, %dma_start3A] : memref<49x128xi32, #tpu.memory_space<vmem>> -> memref<1x128xi32, #tpu.memory_space<vmem>>
          %dma_start3A_28 = tpu.memref_squeeze %dma_start3A_27 : memref<1x128xi32, #tpu.memory_space<vmem>> -> memref<128xi32, #tpu.memory_space<vmem>>
          %dma_start3A_29 = arith.constant 0 : i32
          %dma_start3A_30 = arith.constant 0 : i32
          %dma_start3A_31 = tpu.memref_slice %arg7[%dma_start3A_29, %dma_start3A_30] : memref<50176x16xf32, #tpu.memory_space<vmem_shared>> -> memref<50176x16xf32, #tpu.memory_space<vmem_shared>>
          tpu.enqueue_indirect_dma source(%arg9 : memref<128x16xf32, #tpu.memory_space<vmem>>) target(%dma_start3A_31 : memref<50176x16xf32, #tpu.memory_space<vmem_shared>>) offsets(%dma_start3A_28 : memref<128xi32, #tpu.memory_space<vmem>>) semaphore(%run_scoped3A : memref<!tpu.dma_semaphore, #tpu.memory_space<semaphore_mem>>) {add = true}
          %dma_wait3A = arith.constant 0 : i32
          %dma_wait3A_32 = tpu.memref_slice %arg8[%scan3A_26, %dma_wait3A] : memref<49x128xi32, #tpu.memory_space<vmem>> -> memref<1x128xi32, #tpu.memory_space<vmem>>
          %dma_wait3A_33 = tpu.memref_squeeze %dma_wait3A_32 : memref<1x128xi32, #tpu.memory_space<vmem>> -> memref<128xi32, #tpu.memory_space<vmem>>
          %dma_wait3A_34 = arith.constant 0 : i32
          %dma_wait3A_35 = arith.constant 0 : i32
          %dma_wait3A_36 = tpu.memref_slice %arg7[%dma_wait3A_34, %dma_wait3A_35] : memref<50176x16xf32, #tpu.memory_space<vmem_shared>> -> memref<50176x16xf32, #tpu.memory_space<vmem_shared>>
          tpu.wait_indirect_dma semaphore(%run_scoped3A : memref<!tpu.dma_semaphore, #tpu.memory_space<semaphore_mem>>) src(%arg9 : memref<128x16xf32, #tpu.memory_space<vmem>>) dst(%dma_wait3A_36 : memref<50176x16xf32, #tpu.memory_space<vmem_shared>>)
          tpu.yield
        }) : () -> ()
      }
      %scan3A_25 = arith.constant 49 : i32
    }
    %scan3A_5 = arith.constant 4 : i32
    %barrier3A_6 = arith.constant 0 : index
    tpu.barrier barrier_id(%barrier3A_6)
    %eq3A = arith.constant 0 : i32
    %eq3A_7 = arith.cmpi eq, %arg0, %eq3A : i32
    %convert_element_type3A = arith.extui %eq3A_7 : i1 to i32
    %cond3A = arith.constant 0 : i32
    %cond3A_8 = arith.cmpi ne, %convert_element_type3A, %cond3A : i32
    scf.if %cond3A_8 {
      "tpu.region"() ({
        %run_scoped3A = tpu.sem_alloc : memref<!tpu.dma_semaphore, #tpu.memory_space<semaphore_mem>>
        %dma_start3A = arith.constant 0 : i32
        %dma_start3A_14 = tpu.memref_slice %arg5[%multiple_of3A, %dma_start3A] : memref<50176x16xf32, #tpu.memory_space<hbm>> -> memref<3136x16xf32, #tpu.memory_space<hbm>>
        %dma_start3A_15 = arith.constant 0 : i32
        %dma_start3A_16 = tpu.memref_slice %arg7[%multiple_of3A, %dma_start3A_15] : memref<50176x16xf32, #tpu.memory_space<vmem_shared>> -> memref<3136x16xf32, #tpu.memory_space<vmem_shared>>
        tpu.enqueue_dma source(%dma_start3A_16 : memref<3136x16xf32, #tpu.memory_space<vmem_shared>>) target(%dma_start3A_14 : memref<3136x16xf32, #tpu.memory_space<hbm>>) target_semaphore(%run_scoped3A : memref<!tpu.dma_semaphore, #tpu.memory_space<semaphore_mem>>)
        %dma_wait3A = arith.constant 0 : i32
        %dma_wait3A_17 = tpu.memref_slice %arg5[%multiple_of3A, %dma_wait3A] : memref<50176x16xf32, #tpu.memory_space<hbm>> -> memref<3136x16xf32, #tpu.memory_space<hbm>>
        %dma_wait3A_18 = arith.constant 0 : i32
        %dma_wait3A_19 = tpu.memref_slice %arg7[%multiple_of3A, %dma_wait3A_18] : memref<50176x16xf32, #tpu.memory_space<vmem_shared>> -> memref<3136x16xf32, #tpu.memory_space<vmem_shared>>
        tpu.wait_dma2 semaphore(%run_scoped3A : memref<!tpu.dma_semaphore, #tpu.memory_space<semaphore_mem>>) src(%dma_wait3A_19 : memref<3136x16xf32, #tpu.memory_space<vmem_shared>>) dst(%dma_wait3A_17 : memref<3136x16xf32, #tpu.memory_space<hbm>>)
        tpu.yield
      }) : () -> ()
    } else {
    }
    %eq3A_9 = arith.constant 1 : i32
    %eq3A_10 = arith.cmpi eq, %arg0, %eq3A_9 : i32
    %convert_element_type3A_11 = arith.extui %eq3A_10 : i1 to i32
    %cond3A_12 = arith.constant 0 : i32
    %cond3A_13 = arith.cmpi ne, %convert_element_type3A_11, %cond3A_12 : i32
    scf.if %cond3A_13 {
      "tpu.region"() ({
        %run_scoped3A = tpu.sem_alloc : memref<!tpu.dma_semaphore, #tpu.memory_space<semaphore_mem>>
        %dma_start3A = arith.constant 0 : i32
        %dma_start3A_14 = tpu.memref_slice %arg6[%multiple_of3A, %dma_start3A] : memref<50176x16xf32, #tpu.memory_space<hbm>> -> memref<3136x16xf32, #tpu.memory_space<hbm>>
        %dma_start3A_15 = arith.constant 0 : i32
        %dma_start3A_16 = tpu.memref_slice %arg7[%multiple_of3A, %dma_start3A_15] : memref<50176x16xf32, #tpu.memory_space<vmem_shared>> -> memref<3136x16xf32, #tpu.memory_space<vmem_shared>>
        tpu.enqueue_dma source(%dma_start3A_16 : memref<3136x16xf32, #tpu.memory_space<vmem_shared>>) target(%dma_start3A_14 : memref<3136x16xf32, #tpu.memory_space<hbm>>) target_semaphore(%run_scoped3A : memref<!tpu.dma_semaphore, #tpu.memory_space<semaphore_mem>>)
        %dma_wait3A = arith.constant 0 : i32
        %dma_wait3A_17 = tpu.memref_slice %arg6[%multiple_of3A, %dma_wait3A] : memref<50176x16xf32, #tpu.memory_space<hbm>> -> memref<3136x16xf32, #tpu.memory_space<hbm>>
        %dma_wait3A_18 = arith.constant 0 : i32
        %dma_wait3A_19 = tpu.memref_slice %arg7[%multiple_of3A, %dma_wait3A_18] : memref<50176x16xf32, #tpu.memory_space<vmem_shared>> -> memref<3136x16xf32, #tpu.memory_space<vmem_shared>>
        tpu.wait_dma2 semaphore(%run_scoped3A : memref<!tpu.dma_semaphore, #tpu.memory_space<semaphore_mem>>) src(%dma_wait3A_19 : memref<3136x16xf32, #tpu.memory_space<vmem_shared>>) dst(%dma_wait3A_17 : memref<3136x16xf32, #tpu.memory_space<hbm>>)
        tpu.yield
      }) : () -> ()
    } else {
    }
    return
  }
}

#map = affine_map<(d0, d1) -> (0, 0)>
#map1 = affine_map<(d0, d1) -> (0, 0, 0)>
module attributes {stable_mosaic.version = 14 : i64} {
  func.func @_sc_segment(%arg0: i32, %arg1: i32, %arg2: memref<50176x32xf32, #tpu.memory_space<hbm>>, %arg3: memref<50176x32xf32, #tpu.memory_space<hbm>>, %arg4: memref<128x49x128xi32, #tpu.memory_space<hbm>>, %arg5: memref<128x49x128xi32, #tpu.memory_space<hbm>>, %arg6: memref<50176x32xf32, #tpu.memory_space<hbm>>, %arg7: memref<50176x32xf32, #tpu.memory_space<hbm>>, %arg8: memref<50176x32xf32, #tpu.memory_space<vmem_shared>>, %arg9: memref<49x128xi32, #tpu.memory_space<vmem>>, %arg10: memref<49x128xi32, #tpu.memory_space<vmem>>, %arg11: memref<128x32xf32, #tpu.memory_space<vmem>>, %arg12: memref<128x32xf32, #tpu.memory_space<vmem>>, %arg13: memref<128x32xf32, #tpu.memory_space<vmem>>, %arg14: memref<128x32xf32, #tpu.memory_space<vmem>>, %arg15: memref<!tpu.dma_semaphore, #tpu.memory_space<semaphore_mem>>, %arg16: memref<!tpu.dma_semaphore, #tpu.memory_space<semaphore_mem>>, %arg17: memref<!tpu.dma_semaphore, #tpu.memory_space<semaphore_mem>>, %arg18: memref<!tpu.dma_semaphore, #tpu.memory_space<semaphore_mem>>) attributes {dimension_semantics = [#tpu.dimension_semantics<core_parallel>, #tpu.dimension_semantics<subcore_parallel>], iteration_bounds = array<i64: 2, 16>, scalar_prefetch = 0 : i64, scratch_operands = 11 : i64, tpu.core_type = #tpu.core_type<sc_vector_subcore>, window_params = [{transform_indices = #map}, {transform_indices = #map}, {transform_indices = #map1}, {transform_indices = #map1}, {transform_indices = #map}, {transform_indices = #map}]} {
    %mul3A = arith.constant 3136 : i32
    %mul3A_0 = arith.muli %arg1, %mul3A : i32
    %multiple_of3A = tpu.assume_multiple %mul3A_0, 8 : i32
    %eq3A = arith.constant 0 : i32
    %eq3A_1 = arith.cmpi eq, %arg0, %eq3A : i32
    %convert_element_type3A = arith.extui %eq3A_1 : i1 to i32
    %cond3A = arith.constant 0 : i32
    %cond3A_2 = arith.cmpi ne, %convert_element_type3A, %cond3A : i32
    scf.if %cond3A_2 {
      "tpu.region"() ({
        %run_scoped3A = tpu.sem_alloc : memref<!tpu.dma_semaphore, #tpu.memory_space<semaphore_mem>>
        %dma_start3A = arith.constant 0 : i32
        %dma_start3A_14 = tpu.memref_slice %arg8[%multiple_of3A, %dma_start3A] : memref<50176x32xf32, #tpu.memory_space<vmem_shared>> -> memref<3136x32xf32, #tpu.memory_space<vmem_shared>>
        %dma_start3A_15 = arith.constant 0 : i32
        %dma_start3A_16 = tpu.memref_slice %arg2[%multiple_of3A, %dma_start3A_15] : memref<50176x32xf32, #tpu.memory_space<hbm>> -> memref<3136x32xf32, #tpu.memory_space<hbm>>
        tpu.enqueue_dma source(%dma_start3A_16 : memref<3136x32xf32, #tpu.memory_space<hbm>>) target(%dma_start3A_14 : memref<3136x32xf32, #tpu.memory_space<vmem_shared>>) target_semaphore(%run_scoped3A : memref<!tpu.dma_semaphore, #tpu.memory_space<semaphore_mem>>)
        %dma_wait3A = arith.constant 0 : i32
        %dma_wait3A_17 = tpu.memref_slice %arg8[%multiple_of3A, %dma_wait3A] : memref<50176x32xf32, #tpu.memory_space<vmem_shared>> -> memref<3136x32xf32, #tpu.memory_space<vmem_shared>>
        %dma_wait3A_18 = arith.constant 0 : i32
        %dma_wait3A_19 = tpu.memref_slice %arg2[%multiple_of3A, %dma_wait3A_18] : memref<50176x32xf32, #tpu.memory_space<hbm>> -> memref<3136x32xf32, #tpu.memory_space<hbm>>
        tpu.wait_dma2 semaphore(%run_scoped3A : memref<!tpu.dma_semaphore, #tpu.memory_space<semaphore_mem>>) src(%dma_wait3A_19 : memref<3136x32xf32, #tpu.memory_space<hbm>>) dst(%dma_wait3A_17 : memref<3136x32xf32, #tpu.memory_space<vmem_shared>>)
        tpu.yield
      }) : () -> ()
      %barrier3A = arith.constant 0 : index
      tpu.barrier barrier_id(%barrier3A)
      %scan3A = arith.constant 0 : i32
      %scan3A_8 = arith.constant 0 : i32
      %scan3A_9 = arith.constant 8 : i32
      %scan3A_10 = arith.addi %scan3A_8, %scan3A_9 : i32
      %scan3A_11 = arith.constant 1 : i32
      scf.for %scan3A_14 = %scan3A_8 to %scan3A_10 step %scan3A_11  : i32 {
        %mul3A_15 = arith.constant 8 : i32
        %mul3A_16 = arith.muli %arg1, %mul3A_15 : i32
        %add3A = arith.addi %mul3A_16, %scan3A_14 : i32
        "tpu.region"() ({
          %run_scoped3A_98 = tpu.sem_alloc : memref<!tpu.dma_semaphore, #tpu.memory_space<semaphore_mem>>
          %dma_start3A_99 = arith.constant 0 : i32
          %dma_start3A_100 = arith.constant 0 : i32
          %dma_start3A_101 = tpu.memref_slice %arg4[%add3A, %dma_start3A_99, %dma_start3A_100] : memref<128x49x128xi32, #tpu.memory_space<hbm>> -> memref<1x49x128xi32, #tpu.memory_space<hbm>>
          %dma_start3A_102 = tpu.memref_squeeze %dma_start3A_101 : memref<1x49x128xi32, #tpu.memory_space<hbm>> -> memref<49x128xi32, #tpu.memory_space<hbm>>
          %dma_start3A_103 = arith.constant 0 : i32
          %dma_start3A_104 = arith.constant 0 : i32
          %dma_start3A_105 = tpu.memref_slice %arg4[%add3A, %dma_start3A_103, %dma_start3A_104] : memref<128x49x128xi32, #tpu.memory_space<hbm>> -> memref<1x49x128xi32, #tpu.memory_space<hbm>>
          %dma_start3A_106 = tpu.memref_squeeze %dma_start3A_105 : memref<1x49x128xi32, #tpu.memory_space<hbm>> -> memref<49x128xi32, #tpu.memory_space<hbm>>
          tpu.enqueue_dma source(%dma_start3A_106 : memref<49x128xi32, #tpu.memory_space<hbm>>) target(%arg9 : memref<49x128xi32, #tpu.memory_space<vmem>>) target_semaphore(%run_scoped3A_98 : memref<!tpu.dma_semaphore, #tpu.memory_space<semaphore_mem>>)
          %dma_wait3A_107 = arith.constant 0 : i32
          %dma_wait3A_108 = arith.constant 0 : i32
          %dma_wait3A_109 = tpu.memref_slice %arg4[%add3A, %dma_wait3A_107, %dma_wait3A_108] : memref<128x49x128xi32, #tpu.memory_space<hbm>> -> memref<1x49x128xi32, #tpu.memory_space<hbm>>
          %dma_wait3A_110 = tpu.memref_squeeze %dma_wait3A_109 : memref<1x49x128xi32, #tpu.memory_space<hbm>> -> memref<49x128xi32, #tpu.memory_space<hbm>>
          %dma_wait3A_111 = arith.constant 0 : i32
          %dma_wait3A_112 = arith.constant 0 : i32
          %dma_wait3A_113 = tpu.memref_slice %arg4[%add3A, %dma_wait3A_111, %dma_wait3A_112] : memref<128x49x128xi32, #tpu.memory_space<hbm>> -> memref<1x49x128xi32, #tpu.memory_space<hbm>>
          %dma_wait3A_114 = tpu.memref_squeeze %dma_wait3A_113 : memref<1x49x128xi32, #tpu.memory_space<hbm>> -> memref<49x128xi32, #tpu.memory_space<hbm>>
          tpu.wait_dma2 semaphore(%run_scoped3A_98 : memref<!tpu.dma_semaphore, #tpu.memory_space<semaphore_mem>>) src(%dma_wait3A_114 : memref<49x128xi32, #tpu.memory_space<hbm>>) dst(%arg9 : memref<49x128xi32, #tpu.memory_space<vmem>>)
          tpu.yield
        }) : () -> ()
        %mul3A_17 = arith.constant 8 : i32
        %mul3A_18 = arith.muli %arg1, %mul3A_17 : i32
        %add3A_19 = arith.addi %mul3A_18, %scan3A_14 : i32
        "tpu.region"() ({
          %run_scoped3A_98 = tpu.sem_alloc : memref<!tpu.dma_semaphore, #tpu.memory_space<semaphore_mem>>
          %dma_start3A_99 = arith.constant 0 : i32
          %dma_start3A_100 = arith.constant 0 : i32
          %dma_start3A_101 = tpu.memref_slice %arg5[%add3A_19, %dma_start3A_99, %dma_start3A_100] : memref<128x49x128xi32, #tpu.memory_space<hbm>> -> memref<1x49x128xi32, #tpu.memory_space<hbm>>
          %dma_start3A_102 = tpu.memref_squeeze %dma_start3A_101 : memref<1x49x128xi32, #tpu.memory_space<hbm>> -> memref<49x128xi32, #tpu.memory_space<hbm>>
          %dma_start3A_103 = arith.constant 0 : i32
          %dma_start3A_104 = arith.constant 0 : i32
          %dma_start3A_105 = tpu.memref_slice %arg5[%add3A_19, %dma_start3A_103, %dma_start3A_104] : memref<128x49x128xi32, #tpu.memory_space<hbm>> -> memref<1x49x128xi32, #tpu.memory_space<hbm>>
          %dma_start3A_106 = tpu.memref_squeeze %dma_start3A_105 : memref<1x49x128xi32, #tpu.memory_space<hbm>> -> memref<49x128xi32, #tpu.memory_space<hbm>>
          tpu.enqueue_dma source(%dma_start3A_106 : memref<49x128xi32, #tpu.memory_space<hbm>>) target(%arg10 : memref<49x128xi32, #tpu.memory_space<vmem>>) target_semaphore(%run_scoped3A_98 : memref<!tpu.dma_semaphore, #tpu.memory_space<semaphore_mem>>)
          %dma_wait3A_107 = arith.constant 0 : i32
          %dma_wait3A_108 = arith.constant 0 : i32
          %dma_wait3A_109 = tpu.memref_slice %arg5[%add3A_19, %dma_wait3A_107, %dma_wait3A_108] : memref<128x49x128xi32, #tpu.memory_space<hbm>> -> memref<1x49x128xi32, #tpu.memory_space<hbm>>
          %dma_wait3A_110 = tpu.memref_squeeze %dma_wait3A_109 : memref<1x49x128xi32, #tpu.memory_space<hbm>> -> memref<49x128xi32, #tpu.memory_space<hbm>>
          %dma_wait3A_111 = arith.constant 0 : i32
          %dma_wait3A_112 = arith.constant 0 : i32
          %dma_wait3A_113 = tpu.memref_slice %arg5[%add3A_19, %dma_wait3A_111, %dma_wait3A_112] : memref<128x49x128xi32, #tpu.memory_space<hbm>> -> memref<1x49x128xi32, #tpu.memory_space<hbm>>
          %dma_wait3A_114 = tpu.memref_squeeze %dma_wait3A_113 : memref<1x49x128xi32, #tpu.memory_space<hbm>> -> memref<49x128xi32, #tpu.memory_space<hbm>>
          tpu.wait_dma2 semaphore(%run_scoped3A_98 : memref<!tpu.dma_semaphore, #tpu.memory_space<semaphore_mem>>) src(%dma_wait3A_114 : memref<49x128xi32, #tpu.memory_space<hbm>>) dst(%arg10 : memref<49x128xi32, #tpu.memory_space<vmem>>)
          tpu.yield
        }) : () -> ()
        %dma_start3A = arith.constant 0 : i32
        %dma_start3A_20 = arith.constant 0 : i32
        %dma_start3A_21 = tpu.memref_slice %arg9[%dma_start3A, %dma_start3A_20] : memref<49x128xi32, #tpu.memory_space<vmem>> -> memref<1x128xi32, #tpu.memory_space<vmem>>
        %dma_start3A_22 = tpu.memref_squeeze %dma_start3A_21 : memref<1x128xi32, #tpu.memory_space<vmem>> -> memref<128xi32, #tpu.memory_space<vmem>>
        %dma_start3A_23 = arith.constant 0 : i32
        %dma_start3A_24 = arith.constant 0 : i32
        %dma_start3A_25 = tpu.memref_slice %arg2[%dma_start3A_23, %dma_start3A_24] : memref<50176x32xf32, #tpu.memory_space<hbm>> -> memref<50176x32xf32, #tpu.memory_space<hbm>>
        tpu.enqueue_indirect_dma source(%dma_start3A_25 : memref<50176x32xf32, #tpu.memory_space<hbm>>) target(%arg11 : memref<128x32xf32, #tpu.memory_space<vmem>>) offsets(%dma_start3A_22 : memref<128xi32, #tpu.memory_space<vmem>>) semaphore(%arg15 : memref<!tpu.dma_semaphore, #tpu.memory_space<semaphore_mem>>)
        %dma_start3A_26 = arith.constant 1 : i32
        %dma_start3A_27 = arith.constant 0 : i32
        %dma_start3A_28 = tpu.memref_slice %arg9[%dma_start3A_26, %dma_start3A_27] : memref<49x128xi32, #tpu.memory_space<vmem>> -> memref<1x128xi32, #tpu.memory_space<vmem>>
        %dma_start3A_29 = tpu.memref_squeeze %dma_start3A_28 : memref<1x128xi32, #tpu.memory_space<vmem>> -> memref<128xi32, #tpu.memory_space<vmem>>
        %dma_start3A_30 = arith.constant 0 : i32
        %dma_start3A_31 = arith.constant 0 : i32
        %dma_start3A_32 = tpu.memref_slice %arg2[%dma_start3A_30, %dma_start3A_31] : memref<50176x32xf32, #tpu.memory_space<hbm>> -> memref<50176x32xf32, #tpu.memory_space<hbm>>
        tpu.enqueue_indirect_dma source(%dma_start3A_32 : memref<50176x32xf32, #tpu.memory_space<hbm>>) target(%arg12 : memref<128x32xf32, #tpu.memory_space<vmem>>) offsets(%dma_start3A_29 : memref<128xi32, #tpu.memory_space<vmem>>) semaphore(%arg16 : memref<!tpu.dma_semaphore, #tpu.memory_space<semaphore_mem>>)
        %dma_start3A_33 = arith.constant 2 : i32
        %dma_start3A_34 = arith.constant 0 : i32
        %dma_start3A_35 = tpu.memref_slice %arg9[%dma_start3A_33, %dma_start3A_34] : memref<49x128xi32, #tpu.memory_space<vmem>> -> memref<1x128xi32, #tpu.memory_space<vmem>>
        %dma_start3A_36 = tpu.memref_squeeze %dma_start3A_35 : memref<1x128xi32, #tpu.memory_space<vmem>> -> memref<128xi32, #tpu.memory_space<vmem>>
        %dma_start3A_37 = arith.constant 0 : i32
        %dma_start3A_38 = arith.constant 0 : i32
        %dma_start3A_39 = tpu.memref_slice %arg2[%dma_start3A_37, %dma_start3A_38] : memref<50176x32xf32, #tpu.memory_space<hbm>> -> memref<50176x32xf32, #tpu.memory_space<hbm>>
        tpu.enqueue_indirect_dma source(%dma_start3A_39 : memref<50176x32xf32, #tpu.memory_space<hbm>>) target(%arg13 : memref<128x32xf32, #tpu.memory_space<vmem>>) offsets(%dma_start3A_36 : memref<128xi32, #tpu.memory_space<vmem>>) semaphore(%arg17 : memref<!tpu.dma_semaphore, #tpu.memory_space<semaphore_mem>>)
        %scan3A_40 = arith.constant 0 : i32
        %scan3A_41 = arith.constant 0 : i32
        %scan3A_42 = arith.constant 11 : i32
        %scan3A_43 = arith.addi %scan3A_41, %scan3A_42 : i32
        %scan3A_44 = arith.constant 1 : i32
        scf.for %scan3A_98 = %scan3A_41 to %scan3A_43 step %scan3A_44  : i32 {
          %mul3A_99 = arith.constant 4 : i32
          %mul3A_100 = arith.muli %scan3A_98, %mul3A_99 : i32
          %add3A_101 = arith.constant 3 : i32
          %add3A_102 = arith.addi %mul3A_100, %add3A_101 : i32
          %dma_start3A_103 = arith.constant 0 : i32
          %dma_start3A_104 = tpu.memref_slice %arg9[%add3A_102, %dma_start3A_103] : memref<49x128xi32, #tpu.memory_space<vmem>> -> memref<1x128xi32, #tpu.memory_space<vmem>>
          %dma_start3A_105 = tpu.memref_squeeze %dma_start3A_104 : memref<1x128xi32, #tpu.memory_space<vmem>> -> memref<128xi32, #tpu.memory_space<vmem>>
          %dma_start3A_106 = arith.constant 0 : i32
          %dma_start3A_107 = arith.constant 0 : i32
          %dma_start3A_108 = tpu.memref_slice %arg2[%dma_start3A_106, %dma_start3A_107] : memref<50176x32xf32, #tpu.memory_space<hbm>> -> memref<50176x32xf32, #tpu.memory_space<hbm>>
          tpu.enqueue_indirect_dma source(%dma_start3A_108 : memref<50176x32xf32, #tpu.memory_space<hbm>>) target(%arg14 : memref<128x32xf32, #tpu.memory_space<vmem>>) offsets(%dma_start3A_105 : memref<128xi32, #tpu.memory_space<vmem>>) semaphore(%arg18 : memref<!tpu.dma_semaphore, #tpu.memory_space<semaphore_mem>>)
          %dma_wait3A_109 = arith.constant 0 : i32
          %dma_wait3A_110 = tpu.memref_slice %arg9[%mul3A_100, %dma_wait3A_109] : memref<49x128xi32, #tpu.memory_space<vmem>> -> memref<1x128xi32, #tpu.memory_space<vmem>>
          %dma_wait3A_111 = tpu.memref_squeeze %dma_wait3A_110 : memref<1x128xi32, #tpu.memory_space<vmem>> -> memref<128xi32, #tpu.memory_space<vmem>>
          %dma_wait3A_112 = arith.constant 0 : i32
          %dma_wait3A_113 = arith.constant 0 : i32
          %dma_wait3A_114 = tpu.memref_slice %arg2[%dma_wait3A_112, %dma_wait3A_113] : memref<50176x32xf32, #tpu.memory_space<hbm>> -> memref<50176x32xf32, #tpu.memory_space<hbm>>
          tpu.wait_indirect_dma semaphore(%arg15 : memref<!tpu.dma_semaphore, #tpu.memory_space<semaphore_mem>>) src(%dma_wait3A_114 : memref<50176x32xf32, #tpu.memory_space<hbm>>) dst(%arg11 : memref<128x32xf32, #tpu.memory_space<vmem>>)
          "tpu.region"() ({
            %run_scoped3A_163 = tpu.sem_alloc : memref<!tpu.dma_semaphore, #tpu.memory_space<semaphore_mem>>
            %dma_start3A_164 = arith.constant 0 : i32
            %dma_start3A_165 = tpu.memref_slice %arg10[%mul3A_100, %dma_start3A_164] : memref<49x128xi32, #tpu.memory_space<vmem>> -> memref<1x128xi32, #tpu.memory_space<vmem>>
            %dma_start3A_166 = tpu.memref_squeeze %dma_start3A_165 : memref<1x128xi32, #tpu.memory_space<vmem>> -> memref<128xi32, #tpu.memory_space<vmem>>
            %dma_start3A_167 = arith.constant 0 : i32
            %dma_start3A_168 = arith.constant 0 : i32
            %dma_start3A_169 = tpu.memref_slice %arg8[%dma_start3A_167, %dma_start3A_168] : memref<50176x32xf32, #tpu.memory_space<vmem_shared>> -> memref<50176x32xf32, #tpu.memory_space<vmem_shared>>
            tpu.enqueue_indirect_dma source(%arg11 : memref<128x32xf32, #tpu.memory_space<vmem>>) target(%dma_start3A_169 : memref<50176x32xf32, #tpu.memory_space<vmem_shared>>) offsets(%dma_start3A_166 : memref<128xi32, #tpu.memory_space<vmem>>) semaphore(%run_scoped3A_163 : memref<!tpu.dma_semaphore, #tpu.memory_space<semaphore_mem>>) {add = true}
            %dma_wait3A_170 = arith.constant 0 : i32
            %dma_wait3A_171 = tpu.memref_slice %arg10[%mul3A_100, %dma_wait3A_170] : memref<49x128xi32, #tpu.memory_space<vmem>> -> memref<1x128xi32, #tpu.memory_space<vmem>>
            %dma_wait3A_172 = tpu.memref_squeeze %dma_wait3A_171 : memref<1x128xi32, #tpu.memory_space<vmem>> -> memref<128xi32, #tpu.memory_space<vmem>>
            %dma_wait3A_173 = arith.constant 0 : i32
            %dma_wait3A_174 = arith.constant 0 : i32
            %dma_wait3A_175 = tpu.memref_slice %arg8[%dma_wait3A_173, %dma_wait3A_174] : memref<50176x32xf32, #tpu.memory_space<vmem_shared>> -> memref<50176x32xf32, #tpu.memory_space<vmem_shared>>
            tpu.wait_indirect_dma semaphore(%run_scoped3A_163 : memref<!tpu.dma_semaphore, #tpu.memory_space<semaphore_mem>>) src(%arg11 : memref<128x32xf32, #tpu.memory_space<vmem>>) dst(%dma_wait3A_175 : memref<50176x32xf32, #tpu.memory_space<vmem_shared>>)
            tpu.yield
          }) : () -> ()
          %add3A_115 = arith.constant 4 : i32
          %add3A_116 = arith.addi %mul3A_100, %add3A_115 : i32
          %dma_start3A_117 = arith.constant 0 : i32
          %dma_start3A_118 = tpu.memref_slice %arg9[%add3A_116, %dma_start3A_117] : memref<49x128xi32, #tpu.memory_space<vmem>> -> memref<1x128xi32, #tpu.memory_space<vmem>>
          %dma_start3A_119 = tpu.memref_squeeze %dma_start3A_118 : memref<1x128xi32, #tpu.memory_space<vmem>> -> memref<128xi32, #tpu.memory_space<vmem>>
          %dma_start3A_120 = arith.constant 0 : i32
          %dma_start3A_121 = arith.constant 0 : i32
          %dma_start3A_122 = tpu.memref_slice %arg2[%dma_start3A_120, %dma_start3A_121] : memref<50176x32xf32, #tpu.memory_space<hbm>> -> memref<50176x32xf32, #tpu.memory_space<hbm>>
          tpu.enqueue_indirect_dma source(%dma_start3A_122 : memref<50176x32xf32, #tpu.memory_space<hbm>>) target(%arg11 : memref<128x32xf32, #tpu.memory_space<vmem>>) offsets(%dma_start3A_119 : memref<128xi32, #tpu.memory_space<vmem>>) semaphore(%arg15 : memref<!tpu.dma_semaphore, #tpu.memory_space<semaphore_mem>>)
          %add3A_123 = arith.constant 1 : i32
          %add3A_124 = arith.addi %mul3A_100, %add3A_123 : i32
          %dma_wait3A_125 = arith.constant 0 : i32
          %dma_wait3A_126 = tpu.memref_slice %arg9[%add3A_124, %dma_wait3A_125] : memref<49x128xi32, #tpu.memory_space<vmem>> -> memref<1x128xi32, #tpu.memory_space<vmem>>
          %dma_wait3A_127 = tpu.memref_squeeze %dma_wait3A_126 : memref<1x128xi32, #tpu.memory_space<vmem>> -> memref<128xi32, #tpu.memory_space<vmem>>
          %dma_wait3A_128 = arith.constant 0 : i32
          %dma_wait3A_129 = arith.constant 0 : i32
          %dma_wait3A_130 = tpu.memref_slice %arg2[%dma_wait3A_128, %dma_wait3A_129] : memref<50176x32xf32, #tpu.memory_space<hbm>> -> memref<50176x32xf32, #tpu.memory_space<hbm>>
          tpu.wait_indirect_dma semaphore(%arg16 : memref<!tpu.dma_semaphore, #tpu.memory_space<semaphore_mem>>) src(%dma_wait3A_130 : memref<50176x32xf32, #tpu.memory_space<hbm>>) dst(%arg12 : memref<128x32xf32, #tpu.memory_space<vmem>>)
          "tpu.region"() ({
            %run_scoped3A_163 = tpu.sem_alloc : memref<!tpu.dma_semaphore, #tpu.memory_space<semaphore_mem>>
            %dma_start3A_164 = arith.constant 0 : i32
            %dma_start3A_165 = tpu.memref_slice %arg10[%add3A_124, %dma_start3A_164] : memref<49x128xi32, #tpu.memory_space<vmem>> -> memref<1x128xi32, #tpu.memory_space<vmem>>
            %dma_start3A_166 = tpu.memref_squeeze %dma_start3A_165 : memref<1x128xi32, #tpu.memory_space<vmem>> -> memref<128xi32, #tpu.memory_space<vmem>>
            %dma_start3A_167 = arith.constant 0 : i32
            %dma_start3A_168 = arith.constant 0 : i32
            %dma_start3A_169 = tpu.memref_slice %arg8[%dma_start3A_167, %dma_start3A_168] : memref<50176x32xf32, #tpu.memory_space<vmem_shared>> -> memref<50176x32xf32, #tpu.memory_space<vmem_shared>>
            tpu.enqueue_indirect_dma source(%arg12 : memref<128x32xf32, #tpu.memory_space<vmem>>) target(%dma_start3A_169 : memref<50176x32xf32, #tpu.memory_space<vmem_shared>>) offsets(%dma_start3A_166 : memref<128xi32, #tpu.memory_space<vmem>>) semaphore(%run_scoped3A_163 : memref<!tpu.dma_semaphore, #tpu.memory_space<semaphore_mem>>) {add = true}
            %dma_wait3A_170 = arith.constant 0 : i32
            %dma_wait3A_171 = tpu.memref_slice %arg10[%add3A_124, %dma_wait3A_170] : memref<49x128xi32, #tpu.memory_space<vmem>> -> memref<1x128xi32, #tpu.memory_space<vmem>>
            %dma_wait3A_172 = tpu.memref_squeeze %dma_wait3A_171 : memref<1x128xi32, #tpu.memory_space<vmem>> -> memref<128xi32, #tpu.memory_space<vmem>>
            %dma_wait3A_173 = arith.constant 0 : i32
            %dma_wait3A_174 = arith.constant 0 : i32
            %dma_wait3A_175 = tpu.memref_slice %arg8[%dma_wait3A_173, %dma_wait3A_174] : memref<50176x32xf32, #tpu.memory_space<vmem_shared>> -> memref<50176x32xf32, #tpu.memory_space<vmem_shared>>
            tpu.wait_indirect_dma semaphore(%run_scoped3A_163 : memref<!tpu.dma_semaphore, #tpu.memory_space<semaphore_mem>>) src(%arg12 : memref<128x32xf32, #tpu.memory_space<vmem>>) dst(%dma_wait3A_175 : memref<50176x32xf32, #tpu.memory_space<vmem_shared>>)
            tpu.yield
          }) : () -> ()
          %add3A_131 = arith.constant 5 : i32
          %add3A_132 = arith.addi %mul3A_100, %add3A_131 : i32
          %dma_start3A_133 = arith.constant 0 : i32
          %dma_start3A_134 = tpu.memref_slice %arg9[%add3A_132, %dma_start3A_133] : memref<49x128xi32, #tpu.memory_space<vmem>> -> memref<1x128xi32, #tpu.memory_space<vmem>>
          %dma_start3A_135 = tpu.memref_squeeze %dma_start3A_134 : memref<1x128xi32, #tpu.memory_space<vmem>> -> memref<128xi32, #tpu.memory_space<vmem>>
          %dma_start3A_136 = arith.constant 0 : i32
          %dma_start3A_137 = arith.constant 0 : i32
          %dma_start3A_138 = tpu.memref_slice %arg2[%dma_start3A_136, %dma_start3A_137] : memref<50176x32xf32, #tpu.memory_space<hbm>> -> memref<50176x32xf32, #tpu.memory_space<hbm>>
          tpu.enqueue_indirect_dma source(%dma_start3A_138 : memref<50176x32xf32, #tpu.memory_space<hbm>>) target(%arg12 : memref<128x32xf32, #tpu.memory_space<vmem>>) offsets(%dma_start3A_135 : memref<128xi32, #tpu.memory_space<vmem>>) semaphore(%arg16 : memref<!tpu.dma_semaphore, #tpu.memory_space<semaphore_mem>>)
          %add3A_139 = arith.constant 2 : i32
          %add3A_140 = arith.addi %mul3A_100, %add3A_139 : i32
          %dma_wait3A_141 = arith.constant 0 : i32
          %dma_wait3A_142 = tpu.memref_slice %arg9[%add3A_140, %dma_wait3A_141] : memref<49x128xi32, #tpu.memory_space<vmem>> -> memref<1x128xi32, #tpu.memory_space<vmem>>
          %dma_wait3A_143 = tpu.memref_squeeze %dma_wait3A_142 : memref<1x128xi32, #tpu.memory_space<vmem>> -> memref<128xi32, #tpu.memory_space<vmem>>
          %dma_wait3A_144 = arith.constant 0 : i32
          %dma_wait3A_145 = arith.constant 0 : i32
          %dma_wait3A_146 = tpu.memref_slice %arg2[%dma_wait3A_144, %dma_wait3A_145] : memref<50176x32xf32, #tpu.memory_space<hbm>> -> memref<50176x32xf32, #tpu.memory_space<hbm>>
          tpu.wait_indirect_dma semaphore(%arg17 : memref<!tpu.dma_semaphore, #tpu.memory_space<semaphore_mem>>) src(%dma_wait3A_146 : memref<50176x32xf32, #tpu.memory_space<hbm>>) dst(%arg13 : memref<128x32xf32, #tpu.memory_space<vmem>>)
          "tpu.region"() ({
            %run_scoped3A_163 = tpu.sem_alloc : memref<!tpu.dma_semaphore, #tpu.memory_space<semaphore_mem>>
            %dma_start3A_164 = arith.constant 0 : i32
            %dma_start3A_165 = tpu.memref_slice %arg10[%add3A_140, %dma_start3A_164] : memref<49x128xi32, #tpu.memory_space<vmem>> -> memref<1x128xi32, #tpu.memory_space<vmem>>
            %dma_start3A_166 = tpu.memref_squeeze %dma_start3A_165 : memref<1x128xi32, #tpu.memory_space<vmem>> -> memref<128xi32, #tpu.memory_space<vmem>>
            %dma_start3A_167 = arith.constant 0 : i32
            %dma_start3A_168 = arith.constant 0 : i32
            %dma_start3A_169 = tpu.memref_slice %arg8[%dma_start3A_167, %dma_start3A_168] : memref<50176x32xf32, #tpu.memory_space<vmem_shared>> -> memref<50176x32xf32, #tpu.memory_space<vmem_shared>>
            tpu.enqueue_indirect_dma source(%arg13 : memref<128x32xf32, #tpu.memory_space<vmem>>) target(%dma_start3A_169 : memref<50176x32xf32, #tpu.memory_space<vmem_shared>>) offsets(%dma_start3A_166 : memref<128xi32, #tpu.memory_space<vmem>>) semaphore(%run_scoped3A_163 : memref<!tpu.dma_semaphore, #tpu.memory_space<semaphore_mem>>) {add = true}
            %dma_wait3A_170 = arith.constant 0 : i32
            %dma_wait3A_171 = tpu.memref_slice %arg10[%add3A_140, %dma_wait3A_170] : memref<49x128xi32, #tpu.memory_space<vmem>> -> memref<1x128xi32, #tpu.memory_space<vmem>>
            %dma_wait3A_172 = tpu.memref_squeeze %dma_wait3A_171 : memref<1x128xi32, #tpu.memory_space<vmem>> -> memref<128xi32, #tpu.memory_space<vmem>>
            %dma_wait3A_173 = arith.constant 0 : i32
            %dma_wait3A_174 = arith.constant 0 : i32
            %dma_wait3A_175 = tpu.memref_slice %arg8[%dma_wait3A_173, %dma_wait3A_174] : memref<50176x32xf32, #tpu.memory_space<vmem_shared>> -> memref<50176x32xf32, #tpu.memory_space<vmem_shared>>
            tpu.wait_indirect_dma semaphore(%run_scoped3A_163 : memref<!tpu.dma_semaphore, #tpu.memory_space<semaphore_mem>>) src(%arg13 : memref<128x32xf32, #tpu.memory_space<vmem>>) dst(%dma_wait3A_175 : memref<50176x32xf32, #tpu.memory_space<vmem_shared>>)
            tpu.yield
          }) : () -> ()
          %add3A_147 = arith.constant 6 : i32
          %add3A_148 = arith.addi %mul3A_100, %add3A_147 : i32
          %dma_start3A_149 = arith.constant 0 : i32
          %dma_start3A_150 = tpu.memref_slice %arg9[%add3A_148, %dma_start3A_149] : memref<49x128xi32, #tpu.memory_space<vmem>> -> memref<1x128xi32, #tpu.memory_space<vmem>>
          %dma_start3A_151 = tpu.memref_squeeze %dma_start3A_150 : memref<1x128xi32, #tpu.memory_space<vmem>> -> memref<128xi32, #tpu.memory_space<vmem>>
          %dma_start3A_152 = arith.constant 0 : i32
          %dma_start3A_153 = arith.constant 0 : i32
          %dma_start3A_154 = tpu.memref_slice %arg2[%dma_start3A_152, %dma_start3A_153] : memref<50176x32xf32, #tpu.memory_space<hbm>> -> memref<50176x32xf32, #tpu.memory_space<hbm>>
          tpu.enqueue_indirect_dma source(%dma_start3A_154 : memref<50176x32xf32, #tpu.memory_space<hbm>>) target(%arg13 : memref<128x32xf32, #tpu.memory_space<vmem>>) offsets(%dma_start3A_151 : memref<128xi32, #tpu.memory_space<vmem>>) semaphore(%arg17 : memref<!tpu.dma_semaphore, #tpu.memory_space<semaphore_mem>>)
          %add3A_155 = arith.constant 3 : i32
          %add3A_156 = arith.addi %mul3A_100, %add3A_155 : i32
          %dma_wait3A_157 = arith.constant 0 : i32
          %dma_wait3A_158 = tpu.memref_slice %arg9[%add3A_156, %dma_wait3A_157] : memref<49x128xi32, #tpu.memory_space<vmem>> -> memref<1x128xi32, #tpu.memory_space<vmem>>
          %dma_wait3A_159 = tpu.memref_squeeze %dma_wait3A_158 : memref<1x128xi32, #tpu.memory_space<vmem>> -> memref<128xi32, #tpu.memory_space<vmem>>
          %dma_wait3A_160 = arith.constant 0 : i32
          %dma_wait3A_161 = arith.constant 0 : i32
          %dma_wait3A_162 = tpu.memref_slice %arg2[%dma_wait3A_160, %dma_wait3A_161] : memref<50176x32xf32, #tpu.memory_space<hbm>> -> memref<50176x32xf32, #tpu.memory_space<hbm>>
          tpu.wait_indirect_dma semaphore(%arg18 : memref<!tpu.dma_semaphore, #tpu.memory_space<semaphore_mem>>) src(%dma_wait3A_162 : memref<50176x32xf32, #tpu.memory_space<hbm>>) dst(%arg14 : memref<128x32xf32, #tpu.memory_space<vmem>>)
          "tpu.region"() ({
            %run_scoped3A_163 = tpu.sem_alloc : memref<!tpu.dma_semaphore, #tpu.memory_space<semaphore_mem>>
            %dma_start3A_164 = arith.constant 0 : i32
            %dma_start3A_165 = tpu.memref_slice %arg10[%add3A_156, %dma_start3A_164] : memref<49x128xi32, #tpu.memory_space<vmem>> -> memref<1x128xi32, #tpu.memory_space<vmem>>
            %dma_start3A_166 = tpu.memref_squeeze %dma_start3A_165 : memref<1x128xi32, #tpu.memory_space<vmem>> -> memref<128xi32, #tpu.memory_space<vmem>>
            %dma_start3A_167 = arith.constant 0 : i32
            %dma_start3A_168 = arith.constant 0 : i32
            %dma_start3A_169 = tpu.memref_slice %arg8[%dma_start3A_167, %dma_start3A_168] : memref<50176x32xf32, #tpu.memory_space<vmem_shared>> -> memref<50176x32xf32, #tpu.memory_space<vmem_shared>>
            tpu.enqueue_indirect_dma source(%arg14 : memref<128x32xf32, #tpu.memory_space<vmem>>) target(%dma_start3A_169 : memref<50176x32xf32, #tpu.memory_space<vmem_shared>>) offsets(%dma_start3A_166 : memref<128xi32, #tpu.memory_space<vmem>>) semaphore(%run_scoped3A_163 : memref<!tpu.dma_semaphore, #tpu.memory_space<semaphore_mem>>) {add = true}
            %dma_wait3A_170 = arith.constant 0 : i32
            %dma_wait3A_171 = tpu.memref_slice %arg10[%add3A_156, %dma_wait3A_170] : memref<49x128xi32, #tpu.memory_space<vmem>> -> memref<1x128xi32, #tpu.memory_space<vmem>>
            %dma_wait3A_172 = tpu.memref_squeeze %dma_wait3A_171 : memref<1x128xi32, #tpu.memory_space<vmem>> -> memref<128xi32, #tpu.memory_space<vmem>>
            %dma_wait3A_173 = arith.constant 0 : i32
            %dma_wait3A_174 = arith.constant 0 : i32
            %dma_wait3A_175 = tpu.memref_slice %arg8[%dma_wait3A_173, %dma_wait3A_174] : memref<50176x32xf32, #tpu.memory_space<vmem_shared>> -> memref<50176x32xf32, #tpu.memory_space<vmem_shared>>
            tpu.wait_indirect_dma semaphore(%run_scoped3A_163 : memref<!tpu.dma_semaphore, #tpu.memory_space<semaphore_mem>>) src(%arg14 : memref<128x32xf32, #tpu.memory_space<vmem>>) dst(%dma_wait3A_175 : memref<50176x32xf32, #tpu.memory_space<vmem_shared>>)
            tpu.yield
          }) : () -> ()
        }
        %scan3A_45 = arith.constant 11 : i32
        %dma_start3A_46 = arith.constant 47 : i32
        %dma_start3A_47 = arith.constant 0 : i32
        %dma_start3A_48 = tpu.memref_slice %arg9[%dma_start3A_46, %dma_start3A_47] : memref<49x128xi32, #tpu.memory_space<vmem>> -> memref<1x128xi32, #tpu.memory_space<vmem>>
        %dma_start3A_49 = tpu.memref_squeeze %dma_start3A_48 : memref<1x128xi32, #tpu.memory_space<vmem>> -> memref<128xi32, #tpu.memory_space<vmem>>
        %dma_start3A_50 = arith.constant 0 : i32
        %dma_start3A_51 = arith.constant 0 : i32
        %dma_start3A_52 = tpu.memref_slice %arg2[%dma_start3A_50, %dma_start3A_51] : memref<50176x32xf32, #tpu.memory_space<hbm>> -> memref<50176x32xf32, #tpu.memory_space<hbm>>
        tpu.enqueue_indirect_dma source(%dma_start3A_52 : memref<50176x32xf32, #tpu.memory_space<hbm>>) target(%arg14 : memref<128x32xf32, #tpu.memory_space<vmem>>) offsets(%dma_start3A_49 : memref<128xi32, #tpu.memory_space<vmem>>) semaphore(%arg18 : memref<!tpu.dma_semaphore, #tpu.memory_space<semaphore_mem>>)
        %dma_wait3A = arith.constant 44 : i32
        %dma_wait3A_53 = arith.constant 0 : i32
        %dma_wait3A_54 = tpu.memref_slice %arg9[%dma_wait3A, %dma_wait3A_53] : memref<49x128xi32, #tpu.memory_space<vmem>> -> memref<1x128xi32, #tpu.memory_space<vmem>>
        %dma_wait3A_55 = tpu.memref_squeeze %dma_wait3A_54 : memref<1x128xi32, #tpu.memory_space<vmem>> -> memref<128xi32, #tpu.memory_space<vmem>>
        %dma_wait3A_56 = arith.constant 0 : i32
        %dma_wait3A_57 = arith.constant 0 : i32
        %dma_wait3A_58 = tpu.memref_slice %arg2[%dma_wait3A_56, %dma_wait3A_57] : memref<50176x32xf32, #tpu.memory_space<hbm>> -> memref<50176x32xf32, #tpu.memory_space<hbm>>
        tpu.wait_indirect_dma semaphore(%arg15 : memref<!tpu.dma_semaphore, #tpu.memory_space<semaphore_mem>>) src(%dma_wait3A_58 : memref<50176x32xf32, #tpu.memory_space<hbm>>) dst(%arg11 : memref<128x32xf32, #tpu.memory_space<vmem>>)
        %run_scoped3A = arith.constant 44 : i32
        "tpu.region"() ({
          %run_scoped3A_98 = tpu.sem_alloc : memref<!tpu.dma_semaphore, #tpu.memory_space<semaphore_mem>>
          %dma_start3A_99 = arith.constant 0 : i32
          %dma_start3A_100 = tpu.memref_slice %arg10[%run_scoped3A, %dma_start3A_99] : memref<49x128xi32, #tpu.memory_space<vmem>> -> memref<1x128xi32, #tpu.memory_space<vmem>>
          %dma_start3A_101 = tpu.memref_squeeze %dma_start3A_100 : memref<1x128xi32, #tpu.memory_space<vmem>> -> memref<128xi32, #tpu.memory_space<vmem>>
          %dma_start3A_102 = arith.constant 0 : i32
          %dma_start3A_103 = arith.constant 0 : i32
          %dma_start3A_104 = tpu.memref_slice %arg8[%dma_start3A_102, %dma_start3A_103] : memref<50176x32xf32, #tpu.memory_space<vmem_shared>> -> memref<50176x32xf32, #tpu.memory_space<vmem_shared>>
          tpu.enqueue_indirect_dma source(%arg11 : memref<128x32xf32, #tpu.memory_space<vmem>>) target(%dma_start3A_104 : memref<50176x32xf32, #tpu.memory_space<vmem_shared>>) offsets(%dma_start3A_101 : memref<128xi32, #tpu.memory_space<vmem>>) semaphore(%run_scoped3A_98 : memref<!tpu.dma_semaphore, #tpu.memory_space<semaphore_mem>>) {add = true}
          %dma_wait3A_105 = arith.constant 0 : i32
          %dma_wait3A_106 = tpu.memref_slice %arg10[%run_scoped3A, %dma_wait3A_105] : memref<49x128xi32, #tpu.memory_space<vmem>> -> memref<1x128xi32, #tpu.memory_space<vmem>>
          %dma_wait3A_107 = tpu.memref_squeeze %dma_wait3A_106 : memref<1x128xi32, #tpu.memory_space<vmem>> -> memref<128xi32, #tpu.memory_space<vmem>>
          %dma_wait3A_108 = arith.constant 0 : i32
          %dma_wait3A_109 = arith.constant 0 : i32
          %dma_wait3A_110 = tpu.memref_slice %arg8[%dma_wait3A_108, %dma_wait3A_109] : memref<50176x32xf32, #tpu.memory_space<vmem_shared>> -> memref<50176x32xf32, #tpu.memory_space<vmem_shared>>
          tpu.wait_indirect_dma semaphore(%run_scoped3A_98 : memref<!tpu.dma_semaphore, #tpu.memory_space<semaphore_mem>>) src(%arg11 : memref<128x32xf32, #tpu.memory_space<vmem>>) dst(%dma_wait3A_110 : memref<50176x32xf32, #tpu.memory_space<vmem_shared>>)
          tpu.yield
        }) : () -> ()
        %dma_start3A_59 = arith.constant 48 : i32
        %dma_start3A_60 = arith.constant 0 : i32
        %dma_start3A_61 = tpu.memref_slice %arg9[%dma_start3A_59, %dma_start3A_60] : memref<49x128xi32, #tpu.memory_space<vmem>> -> memref<1x128xi32, #tpu.memory_space<vmem>>
        %dma_start3A_62 = tpu.memref_squeeze %dma_start3A_61 : memref<1x128xi32, #tpu.memory_space<vmem>> -> memref<128xi32, #tpu.memory_space<vmem>>
        %dma_start3A_63 = arith.constant 0 : i32
        %dma_start3A_64 = arith.constant 0 : i32
        %dma_start3A_65 = tpu.memref_slice %arg2[%dma_start3A_63, %dma_start3A_64] : memref<50176x32xf32, #tpu.memory_space<hbm>> -> memref<50176x32xf32, #tpu.memory_space<hbm>>
        tpu.enqueue_indirect_dma source(%dma_start3A_65 : memref<50176x32xf32, #tpu.memory_space<hbm>>) target(%arg11 : memref<128x32xf32, #tpu.memory_space<vmem>>) offsets(%dma_start3A_62 : memref<128xi32, #tpu.memory_space<vmem>>) semaphore(%arg15 : memref<!tpu.dma_semaphore, #tpu.memory_space<semaphore_mem>>)
        %dma_wait3A_66 = arith.constant 45 : i32
        %dma_wait3A_67 = arith.constant 0 : i32
        %dma_wait3A_68 = tpu.memref_slice %arg9[%dma_wait3A_66, %dma_wait3A_67] : memref<49x128xi32, #tpu.memory_space<vmem>> -> memref<1x128xi32, #tpu.memory_space<vmem>>
        %dma_wait3A_69 = tpu.memref_squeeze %dma_wait3A_68 : memref<1x128xi32, #tpu.memory_space<vmem>> -> memref<128xi32, #tpu.memory_space<vmem>>
        %dma_wait3A_70 = arith.constant 0 : i32
        %dma_wait3A_71 = arith.constant 0 : i32
        %dma_wait3A_72 = tpu.memref_slice %arg2[%dma_wait3A_70, %dma_wait3A_71] : memref<50176x32xf32, #tpu.memory_space<hbm>> -> memref<50176x32xf32, #tpu.memory_space<hbm>>
        tpu.wait_indirect_dma semaphore(%arg16 : memref<!tpu.dma_semaphore, #tpu.memory_space<semaphore_mem>>) src(%dma_wait3A_72 : memref<50176x32xf32, #tpu.memory_space<hbm>>) dst(%arg12 : memref<128x32xf32, #tpu.memory_space<vmem>>)
        %run_scoped3A_73 = arith.constant 45 : i32
        "tpu.region"() ({
          %run_scoped3A_98 = tpu.sem_alloc : memref<!tpu.dma_semaphore, #tpu.memory_space<semaphore_mem>>
          %dma_start3A_99 = arith.constant 0 : i32
          %dma_start3A_100 = tpu.memref_slice %arg10[%run_scoped3A_73, %dma_start3A_99] : memref<49x128xi32, #tpu.memory_space<vmem>> -> memref<1x128xi32, #tpu.memory_space<vmem>>
          %dma_start3A_101 = tpu.memref_squeeze %dma_start3A_100 : memref<1x128xi32, #tpu.memory_space<vmem>> -> memref<128xi32, #tpu.memory_space<vmem>>
          %dma_start3A_102 = arith.constant 0 : i32
          %dma_start3A_103 = arith.constant 0 : i32
          %dma_start3A_104 = tpu.memref_slice %arg8[%dma_start3A_102, %dma_start3A_103] : memref<50176x32xf32, #tpu.memory_space<vmem_shared>> -> memref<50176x32xf32, #tpu.memory_space<vmem_shared>>
          tpu.enqueue_indirect_dma source(%arg12 : memref<128x32xf32, #tpu.memory_space<vmem>>) target(%dma_start3A_104 : memref<50176x32xf32, #tpu.memory_space<vmem_shared>>) offsets(%dma_start3A_101 : memref<128xi32, #tpu.memory_space<vmem>>) semaphore(%run_scoped3A_98 : memref<!tpu.dma_semaphore, #tpu.memory_space<semaphore_mem>>) {add = true}
          %dma_wait3A_105 = arith.constant 0 : i32
          %dma_wait3A_106 = tpu.memref_slice %arg10[%run_scoped3A_73, %dma_wait3A_105] : memref<49x128xi32, #tpu.memory_space<vmem>> -> memref<1x128xi32, #tpu.memory_space<vmem>>
          %dma_wait3A_107 = tpu.memref_squeeze %dma_wait3A_106 : memref<1x128xi32, #tpu.memory_space<vmem>> -> memref<128xi32, #tpu.memory_space<vmem>>
          %dma_wait3A_108 = arith.constant 0 : i32
          %dma_wait3A_109 = arith.constant 0 : i32
          %dma_wait3A_110 = tpu.memref_slice %arg8[%dma_wait3A_108, %dma_wait3A_109] : memref<50176x32xf32, #tpu.memory_space<vmem_shared>> -> memref<50176x32xf32, #tpu.memory_space<vmem_shared>>
          tpu.wait_indirect_dma semaphore(%run_scoped3A_98 : memref<!tpu.dma_semaphore, #tpu.memory_space<semaphore_mem>>) src(%arg12 : memref<128x32xf32, #tpu.memory_space<vmem>>) dst(%dma_wait3A_110 : memref<50176x32xf32, #tpu.memory_space<vmem_shared>>)
          tpu.yield
        }) : () -> ()
        %dma_wait3A_74 = arith.constant 46 : i32
        %dma_wait3A_75 = arith.constant 0 : i32
        %dma_wait3A_76 = tpu.memref_slice %arg9[%dma_wait3A_74, %dma_wait3A_75] : memref<49x128xi32, #tpu.memory_space<vmem>> -> memref<1x128xi32, #tpu.memory_space<vmem>>
        %dma_wait3A_77 = tpu.memref_squeeze %dma_wait3A_76 : memref<1x128xi32, #tpu.memory_space<vmem>> -> memref<128xi32, #tpu.memory_space<vmem>>
        %dma_wait3A_78 = arith.constant 0 : i32
        %dma_wait3A_79 = arith.constant 0 : i32
        %dma_wait3A_80 = tpu.memref_slice %arg2[%dma_wait3A_78, %dma_wait3A_79] : memref<50176x32xf32, #tpu.memory_space<hbm>> -> memref<50176x32xf32, #tpu.memory_space<hbm>>
        tpu.wait_indirect_dma semaphore(%arg17 : memref<!tpu.dma_semaphore, #tpu.memory_space<semaphore_mem>>) src(%dma_wait3A_80 : memref<50176x32xf32, #tpu.memory_space<hbm>>) dst(%arg13 : memref<128x32xf32, #tpu.memory_space<vmem>>)
        %run_scoped3A_81 = arith.constant 46 : i32
        "tpu.region"() ({
          %run_scoped3A_98 = tpu.sem_alloc : memref<!tpu.dma_semaphore, #tpu.memory_space<semaphore_mem>>
          %dma_start3A_99 = arith.constant 0 : i32
          %dma_start3A_100 = tpu.memref_slice %arg10[%run_scoped3A_81, %dma_start3A_99] : memref<49x128xi32, #tpu.memory_space<vmem>> -> memref<1x128xi32, #tpu.memory_space<vmem>>
          %dma_start3A_101 = tpu.memref_squeeze %dma_start3A_100 : memref<1x128xi32, #tpu.memory_space<vmem>> -> memref<128xi32, #tpu.memory_space<vmem>>
          %dma_start3A_102 = arith.constant 0 : i32
          %dma_start3A_103 = arith.constant 0 : i32
          %dma_start3A_104 = tpu.memref_slice %arg8[%dma_start3A_102, %dma_start3A_103] : memref<50176x32xf32, #tpu.memory_space<vmem_shared>> -> memref<50176x32xf32, #tpu.memory_space<vmem_shared>>
          tpu.enqueue_indirect_dma source(%arg13 : memref<128x32xf32, #tpu.memory_space<vmem>>) target(%dma_start3A_104 : memref<50176x32xf32, #tpu.memory_space<vmem_shared>>) offsets(%dma_start3A_101 : memref<128xi32, #tpu.memory_space<vmem>>) semaphore(%run_scoped3A_98 : memref<!tpu.dma_semaphore, #tpu.memory_space<semaphore_mem>>) {add = true}
          %dma_wait3A_105 = arith.constant 0 : i32
          %dma_wait3A_106 = tpu.memref_slice %arg10[%run_scoped3A_81, %dma_wait3A_105] : memref<49x128xi32, #tpu.memory_space<vmem>> -> memref<1x128xi32, #tpu.memory_space<vmem>>
          %dma_wait3A_107 = tpu.memref_squeeze %dma_wait3A_106 : memref<1x128xi32, #tpu.memory_space<vmem>> -> memref<128xi32, #tpu.memory_space<vmem>>
          %dma_wait3A_108 = arith.constant 0 : i32
          %dma_wait3A_109 = arith.constant 0 : i32
          %dma_wait3A_110 = tpu.memref_slice %arg8[%dma_wait3A_108, %dma_wait3A_109] : memref<50176x32xf32, #tpu.memory_space<vmem_shared>> -> memref<50176x32xf32, #tpu.memory_space<vmem_shared>>
          tpu.wait_indirect_dma semaphore(%run_scoped3A_98 : memref<!tpu.dma_semaphore, #tpu.memory_space<semaphore_mem>>) src(%arg13 : memref<128x32xf32, #tpu.memory_space<vmem>>) dst(%dma_wait3A_110 : memref<50176x32xf32, #tpu.memory_space<vmem_shared>>)
          tpu.yield
        }) : () -> ()
        %dma_wait3A_82 = arith.constant 47 : i32
        %dma_wait3A_83 = arith.constant 0 : i32
        %dma_wait3A_84 = tpu.memref_slice %arg9[%dma_wait3A_82, %dma_wait3A_83] : memref<49x128xi32, #tpu.memory_space<vmem>> -> memref<1x128xi32, #tpu.memory_space<vmem>>
        %dma_wait3A_85 = tpu.memref_squeeze %dma_wait3A_84 : memref<1x128xi32, #tpu.memory_space<vmem>> -> memref<128xi32, #tpu.memory_space<vmem>>
        %dma_wait3A_86 = arith.constant 0 : i32
        %dma_wait3A_87 = arith.constant 0 : i32
        %dma_wait3A_88 = tpu.memref_slice %arg2[%dma_wait3A_86, %dma_wait3A_87] : memref<50176x32xf32, #tpu.memory_space<hbm>> -> memref<50176x32xf32, #tpu.memory_space<hbm>>
        tpu.wait_indirect_dma semaphore(%arg18 : memref<!tpu.dma_semaphore, #tpu.memory_space<semaphore_mem>>) src(%dma_wait3A_88 : memref<50176x32xf32, #tpu.memory_space<hbm>>) dst(%arg14 : memref<128x32xf32, #tpu.memory_space<vmem>>)
        %run_scoped3A_89 = arith.constant 47 : i32
        "tpu.region"() ({
          %run_scoped3A_98 = tpu.sem_alloc : memref<!tpu.dma_semaphore, #tpu.memory_space<semaphore_mem>>
          %dma_start3A_99 = arith.constant 0 : i32
          %dma_start3A_100 = tpu.memref_slice %arg10[%run_scoped3A_89, %dma_start3A_99] : memref<49x128xi32, #tpu.memory_space<vmem>> -> memref<1x128xi32, #tpu.memory_space<vmem>>
          %dma_start3A_101 = tpu.memref_squeeze %dma_start3A_100 : memref<1x128xi32, #tpu.memory_space<vmem>> -> memref<128xi32, #tpu.memory_space<vmem>>
          %dma_start3A_102 = arith.constant 0 : i32
          %dma_start3A_103 = arith.constant 0 : i32
          %dma_start3A_104 = tpu.memref_slice %arg8[%dma_start3A_102, %dma_start3A_103] : memref<50176x32xf32, #tpu.memory_space<vmem_shared>> -> memref<50176x32xf32, #tpu.memory_space<vmem_shared>>
          tpu.enqueue_indirect_dma source(%arg14 : memref<128x32xf32, #tpu.memory_space<vmem>>) target(%dma_start3A_104 : memref<50176x32xf32, #tpu.memory_space<vmem_shared>>) offsets(%dma_start3A_101 : memref<128xi32, #tpu.memory_space<vmem>>) semaphore(%run_scoped3A_98 : memref<!tpu.dma_semaphore, #tpu.memory_space<semaphore_mem>>) {add = true}
          %dma_wait3A_105 = arith.constant 0 : i32
          %dma_wait3A_106 = tpu.memref_slice %arg10[%run_scoped3A_89, %dma_wait3A_105] : memref<49x128xi32, #tpu.memory_space<vmem>> -> memref<1x128xi32, #tpu.memory_space<vmem>>
          %dma_wait3A_107 = tpu.memref_squeeze %dma_wait3A_106 : memref<1x128xi32, #tpu.memory_space<vmem>> -> memref<128xi32, #tpu.memory_space<vmem>>
          %dma_wait3A_108 = arith.constant 0 : i32
          %dma_wait3A_109 = arith.constant 0 : i32
          %dma_wait3A_110 = tpu.memref_slice %arg8[%dma_wait3A_108, %dma_wait3A_109] : memref<50176x32xf32, #tpu.memory_space<vmem_shared>> -> memref<50176x32xf32, #tpu.memory_space<vmem_shared>>
          tpu.wait_indirect_dma semaphore(%run_scoped3A_98 : memref<!tpu.dma_semaphore, #tpu.memory_space<semaphore_mem>>) src(%arg14 : memref<128x32xf32, #tpu.memory_space<vmem>>) dst(%dma_wait3A_110 : memref<50176x32xf32, #tpu.memory_space<vmem_shared>>)
          tpu.yield
        }) : () -> ()
        %dma_wait3A_90 = arith.constant 48 : i32
        %dma_wait3A_91 = arith.constant 0 : i32
        %dma_wait3A_92 = tpu.memref_slice %arg9[%dma_wait3A_90, %dma_wait3A_91] : memref<49x128xi32, #tpu.memory_space<vmem>> -> memref<1x128xi32, #tpu.memory_space<vmem>>
        %dma_wait3A_93 = tpu.memref_squeeze %dma_wait3A_92 : memref<1x128xi32, #tpu.memory_space<vmem>> -> memref<128xi32, #tpu.memory_space<vmem>>
        %dma_wait3A_94 = arith.constant 0 : i32
        %dma_wait3A_95 = arith.constant 0 : i32
        %dma_wait3A_96 = tpu.memref_slice %arg2[%dma_wait3A_94, %dma_wait3A_95] : memref<50176x32xf32, #tpu.memory_space<hbm>> -> memref<50176x32xf32, #tpu.memory_space<hbm>>
        tpu.wait_indirect_dma semaphore(%arg15 : memref<!tpu.dma_semaphore, #tpu.memory_space<semaphore_mem>>) src(%dma_wait3A_96 : memref<50176x32xf32, #tpu.memory_space<hbm>>) dst(%arg11 : memref<128x32xf32, #tpu.memory_space<vmem>>)
        %run_scoped3A_97 = arith.constant 48 : i32
        "tpu.region"() ({
          %run_scoped3A_98 = tpu.sem_alloc : memref<!tpu.dma_semaphore, #tpu.memory_space<semaphore_mem>>
          %dma_start3A_99 = arith.constant 0 : i32
          %dma_start3A_100 = tpu.memref_slice %arg10[%run_scoped3A_97, %dma_start3A_99] : memref<49x128xi32, #tpu.memory_space<vmem>> -> memref<1x128xi32, #tpu.memory_space<vmem>>
          %dma_start3A_101 = tpu.memref_squeeze %dma_start3A_100 : memref<1x128xi32, #tpu.memory_space<vmem>> -> memref<128xi32, #tpu.memory_space<vmem>>
          %dma_start3A_102 = arith.constant 0 : i32
          %dma_start3A_103 = arith.constant 0 : i32
          %dma_start3A_104 = tpu.memref_slice %arg8[%dma_start3A_102, %dma_start3A_103] : memref<50176x32xf32, #tpu.memory_space<vmem_shared>> -> memref<50176x32xf32, #tpu.memory_space<vmem_shared>>
          tpu.enqueue_indirect_dma source(%arg11 : memref<128x32xf32, #tpu.memory_space<vmem>>) target(%dma_start3A_104 : memref<50176x32xf32, #tpu.memory_space<vmem_shared>>) offsets(%dma_start3A_101 : memref<128xi32, #tpu.memory_space<vmem>>) semaphore(%run_scoped3A_98 : memref<!tpu.dma_semaphore, #tpu.memory_space<semaphore_mem>>) {add = true}
          %dma_wait3A_105 = arith.constant 0 : i32
          %dma_wait3A_106 = tpu.memref_slice %arg10[%run_scoped3A_97, %dma_wait3A_105] : memref<49x128xi32, #tpu.memory_space<vmem>> -> memref<1x128xi32, #tpu.memory_space<vmem>>
          %dma_wait3A_107 = tpu.memref_squeeze %dma_wait3A_106 : memref<1x128xi32, #tpu.memory_space<vmem>> -> memref<128xi32, #tpu.memory_space<vmem>>
          %dma_wait3A_108 = arith.constant 0 : i32
          %dma_wait3A_109 = arith.constant 0 : i32
          %dma_wait3A_110 = tpu.memref_slice %arg8[%dma_wait3A_108, %dma_wait3A_109] : memref<50176x32xf32, #tpu.memory_space<vmem_shared>> -> memref<50176x32xf32, #tpu.memory_space<vmem_shared>>
          tpu.wait_indirect_dma semaphore(%run_scoped3A_98 : memref<!tpu.dma_semaphore, #tpu.memory_space<semaphore_mem>>) src(%arg11 : memref<128x32xf32, #tpu.memory_space<vmem>>) dst(%dma_wait3A_110 : memref<50176x32xf32, #tpu.memory_space<vmem_shared>>)
          tpu.yield
        }) : () -> ()
      }
      %scan3A_12 = arith.constant 8 : i32
      %barrier3A_13 = arith.constant 0 : index
      tpu.barrier barrier_id(%barrier3A_13)
      "tpu.region"() ({
        %run_scoped3A = tpu.sem_alloc : memref<!tpu.dma_semaphore, #tpu.memory_space<semaphore_mem>>
        %dma_start3A = arith.constant 0 : i32
        %dma_start3A_14 = tpu.memref_slice %arg6[%multiple_of3A, %dma_start3A] : memref<50176x32xf32, #tpu.memory_space<hbm>> -> memref<3136x32xf32, #tpu.memory_space<hbm>>
        %dma_start3A_15 = arith.constant 0 : i32
        %dma_start3A_16 = tpu.memref_slice %arg8[%multiple_of3A, %dma_start3A_15] : memref<50176x32xf32, #tpu.memory_space<vmem_shared>> -> memref<3136x32xf32, #tpu.memory_space<vmem_shared>>
        tpu.enqueue_dma source(%dma_start3A_16 : memref<3136x32xf32, #tpu.memory_space<vmem_shared>>) target(%dma_start3A_14 : memref<3136x32xf32, #tpu.memory_space<hbm>>) target_semaphore(%run_scoped3A : memref<!tpu.dma_semaphore, #tpu.memory_space<semaphore_mem>>)
        %dma_wait3A = arith.constant 0 : i32
        %dma_wait3A_17 = tpu.memref_slice %arg6[%multiple_of3A, %dma_wait3A] : memref<50176x32xf32, #tpu.memory_space<hbm>> -> memref<3136x32xf32, #tpu.memory_space<hbm>>
        %dma_wait3A_18 = arith.constant 0 : i32
        %dma_wait3A_19 = tpu.memref_slice %arg8[%multiple_of3A, %dma_wait3A_18] : memref<50176x32xf32, #tpu.memory_space<vmem_shared>> -> memref<3136x32xf32, #tpu.memory_space<vmem_shared>>
        tpu.wait_dma2 semaphore(%run_scoped3A : memref<!tpu.dma_semaphore, #tpu.memory_space<semaphore_mem>>) src(%dma_wait3A_19 : memref<3136x32xf32, #tpu.memory_space<vmem_shared>>) dst(%dma_wait3A_17 : memref<3136x32xf32, #tpu.memory_space<hbm>>)
        tpu.yield
      }) : () -> ()
    } else {
    }
    %eq3A_3 = arith.constant 1 : i32
    %eq3A_4 = arith.cmpi eq, %arg0, %eq3A_3 : i32
    %convert_element_type3A_5 = arith.extui %eq3A_4 : i1 to i32
    %cond3A_6 = arith.constant 0 : i32
    %cond3A_7 = arith.cmpi ne, %convert_element_type3A_5, %cond3A_6 : i32
    scf.if %cond3A_7 {
      "tpu.region"() ({
        %run_scoped3A = tpu.sem_alloc : memref<!tpu.dma_semaphore, #tpu.memory_space<semaphore_mem>>
        %dma_start3A = arith.constant 0 : i32
        %dma_start3A_14 = tpu.memref_slice %arg8[%multiple_of3A, %dma_start3A] : memref<50176x32xf32, #tpu.memory_space<vmem_shared>> -> memref<3136x32xf32, #tpu.memory_space<vmem_shared>>
        %dma_start3A_15 = arith.constant 0 : i32
        %dma_start3A_16 = tpu.memref_slice %arg3[%multiple_of3A, %dma_start3A_15] : memref<50176x32xf32, #tpu.memory_space<hbm>> -> memref<3136x32xf32, #tpu.memory_space<hbm>>
        tpu.enqueue_dma source(%dma_start3A_16 : memref<3136x32xf32, #tpu.memory_space<hbm>>) target(%dma_start3A_14 : memref<3136x32xf32, #tpu.memory_space<vmem_shared>>) target_semaphore(%run_scoped3A : memref<!tpu.dma_semaphore, #tpu.memory_space<semaphore_mem>>)
        %dma_wait3A = arith.constant 0 : i32
        %dma_wait3A_17 = tpu.memref_slice %arg8[%multiple_of3A, %dma_wait3A] : memref<50176x32xf32, #tpu.memory_space<vmem_shared>> -> memref<3136x32xf32, #tpu.memory_space<vmem_shared>>
        %dma_wait3A_18 = arith.constant 0 : i32
        %dma_wait3A_19 = tpu.memref_slice %arg3[%multiple_of3A, %dma_wait3A_18] : memref<50176x32xf32, #tpu.memory_space<hbm>> -> memref<3136x32xf32, #tpu.memory_space<hbm>>
        tpu.wait_dma2 semaphore(%run_scoped3A : memref<!tpu.dma_semaphore, #tpu.memory_space<semaphore_mem>>) src(%dma_wait3A_19 : memref<3136x32xf32, #tpu.memory_space<hbm>>) dst(%dma_wait3A_17 : memref<3136x32xf32, #tpu.memory_space<vmem_shared>>)
        tpu.yield
      }) : () -> ()
      %barrier3A = arith.constant 0 : index
      tpu.barrier barrier_id(%barrier3A)
      %scan3A = arith.constant 0 : i32
      %scan3A_8 = arith.constant 0 : i32
      %scan3A_9 = arith.constant 8 : i32
      %scan3A_10 = arith.addi %scan3A_8, %scan3A_9 : i32
      %scan3A_11 = arith.constant 1 : i32
      scf.for %scan3A_14 = %scan3A_8 to %scan3A_10 step %scan3A_11  : i32 {
        %mul3A_15 = arith.constant 8 : i32
        %mul3A_16 = arith.muli %arg1, %mul3A_15 : i32
        %add3A = arith.addi %mul3A_16, %scan3A_14 : i32
        "tpu.region"() ({
          %run_scoped3A_98 = tpu.sem_alloc : memref<!tpu.dma_semaphore, #tpu.memory_space<semaphore_mem>>
          %dma_start3A_99 = arith.constant 0 : i32
          %dma_start3A_100 = arith.constant 0 : i32
          %dma_start3A_101 = tpu.memref_slice %arg4[%add3A, %dma_start3A_99, %dma_start3A_100] : memref<128x49x128xi32, #tpu.memory_space<hbm>> -> memref<1x49x128xi32, #tpu.memory_space<hbm>>
          %dma_start3A_102 = tpu.memref_squeeze %dma_start3A_101 : memref<1x49x128xi32, #tpu.memory_space<hbm>> -> memref<49x128xi32, #tpu.memory_space<hbm>>
          %dma_start3A_103 = arith.constant 0 : i32
          %dma_start3A_104 = arith.constant 0 : i32
          %dma_start3A_105 = tpu.memref_slice %arg4[%add3A, %dma_start3A_103, %dma_start3A_104] : memref<128x49x128xi32, #tpu.memory_space<hbm>> -> memref<1x49x128xi32, #tpu.memory_space<hbm>>
          %dma_start3A_106 = tpu.memref_squeeze %dma_start3A_105 : memref<1x49x128xi32, #tpu.memory_space<hbm>> -> memref<49x128xi32, #tpu.memory_space<hbm>>
          tpu.enqueue_dma source(%dma_start3A_106 : memref<49x128xi32, #tpu.memory_space<hbm>>) target(%arg9 : memref<49x128xi32, #tpu.memory_space<vmem>>) target_semaphore(%run_scoped3A_98 : memref<!tpu.dma_semaphore, #tpu.memory_space<semaphore_mem>>)
          %dma_wait3A_107 = arith.constant 0 : i32
          %dma_wait3A_108 = arith.constant 0 : i32
          %dma_wait3A_109 = tpu.memref_slice %arg4[%add3A, %dma_wait3A_107, %dma_wait3A_108] : memref<128x49x128xi32, #tpu.memory_space<hbm>> -> memref<1x49x128xi32, #tpu.memory_space<hbm>>
          %dma_wait3A_110 = tpu.memref_squeeze %dma_wait3A_109 : memref<1x49x128xi32, #tpu.memory_space<hbm>> -> memref<49x128xi32, #tpu.memory_space<hbm>>
          %dma_wait3A_111 = arith.constant 0 : i32
          %dma_wait3A_112 = arith.constant 0 : i32
          %dma_wait3A_113 = tpu.memref_slice %arg4[%add3A, %dma_wait3A_111, %dma_wait3A_112] : memref<128x49x128xi32, #tpu.memory_space<hbm>> -> memref<1x49x128xi32, #tpu.memory_space<hbm>>
          %dma_wait3A_114 = tpu.memref_squeeze %dma_wait3A_113 : memref<1x49x128xi32, #tpu.memory_space<hbm>> -> memref<49x128xi32, #tpu.memory_space<hbm>>
          tpu.wait_dma2 semaphore(%run_scoped3A_98 : memref<!tpu.dma_semaphore, #tpu.memory_space<semaphore_mem>>) src(%dma_wait3A_114 : memref<49x128xi32, #tpu.memory_space<hbm>>) dst(%arg9 : memref<49x128xi32, #tpu.memory_space<vmem>>)
          tpu.yield
        }) : () -> ()
        %mul3A_17 = arith.constant 8 : i32
        %mul3A_18 = arith.muli %arg1, %mul3A_17 : i32
        %add3A_19 = arith.addi %mul3A_18, %scan3A_14 : i32
        "tpu.region"() ({
          %run_scoped3A_98 = tpu.sem_alloc : memref<!tpu.dma_semaphore, #tpu.memory_space<semaphore_mem>>
          %dma_start3A_99 = arith.constant 0 : i32
          %dma_start3A_100 = arith.constant 0 : i32
          %dma_start3A_101 = tpu.memref_slice %arg5[%add3A_19, %dma_start3A_99, %dma_start3A_100] : memref<128x49x128xi32, #tpu.memory_space<hbm>> -> memref<1x49x128xi32, #tpu.memory_space<hbm>>
          %dma_start3A_102 = tpu.memref_squeeze %dma_start3A_101 : memref<1x49x128xi32, #tpu.memory_space<hbm>> -> memref<49x128xi32, #tpu.memory_space<hbm>>
          %dma_start3A_103 = arith.constant 0 : i32
          %dma_start3A_104 = arith.constant 0 : i32
          %dma_start3A_105 = tpu.memref_slice %arg5[%add3A_19, %dma_start3A_103, %dma_start3A_104] : memref<128x49x128xi32, #tpu.memory_space<hbm>> -> memref<1x49x128xi32, #tpu.memory_space<hbm>>
          %dma_start3A_106 = tpu.memref_squeeze %dma_start3A_105 : memref<1x49x128xi32, #tpu.memory_space<hbm>> -> memref<49x128xi32, #tpu.memory_space<hbm>>
          tpu.enqueue_dma source(%dma_start3A_106 : memref<49x128xi32, #tpu.memory_space<hbm>>) target(%arg10 : memref<49x128xi32, #tpu.memory_space<vmem>>) target_semaphore(%run_scoped3A_98 : memref<!tpu.dma_semaphore, #tpu.memory_space<semaphore_mem>>)
          %dma_wait3A_107 = arith.constant 0 : i32
          %dma_wait3A_108 = arith.constant 0 : i32
          %dma_wait3A_109 = tpu.memref_slice %arg5[%add3A_19, %dma_wait3A_107, %dma_wait3A_108] : memref<128x49x128xi32, #tpu.memory_space<hbm>> -> memref<1x49x128xi32, #tpu.memory_space<hbm>>
          %dma_wait3A_110 = tpu.memref_squeeze %dma_wait3A_109 : memref<1x49x128xi32, #tpu.memory_space<hbm>> -> memref<49x128xi32, #tpu.memory_space<hbm>>
          %dma_wait3A_111 = arith.constant 0 : i32
          %dma_wait3A_112 = arith.constant 0 : i32
          %dma_wait3A_113 = tpu.memref_slice %arg5[%add3A_19, %dma_wait3A_111, %dma_wait3A_112] : memref<128x49x128xi32, #tpu.memory_space<hbm>> -> memref<1x49x128xi32, #tpu.memory_space<hbm>>
          %dma_wait3A_114 = tpu.memref_squeeze %dma_wait3A_113 : memref<1x49x128xi32, #tpu.memory_space<hbm>> -> memref<49x128xi32, #tpu.memory_space<hbm>>
          tpu.wait_dma2 semaphore(%run_scoped3A_98 : memref<!tpu.dma_semaphore, #tpu.memory_space<semaphore_mem>>) src(%dma_wait3A_114 : memref<49x128xi32, #tpu.memory_space<hbm>>) dst(%arg10 : memref<49x128xi32, #tpu.memory_space<vmem>>)
          tpu.yield
        }) : () -> ()
        %dma_start3A = arith.constant 0 : i32
        %dma_start3A_20 = arith.constant 0 : i32
        %dma_start3A_21 = tpu.memref_slice %arg9[%dma_start3A, %dma_start3A_20] : memref<49x128xi32, #tpu.memory_space<vmem>> -> memref<1x128xi32, #tpu.memory_space<vmem>>
        %dma_start3A_22 = tpu.memref_squeeze %dma_start3A_21 : memref<1x128xi32, #tpu.memory_space<vmem>> -> memref<128xi32, #tpu.memory_space<vmem>>
        %dma_start3A_23 = arith.constant 0 : i32
        %dma_start3A_24 = arith.constant 0 : i32
        %dma_start3A_25 = tpu.memref_slice %arg3[%dma_start3A_23, %dma_start3A_24] : memref<50176x32xf32, #tpu.memory_space<hbm>> -> memref<50176x32xf32, #tpu.memory_space<hbm>>
        tpu.enqueue_indirect_dma source(%dma_start3A_25 : memref<50176x32xf32, #tpu.memory_space<hbm>>) target(%arg11 : memref<128x32xf32, #tpu.memory_space<vmem>>) offsets(%dma_start3A_22 : memref<128xi32, #tpu.memory_space<vmem>>) semaphore(%arg15 : memref<!tpu.dma_semaphore, #tpu.memory_space<semaphore_mem>>)
        %dma_start3A_26 = arith.constant 1 : i32
        %dma_start3A_27 = arith.constant 0 : i32
        %dma_start3A_28 = tpu.memref_slice %arg9[%dma_start3A_26, %dma_start3A_27] : memref<49x128xi32, #tpu.memory_space<vmem>> -> memref<1x128xi32, #tpu.memory_space<vmem>>
        %dma_start3A_29 = tpu.memref_squeeze %dma_start3A_28 : memref<1x128xi32, #tpu.memory_space<vmem>> -> memref<128xi32, #tpu.memory_space<vmem>>
        %dma_start3A_30 = arith.constant 0 : i32
        %dma_start3A_31 = arith.constant 0 : i32
        %dma_start3A_32 = tpu.memref_slice %arg3[%dma_start3A_30, %dma_start3A_31] : memref<50176x32xf32, #tpu.memory_space<hbm>> -> memref<50176x32xf32, #tpu.memory_space<hbm>>
        tpu.enqueue_indirect_dma source(%dma_start3A_32 : memref<50176x32xf32, #tpu.memory_space<hbm>>) target(%arg12 : memref<128x32xf32, #tpu.memory_space<vmem>>) offsets(%dma_start3A_29 : memref<128xi32, #tpu.memory_space<vmem>>) semaphore(%arg16 : memref<!tpu.dma_semaphore, #tpu.memory_space<semaphore_mem>>)
        %dma_start3A_33 = arith.constant 2 : i32
        %dma_start3A_34 = arith.constant 0 : i32
        %dma_start3A_35 = tpu.memref_slice %arg9[%dma_start3A_33, %dma_start3A_34] : memref<49x128xi32, #tpu.memory_space<vmem>> -> memref<1x128xi32, #tpu.memory_space<vmem>>
        %dma_start3A_36 = tpu.memref_squeeze %dma_start3A_35 : memref<1x128xi32, #tpu.memory_space<vmem>> -> memref<128xi32, #tpu.memory_space<vmem>>
        %dma_start3A_37 = arith.constant 0 : i32
        %dma_start3A_38 = arith.constant 0 : i32
        %dma_start3A_39 = tpu.memref_slice %arg3[%dma_start3A_37, %dma_start3A_38] : memref<50176x32xf32, #tpu.memory_space<hbm>> -> memref<50176x32xf32, #tpu.memory_space<hbm>>
        tpu.enqueue_indirect_dma source(%dma_start3A_39 : memref<50176x32xf32, #tpu.memory_space<hbm>>) target(%arg13 : memref<128x32xf32, #tpu.memory_space<vmem>>) offsets(%dma_start3A_36 : memref<128xi32, #tpu.memory_space<vmem>>) semaphore(%arg17 : memref<!tpu.dma_semaphore, #tpu.memory_space<semaphore_mem>>)
        %scan3A_40 = arith.constant 0 : i32
        %scan3A_41 = arith.constant 0 : i32
        %scan3A_42 = arith.constant 11 : i32
        %scan3A_43 = arith.addi %scan3A_41, %scan3A_42 : i32
        %scan3A_44 = arith.constant 1 : i32
        scf.for %scan3A_98 = %scan3A_41 to %scan3A_43 step %scan3A_44  : i32 {
          %mul3A_99 = arith.constant 4 : i32
          %mul3A_100 = arith.muli %scan3A_98, %mul3A_99 : i32
          %add3A_101 = arith.constant 3 : i32
          %add3A_102 = arith.addi %mul3A_100, %add3A_101 : i32
          %dma_start3A_103 = arith.constant 0 : i32
          %dma_start3A_104 = tpu.memref_slice %arg9[%add3A_102, %dma_start3A_103] : memref<49x128xi32, #tpu.memory_space<vmem>> -> memref<1x128xi32, #tpu.memory_space<vmem>>
          %dma_start3A_105 = tpu.memref_squeeze %dma_start3A_104 : memref<1x128xi32, #tpu.memory_space<vmem>> -> memref<128xi32, #tpu.memory_space<vmem>>
          %dma_start3A_106 = arith.constant 0 : i32
          %dma_start3A_107 = arith.constant 0 : i32
          %dma_start3A_108 = tpu.memref_slice %arg3[%dma_start3A_106, %dma_start3A_107] : memref<50176x32xf32, #tpu.memory_space<hbm>> -> memref<50176x32xf32, #tpu.memory_space<hbm>>
          tpu.enqueue_indirect_dma source(%dma_start3A_108 : memref<50176x32xf32, #tpu.memory_space<hbm>>) target(%arg14 : memref<128x32xf32, #tpu.memory_space<vmem>>) offsets(%dma_start3A_105 : memref<128xi32, #tpu.memory_space<vmem>>) semaphore(%arg18 : memref<!tpu.dma_semaphore, #tpu.memory_space<semaphore_mem>>)
          %dma_wait3A_109 = arith.constant 0 : i32
          %dma_wait3A_110 = tpu.memref_slice %arg9[%mul3A_100, %dma_wait3A_109] : memref<49x128xi32, #tpu.memory_space<vmem>> -> memref<1x128xi32, #tpu.memory_space<vmem>>
          %dma_wait3A_111 = tpu.memref_squeeze %dma_wait3A_110 : memref<1x128xi32, #tpu.memory_space<vmem>> -> memref<128xi32, #tpu.memory_space<vmem>>
          %dma_wait3A_112 = arith.constant 0 : i32
          %dma_wait3A_113 = arith.constant 0 : i32
          %dma_wait3A_114 = tpu.memref_slice %arg3[%dma_wait3A_112, %dma_wait3A_113] : memref<50176x32xf32, #tpu.memory_space<hbm>> -> memref<50176x32xf32, #tpu.memory_space<hbm>>
          tpu.wait_indirect_dma semaphore(%arg15 : memref<!tpu.dma_semaphore, #tpu.memory_space<semaphore_mem>>) src(%dma_wait3A_114 : memref<50176x32xf32, #tpu.memory_space<hbm>>) dst(%arg11 : memref<128x32xf32, #tpu.memory_space<vmem>>)
          "tpu.region"() ({
            %run_scoped3A_163 = tpu.sem_alloc : memref<!tpu.dma_semaphore, #tpu.memory_space<semaphore_mem>>
            %dma_start3A_164 = arith.constant 0 : i32
            %dma_start3A_165 = tpu.memref_slice %arg10[%mul3A_100, %dma_start3A_164] : memref<49x128xi32, #tpu.memory_space<vmem>> -> memref<1x128xi32, #tpu.memory_space<vmem>>
            %dma_start3A_166 = tpu.memref_squeeze %dma_start3A_165 : memref<1x128xi32, #tpu.memory_space<vmem>> -> memref<128xi32, #tpu.memory_space<vmem>>
            %dma_start3A_167 = arith.constant 0 : i32
            %dma_start3A_168 = arith.constant 0 : i32
            %dma_start3A_169 = tpu.memref_slice %arg8[%dma_start3A_167, %dma_start3A_168] : memref<50176x32xf32, #tpu.memory_space<vmem_shared>> -> memref<50176x32xf32, #tpu.memory_space<vmem_shared>>
            tpu.enqueue_indirect_dma source(%arg11 : memref<128x32xf32, #tpu.memory_space<vmem>>) target(%dma_start3A_169 : memref<50176x32xf32, #tpu.memory_space<vmem_shared>>) offsets(%dma_start3A_166 : memref<128xi32, #tpu.memory_space<vmem>>) semaphore(%run_scoped3A_163 : memref<!tpu.dma_semaphore, #tpu.memory_space<semaphore_mem>>) {add = true}
            %dma_wait3A_170 = arith.constant 0 : i32
            %dma_wait3A_171 = tpu.memref_slice %arg10[%mul3A_100, %dma_wait3A_170] : memref<49x128xi32, #tpu.memory_space<vmem>> -> memref<1x128xi32, #tpu.memory_space<vmem>>
            %dma_wait3A_172 = tpu.memref_squeeze %dma_wait3A_171 : memref<1x128xi32, #tpu.memory_space<vmem>> -> memref<128xi32, #tpu.memory_space<vmem>>
            %dma_wait3A_173 = arith.constant 0 : i32
            %dma_wait3A_174 = arith.constant 0 : i32
            %dma_wait3A_175 = tpu.memref_slice %arg8[%dma_wait3A_173, %dma_wait3A_174] : memref<50176x32xf32, #tpu.memory_space<vmem_shared>> -> memref<50176x32xf32, #tpu.memory_space<vmem_shared>>
            tpu.wait_indirect_dma semaphore(%run_scoped3A_163 : memref<!tpu.dma_semaphore, #tpu.memory_space<semaphore_mem>>) src(%arg11 : memref<128x32xf32, #tpu.memory_space<vmem>>) dst(%dma_wait3A_175 : memref<50176x32xf32, #tpu.memory_space<vmem_shared>>)
            tpu.yield
          }) : () -> ()
          %add3A_115 = arith.constant 4 : i32
          %add3A_116 = arith.addi %mul3A_100, %add3A_115 : i32
          %dma_start3A_117 = arith.constant 0 : i32
          %dma_start3A_118 = tpu.memref_slice %arg9[%add3A_116, %dma_start3A_117] : memref<49x128xi32, #tpu.memory_space<vmem>> -> memref<1x128xi32, #tpu.memory_space<vmem>>
          %dma_start3A_119 = tpu.memref_squeeze %dma_start3A_118 : memref<1x128xi32, #tpu.memory_space<vmem>> -> memref<128xi32, #tpu.memory_space<vmem>>
          %dma_start3A_120 = arith.constant 0 : i32
          %dma_start3A_121 = arith.constant 0 : i32
          %dma_start3A_122 = tpu.memref_slice %arg3[%dma_start3A_120, %dma_start3A_121] : memref<50176x32xf32, #tpu.memory_space<hbm>> -> memref<50176x32xf32, #tpu.memory_space<hbm>>
          tpu.enqueue_indirect_dma source(%dma_start3A_122 : memref<50176x32xf32, #tpu.memory_space<hbm>>) target(%arg11 : memref<128x32xf32, #tpu.memory_space<vmem>>) offsets(%dma_start3A_119 : memref<128xi32, #tpu.memory_space<vmem>>) semaphore(%arg15 : memref<!tpu.dma_semaphore, #tpu.memory_space<semaphore_mem>>)
          %add3A_123 = arith.constant 1 : i32
          %add3A_124 = arith.addi %mul3A_100, %add3A_123 : i32
          %dma_wait3A_125 = arith.constant 0 : i32
          %dma_wait3A_126 = tpu.memref_slice %arg9[%add3A_124, %dma_wait3A_125] : memref<49x128xi32, #tpu.memory_space<vmem>> -> memref<1x128xi32, #tpu.memory_space<vmem>>
          %dma_wait3A_127 = tpu.memref_squeeze %dma_wait3A_126 : memref<1x128xi32, #tpu.memory_space<vmem>> -> memref<128xi32, #tpu.memory_space<vmem>>
          %dma_wait3A_128 = arith.constant 0 : i32
          %dma_wait3A_129 = arith.constant 0 : i32
          %dma_wait3A_130 = tpu.memref_slice %arg3[%dma_wait3A_128, %dma_wait3A_129] : memref<50176x32xf32, #tpu.memory_space<hbm>> -> memref<50176x32xf32, #tpu.memory_space<hbm>>
          tpu.wait_indirect_dma semaphore(%arg16 : memref<!tpu.dma_semaphore, #tpu.memory_space<semaphore_mem>>) src(%dma_wait3A_130 : memref<50176x32xf32, #tpu.memory_space<hbm>>) dst(%arg12 : memref<128x32xf32, #tpu.memory_space<vmem>>)
          "tpu.region"() ({
            %run_scoped3A_163 = tpu.sem_alloc : memref<!tpu.dma_semaphore, #tpu.memory_space<semaphore_mem>>
            %dma_start3A_164 = arith.constant 0 : i32
            %dma_start3A_165 = tpu.memref_slice %arg10[%add3A_124, %dma_start3A_164] : memref<49x128xi32, #tpu.memory_space<vmem>> -> memref<1x128xi32, #tpu.memory_space<vmem>>
            %dma_start3A_166 = tpu.memref_squeeze %dma_start3A_165 : memref<1x128xi32, #tpu.memory_space<vmem>> -> memref<128xi32, #tpu.memory_space<vmem>>
            %dma_start3A_167 = arith.constant 0 : i32
            %dma_start3A_168 = arith.constant 0 : i32
            %dma_start3A_169 = tpu.memref_slice %arg8[%dma_start3A_167, %dma_start3A_168] : memref<50176x32xf32, #tpu.memory_space<vmem_shared>> -> memref<50176x32xf32, #tpu.memory_space<vmem_shared>>
            tpu.enqueue_indirect_dma source(%arg12 : memref<128x32xf32, #tpu.memory_space<vmem>>) target(%dma_start3A_169 : memref<50176x32xf32, #tpu.memory_space<vmem_shared>>) offsets(%dma_start3A_166 : memref<128xi32, #tpu.memory_space<vmem>>) semaphore(%run_scoped3A_163 : memref<!tpu.dma_semaphore, #tpu.memory_space<semaphore_mem>>) {add = true}
            %dma_wait3A_170 = arith.constant 0 : i32
            %dma_wait3A_171 = tpu.memref_slice %arg10[%add3A_124, %dma_wait3A_170] : memref<49x128xi32, #tpu.memory_space<vmem>> -> memref<1x128xi32, #tpu.memory_space<vmem>>
            %dma_wait3A_172 = tpu.memref_squeeze %dma_wait3A_171 : memref<1x128xi32, #tpu.memory_space<vmem>> -> memref<128xi32, #tpu.memory_space<vmem>>
            %dma_wait3A_173 = arith.constant 0 : i32
            %dma_wait3A_174 = arith.constant 0 : i32
            %dma_wait3A_175 = tpu.memref_slice %arg8[%dma_wait3A_173, %dma_wait3A_174] : memref<50176x32xf32, #tpu.memory_space<vmem_shared>> -> memref<50176x32xf32, #tpu.memory_space<vmem_shared>>
            tpu.wait_indirect_dma semaphore(%run_scoped3A_163 : memref<!tpu.dma_semaphore, #tpu.memory_space<semaphore_mem>>) src(%arg12 : memref<128x32xf32, #tpu.memory_space<vmem>>) dst(%dma_wait3A_175 : memref<50176x32xf32, #tpu.memory_space<vmem_shared>>)
            tpu.yield
          }) : () -> ()
          %add3A_131 = arith.constant 5 : i32
          %add3A_132 = arith.addi %mul3A_100, %add3A_131 : i32
          %dma_start3A_133 = arith.constant 0 : i32
          %dma_start3A_134 = tpu.memref_slice %arg9[%add3A_132, %dma_start3A_133] : memref<49x128xi32, #tpu.memory_space<vmem>> -> memref<1x128xi32, #tpu.memory_space<vmem>>
          %dma_start3A_135 = tpu.memref_squeeze %dma_start3A_134 : memref<1x128xi32, #tpu.memory_space<vmem>> -> memref<128xi32, #tpu.memory_space<vmem>>
          %dma_start3A_136 = arith.constant 0 : i32
          %dma_start3A_137 = arith.constant 0 : i32
          %dma_start3A_138 = tpu.memref_slice %arg3[%dma_start3A_136, %dma_start3A_137] : memref<50176x32xf32, #tpu.memory_space<hbm>> -> memref<50176x32xf32, #tpu.memory_space<hbm>>
          tpu.enqueue_indirect_dma source(%dma_start3A_138 : memref<50176x32xf32, #tpu.memory_space<hbm>>) target(%arg12 : memref<128x32xf32, #tpu.memory_space<vmem>>) offsets(%dma_start3A_135 : memref<128xi32, #tpu.memory_space<vmem>>) semaphore(%arg16 : memref<!tpu.dma_semaphore, #tpu.memory_space<semaphore_mem>>)
          %add3A_139 = arith.constant 2 : i32
          %add3A_140 = arith.addi %mul3A_100, %add3A_139 : i32
          %dma_wait3A_141 = arith.constant 0 : i32
          %dma_wait3A_142 = tpu.memref_slice %arg9[%add3A_140, %dma_wait3A_141] : memref<49x128xi32, #tpu.memory_space<vmem>> -> memref<1x128xi32, #tpu.memory_space<vmem>>
          %dma_wait3A_143 = tpu.memref_squeeze %dma_wait3A_142 : memref<1x128xi32, #tpu.memory_space<vmem>> -> memref<128xi32, #tpu.memory_space<vmem>>
          %dma_wait3A_144 = arith.constant 0 : i32
          %dma_wait3A_145 = arith.constant 0 : i32
          %dma_wait3A_146 = tpu.memref_slice %arg3[%dma_wait3A_144, %dma_wait3A_145] : memref<50176x32xf32, #tpu.memory_space<hbm>> -> memref<50176x32xf32, #tpu.memory_space<hbm>>
          tpu.wait_indirect_dma semaphore(%arg17 : memref<!tpu.dma_semaphore, #tpu.memory_space<semaphore_mem>>) src(%dma_wait3A_146 : memref<50176x32xf32, #tpu.memory_space<hbm>>) dst(%arg13 : memref<128x32xf32, #tpu.memory_space<vmem>>)
          "tpu.region"() ({
            %run_scoped3A_163 = tpu.sem_alloc : memref<!tpu.dma_semaphore, #tpu.memory_space<semaphore_mem>>
            %dma_start3A_164 = arith.constant 0 : i32
            %dma_start3A_165 = tpu.memref_slice %arg10[%add3A_140, %dma_start3A_164] : memref<49x128xi32, #tpu.memory_space<vmem>> -> memref<1x128xi32, #tpu.memory_space<vmem>>
            %dma_start3A_166 = tpu.memref_squeeze %dma_start3A_165 : memref<1x128xi32, #tpu.memory_space<vmem>> -> memref<128xi32, #tpu.memory_space<vmem>>
            %dma_start3A_167 = arith.constant 0 : i32
            %dma_start3A_168 = arith.constant 0 : i32
            %dma_start3A_169 = tpu.memref_slice %arg8[%dma_start3A_167, %dma_start3A_168] : memref<50176x32xf32, #tpu.memory_space<vmem_shared>> -> memref<50176x32xf32, #tpu.memory_space<vmem_shared>>
            tpu.enqueue_indirect_dma source(%arg13 : memref<128x32xf32, #tpu.memory_space<vmem>>) target(%dma_start3A_169 : memref<50176x32xf32, #tpu.memory_space<vmem_shared>>) offsets(%dma_start3A_166 : memref<128xi32, #tpu.memory_space<vmem>>) semaphore(%run_scoped3A_163 : memref<!tpu.dma_semaphore, #tpu.memory_space<semaphore_mem>>) {add = true}
            %dma_wait3A_170 = arith.constant 0 : i32
            %dma_wait3A_171 = tpu.memref_slice %arg10[%add3A_140, %dma_wait3A_170] : memref<49x128xi32, #tpu.memory_space<vmem>> -> memref<1x128xi32, #tpu.memory_space<vmem>>
            %dma_wait3A_172 = tpu.memref_squeeze %dma_wait3A_171 : memref<1x128xi32, #tpu.memory_space<vmem>> -> memref<128xi32, #tpu.memory_space<vmem>>
            %dma_wait3A_173 = arith.constant 0 : i32
            %dma_wait3A_174 = arith.constant 0 : i32
            %dma_wait3A_175 = tpu.memref_slice %arg8[%dma_wait3A_173, %dma_wait3A_174] : memref<50176x32xf32, #tpu.memory_space<vmem_shared>> -> memref<50176x32xf32, #tpu.memory_space<vmem_shared>>
            tpu.wait_indirect_dma semaphore(%run_scoped3A_163 : memref<!tpu.dma_semaphore, #tpu.memory_space<semaphore_mem>>) src(%arg13 : memref<128x32xf32, #tpu.memory_space<vmem>>) dst(%dma_wait3A_175 : memref<50176x32xf32, #tpu.memory_space<vmem_shared>>)
            tpu.yield
          }) : () -> ()
          %add3A_147 = arith.constant 6 : i32
          %add3A_148 = arith.addi %mul3A_100, %add3A_147 : i32
          %dma_start3A_149 = arith.constant 0 : i32
          %dma_start3A_150 = tpu.memref_slice %arg9[%add3A_148, %dma_start3A_149] : memref<49x128xi32, #tpu.memory_space<vmem>> -> memref<1x128xi32, #tpu.memory_space<vmem>>
          %dma_start3A_151 = tpu.memref_squeeze %dma_start3A_150 : memref<1x128xi32, #tpu.memory_space<vmem>> -> memref<128xi32, #tpu.memory_space<vmem>>
          %dma_start3A_152 = arith.constant 0 : i32
          %dma_start3A_153 = arith.constant 0 : i32
          %dma_start3A_154 = tpu.memref_slice %arg3[%dma_start3A_152, %dma_start3A_153] : memref<50176x32xf32, #tpu.memory_space<hbm>> -> memref<50176x32xf32, #tpu.memory_space<hbm>>
          tpu.enqueue_indirect_dma source(%dma_start3A_154 : memref<50176x32xf32, #tpu.memory_space<hbm>>) target(%arg13 : memref<128x32xf32, #tpu.memory_space<vmem>>) offsets(%dma_start3A_151 : memref<128xi32, #tpu.memory_space<vmem>>) semaphore(%arg17 : memref<!tpu.dma_semaphore, #tpu.memory_space<semaphore_mem>>)
          %add3A_155 = arith.constant 3 : i32
          %add3A_156 = arith.addi %mul3A_100, %add3A_155 : i32
          %dma_wait3A_157 = arith.constant 0 : i32
          %dma_wait3A_158 = tpu.memref_slice %arg9[%add3A_156, %dma_wait3A_157] : memref<49x128xi32, #tpu.memory_space<vmem>> -> memref<1x128xi32, #tpu.memory_space<vmem>>
          %dma_wait3A_159 = tpu.memref_squeeze %dma_wait3A_158 : memref<1x128xi32, #tpu.memory_space<vmem>> -> memref<128xi32, #tpu.memory_space<vmem>>
          %dma_wait3A_160 = arith.constant 0 : i32
          %dma_wait3A_161 = arith.constant 0 : i32
          %dma_wait3A_162 = tpu.memref_slice %arg3[%dma_wait3A_160, %dma_wait3A_161] : memref<50176x32xf32, #tpu.memory_space<hbm>> -> memref<50176x32xf32, #tpu.memory_space<hbm>>
          tpu.wait_indirect_dma semaphore(%arg18 : memref<!tpu.dma_semaphore, #tpu.memory_space<semaphore_mem>>) src(%dma_wait3A_162 : memref<50176x32xf32, #tpu.memory_space<hbm>>) dst(%arg14 : memref<128x32xf32, #tpu.memory_space<vmem>>)
          "tpu.region"() ({
            %run_scoped3A_163 = tpu.sem_alloc : memref<!tpu.dma_semaphore, #tpu.memory_space<semaphore_mem>>
            %dma_start3A_164 = arith.constant 0 : i32
            %dma_start3A_165 = tpu.memref_slice %arg10[%add3A_156, %dma_start3A_164] : memref<49x128xi32, #tpu.memory_space<vmem>> -> memref<1x128xi32, #tpu.memory_space<vmem>>
            %dma_start3A_166 = tpu.memref_squeeze %dma_start3A_165 : memref<1x128xi32, #tpu.memory_space<vmem>> -> memref<128xi32, #tpu.memory_space<vmem>>
            %dma_start3A_167 = arith.constant 0 : i32
            %dma_start3A_168 = arith.constant 0 : i32
            %dma_start3A_169 = tpu.memref_slice %arg8[%dma_start3A_167, %dma_start3A_168] : memref<50176x32xf32, #tpu.memory_space<vmem_shared>> -> memref<50176x32xf32, #tpu.memory_space<vmem_shared>>
            tpu.enqueue_indirect_dma source(%arg14 : memref<128x32xf32, #tpu.memory_space<vmem>>) target(%dma_start3A_169 : memref<50176x32xf32, #tpu.memory_space<vmem_shared>>) offsets(%dma_start3A_166 : memref<128xi32, #tpu.memory_space<vmem>>) semaphore(%run_scoped3A_163 : memref<!tpu.dma_semaphore, #tpu.memory_space<semaphore_mem>>) {add = true}
            %dma_wait3A_170 = arith.constant 0 : i32
            %dma_wait3A_171 = tpu.memref_slice %arg10[%add3A_156, %dma_wait3A_170] : memref<49x128xi32, #tpu.memory_space<vmem>> -> memref<1x128xi32, #tpu.memory_space<vmem>>
            %dma_wait3A_172 = tpu.memref_squeeze %dma_wait3A_171 : memref<1x128xi32, #tpu.memory_space<vmem>> -> memref<128xi32, #tpu.memory_space<vmem>>
            %dma_wait3A_173 = arith.constant 0 : i32
            %dma_wait3A_174 = arith.constant 0 : i32
            %dma_wait3A_175 = tpu.memref_slice %arg8[%dma_wait3A_173, %dma_wait3A_174] : memref<50176x32xf32, #tpu.memory_space<vmem_shared>> -> memref<50176x32xf32, #tpu.memory_space<vmem_shared>>
            tpu.wait_indirect_dma semaphore(%run_scoped3A_163 : memref<!tpu.dma_semaphore, #tpu.memory_space<semaphore_mem>>) src(%arg14 : memref<128x32xf32, #tpu.memory_space<vmem>>) dst(%dma_wait3A_175 : memref<50176x32xf32, #tpu.memory_space<vmem_shared>>)
            tpu.yield
          }) : () -> ()
        }
        %scan3A_45 = arith.constant 11 : i32
        %dma_start3A_46 = arith.constant 47 : i32
        %dma_start3A_47 = arith.constant 0 : i32
        %dma_start3A_48 = tpu.memref_slice %arg9[%dma_start3A_46, %dma_start3A_47] : memref<49x128xi32, #tpu.memory_space<vmem>> -> memref<1x128xi32, #tpu.memory_space<vmem>>
        %dma_start3A_49 = tpu.memref_squeeze %dma_start3A_48 : memref<1x128xi32, #tpu.memory_space<vmem>> -> memref<128xi32, #tpu.memory_space<vmem>>
        %dma_start3A_50 = arith.constant 0 : i32
        %dma_start3A_51 = arith.constant 0 : i32
        %dma_start3A_52 = tpu.memref_slice %arg3[%dma_start3A_50, %dma_start3A_51] : memref<50176x32xf32, #tpu.memory_space<hbm>> -> memref<50176x32xf32, #tpu.memory_space<hbm>>
        tpu.enqueue_indirect_dma source(%dma_start3A_52 : memref<50176x32xf32, #tpu.memory_space<hbm>>) target(%arg14 : memref<128x32xf32, #tpu.memory_space<vmem>>) offsets(%dma_start3A_49 : memref<128xi32, #tpu.memory_space<vmem>>) semaphore(%arg18 : memref<!tpu.dma_semaphore, #tpu.memory_space<semaphore_mem>>)
        %dma_wait3A = arith.constant 44 : i32
        %dma_wait3A_53 = arith.constant 0 : i32
        %dma_wait3A_54 = tpu.memref_slice %arg9[%dma_wait3A, %dma_wait3A_53] : memref<49x128xi32, #tpu.memory_space<vmem>> -> memref<1x128xi32, #tpu.memory_space<vmem>>
        %dma_wait3A_55 = tpu.memref_squeeze %dma_wait3A_54 : memref<1x128xi32, #tpu.memory_space<vmem>> -> memref<128xi32, #tpu.memory_space<vmem>>
        %dma_wait3A_56 = arith.constant 0 : i32
        %dma_wait3A_57 = arith.constant 0 : i32
        %dma_wait3A_58 = tpu.memref_slice %arg3[%dma_wait3A_56, %dma_wait3A_57] : memref<50176x32xf32, #tpu.memory_space<hbm>> -> memref<50176x32xf32, #tpu.memory_space<hbm>>
        tpu.wait_indirect_dma semaphore(%arg15 : memref<!tpu.dma_semaphore, #tpu.memory_space<semaphore_mem>>) src(%dma_wait3A_58 : memref<50176x32xf32, #tpu.memory_space<hbm>>) dst(%arg11 : memref<128x32xf32, #tpu.memory_space<vmem>>)
        %run_scoped3A = arith.constant 44 : i32
        "tpu.region"() ({
          %run_scoped3A_98 = tpu.sem_alloc : memref<!tpu.dma_semaphore, #tpu.memory_space<semaphore_mem>>
          %dma_start3A_99 = arith.constant 0 : i32
          %dma_start3A_100 = tpu.memref_slice %arg10[%run_scoped3A, %dma_start3A_99] : memref<49x128xi32, #tpu.memory_space<vmem>> -> memref<1x128xi32, #tpu.memory_space<vmem>>
          %dma_start3A_101 = tpu.memref_squeeze %dma_start3A_100 : memref<1x128xi32, #tpu.memory_space<vmem>> -> memref<128xi32, #tpu.memory_space<vmem>>
          %dma_start3A_102 = arith.constant 0 : i32
          %dma_start3A_103 = arith.constant 0 : i32
          %dma_start3A_104 = tpu.memref_slice %arg8[%dma_start3A_102, %dma_start3A_103] : memref<50176x32xf32, #tpu.memory_space<vmem_shared>> -> memref<50176x32xf32, #tpu.memory_space<vmem_shared>>
          tpu.enqueue_indirect_dma source(%arg11 : memref<128x32xf32, #tpu.memory_space<vmem>>) target(%dma_start3A_104 : memref<50176x32xf32, #tpu.memory_space<vmem_shared>>) offsets(%dma_start3A_101 : memref<128xi32, #tpu.memory_space<vmem>>) semaphore(%run_scoped3A_98 : memref<!tpu.dma_semaphore, #tpu.memory_space<semaphore_mem>>) {add = true}
          %dma_wait3A_105 = arith.constant 0 : i32
          %dma_wait3A_106 = tpu.memref_slice %arg10[%run_scoped3A, %dma_wait3A_105] : memref<49x128xi32, #tpu.memory_space<vmem>> -> memref<1x128xi32, #tpu.memory_space<vmem>>
          %dma_wait3A_107 = tpu.memref_squeeze %dma_wait3A_106 : memref<1x128xi32, #tpu.memory_space<vmem>> -> memref<128xi32, #tpu.memory_space<vmem>>
          %dma_wait3A_108 = arith.constant 0 : i32
          %dma_wait3A_109 = arith.constant 0 : i32
          %dma_wait3A_110 = tpu.memref_slice %arg8[%dma_wait3A_108, %dma_wait3A_109] : memref<50176x32xf32, #tpu.memory_space<vmem_shared>> -> memref<50176x32xf32, #tpu.memory_space<vmem_shared>>
          tpu.wait_indirect_dma semaphore(%run_scoped3A_98 : memref<!tpu.dma_semaphore, #tpu.memory_space<semaphore_mem>>) src(%arg11 : memref<128x32xf32, #tpu.memory_space<vmem>>) dst(%dma_wait3A_110 : memref<50176x32xf32, #tpu.memory_space<vmem_shared>>)
          tpu.yield
        }) : () -> ()
        %dma_start3A_59 = arith.constant 48 : i32
        %dma_start3A_60 = arith.constant 0 : i32
        %dma_start3A_61 = tpu.memref_slice %arg9[%dma_start3A_59, %dma_start3A_60] : memref<49x128xi32, #tpu.memory_space<vmem>> -> memref<1x128xi32, #tpu.memory_space<vmem>>
        %dma_start3A_62 = tpu.memref_squeeze %dma_start3A_61 : memref<1x128xi32, #tpu.memory_space<vmem>> -> memref<128xi32, #tpu.memory_space<vmem>>
        %dma_start3A_63 = arith.constant 0 : i32
        %dma_start3A_64 = arith.constant 0 : i32
        %dma_start3A_65 = tpu.memref_slice %arg3[%dma_start3A_63, %dma_start3A_64] : memref<50176x32xf32, #tpu.memory_space<hbm>> -> memref<50176x32xf32, #tpu.memory_space<hbm>>
        tpu.enqueue_indirect_dma source(%dma_start3A_65 : memref<50176x32xf32, #tpu.memory_space<hbm>>) target(%arg11 : memref<128x32xf32, #tpu.memory_space<vmem>>) offsets(%dma_start3A_62 : memref<128xi32, #tpu.memory_space<vmem>>) semaphore(%arg15 : memref<!tpu.dma_semaphore, #tpu.memory_space<semaphore_mem>>)
        %dma_wait3A_66 = arith.constant 45 : i32
        %dma_wait3A_67 = arith.constant 0 : i32
        %dma_wait3A_68 = tpu.memref_slice %arg9[%dma_wait3A_66, %dma_wait3A_67] : memref<49x128xi32, #tpu.memory_space<vmem>> -> memref<1x128xi32, #tpu.memory_space<vmem>>
        %dma_wait3A_69 = tpu.memref_squeeze %dma_wait3A_68 : memref<1x128xi32, #tpu.memory_space<vmem>> -> memref<128xi32, #tpu.memory_space<vmem>>
        %dma_wait3A_70 = arith.constant 0 : i32
        %dma_wait3A_71 = arith.constant 0 : i32
        %dma_wait3A_72 = tpu.memref_slice %arg3[%dma_wait3A_70, %dma_wait3A_71] : memref<50176x32xf32, #tpu.memory_space<hbm>> -> memref<50176x32xf32, #tpu.memory_space<hbm>>
        tpu.wait_indirect_dma semaphore(%arg16 : memref<!tpu.dma_semaphore, #tpu.memory_space<semaphore_mem>>) src(%dma_wait3A_72 : memref<50176x32xf32, #tpu.memory_space<hbm>>) dst(%arg12 : memref<128x32xf32, #tpu.memory_space<vmem>>)
        %run_scoped3A_73 = arith.constant 45 : i32
        "tpu.region"() ({
          %run_scoped3A_98 = tpu.sem_alloc : memref<!tpu.dma_semaphore, #tpu.memory_space<semaphore_mem>>
          %dma_start3A_99 = arith.constant 0 : i32
          %dma_start3A_100 = tpu.memref_slice %arg10[%run_scoped3A_73, %dma_start3A_99] : memref<49x128xi32, #tpu.memory_space<vmem>> -> memref<1x128xi32, #tpu.memory_space<vmem>>
          %dma_start3A_101 = tpu.memref_squeeze %dma_start3A_100 : memref<1x128xi32, #tpu.memory_space<vmem>> -> memref<128xi32, #tpu.memory_space<vmem>>
          %dma_start3A_102 = arith.constant 0 : i32
          %dma_start3A_103 = arith.constant 0 : i32
          %dma_start3A_104 = tpu.memref_slice %arg8[%dma_start3A_102, %dma_start3A_103] : memref<50176x32xf32, #tpu.memory_space<vmem_shared>> -> memref<50176x32xf32, #tpu.memory_space<vmem_shared>>
          tpu.enqueue_indirect_dma source(%arg12 : memref<128x32xf32, #tpu.memory_space<vmem>>) target(%dma_start3A_104 : memref<50176x32xf32, #tpu.memory_space<vmem_shared>>) offsets(%dma_start3A_101 : memref<128xi32, #tpu.memory_space<vmem>>) semaphore(%run_scoped3A_98 : memref<!tpu.dma_semaphore, #tpu.memory_space<semaphore_mem>>) {add = true}
          %dma_wait3A_105 = arith.constant 0 : i32
          %dma_wait3A_106 = tpu.memref_slice %arg10[%run_scoped3A_73, %dma_wait3A_105] : memref<49x128xi32, #tpu.memory_space<vmem>> -> memref<1x128xi32, #tpu.memory_space<vmem>>
          %dma_wait3A_107 = tpu.memref_squeeze %dma_wait3A_106 : memref<1x128xi32, #tpu.memory_space<vmem>> -> memref<128xi32, #tpu.memory_space<vmem>>
          %dma_wait3A_108 = arith.constant 0 : i32
          %dma_wait3A_109 = arith.constant 0 : i32
          %dma_wait3A_110 = tpu.memref_slice %arg8[%dma_wait3A_108, %dma_wait3A_109] : memref<50176x32xf32, #tpu.memory_space<vmem_shared>> -> memref<50176x32xf32, #tpu.memory_space<vmem_shared>>
          tpu.wait_indirect_dma semaphore(%run_scoped3A_98 : memref<!tpu.dma_semaphore, #tpu.memory_space<semaphore_mem>>) src(%arg12 : memref<128x32xf32, #tpu.memory_space<vmem>>) dst(%dma_wait3A_110 : memref<50176x32xf32, #tpu.memory_space<vmem_shared>>)
          tpu.yield
        }) : () -> ()
        %dma_wait3A_74 = arith.constant 46 : i32
        %dma_wait3A_75 = arith.constant 0 : i32
        %dma_wait3A_76 = tpu.memref_slice %arg9[%dma_wait3A_74, %dma_wait3A_75] : memref<49x128xi32, #tpu.memory_space<vmem>> -> memref<1x128xi32, #tpu.memory_space<vmem>>
        %dma_wait3A_77 = tpu.memref_squeeze %dma_wait3A_76 : memref<1x128xi32, #tpu.memory_space<vmem>> -> memref<128xi32, #tpu.memory_space<vmem>>
        %dma_wait3A_78 = arith.constant 0 : i32
        %dma_wait3A_79 = arith.constant 0 : i32
        %dma_wait3A_80 = tpu.memref_slice %arg3[%dma_wait3A_78, %dma_wait3A_79] : memref<50176x32xf32, #tpu.memory_space<hbm>> -> memref<50176x32xf32, #tpu.memory_space<hbm>>
        tpu.wait_indirect_dma semaphore(%arg17 : memref<!tpu.dma_semaphore, #tpu.memory_space<semaphore_mem>>) src(%dma_wait3A_80 : memref<50176x32xf32, #tpu.memory_space<hbm>>) dst(%arg13 : memref<128x32xf32, #tpu.memory_space<vmem>>)
        %run_scoped3A_81 = arith.constant 46 : i32
        "tpu.region"() ({
          %run_scoped3A_98 = tpu.sem_alloc : memref<!tpu.dma_semaphore, #tpu.memory_space<semaphore_mem>>
          %dma_start3A_99 = arith.constant 0 : i32
          %dma_start3A_100 = tpu.memref_slice %arg10[%run_scoped3A_81, %dma_start3A_99] : memref<49x128xi32, #tpu.memory_space<vmem>> -> memref<1x128xi32, #tpu.memory_space<vmem>>
          %dma_start3A_101 = tpu.memref_squeeze %dma_start3A_100 : memref<1x128xi32, #tpu.memory_space<vmem>> -> memref<128xi32, #tpu.memory_space<vmem>>
          %dma_start3A_102 = arith.constant 0 : i32
          %dma_start3A_103 = arith.constant 0 : i32
          %dma_start3A_104 = tpu.memref_slice %arg8[%dma_start3A_102, %dma_start3A_103] : memref<50176x32xf32, #tpu.memory_space<vmem_shared>> -> memref<50176x32xf32, #tpu.memory_space<vmem_shared>>
          tpu.enqueue_indirect_dma source(%arg13 : memref<128x32xf32, #tpu.memory_space<vmem>>) target(%dma_start3A_104 : memref<50176x32xf32, #tpu.memory_space<vmem_shared>>) offsets(%dma_start3A_101 : memref<128xi32, #tpu.memory_space<vmem>>) semaphore(%run_scoped3A_98 : memref<!tpu.dma_semaphore, #tpu.memory_space<semaphore_mem>>) {add = true}
          %dma_wait3A_105 = arith.constant 0 : i32
          %dma_wait3A_106 = tpu.memref_slice %arg10[%run_scoped3A_81, %dma_wait3A_105] : memref<49x128xi32, #tpu.memory_space<vmem>> -> memref<1x128xi32, #tpu.memory_space<vmem>>
          %dma_wait3A_107 = tpu.memref_squeeze %dma_wait3A_106 : memref<1x128xi32, #tpu.memory_space<vmem>> -> memref<128xi32, #tpu.memory_space<vmem>>
          %dma_wait3A_108 = arith.constant 0 : i32
          %dma_wait3A_109 = arith.constant 0 : i32
          %dma_wait3A_110 = tpu.memref_slice %arg8[%dma_wait3A_108, %dma_wait3A_109] : memref<50176x32xf32, #tpu.memory_space<vmem_shared>> -> memref<50176x32xf32, #tpu.memory_space<vmem_shared>>
          tpu.wait_indirect_dma semaphore(%run_scoped3A_98 : memref<!tpu.dma_semaphore, #tpu.memory_space<semaphore_mem>>) src(%arg13 : memref<128x32xf32, #tpu.memory_space<vmem>>) dst(%dma_wait3A_110 : memref<50176x32xf32, #tpu.memory_space<vmem_shared>>)
          tpu.yield
        }) : () -> ()
        %dma_wait3A_82 = arith.constant 47 : i32
        %dma_wait3A_83 = arith.constant 0 : i32
        %dma_wait3A_84 = tpu.memref_slice %arg9[%dma_wait3A_82, %dma_wait3A_83] : memref<49x128xi32, #tpu.memory_space<vmem>> -> memref<1x128xi32, #tpu.memory_space<vmem>>
        %dma_wait3A_85 = tpu.memref_squeeze %dma_wait3A_84 : memref<1x128xi32, #tpu.memory_space<vmem>> -> memref<128xi32, #tpu.memory_space<vmem>>
        %dma_wait3A_86 = arith.constant 0 : i32
        %dma_wait3A_87 = arith.constant 0 : i32
        %dma_wait3A_88 = tpu.memref_slice %arg3[%dma_wait3A_86, %dma_wait3A_87] : memref<50176x32xf32, #tpu.memory_space<hbm>> -> memref<50176x32xf32, #tpu.memory_space<hbm>>
        tpu.wait_indirect_dma semaphore(%arg18 : memref<!tpu.dma_semaphore, #tpu.memory_space<semaphore_mem>>) src(%dma_wait3A_88 : memref<50176x32xf32, #tpu.memory_space<hbm>>) dst(%arg14 : memref<128x32xf32, #tpu.memory_space<vmem>>)
        %run_scoped3A_89 = arith.constant 47 : i32
        "tpu.region"() ({
          %run_scoped3A_98 = tpu.sem_alloc : memref<!tpu.dma_semaphore, #tpu.memory_space<semaphore_mem>>
          %dma_start3A_99 = arith.constant 0 : i32
          %dma_start3A_100 = tpu.memref_slice %arg10[%run_scoped3A_89, %dma_start3A_99] : memref<49x128xi32, #tpu.memory_space<vmem>> -> memref<1x128xi32, #tpu.memory_space<vmem>>
          %dma_start3A_101 = tpu.memref_squeeze %dma_start3A_100 : memref<1x128xi32, #tpu.memory_space<vmem>> -> memref<128xi32, #tpu.memory_space<vmem>>
          %dma_start3A_102 = arith.constant 0 : i32
          %dma_start3A_103 = arith.constant 0 : i32
          %dma_start3A_104 = tpu.memref_slice %arg8[%dma_start3A_102, %dma_start3A_103] : memref<50176x32xf32, #tpu.memory_space<vmem_shared>> -> memref<50176x32xf32, #tpu.memory_space<vmem_shared>>
          tpu.enqueue_indirect_dma source(%arg14 : memref<128x32xf32, #tpu.memory_space<vmem>>) target(%dma_start3A_104 : memref<50176x32xf32, #tpu.memory_space<vmem_shared>>) offsets(%dma_start3A_101 : memref<128xi32, #tpu.memory_space<vmem>>) semaphore(%run_scoped3A_98 : memref<!tpu.dma_semaphore, #tpu.memory_space<semaphore_mem>>) {add = true}
          %dma_wait3A_105 = arith.constant 0 : i32
          %dma_wait3A_106 = tpu.memref_slice %arg10[%run_scoped3A_89, %dma_wait3A_105] : memref<49x128xi32, #tpu.memory_space<vmem>> -> memref<1x128xi32, #tpu.memory_space<vmem>>
          %dma_wait3A_107 = tpu.memref_squeeze %dma_wait3A_106 : memref<1x128xi32, #tpu.memory_space<vmem>> -> memref<128xi32, #tpu.memory_space<vmem>>
          %dma_wait3A_108 = arith.constant 0 : i32
          %dma_wait3A_109 = arith.constant 0 : i32
          %dma_wait3A_110 = tpu.memref_slice %arg8[%dma_wait3A_108, %dma_wait3A_109] : memref<50176x32xf32, #tpu.memory_space<vmem_shared>> -> memref<50176x32xf32, #tpu.memory_space<vmem_shared>>
          tpu.wait_indirect_dma semaphore(%run_scoped3A_98 : memref<!tpu.dma_semaphore, #tpu.memory_space<semaphore_mem>>) src(%arg14 : memref<128x32xf32, #tpu.memory_space<vmem>>) dst(%dma_wait3A_110 : memref<50176x32xf32, #tpu.memory_space<vmem_shared>>)
          tpu.yield
        }) : () -> ()
        %dma_wait3A_90 = arith.constant 48 : i32
        %dma_wait3A_91 = arith.constant 0 : i32
        %dma_wait3A_92 = tpu.memref_slice %arg9[%dma_wait3A_90, %dma_wait3A_91] : memref<49x128xi32, #tpu.memory_space<vmem>> -> memref<1x128xi32, #tpu.memory_space<vmem>>
        %dma_wait3A_93 = tpu.memref_squeeze %dma_wait3A_92 : memref<1x128xi32, #tpu.memory_space<vmem>> -> memref<128xi32, #tpu.memory_space<vmem>>
        %dma_wait3A_94 = arith.constant 0 : i32
        %dma_wait3A_95 = arith.constant 0 : i32
        %dma_wait3A_96 = tpu.memref_slice %arg3[%dma_wait3A_94, %dma_wait3A_95] : memref<50176x32xf32, #tpu.memory_space<hbm>> -> memref<50176x32xf32, #tpu.memory_space<hbm>>
        tpu.wait_indirect_dma semaphore(%arg15 : memref<!tpu.dma_semaphore, #tpu.memory_space<semaphore_mem>>) src(%dma_wait3A_96 : memref<50176x32xf32, #tpu.memory_space<hbm>>) dst(%arg11 : memref<128x32xf32, #tpu.memory_space<vmem>>)
        %run_scoped3A_97 = arith.constant 48 : i32
        "tpu.region"() ({
          %run_scoped3A_98 = tpu.sem_alloc : memref<!tpu.dma_semaphore, #tpu.memory_space<semaphore_mem>>
          %dma_start3A_99 = arith.constant 0 : i32
          %dma_start3A_100 = tpu.memref_slice %arg10[%run_scoped3A_97, %dma_start3A_99] : memref<49x128xi32, #tpu.memory_space<vmem>> -> memref<1x128xi32, #tpu.memory_space<vmem>>
          %dma_start3A_101 = tpu.memref_squeeze %dma_start3A_100 : memref<1x128xi32, #tpu.memory_space<vmem>> -> memref<128xi32, #tpu.memory_space<vmem>>
          %dma_start3A_102 = arith.constant 0 : i32
          %dma_start3A_103 = arith.constant 0 : i32
          %dma_start3A_104 = tpu.memref_slice %arg8[%dma_start3A_102, %dma_start3A_103] : memref<50176x32xf32, #tpu.memory_space<vmem_shared>> -> memref<50176x32xf32, #tpu.memory_space<vmem_shared>>
          tpu.enqueue_indirect_dma source(%arg11 : memref<128x32xf32, #tpu.memory_space<vmem>>) target(%dma_start3A_104 : memref<50176x32xf32, #tpu.memory_space<vmem_shared>>) offsets(%dma_start3A_101 : memref<128xi32, #tpu.memory_space<vmem>>) semaphore(%run_scoped3A_98 : memref<!tpu.dma_semaphore, #tpu.memory_space<semaphore_mem>>) {add = true}
          %dma_wait3A_105 = arith.constant 0 : i32
          %dma_wait3A_106 = tpu.memref_slice %arg10[%run_scoped3A_97, %dma_wait3A_105] : memref<49x128xi32, #tpu.memory_space<vmem>> -> memref<1x128xi32, #tpu.memory_space<vmem>>
          %dma_wait3A_107 = tpu.memref_squeeze %dma_wait3A_106 : memref<1x128xi32, #tpu.memory_space<vmem>> -> memref<128xi32, #tpu.memory_space<vmem>>
          %dma_wait3A_108 = arith.constant 0 : i32
          %dma_wait3A_109 = arith.constant 0 : i32
          %dma_wait3A_110 = tpu.memref_slice %arg8[%dma_wait3A_108, %dma_wait3A_109] : memref<50176x32xf32, #tpu.memory_space<vmem_shared>> -> memref<50176x32xf32, #tpu.memory_space<vmem_shared>>
          tpu.wait_indirect_dma semaphore(%run_scoped3A_98 : memref<!tpu.dma_semaphore, #tpu.memory_space<semaphore_mem>>) src(%arg11 : memref<128x32xf32, #tpu.memory_space<vmem>>) dst(%dma_wait3A_110 : memref<50176x32xf32, #tpu.memory_space<vmem_shared>>)
          tpu.yield
        }) : () -> ()
      }
      %scan3A_12 = arith.constant 8 : i32
      %barrier3A_13 = arith.constant 0 : index
      tpu.barrier barrier_id(%barrier3A_13)
      "tpu.region"() ({
        %run_scoped3A = tpu.sem_alloc : memref<!tpu.dma_semaphore, #tpu.memory_space<semaphore_mem>>
        %dma_start3A = arith.constant 0 : i32
        %dma_start3A_14 = tpu.memref_slice %arg7[%multiple_of3A, %dma_start3A] : memref<50176x32xf32, #tpu.memory_space<hbm>> -> memref<3136x32xf32, #tpu.memory_space<hbm>>
        %dma_start3A_15 = arith.constant 0 : i32
        %dma_start3A_16 = tpu.memref_slice %arg8[%multiple_of3A, %dma_start3A_15] : memref<50176x32xf32, #tpu.memory_space<vmem_shared>> -> memref<3136x32xf32, #tpu.memory_space<vmem_shared>>
        tpu.enqueue_dma source(%dma_start3A_16 : memref<3136x32xf32, #tpu.memory_space<vmem_shared>>) target(%dma_start3A_14 : memref<3136x32xf32, #tpu.memory_space<hbm>>) target_semaphore(%run_scoped3A : memref<!tpu.dma_semaphore, #tpu.memory_space<semaphore_mem>>)
        %dma_wait3A = arith.constant 0 : i32
        %dma_wait3A_17 = tpu.memref_slice %arg7[%multiple_of3A, %dma_wait3A] : memref<50176x32xf32, #tpu.memory_space<hbm>> -> memref<3136x32xf32, #tpu.memory_space<hbm>>
        %dma_wait3A_18 = arith.constant 0 : i32
        %dma_wait3A_19 = tpu.memref_slice %arg8[%multiple_of3A, %dma_wait3A_18] : memref<50176x32xf32, #tpu.memory_space<vmem_shared>> -> memref<3136x32xf32, #tpu.memory_space<vmem_shared>>
        tpu.wait_dma2 semaphore(%run_scoped3A : memref<!tpu.dma_semaphore, #tpu.memory_space<semaphore_mem>>) src(%dma_wait3A_19 : memref<3136x32xf32, #tpu.memory_space<vmem_shared>>) dst(%dma_wait3A_17 : memref<3136x32xf32, #tpu.memory_space<hbm>>)
        tpu.yield
      }) : () -> ()
    } else {
    }
    return
  }
}

#map = affine_map<(d0, d1) -> (0, 0)>
#map1 = affine_map<(d0, d1) -> (0, 0, 0)>
module attributes {stable_mosaic.version = 14 : i64} {
  func.func @_sc_segment(%arg0: i32, %arg1: i32, %arg2: memref<50176x32xf32, #tpu.memory_space<hbm>>, %arg3: memref<50176x32xf32, #tpu.memory_space<hbm>>, %arg4: memref<128x49x128xi32, #tpu.memory_space<hbm>>, %arg5: memref<128x49x128xi32, #tpu.memory_space<hbm>>, %arg6: memref<50176x32xf32, #tpu.memory_space<hbm>>, %arg7: memref<50176x32xf32, #tpu.memory_space<hbm>>, %arg8: memref<50176x32xf32, #tpu.memory_space<vmem_shared>>, %arg9: memref<49x128xi32, #tpu.memory_space<vmem>>, %arg10: memref<49x128xi32, #tpu.memory_space<vmem>>, %arg11: memref<128x32xf32, #tpu.memory_space<vmem>>, %arg12: memref<128x32xf32, #tpu.memory_space<vmem>>, %arg13: memref<128x32xf32, #tpu.memory_space<vmem>>, %arg14: memref<128x32xf32, #tpu.memory_space<vmem>>, %arg15: memref<!tpu.dma_semaphore, #tpu.memory_space<semaphore_mem>>, %arg16: memref<!tpu.dma_semaphore, #tpu.memory_space<semaphore_mem>>, %arg17: memref<!tpu.dma_semaphore, #tpu.memory_space<semaphore_mem>>, %arg18: memref<!tpu.dma_semaphore, #tpu.memory_space<semaphore_mem>>) attributes {dimension_semantics = [#tpu.dimension_semantics<core_parallel>, #tpu.dimension_semantics<subcore_parallel>], iteration_bounds = array<i64: 2, 16>, scalar_prefetch = 0 : i64, scratch_operands = 11 : i64, tpu.core_type = #tpu.core_type<sc_vector_subcore>, window_params = [{transform_indices = #map}, {transform_indices = #map}, {transform_indices = #map1}, {transform_indices = #map1}, {transform_indices = #map}, {transform_indices = #map}]} {
    %mul3A = arith.constant 3136 : i32
    %mul3A_0 = arith.muli %arg1, %mul3A : i32
    %multiple_of3A = tpu.assume_multiple %mul3A_0, 8 : i32
    %eq3A = arith.constant 0 : i32
    %eq3A_1 = arith.cmpi eq, %arg0, %eq3A : i32
    %convert_element_type3A = arith.extui %eq3A_1 : i1 to i32
    %cond3A = arith.constant 0 : i32
    %cond3A_2 = arith.cmpi ne, %convert_element_type3A, %cond3A : i32
    scf.if %cond3A_2 {
      "tpu.region"() ({
        %run_scoped3A = tpu.sem_alloc : memref<!tpu.dma_semaphore, #tpu.memory_space<semaphore_mem>>
        %dma_start3A = arith.constant 0 : i32
        %dma_start3A_14 = tpu.memref_slice %arg8[%multiple_of3A, %dma_start3A] : memref<50176x32xf32, #tpu.memory_space<vmem_shared>> -> memref<3136x32xf32, #tpu.memory_space<vmem_shared>>
        %dma_start3A_15 = arith.constant 0 : i32
        %dma_start3A_16 = tpu.memref_slice %arg2[%multiple_of3A, %dma_start3A_15] : memref<50176x32xf32, #tpu.memory_space<hbm>> -> memref<3136x32xf32, #tpu.memory_space<hbm>>
        tpu.enqueue_dma source(%dma_start3A_16 : memref<3136x32xf32, #tpu.memory_space<hbm>>) target(%dma_start3A_14 : memref<3136x32xf32, #tpu.memory_space<vmem_shared>>) target_semaphore(%run_scoped3A : memref<!tpu.dma_semaphore, #tpu.memory_space<semaphore_mem>>)
        %dma_wait3A = arith.constant 0 : i32
        %dma_wait3A_17 = tpu.memref_slice %arg8[%multiple_of3A, %dma_wait3A] : memref<50176x32xf32, #tpu.memory_space<vmem_shared>> -> memref<3136x32xf32, #tpu.memory_space<vmem_shared>>
        %dma_wait3A_18 = arith.constant 0 : i32
        %dma_wait3A_19 = tpu.memref_slice %arg2[%multiple_of3A, %dma_wait3A_18] : memref<50176x32xf32, #tpu.memory_space<hbm>> -> memref<3136x32xf32, #tpu.memory_space<hbm>>
        tpu.wait_dma2 semaphore(%run_scoped3A : memref<!tpu.dma_semaphore, #tpu.memory_space<semaphore_mem>>) src(%dma_wait3A_19 : memref<3136x32xf32, #tpu.memory_space<hbm>>) dst(%dma_wait3A_17 : memref<3136x32xf32, #tpu.memory_space<vmem_shared>>)
        tpu.yield
      }) : () -> ()
      %barrier3A = arith.constant 0 : index
      tpu.barrier barrier_id(%barrier3A)
      %scan3A = arith.constant 0 : i32
      %scan3A_8 = arith.constant 0 : i32
      %scan3A_9 = arith.constant 8 : i32
      %scan3A_10 = arith.addi %scan3A_8, %scan3A_9 : i32
      %scan3A_11 = arith.constant 1 : i32
      scf.for %scan3A_14 = %scan3A_8 to %scan3A_10 step %scan3A_11  : i32 {
        %mul3A_15 = arith.constant 8 : i32
        %mul3A_16 = arith.muli %arg1, %mul3A_15 : i32
        %add3A = arith.addi %mul3A_16, %scan3A_14 : i32
        "tpu.region"() ({
          %run_scoped3A_98 = tpu.sem_alloc : memref<!tpu.dma_semaphore, #tpu.memory_space<semaphore_mem>>
          %dma_start3A_99 = arith.constant 0 : i32
          %dma_start3A_100 = arith.constant 0 : i32
          %dma_start3A_101 = tpu.memref_slice %arg4[%add3A, %dma_start3A_99, %dma_start3A_100] : memref<128x49x128xi32, #tpu.memory_space<hbm>> -> memref<1x49x128xi32, #tpu.memory_space<hbm>>
          %dma_start3A_102 = tpu.memref_squeeze %dma_start3A_101 : memref<1x49x128xi32, #tpu.memory_space<hbm>> -> memref<49x128xi32, #tpu.memory_space<hbm>>
          %dma_start3A_103 = arith.constant 0 : i32
          %dma_start3A_104 = arith.constant 0 : i32
          %dma_start3A_105 = tpu.memref_slice %arg4[%add3A, %dma_start3A_103, %dma_start3A_104] : memref<128x49x128xi32, #tpu.memory_space<hbm>> -> memref<1x49x128xi32, #tpu.memory_space<hbm>>
          %dma_start3A_106 = tpu.memref_squeeze %dma_start3A_105 : memref<1x49x128xi32, #tpu.memory_space<hbm>> -> memref<49x128xi32, #tpu.memory_space<hbm>>
          tpu.enqueue_dma source(%dma_start3A_106 : memref<49x128xi32, #tpu.memory_space<hbm>>) target(%arg9 : memref<49x128xi32, #tpu.memory_space<vmem>>) target_semaphore(%run_scoped3A_98 : memref<!tpu.dma_semaphore, #tpu.memory_space<semaphore_mem>>)
          %dma_wait3A_107 = arith.constant 0 : i32
          %dma_wait3A_108 = arith.constant 0 : i32
          %dma_wait3A_109 = tpu.memref_slice %arg4[%add3A, %dma_wait3A_107, %dma_wait3A_108] : memref<128x49x128xi32, #tpu.memory_space<hbm>> -> memref<1x49x128xi32, #tpu.memory_space<hbm>>
          %dma_wait3A_110 = tpu.memref_squeeze %dma_wait3A_109 : memref<1x49x128xi32, #tpu.memory_space<hbm>> -> memref<49x128xi32, #tpu.memory_space<hbm>>
          %dma_wait3A_111 = arith.constant 0 : i32
          %dma_wait3A_112 = arith.constant 0 : i32
          %dma_wait3A_113 = tpu.memref_slice %arg4[%add3A, %dma_wait3A_111, %dma_wait3A_112] : memref<128x49x128xi32, #tpu.memory_space<hbm>> -> memref<1x49x128xi32, #tpu.memory_space<hbm>>
          %dma_wait3A_114 = tpu.memref_squeeze %dma_wait3A_113 : memref<1x49x128xi32, #tpu.memory_space<hbm>> -> memref<49x128xi32, #tpu.memory_space<hbm>>
          tpu.wait_dma2 semaphore(%run_scoped3A_98 : memref<!tpu.dma_semaphore, #tpu.memory_space<semaphore_mem>>) src(%dma_wait3A_114 : memref<49x128xi32, #tpu.memory_space<hbm>>) dst(%arg9 : memref<49x128xi32, #tpu.memory_space<vmem>>)
          tpu.yield
        }) : () -> ()
        %mul3A_17 = arith.constant 8 : i32
        %mul3A_18 = arith.muli %arg1, %mul3A_17 : i32
        %add3A_19 = arith.addi %mul3A_18, %scan3A_14 : i32
        "tpu.region"() ({
          %run_scoped3A_98 = tpu.sem_alloc : memref<!tpu.dma_semaphore, #tpu.memory_space<semaphore_mem>>
          %dma_start3A_99 = arith.constant 0 : i32
          %dma_start3A_100 = arith.constant 0 : i32
          %dma_start3A_101 = tpu.memref_slice %arg5[%add3A_19, %dma_start3A_99, %dma_start3A_100] : memref<128x49x128xi32, #tpu.memory_space<hbm>> -> memref<1x49x128xi32, #tpu.memory_space<hbm>>
          %dma_start3A_102 = tpu.memref_squeeze %dma_start3A_101 : memref<1x49x128xi32, #tpu.memory_space<hbm>> -> memref<49x128xi32, #tpu.memory_space<hbm>>
          %dma_start3A_103 = arith.constant 0 : i32
          %dma_start3A_104 = arith.constant 0 : i32
          %dma_start3A_105 = tpu.memref_slice %arg5[%add3A_19, %dma_start3A_103, %dma_start3A_104] : memref<128x49x128xi32, #tpu.memory_space<hbm>> -> memref<1x49x128xi32, #tpu.memory_space<hbm>>
          %dma_start3A_106 = tpu.memref_squeeze %dma_start3A_105 : memref<1x49x128xi32, #tpu.memory_space<hbm>> -> memref<49x128xi32, #tpu.memory_space<hbm>>
          tpu.enqueue_dma source(%dma_start3A_106 : memref<49x128xi32, #tpu.memory_space<hbm>>) target(%arg10 : memref<49x128xi32, #tpu.memory_space<vmem>>) target_semaphore(%run_scoped3A_98 : memref<!tpu.dma_semaphore, #tpu.memory_space<semaphore_mem>>)
          %dma_wait3A_107 = arith.constant 0 : i32
          %dma_wait3A_108 = arith.constant 0 : i32
          %dma_wait3A_109 = tpu.memref_slice %arg5[%add3A_19, %dma_wait3A_107, %dma_wait3A_108] : memref<128x49x128xi32, #tpu.memory_space<hbm>> -> memref<1x49x128xi32, #tpu.memory_space<hbm>>
          %dma_wait3A_110 = tpu.memref_squeeze %dma_wait3A_109 : memref<1x49x128xi32, #tpu.memory_space<hbm>> -> memref<49x128xi32, #tpu.memory_space<hbm>>
          %dma_wait3A_111 = arith.constant 0 : i32
          %dma_wait3A_112 = arith.constant 0 : i32
          %dma_wait3A_113 = tpu.memref_slice %arg5[%add3A_19, %dma_wait3A_111, %dma_wait3A_112] : memref<128x49x128xi32, #tpu.memory_space<hbm>> -> memref<1x49x128xi32, #tpu.memory_space<hbm>>
          %dma_wait3A_114 = tpu.memref_squeeze %dma_wait3A_113 : memref<1x49x128xi32, #tpu.memory_space<hbm>> -> memref<49x128xi32, #tpu.memory_space<hbm>>
          tpu.wait_dma2 semaphore(%run_scoped3A_98 : memref<!tpu.dma_semaphore, #tpu.memory_space<semaphore_mem>>) src(%dma_wait3A_114 : memref<49x128xi32, #tpu.memory_space<hbm>>) dst(%arg10 : memref<49x128xi32, #tpu.memory_space<vmem>>)
          tpu.yield
        }) : () -> ()
        %dma_start3A = arith.constant 0 : i32
        %dma_start3A_20 = arith.constant 0 : i32
        %dma_start3A_21 = tpu.memref_slice %arg9[%dma_start3A, %dma_start3A_20] : memref<49x128xi32, #tpu.memory_space<vmem>> -> memref<1x128xi32, #tpu.memory_space<vmem>>
        %dma_start3A_22 = tpu.memref_squeeze %dma_start3A_21 : memref<1x128xi32, #tpu.memory_space<vmem>> -> memref<128xi32, #tpu.memory_space<vmem>>
        %dma_start3A_23 = arith.constant 0 : i32
        %dma_start3A_24 = arith.constant 0 : i32
        %dma_start3A_25 = tpu.memref_slice %arg2[%dma_start3A_23, %dma_start3A_24] : memref<50176x32xf32, #tpu.memory_space<hbm>> -> memref<50176x32xf32, #tpu.memory_space<hbm>>
        tpu.enqueue_indirect_dma source(%dma_start3A_25 : memref<50176x32xf32, #tpu.memory_space<hbm>>) target(%arg11 : memref<128x32xf32, #tpu.memory_space<vmem>>) offsets(%dma_start3A_22 : memref<128xi32, #tpu.memory_space<vmem>>) semaphore(%arg15 : memref<!tpu.dma_semaphore, #tpu.memory_space<semaphore_mem>>)
        %dma_start3A_26 = arith.constant 1 : i32
        %dma_start3A_27 = arith.constant 0 : i32
        %dma_start3A_28 = tpu.memref_slice %arg9[%dma_start3A_26, %dma_start3A_27] : memref<49x128xi32, #tpu.memory_space<vmem>> -> memref<1x128xi32, #tpu.memory_space<vmem>>
        %dma_start3A_29 = tpu.memref_squeeze %dma_start3A_28 : memref<1x128xi32, #tpu.memory_space<vmem>> -> memref<128xi32, #tpu.memory_space<vmem>>
        %dma_start3A_30 = arith.constant 0 : i32
        %dma_start3A_31 = arith.constant 0 : i32
        %dma_start3A_32 = tpu.memref_slice %arg2[%dma_start3A_30, %dma_start3A_31] : memref<50176x32xf32, #tpu.memory_space<hbm>> -> memref<50176x32xf32, #tpu.memory_space<hbm>>
        tpu.enqueue_indirect_dma source(%dma_start3A_32 : memref<50176x32xf32, #tpu.memory_space<hbm>>) target(%arg12 : memref<128x32xf32, #tpu.memory_space<vmem>>) offsets(%dma_start3A_29 : memref<128xi32, #tpu.memory_space<vmem>>) semaphore(%arg16 : memref<!tpu.dma_semaphore, #tpu.memory_space<semaphore_mem>>)
        %dma_start3A_33 = arith.constant 2 : i32
        %dma_start3A_34 = arith.constant 0 : i32
        %dma_start3A_35 = tpu.memref_slice %arg9[%dma_start3A_33, %dma_start3A_34] : memref<49x128xi32, #tpu.memory_space<vmem>> -> memref<1x128xi32, #tpu.memory_space<vmem>>
        %dma_start3A_36 = tpu.memref_squeeze %dma_start3A_35 : memref<1x128xi32, #tpu.memory_space<vmem>> -> memref<128xi32, #tpu.memory_space<vmem>>
        %dma_start3A_37 = arith.constant 0 : i32
        %dma_start3A_38 = arith.constant 0 : i32
        %dma_start3A_39 = tpu.memref_slice %arg2[%dma_start3A_37, %dma_start3A_38] : memref<50176x32xf32, #tpu.memory_space<hbm>> -> memref<50176x32xf32, #tpu.memory_space<hbm>>
        tpu.enqueue_indirect_dma source(%dma_start3A_39 : memref<50176x32xf32, #tpu.memory_space<hbm>>) target(%arg13 : memref<128x32xf32, #tpu.memory_space<vmem>>) offsets(%dma_start3A_36 : memref<128xi32, #tpu.memory_space<vmem>>) semaphore(%arg17 : memref<!tpu.dma_semaphore, #tpu.memory_space<semaphore_mem>>)
        %scan3A_40 = arith.constant 0 : i32
        %scan3A_41 = arith.constant 0 : i32
        %scan3A_42 = arith.constant 11 : i32
        %scan3A_43 = arith.addi %scan3A_41, %scan3A_42 : i32
        %scan3A_44 = arith.constant 1 : i32
        scf.for %scan3A_98 = %scan3A_41 to %scan3A_43 step %scan3A_44  : i32 {
          %mul3A_99 = arith.constant 4 : i32
          %mul3A_100 = arith.muli %scan3A_98, %mul3A_99 : i32
          %add3A_101 = arith.constant 3 : i32
          %add3A_102 = arith.addi %mul3A_100, %add3A_101 : i32
          %dma_start3A_103 = arith.constant 0 : i32
          %dma_start3A_104 = tpu.memref_slice %arg9[%add3A_102, %dma_start3A_103] : memref<49x128xi32, #tpu.memory_space<vmem>> -> memref<1x128xi32, #tpu.memory_space<vmem>>
          %dma_start3A_105 = tpu.memref_squeeze %dma_start3A_104 : memref<1x128xi32, #tpu.memory_space<vmem>> -> memref<128xi32, #tpu.memory_space<vmem>>
          %dma_start3A_106 = arith.constant 0 : i32
          %dma_start3A_107 = arith.constant 0 : i32
          %dma_start3A_108 = tpu.memref_slice %arg2[%dma_start3A_106, %dma_start3A_107] : memref<50176x32xf32, #tpu.memory_space<hbm>> -> memref<50176x32xf32, #tpu.memory_space<hbm>>
          tpu.enqueue_indirect_dma source(%dma_start3A_108 : memref<50176x32xf32, #tpu.memory_space<hbm>>) target(%arg14 : memref<128x32xf32, #tpu.memory_space<vmem>>) offsets(%dma_start3A_105 : memref<128xi32, #tpu.memory_space<vmem>>) semaphore(%arg18 : memref<!tpu.dma_semaphore, #tpu.memory_space<semaphore_mem>>)
          %dma_wait3A_109 = arith.constant 0 : i32
          %dma_wait3A_110 = tpu.memref_slice %arg9[%mul3A_100, %dma_wait3A_109] : memref<49x128xi32, #tpu.memory_space<vmem>> -> memref<1x128xi32, #tpu.memory_space<vmem>>
          %dma_wait3A_111 = tpu.memref_squeeze %dma_wait3A_110 : memref<1x128xi32, #tpu.memory_space<vmem>> -> memref<128xi32, #tpu.memory_space<vmem>>
          %dma_wait3A_112 = arith.constant 0 : i32
          %dma_wait3A_113 = arith.constant 0 : i32
          %dma_wait3A_114 = tpu.memref_slice %arg2[%dma_wait3A_112, %dma_wait3A_113] : memref<50176x32xf32, #tpu.memory_space<hbm>> -> memref<50176x32xf32, #tpu.memory_space<hbm>>
          tpu.wait_indirect_dma semaphore(%arg15 : memref<!tpu.dma_semaphore, #tpu.memory_space<semaphore_mem>>) src(%dma_wait3A_114 : memref<50176x32xf32, #tpu.memory_space<hbm>>) dst(%arg11 : memref<128x32xf32, #tpu.memory_space<vmem>>)
          "tpu.region"() ({
            %run_scoped3A_163 = tpu.sem_alloc : memref<!tpu.dma_semaphore, #tpu.memory_space<semaphore_mem>>
            %dma_start3A_164 = arith.constant 0 : i32
            %dma_start3A_165 = tpu.memref_slice %arg10[%mul3A_100, %dma_start3A_164] : memref<49x128xi32, #tpu.memory_space<vmem>> -> memref<1x128xi32, #tpu.memory_space<vmem>>
            %dma_start3A_166 = tpu.memref_squeeze %dma_start3A_165 : memref<1x128xi32, #tpu.memory_space<vmem>> -> memref<128xi32, #tpu.memory_space<vmem>>
            %dma_start3A_167 = arith.constant 0 : i32
            %dma_start3A_168 = arith.constant 0 : i32
            %dma_start3A_169 = tpu.memref_slice %arg8[%dma_start3A_167, %dma_start3A_168] : memref<50176x32xf32, #tpu.memory_space<vmem_shared>> -> memref<50176x32xf32, #tpu.memory_space<vmem_shared>>
            tpu.enqueue_indirect_dma source(%arg11 : memref<128x32xf32, #tpu.memory_space<vmem>>) target(%dma_start3A_169 : memref<50176x32xf32, #tpu.memory_space<vmem_shared>>) offsets(%dma_start3A_166 : memref<128xi32, #tpu.memory_space<vmem>>) semaphore(%run_scoped3A_163 : memref<!tpu.dma_semaphore, #tpu.memory_space<semaphore_mem>>) {add = true}
            %dma_wait3A_170 = arith.constant 0 : i32
            %dma_wait3A_171 = tpu.memref_slice %arg10[%mul3A_100, %dma_wait3A_170] : memref<49x128xi32, #tpu.memory_space<vmem>> -> memref<1x128xi32, #tpu.memory_space<vmem>>
            %dma_wait3A_172 = tpu.memref_squeeze %dma_wait3A_171 : memref<1x128xi32, #tpu.memory_space<vmem>> -> memref<128xi32, #tpu.memory_space<vmem>>
            %dma_wait3A_173 = arith.constant 0 : i32
            %dma_wait3A_174 = arith.constant 0 : i32
            %dma_wait3A_175 = tpu.memref_slice %arg8[%dma_wait3A_173, %dma_wait3A_174] : memref<50176x32xf32, #tpu.memory_space<vmem_shared>> -> memref<50176x32xf32, #tpu.memory_space<vmem_shared>>
            tpu.wait_indirect_dma semaphore(%run_scoped3A_163 : memref<!tpu.dma_semaphore, #tpu.memory_space<semaphore_mem>>) src(%arg11 : memref<128x32xf32, #tpu.memory_space<vmem>>) dst(%dma_wait3A_175 : memref<50176x32xf32, #tpu.memory_space<vmem_shared>>)
            tpu.yield
          }) : () -> ()
          %add3A_115 = arith.constant 4 : i32
          %add3A_116 = arith.addi %mul3A_100, %add3A_115 : i32
          %dma_start3A_117 = arith.constant 0 : i32
          %dma_start3A_118 = tpu.memref_slice %arg9[%add3A_116, %dma_start3A_117] : memref<49x128xi32, #tpu.memory_space<vmem>> -> memref<1x128xi32, #tpu.memory_space<vmem>>
          %dma_start3A_119 = tpu.memref_squeeze %dma_start3A_118 : memref<1x128xi32, #tpu.memory_space<vmem>> -> memref<128xi32, #tpu.memory_space<vmem>>
          %dma_start3A_120 = arith.constant 0 : i32
          %dma_start3A_121 = arith.constant 0 : i32
          %dma_start3A_122 = tpu.memref_slice %arg2[%dma_start3A_120, %dma_start3A_121] : memref<50176x32xf32, #tpu.memory_space<hbm>> -> memref<50176x32xf32, #tpu.memory_space<hbm>>
          tpu.enqueue_indirect_dma source(%dma_start3A_122 : memref<50176x32xf32, #tpu.memory_space<hbm>>) target(%arg11 : memref<128x32xf32, #tpu.memory_space<vmem>>) offsets(%dma_start3A_119 : memref<128xi32, #tpu.memory_space<vmem>>) semaphore(%arg15 : memref<!tpu.dma_semaphore, #tpu.memory_space<semaphore_mem>>)
          %add3A_123 = arith.constant 1 : i32
          %add3A_124 = arith.addi %mul3A_100, %add3A_123 : i32
          %dma_wait3A_125 = arith.constant 0 : i32
          %dma_wait3A_126 = tpu.memref_slice %arg9[%add3A_124, %dma_wait3A_125] : memref<49x128xi32, #tpu.memory_space<vmem>> -> memref<1x128xi32, #tpu.memory_space<vmem>>
          %dma_wait3A_127 = tpu.memref_squeeze %dma_wait3A_126 : memref<1x128xi32, #tpu.memory_space<vmem>> -> memref<128xi32, #tpu.memory_space<vmem>>
          %dma_wait3A_128 = arith.constant 0 : i32
          %dma_wait3A_129 = arith.constant 0 : i32
          %dma_wait3A_130 = tpu.memref_slice %arg2[%dma_wait3A_128, %dma_wait3A_129] : memref<50176x32xf32, #tpu.memory_space<hbm>> -> memref<50176x32xf32, #tpu.memory_space<hbm>>
          tpu.wait_indirect_dma semaphore(%arg16 : memref<!tpu.dma_semaphore, #tpu.memory_space<semaphore_mem>>) src(%dma_wait3A_130 : memref<50176x32xf32, #tpu.memory_space<hbm>>) dst(%arg12 : memref<128x32xf32, #tpu.memory_space<vmem>>)
          "tpu.region"() ({
            %run_scoped3A_163 = tpu.sem_alloc : memref<!tpu.dma_semaphore, #tpu.memory_space<semaphore_mem>>
            %dma_start3A_164 = arith.constant 0 : i32
            %dma_start3A_165 = tpu.memref_slice %arg10[%add3A_124, %dma_start3A_164] : memref<49x128xi32, #tpu.memory_space<vmem>> -> memref<1x128xi32, #tpu.memory_space<vmem>>
            %dma_start3A_166 = tpu.memref_squeeze %dma_start3A_165 : memref<1x128xi32, #tpu.memory_space<vmem>> -> memref<128xi32, #tpu.memory_space<vmem>>
            %dma_start3A_167 = arith.constant 0 : i32
            %dma_start3A_168 = arith.constant 0 : i32
            %dma_start3A_169 = tpu.memref_slice %arg8[%dma_start3A_167, %dma_start3A_168] : memref<50176x32xf32, #tpu.memory_space<vmem_shared>> -> memref<50176x32xf32, #tpu.memory_space<vmem_shared>>
            tpu.enqueue_indirect_dma source(%arg12 : memref<128x32xf32, #tpu.memory_space<vmem>>) target(%dma_start3A_169 : memref<50176x32xf32, #tpu.memory_space<vmem_shared>>) offsets(%dma_start3A_166 : memref<128xi32, #tpu.memory_space<vmem>>) semaphore(%run_scoped3A_163 : memref<!tpu.dma_semaphore, #tpu.memory_space<semaphore_mem>>) {add = true}
            %dma_wait3A_170 = arith.constant 0 : i32
            %dma_wait3A_171 = tpu.memref_slice %arg10[%add3A_124, %dma_wait3A_170] : memref<49x128xi32, #tpu.memory_space<vmem>> -> memref<1x128xi32, #tpu.memory_space<vmem>>
            %dma_wait3A_172 = tpu.memref_squeeze %dma_wait3A_171 : memref<1x128xi32, #tpu.memory_space<vmem>> -> memref<128xi32, #tpu.memory_space<vmem>>
            %dma_wait3A_173 = arith.constant 0 : i32
            %dma_wait3A_174 = arith.constant 0 : i32
            %dma_wait3A_175 = tpu.memref_slice %arg8[%dma_wait3A_173, %dma_wait3A_174] : memref<50176x32xf32, #tpu.memory_space<vmem_shared>> -> memref<50176x32xf32, #tpu.memory_space<vmem_shared>>
            tpu.wait_indirect_dma semaphore(%run_scoped3A_163 : memref<!tpu.dma_semaphore, #tpu.memory_space<semaphore_mem>>) src(%arg12 : memref<128x32xf32, #tpu.memory_space<vmem>>) dst(%dma_wait3A_175 : memref<50176x32xf32, #tpu.memory_space<vmem_shared>>)
            tpu.yield
          }) : () -> ()
          %add3A_131 = arith.constant 5 : i32
          %add3A_132 = arith.addi %mul3A_100, %add3A_131 : i32
          %dma_start3A_133 = arith.constant 0 : i32
          %dma_start3A_134 = tpu.memref_slice %arg9[%add3A_132, %dma_start3A_133] : memref<49x128xi32, #tpu.memory_space<vmem>> -> memref<1x128xi32, #tpu.memory_space<vmem>>
          %dma_start3A_135 = tpu.memref_squeeze %dma_start3A_134 : memref<1x128xi32, #tpu.memory_space<vmem>> -> memref<128xi32, #tpu.memory_space<vmem>>
          %dma_start3A_136 = arith.constant 0 : i32
          %dma_start3A_137 = arith.constant 0 : i32
          %dma_start3A_138 = tpu.memref_slice %arg2[%dma_start3A_136, %dma_start3A_137] : memref<50176x32xf32, #tpu.memory_space<hbm>> -> memref<50176x32xf32, #tpu.memory_space<hbm>>
          tpu.enqueue_indirect_dma source(%dma_start3A_138 : memref<50176x32xf32, #tpu.memory_space<hbm>>) target(%arg12 : memref<128x32xf32, #tpu.memory_space<vmem>>) offsets(%dma_start3A_135 : memref<128xi32, #tpu.memory_space<vmem>>) semaphore(%arg16 : memref<!tpu.dma_semaphore, #tpu.memory_space<semaphore_mem>>)
          %add3A_139 = arith.constant 2 : i32
          %add3A_140 = arith.addi %mul3A_100, %add3A_139 : i32
          %dma_wait3A_141 = arith.constant 0 : i32
          %dma_wait3A_142 = tpu.memref_slice %arg9[%add3A_140, %dma_wait3A_141] : memref<49x128xi32, #tpu.memory_space<vmem>> -> memref<1x128xi32, #tpu.memory_space<vmem>>
          %dma_wait3A_143 = tpu.memref_squeeze %dma_wait3A_142 : memref<1x128xi32, #tpu.memory_space<vmem>> -> memref<128xi32, #tpu.memory_space<vmem>>
          %dma_wait3A_144 = arith.constant 0 : i32
          %dma_wait3A_145 = arith.constant 0 : i32
          %dma_wait3A_146 = tpu.memref_slice %arg2[%dma_wait3A_144, %dma_wait3A_145] : memref<50176x32xf32, #tpu.memory_space<hbm>> -> memref<50176x32xf32, #tpu.memory_space<hbm>>
          tpu.wait_indirect_dma semaphore(%arg17 : memref<!tpu.dma_semaphore, #tpu.memory_space<semaphore_mem>>) src(%dma_wait3A_146 : memref<50176x32xf32, #tpu.memory_space<hbm>>) dst(%arg13 : memref<128x32xf32, #tpu.memory_space<vmem>>)
          "tpu.region"() ({
            %run_scoped3A_163 = tpu.sem_alloc : memref<!tpu.dma_semaphore, #tpu.memory_space<semaphore_mem>>
            %dma_start3A_164 = arith.constant 0 : i32
            %dma_start3A_165 = tpu.memref_slice %arg10[%add3A_140, %dma_start3A_164] : memref<49x128xi32, #tpu.memory_space<vmem>> -> memref<1x128xi32, #tpu.memory_space<vmem>>
            %dma_start3A_166 = tpu.memref_squeeze %dma_start3A_165 : memref<1x128xi32, #tpu.memory_space<vmem>> -> memref<128xi32, #tpu.memory_space<vmem>>
            %dma_start3A_167 = arith.constant 0 : i32
            %dma_start3A_168 = arith.constant 0 : i32
            %dma_start3A_169 = tpu.memref_slice %arg8[%dma_start3A_167, %dma_start3A_168] : memref<50176x32xf32, #tpu.memory_space<vmem_shared>> -> memref<50176x32xf32, #tpu.memory_space<vmem_shared>>
            tpu.enqueue_indirect_dma source(%arg13 : memref<128x32xf32, #tpu.memory_space<vmem>>) target(%dma_start3A_169 : memref<50176x32xf32, #tpu.memory_space<vmem_shared>>) offsets(%dma_start3A_166 : memref<128xi32, #tpu.memory_space<vmem>>) semaphore(%run_scoped3A_163 : memref<!tpu.dma_semaphore, #tpu.memory_space<semaphore_mem>>) {add = true}
            %dma_wait3A_170 = arith.constant 0 : i32
            %dma_wait3A_171 = tpu.memref_slice %arg10[%add3A_140, %dma_wait3A_170] : memref<49x128xi32, #tpu.memory_space<vmem>> -> memref<1x128xi32, #tpu.memory_space<vmem>>
            %dma_wait3A_172 = tpu.memref_squeeze %dma_wait3A_171 : memref<1x128xi32, #tpu.memory_space<vmem>> -> memref<128xi32, #tpu.memory_space<vmem>>
            %dma_wait3A_173 = arith.constant 0 : i32
            %dma_wait3A_174 = arith.constant 0 : i32
            %dma_wait3A_175 = tpu.memref_slice %arg8[%dma_wait3A_173, %dma_wait3A_174] : memref<50176x32xf32, #tpu.memory_space<vmem_shared>> -> memref<50176x32xf32, #tpu.memory_space<vmem_shared>>
            tpu.wait_indirect_dma semaphore(%run_scoped3A_163 : memref<!tpu.dma_semaphore, #tpu.memory_space<semaphore_mem>>) src(%arg13 : memref<128x32xf32, #tpu.memory_space<vmem>>) dst(%dma_wait3A_175 : memref<50176x32xf32, #tpu.memory_space<vmem_shared>>)
            tpu.yield
          }) : () -> ()
          %add3A_147 = arith.constant 6 : i32
          %add3A_148 = arith.addi %mul3A_100, %add3A_147 : i32
          %dma_start3A_149 = arith.constant 0 : i32
          %dma_start3A_150 = tpu.memref_slice %arg9[%add3A_148, %dma_start3A_149] : memref<49x128xi32, #tpu.memory_space<vmem>> -> memref<1x128xi32, #tpu.memory_space<vmem>>
          %dma_start3A_151 = tpu.memref_squeeze %dma_start3A_150 : memref<1x128xi32, #tpu.memory_space<vmem>> -> memref<128xi32, #tpu.memory_space<vmem>>
          %dma_start3A_152 = arith.constant 0 : i32
          %dma_start3A_153 = arith.constant 0 : i32
          %dma_start3A_154 = tpu.memref_slice %arg2[%dma_start3A_152, %dma_start3A_153] : memref<50176x32xf32, #tpu.memory_space<hbm>> -> memref<50176x32xf32, #tpu.memory_space<hbm>>
          tpu.enqueue_indirect_dma source(%dma_start3A_154 : memref<50176x32xf32, #tpu.memory_space<hbm>>) target(%arg13 : memref<128x32xf32, #tpu.memory_space<vmem>>) offsets(%dma_start3A_151 : memref<128xi32, #tpu.memory_space<vmem>>) semaphore(%arg17 : memref<!tpu.dma_semaphore, #tpu.memory_space<semaphore_mem>>)
          %add3A_155 = arith.constant 3 : i32
          %add3A_156 = arith.addi %mul3A_100, %add3A_155 : i32
          %dma_wait3A_157 = arith.constant 0 : i32
          %dma_wait3A_158 = tpu.memref_slice %arg9[%add3A_156, %dma_wait3A_157] : memref<49x128xi32, #tpu.memory_space<vmem>> -> memref<1x128xi32, #tpu.memory_space<vmem>>
          %dma_wait3A_159 = tpu.memref_squeeze %dma_wait3A_158 : memref<1x128xi32, #tpu.memory_space<vmem>> -> memref<128xi32, #tpu.memory_space<vmem>>
          %dma_wait3A_160 = arith.constant 0 : i32
          %dma_wait3A_161 = arith.constant 0 : i32
          %dma_wait3A_162 = tpu.memref_slice %arg2[%dma_wait3A_160, %dma_wait3A_161] : memref<50176x32xf32, #tpu.memory_space<hbm>> -> memref<50176x32xf32, #tpu.memory_space<hbm>>
          tpu.wait_indirect_dma semaphore(%arg18 : memref<!tpu.dma_semaphore, #tpu.memory_space<semaphore_mem>>) src(%dma_wait3A_162 : memref<50176x32xf32, #tpu.memory_space<hbm>>) dst(%arg14 : memref<128x32xf32, #tpu.memory_space<vmem>>)
          "tpu.region"() ({
            %run_scoped3A_163 = tpu.sem_alloc : memref<!tpu.dma_semaphore, #tpu.memory_space<semaphore_mem>>
            %dma_start3A_164 = arith.constant 0 : i32
            %dma_start3A_165 = tpu.memref_slice %arg10[%add3A_156, %dma_start3A_164] : memref<49x128xi32, #tpu.memory_space<vmem>> -> memref<1x128xi32, #tpu.memory_space<vmem>>
            %dma_start3A_166 = tpu.memref_squeeze %dma_start3A_165 : memref<1x128xi32, #tpu.memory_space<vmem>> -> memref<128xi32, #tpu.memory_space<vmem>>
            %dma_start3A_167 = arith.constant 0 : i32
            %dma_start3A_168 = arith.constant 0 : i32
            %dma_start3A_169 = tpu.memref_slice %arg8[%dma_start3A_167, %dma_start3A_168] : memref<50176x32xf32, #tpu.memory_space<vmem_shared>> -> memref<50176x32xf32, #tpu.memory_space<vmem_shared>>
            tpu.enqueue_indirect_dma source(%arg14 : memref<128x32xf32, #tpu.memory_space<vmem>>) target(%dma_start3A_169 : memref<50176x32xf32, #tpu.memory_space<vmem_shared>>) offsets(%dma_start3A_166 : memref<128xi32, #tpu.memory_space<vmem>>) semaphore(%run_scoped3A_163 : memref<!tpu.dma_semaphore, #tpu.memory_space<semaphore_mem>>) {add = true}
            %dma_wait3A_170 = arith.constant 0 : i32
            %dma_wait3A_171 = tpu.memref_slice %arg10[%add3A_156, %dma_wait3A_170] : memref<49x128xi32, #tpu.memory_space<vmem>> -> memref<1x128xi32, #tpu.memory_space<vmem>>
            %dma_wait3A_172 = tpu.memref_squeeze %dma_wait3A_171 : memref<1x128xi32, #tpu.memory_space<vmem>> -> memref<128xi32, #tpu.memory_space<vmem>>
            %dma_wait3A_173 = arith.constant 0 : i32
            %dma_wait3A_174 = arith.constant 0 : i32
            %dma_wait3A_175 = tpu.memref_slice %arg8[%dma_wait3A_173, %dma_wait3A_174] : memref<50176x32xf32, #tpu.memory_space<vmem_shared>> -> memref<50176x32xf32, #tpu.memory_space<vmem_shared>>
            tpu.wait_indirect_dma semaphore(%run_scoped3A_163 : memref<!tpu.dma_semaphore, #tpu.memory_space<semaphore_mem>>) src(%arg14 : memref<128x32xf32, #tpu.memory_space<vmem>>) dst(%dma_wait3A_175 : memref<50176x32xf32, #tpu.memory_space<vmem_shared>>)
            tpu.yield
          }) : () -> ()
        }
        %scan3A_45 = arith.constant 11 : i32
        %dma_start3A_46 = arith.constant 47 : i32
        %dma_start3A_47 = arith.constant 0 : i32
        %dma_start3A_48 = tpu.memref_slice %arg9[%dma_start3A_46, %dma_start3A_47] : memref<49x128xi32, #tpu.memory_space<vmem>> -> memref<1x128xi32, #tpu.memory_space<vmem>>
        %dma_start3A_49 = tpu.memref_squeeze %dma_start3A_48 : memref<1x128xi32, #tpu.memory_space<vmem>> -> memref<128xi32, #tpu.memory_space<vmem>>
        %dma_start3A_50 = arith.constant 0 : i32
        %dma_start3A_51 = arith.constant 0 : i32
        %dma_start3A_52 = tpu.memref_slice %arg2[%dma_start3A_50, %dma_start3A_51] : memref<50176x32xf32, #tpu.memory_space<hbm>> -> memref<50176x32xf32, #tpu.memory_space<hbm>>
        tpu.enqueue_indirect_dma source(%dma_start3A_52 : memref<50176x32xf32, #tpu.memory_space<hbm>>) target(%arg14 : memref<128x32xf32, #tpu.memory_space<vmem>>) offsets(%dma_start3A_49 : memref<128xi32, #tpu.memory_space<vmem>>) semaphore(%arg18 : memref<!tpu.dma_semaphore, #tpu.memory_space<semaphore_mem>>)
        %dma_wait3A = arith.constant 44 : i32
        %dma_wait3A_53 = arith.constant 0 : i32
        %dma_wait3A_54 = tpu.memref_slice %arg9[%dma_wait3A, %dma_wait3A_53] : memref<49x128xi32, #tpu.memory_space<vmem>> -> memref<1x128xi32, #tpu.memory_space<vmem>>
        %dma_wait3A_55 = tpu.memref_squeeze %dma_wait3A_54 : memref<1x128xi32, #tpu.memory_space<vmem>> -> memref<128xi32, #tpu.memory_space<vmem>>
        %dma_wait3A_56 = arith.constant 0 : i32
        %dma_wait3A_57 = arith.constant 0 : i32
        %dma_wait3A_58 = tpu.memref_slice %arg2[%dma_wait3A_56, %dma_wait3A_57] : memref<50176x32xf32, #tpu.memory_space<hbm>> -> memref<50176x32xf32, #tpu.memory_space<hbm>>
        tpu.wait_indirect_dma semaphore(%arg15 : memref<!tpu.dma_semaphore, #tpu.memory_space<semaphore_mem>>) src(%dma_wait3A_58 : memref<50176x32xf32, #tpu.memory_space<hbm>>) dst(%arg11 : memref<128x32xf32, #tpu.memory_space<vmem>>)
        %run_scoped3A = arith.constant 44 : i32
        "tpu.region"() ({
          %run_scoped3A_98 = tpu.sem_alloc : memref<!tpu.dma_semaphore, #tpu.memory_space<semaphore_mem>>
          %dma_start3A_99 = arith.constant 0 : i32
          %dma_start3A_100 = tpu.memref_slice %arg10[%run_scoped3A, %dma_start3A_99] : memref<49x128xi32, #tpu.memory_space<vmem>> -> memref<1x128xi32, #tpu.memory_space<vmem>>
          %dma_start3A_101 = tpu.memref_squeeze %dma_start3A_100 : memref<1x128xi32, #tpu.memory_space<vmem>> -> memref<128xi32, #tpu.memory_space<vmem>>
          %dma_start3A_102 = arith.constant 0 : i32
          %dma_start3A_103 = arith.constant 0 : i32
          %dma_start3A_104 = tpu.memref_slice %arg8[%dma_start3A_102, %dma_start3A_103] : memref<50176x32xf32, #tpu.memory_space<vmem_shared>> -> memref<50176x32xf32, #tpu.memory_space<vmem_shared>>
          tpu.enqueue_indirect_dma source(%arg11 : memref<128x32xf32, #tpu.memory_space<vmem>>) target(%dma_start3A_104 : memref<50176x32xf32, #tpu.memory_space<vmem_shared>>) offsets(%dma_start3A_101 : memref<128xi32, #tpu.memory_space<vmem>>) semaphore(%run_scoped3A_98 : memref<!tpu.dma_semaphore, #tpu.memory_space<semaphore_mem>>) {add = true}
          %dma_wait3A_105 = arith.constant 0 : i32
          %dma_wait3A_106 = tpu.memref_slice %arg10[%run_scoped3A, %dma_wait3A_105] : memref<49x128xi32, #tpu.memory_space<vmem>> -> memref<1x128xi32, #tpu.memory_space<vmem>>
          %dma_wait3A_107 = tpu.memref_squeeze %dma_wait3A_106 : memref<1x128xi32, #tpu.memory_space<vmem>> -> memref<128xi32, #tpu.memory_space<vmem>>
          %dma_wait3A_108 = arith.constant 0 : i32
          %dma_wait3A_109 = arith.constant 0 : i32
          %dma_wait3A_110 = tpu.memref_slice %arg8[%dma_wait3A_108, %dma_wait3A_109] : memref<50176x32xf32, #tpu.memory_space<vmem_shared>> -> memref<50176x32xf32, #tpu.memory_space<vmem_shared>>
          tpu.wait_indirect_dma semaphore(%run_scoped3A_98 : memref<!tpu.dma_semaphore, #tpu.memory_space<semaphore_mem>>) src(%arg11 : memref<128x32xf32, #tpu.memory_space<vmem>>) dst(%dma_wait3A_110 : memref<50176x32xf32, #tpu.memory_space<vmem_shared>>)
          tpu.yield
        }) : () -> ()
        %dma_start3A_59 = arith.constant 48 : i32
        %dma_start3A_60 = arith.constant 0 : i32
        %dma_start3A_61 = tpu.memref_slice %arg9[%dma_start3A_59, %dma_start3A_60] : memref<49x128xi32, #tpu.memory_space<vmem>> -> memref<1x128xi32, #tpu.memory_space<vmem>>
        %dma_start3A_62 = tpu.memref_squeeze %dma_start3A_61 : memref<1x128xi32, #tpu.memory_space<vmem>> -> memref<128xi32, #tpu.memory_space<vmem>>
        %dma_start3A_63 = arith.constant 0 : i32
        %dma_start3A_64 = arith.constant 0 : i32
        %dma_start3A_65 = tpu.memref_slice %arg2[%dma_start3A_63, %dma_start3A_64] : memref<50176x32xf32, #tpu.memory_space<hbm>> -> memref<50176x32xf32, #tpu.memory_space<hbm>>
        tpu.enqueue_indirect_dma source(%dma_start3A_65 : memref<50176x32xf32, #tpu.memory_space<hbm>>) target(%arg11 : memref<128x32xf32, #tpu.memory_space<vmem>>) offsets(%dma_start3A_62 : memref<128xi32, #tpu.memory_space<vmem>>) semaphore(%arg15 : memref<!tpu.dma_semaphore, #tpu.memory_space<semaphore_mem>>)
        %dma_wait3A_66 = arith.constant 45 : i32
        %dma_wait3A_67 = arith.constant 0 : i32
        %dma_wait3A_68 = tpu.memref_slice %arg9[%dma_wait3A_66, %dma_wait3A_67] : memref<49x128xi32, #tpu.memory_space<vmem>> -> memref<1x128xi32, #tpu.memory_space<vmem>>
        %dma_wait3A_69 = tpu.memref_squeeze %dma_wait3A_68 : memref<1x128xi32, #tpu.memory_space<vmem>> -> memref<128xi32, #tpu.memory_space<vmem>>
        %dma_wait3A_70 = arith.constant 0 : i32
        %dma_wait3A_71 = arith.constant 0 : i32
        %dma_wait3A_72 = tpu.memref_slice %arg2[%dma_wait3A_70, %dma_wait3A_71] : memref<50176x32xf32, #tpu.memory_space<hbm>> -> memref<50176x32xf32, #tpu.memory_space<hbm>>
        tpu.wait_indirect_dma semaphore(%arg16 : memref<!tpu.dma_semaphore, #tpu.memory_space<semaphore_mem>>) src(%dma_wait3A_72 : memref<50176x32xf32, #tpu.memory_space<hbm>>) dst(%arg12 : memref<128x32xf32, #tpu.memory_space<vmem>>)
        %run_scoped3A_73 = arith.constant 45 : i32
        "tpu.region"() ({
          %run_scoped3A_98 = tpu.sem_alloc : memref<!tpu.dma_semaphore, #tpu.memory_space<semaphore_mem>>
          %dma_start3A_99 = arith.constant 0 : i32
          %dma_start3A_100 = tpu.memref_slice %arg10[%run_scoped3A_73, %dma_start3A_99] : memref<49x128xi32, #tpu.memory_space<vmem>> -> memref<1x128xi32, #tpu.memory_space<vmem>>
          %dma_start3A_101 = tpu.memref_squeeze %dma_start3A_100 : memref<1x128xi32, #tpu.memory_space<vmem>> -> memref<128xi32, #tpu.memory_space<vmem>>
          %dma_start3A_102 = arith.constant 0 : i32
          %dma_start3A_103 = arith.constant 0 : i32
          %dma_start3A_104 = tpu.memref_slice %arg8[%dma_start3A_102, %dma_start3A_103] : memref<50176x32xf32, #tpu.memory_space<vmem_shared>> -> memref<50176x32xf32, #tpu.memory_space<vmem_shared>>
          tpu.enqueue_indirect_dma source(%arg12 : memref<128x32xf32, #tpu.memory_space<vmem>>) target(%dma_start3A_104 : memref<50176x32xf32, #tpu.memory_space<vmem_shared>>) offsets(%dma_start3A_101 : memref<128xi32, #tpu.memory_space<vmem>>) semaphore(%run_scoped3A_98 : memref<!tpu.dma_semaphore, #tpu.memory_space<semaphore_mem>>) {add = true}
          %dma_wait3A_105 = arith.constant 0 : i32
          %dma_wait3A_106 = tpu.memref_slice %arg10[%run_scoped3A_73, %dma_wait3A_105] : memref<49x128xi32, #tpu.memory_space<vmem>> -> memref<1x128xi32, #tpu.memory_space<vmem>>
          %dma_wait3A_107 = tpu.memref_squeeze %dma_wait3A_106 : memref<1x128xi32, #tpu.memory_space<vmem>> -> memref<128xi32, #tpu.memory_space<vmem>>
          %dma_wait3A_108 = arith.constant 0 : i32
          %dma_wait3A_109 = arith.constant 0 : i32
          %dma_wait3A_110 = tpu.memref_slice %arg8[%dma_wait3A_108, %dma_wait3A_109] : memref<50176x32xf32, #tpu.memory_space<vmem_shared>> -> memref<50176x32xf32, #tpu.memory_space<vmem_shared>>
          tpu.wait_indirect_dma semaphore(%run_scoped3A_98 : memref<!tpu.dma_semaphore, #tpu.memory_space<semaphore_mem>>) src(%arg12 : memref<128x32xf32, #tpu.memory_space<vmem>>) dst(%dma_wait3A_110 : memref<50176x32xf32, #tpu.memory_space<vmem_shared>>)
          tpu.yield
        }) : () -> ()
        %dma_wait3A_74 = arith.constant 46 : i32
        %dma_wait3A_75 = arith.constant 0 : i32
        %dma_wait3A_76 = tpu.memref_slice %arg9[%dma_wait3A_74, %dma_wait3A_75] : memref<49x128xi32, #tpu.memory_space<vmem>> -> memref<1x128xi32, #tpu.memory_space<vmem>>
        %dma_wait3A_77 = tpu.memref_squeeze %dma_wait3A_76 : memref<1x128xi32, #tpu.memory_space<vmem>> -> memref<128xi32, #tpu.memory_space<vmem>>
        %dma_wait3A_78 = arith.constant 0 : i32
        %dma_wait3A_79 = arith.constant 0 : i32
        %dma_wait3A_80 = tpu.memref_slice %arg2[%dma_wait3A_78, %dma_wait3A_79] : memref<50176x32xf32, #tpu.memory_space<hbm>> -> memref<50176x32xf32, #tpu.memory_space<hbm>>
        tpu.wait_indirect_dma semaphore(%arg17 : memref<!tpu.dma_semaphore, #tpu.memory_space<semaphore_mem>>) src(%dma_wait3A_80 : memref<50176x32xf32, #tpu.memory_space<hbm>>) dst(%arg13 : memref<128x32xf32, #tpu.memory_space<vmem>>)
        %run_scoped3A_81 = arith.constant 46 : i32
        "tpu.region"() ({
          %run_scoped3A_98 = tpu.sem_alloc : memref<!tpu.dma_semaphore, #tpu.memory_space<semaphore_mem>>
          %dma_start3A_99 = arith.constant 0 : i32
          %dma_start3A_100 = tpu.memref_slice %arg10[%run_scoped3A_81, %dma_start3A_99] : memref<49x128xi32, #tpu.memory_space<vmem>> -> memref<1x128xi32, #tpu.memory_space<vmem>>
          %dma_start3A_101 = tpu.memref_squeeze %dma_start3A_100 : memref<1x128xi32, #tpu.memory_space<vmem>> -> memref<128xi32, #tpu.memory_space<vmem>>
          %dma_start3A_102 = arith.constant 0 : i32
          %dma_start3A_103 = arith.constant 0 : i32
          %dma_start3A_104 = tpu.memref_slice %arg8[%dma_start3A_102, %dma_start3A_103] : memref<50176x32xf32, #tpu.memory_space<vmem_shared>> -> memref<50176x32xf32, #tpu.memory_space<vmem_shared>>
          tpu.enqueue_indirect_dma source(%arg13 : memref<128x32xf32, #tpu.memory_space<vmem>>) target(%dma_start3A_104 : memref<50176x32xf32, #tpu.memory_space<vmem_shared>>) offsets(%dma_start3A_101 : memref<128xi32, #tpu.memory_space<vmem>>) semaphore(%run_scoped3A_98 : memref<!tpu.dma_semaphore, #tpu.memory_space<semaphore_mem>>) {add = true}
          %dma_wait3A_105 = arith.constant 0 : i32
          %dma_wait3A_106 = tpu.memref_slice %arg10[%run_scoped3A_81, %dma_wait3A_105] : memref<49x128xi32, #tpu.memory_space<vmem>> -> memref<1x128xi32, #tpu.memory_space<vmem>>
          %dma_wait3A_107 = tpu.memref_squeeze %dma_wait3A_106 : memref<1x128xi32, #tpu.memory_space<vmem>> -> memref<128xi32, #tpu.memory_space<vmem>>
          %dma_wait3A_108 = arith.constant 0 : i32
          %dma_wait3A_109 = arith.constant 0 : i32
          %dma_wait3A_110 = tpu.memref_slice %arg8[%dma_wait3A_108, %dma_wait3A_109] : memref<50176x32xf32, #tpu.memory_space<vmem_shared>> -> memref<50176x32xf32, #tpu.memory_space<vmem_shared>>
          tpu.wait_indirect_dma semaphore(%run_scoped3A_98 : memref<!tpu.dma_semaphore, #tpu.memory_space<semaphore_mem>>) src(%arg13 : memref<128x32xf32, #tpu.memory_space<vmem>>) dst(%dma_wait3A_110 : memref<50176x32xf32, #tpu.memory_space<vmem_shared>>)
          tpu.yield
        }) : () -> ()
        %dma_wait3A_82 = arith.constant 47 : i32
        %dma_wait3A_83 = arith.constant 0 : i32
        %dma_wait3A_84 = tpu.memref_slice %arg9[%dma_wait3A_82, %dma_wait3A_83] : memref<49x128xi32, #tpu.memory_space<vmem>> -> memref<1x128xi32, #tpu.memory_space<vmem>>
        %dma_wait3A_85 = tpu.memref_squeeze %dma_wait3A_84 : memref<1x128xi32, #tpu.memory_space<vmem>> -> memref<128xi32, #tpu.memory_space<vmem>>
        %dma_wait3A_86 = arith.constant 0 : i32
        %dma_wait3A_87 = arith.constant 0 : i32
        %dma_wait3A_88 = tpu.memref_slice %arg2[%dma_wait3A_86, %dma_wait3A_87] : memref<50176x32xf32, #tpu.memory_space<hbm>> -> memref<50176x32xf32, #tpu.memory_space<hbm>>
        tpu.wait_indirect_dma semaphore(%arg18 : memref<!tpu.dma_semaphore, #tpu.memory_space<semaphore_mem>>) src(%dma_wait3A_88 : memref<50176x32xf32, #tpu.memory_space<hbm>>) dst(%arg14 : memref<128x32xf32, #tpu.memory_space<vmem>>)
        %run_scoped3A_89 = arith.constant 47 : i32
        "tpu.region"() ({
          %run_scoped3A_98 = tpu.sem_alloc : memref<!tpu.dma_semaphore, #tpu.memory_space<semaphore_mem>>
          %dma_start3A_99 = arith.constant 0 : i32
          %dma_start3A_100 = tpu.memref_slice %arg10[%run_scoped3A_89, %dma_start3A_99] : memref<49x128xi32, #tpu.memory_space<vmem>> -> memref<1x128xi32, #tpu.memory_space<vmem>>
          %dma_start3A_101 = tpu.memref_squeeze %dma_start3A_100 : memref<1x128xi32, #tpu.memory_space<vmem>> -> memref<128xi32, #tpu.memory_space<vmem>>
          %dma_start3A_102 = arith.constant 0 : i32
          %dma_start3A_103 = arith.constant 0 : i32
          %dma_start3A_104 = tpu.memref_slice %arg8[%dma_start3A_102, %dma_start3A_103] : memref<50176x32xf32, #tpu.memory_space<vmem_shared>> -> memref<50176x32xf32, #tpu.memory_space<vmem_shared>>
          tpu.enqueue_indirect_dma source(%arg14 : memref<128x32xf32, #tpu.memory_space<vmem>>) target(%dma_start3A_104 : memref<50176x32xf32, #tpu.memory_space<vmem_shared>>) offsets(%dma_start3A_101 : memref<128xi32, #tpu.memory_space<vmem>>) semaphore(%run_scoped3A_98 : memref<!tpu.dma_semaphore, #tpu.memory_space<semaphore_mem>>) {add = true}
          %dma_wait3A_105 = arith.constant 0 : i32
          %dma_wait3A_106 = tpu.memref_slice %arg10[%run_scoped3A_89, %dma_wait3A_105] : memref<49x128xi32, #tpu.memory_space<vmem>> -> memref<1x128xi32, #tpu.memory_space<vmem>>
          %dma_wait3A_107 = tpu.memref_squeeze %dma_wait3A_106 : memref<1x128xi32, #tpu.memory_space<vmem>> -> memref<128xi32, #tpu.memory_space<vmem>>
          %dma_wait3A_108 = arith.constant 0 : i32
          %dma_wait3A_109 = arith.constant 0 : i32
          %dma_wait3A_110 = tpu.memref_slice %arg8[%dma_wait3A_108, %dma_wait3A_109] : memref<50176x32xf32, #tpu.memory_space<vmem_shared>> -> memref<50176x32xf32, #tpu.memory_space<vmem_shared>>
          tpu.wait_indirect_dma semaphore(%run_scoped3A_98 : memref<!tpu.dma_semaphore, #tpu.memory_space<semaphore_mem>>) src(%arg14 : memref<128x32xf32, #tpu.memory_space<vmem>>) dst(%dma_wait3A_110 : memref<50176x32xf32, #tpu.memory_space<vmem_shared>>)
          tpu.yield
        }) : () -> ()
        %dma_wait3A_90 = arith.constant 48 : i32
        %dma_wait3A_91 = arith.constant 0 : i32
        %dma_wait3A_92 = tpu.memref_slice %arg9[%dma_wait3A_90, %dma_wait3A_91] : memref<49x128xi32, #tpu.memory_space<vmem>> -> memref<1x128xi32, #tpu.memory_space<vmem>>
        %dma_wait3A_93 = tpu.memref_squeeze %dma_wait3A_92 : memref<1x128xi32, #tpu.memory_space<vmem>> -> memref<128xi32, #tpu.memory_space<vmem>>
        %dma_wait3A_94 = arith.constant 0 : i32
        %dma_wait3A_95 = arith.constant 0 : i32
        %dma_wait3A_96 = tpu.memref_slice %arg2[%dma_wait3A_94, %dma_wait3A_95] : memref<50176x32xf32, #tpu.memory_space<hbm>> -> memref<50176x32xf32, #tpu.memory_space<hbm>>
        tpu.wait_indirect_dma semaphore(%arg15 : memref<!tpu.dma_semaphore, #tpu.memory_space<semaphore_mem>>) src(%dma_wait3A_96 : memref<50176x32xf32, #tpu.memory_space<hbm>>) dst(%arg11 : memref<128x32xf32, #tpu.memory_space<vmem>>)
        %run_scoped3A_97 = arith.constant 48 : i32
        "tpu.region"() ({
          %run_scoped3A_98 = tpu.sem_alloc : memref<!tpu.dma_semaphore, #tpu.memory_space<semaphore_mem>>
          %dma_start3A_99 = arith.constant 0 : i32
          %dma_start3A_100 = tpu.memref_slice %arg10[%run_scoped3A_97, %dma_start3A_99] : memref<49x128xi32, #tpu.memory_space<vmem>> -> memref<1x128xi32, #tpu.memory_space<vmem>>
          %dma_start3A_101 = tpu.memref_squeeze %dma_start3A_100 : memref<1x128xi32, #tpu.memory_space<vmem>> -> memref<128xi32, #tpu.memory_space<vmem>>
          %dma_start3A_102 = arith.constant 0 : i32
          %dma_start3A_103 = arith.constant 0 : i32
          %dma_start3A_104 = tpu.memref_slice %arg8[%dma_start3A_102, %dma_start3A_103] : memref<50176x32xf32, #tpu.memory_space<vmem_shared>> -> memref<50176x32xf32, #tpu.memory_space<vmem_shared>>
          tpu.enqueue_indirect_dma source(%arg11 : memref<128x32xf32, #tpu.memory_space<vmem>>) target(%dma_start3A_104 : memref<50176x32xf32, #tpu.memory_space<vmem_shared>>) offsets(%dma_start3A_101 : memref<128xi32, #tpu.memory_space<vmem>>) semaphore(%run_scoped3A_98 : memref<!tpu.dma_semaphore, #tpu.memory_space<semaphore_mem>>) {add = true}
          %dma_wait3A_105 = arith.constant 0 : i32
          %dma_wait3A_106 = tpu.memref_slice %arg10[%run_scoped3A_97, %dma_wait3A_105] : memref<49x128xi32, #tpu.memory_space<vmem>> -> memref<1x128xi32, #tpu.memory_space<vmem>>
          %dma_wait3A_107 = tpu.memref_squeeze %dma_wait3A_106 : memref<1x128xi32, #tpu.memory_space<vmem>> -> memref<128xi32, #tpu.memory_space<vmem>>
          %dma_wait3A_108 = arith.constant 0 : i32
          %dma_wait3A_109 = arith.constant 0 : i32
          %dma_wait3A_110 = tpu.memref_slice %arg8[%dma_wait3A_108, %dma_wait3A_109] : memref<50176x32xf32, #tpu.memory_space<vmem_shared>> -> memref<50176x32xf32, #tpu.memory_space<vmem_shared>>
          tpu.wait_indirect_dma semaphore(%run_scoped3A_98 : memref<!tpu.dma_semaphore, #tpu.memory_space<semaphore_mem>>) src(%arg11 : memref<128x32xf32, #tpu.memory_space<vmem>>) dst(%dma_wait3A_110 : memref<50176x32xf32, #tpu.memory_space<vmem_shared>>)
          tpu.yield
        }) : () -> ()
      }
      %scan3A_12 = arith.constant 8 : i32
      %barrier3A_13 = arith.constant 0 : index
      tpu.barrier barrier_id(%barrier3A_13)
      "tpu.region"() ({
        %run_scoped3A = tpu.sem_alloc : memref<!tpu.dma_semaphore, #tpu.memory_space<semaphore_mem>>
        %dma_start3A = arith.constant 0 : i32
        %dma_start3A_14 = tpu.memref_slice %arg6[%multiple_of3A, %dma_start3A] : memref<50176x32xf32, #tpu.memory_space<hbm>> -> memref<3136x32xf32, #tpu.memory_space<hbm>>
        %dma_start3A_15 = arith.constant 0 : i32
        %dma_start3A_16 = tpu.memref_slice %arg8[%multiple_of3A, %dma_start3A_15] : memref<50176x32xf32, #tpu.memory_space<vmem_shared>> -> memref<3136x32xf32, #tpu.memory_space<vmem_shared>>
        tpu.enqueue_dma source(%dma_start3A_16 : memref<3136x32xf32, #tpu.memory_space<vmem_shared>>) target(%dma_start3A_14 : memref<3136x32xf32, #tpu.memory_space<hbm>>) target_semaphore(%run_scoped3A : memref<!tpu.dma_semaphore, #tpu.memory_space<semaphore_mem>>)
        %dma_wait3A = arith.constant 0 : i32
        %dma_wait3A_17 = tpu.memref_slice %arg6[%multiple_of3A, %dma_wait3A] : memref<50176x32xf32, #tpu.memory_space<hbm>> -> memref<3136x32xf32, #tpu.memory_space<hbm>>
        %dma_wait3A_18 = arith.constant 0 : i32
        %dma_wait3A_19 = tpu.memref_slice %arg8[%multiple_of3A, %dma_wait3A_18] : memref<50176x32xf32, #tpu.memory_space<vmem_shared>> -> memref<3136x32xf32, #tpu.memory_space<vmem_shared>>
        tpu.wait_dma2 semaphore(%run_scoped3A : memref<!tpu.dma_semaphore, #tpu.memory_space<semaphore_mem>>) src(%dma_wait3A_19 : memref<3136x32xf32, #tpu.memory_space<vmem_shared>>) dst(%dma_wait3A_17 : memref<3136x32xf32, #tpu.memory_space<hbm>>)
        tpu.yield
      }) : () -> ()
    } else {
    }
    %eq3A_3 = arith.constant 1 : i32
    %eq3A_4 = arith.cmpi eq, %arg0, %eq3A_3 : i32
    %convert_element_type3A_5 = arith.extui %eq3A_4 : i1 to i32
    %cond3A_6 = arith.constant 0 : i32
    %cond3A_7 = arith.cmpi ne, %convert_element_type3A_5, %cond3A_6 : i32
    scf.if %cond3A_7 {
      "tpu.region"() ({
        %run_scoped3A = tpu.sem_alloc : memref<!tpu.dma_semaphore, #tpu.memory_space<semaphore_mem>>
        %dma_start3A = arith.constant 0 : i32
        %dma_start3A_14 = tpu.memref_slice %arg8[%multiple_of3A, %dma_start3A] : memref<50176x32xf32, #tpu.memory_space<vmem_shared>> -> memref<3136x32xf32, #tpu.memory_space<vmem_shared>>
        %dma_start3A_15 = arith.constant 0 : i32
        %dma_start3A_16 = tpu.memref_slice %arg3[%multiple_of3A, %dma_start3A_15] : memref<50176x32xf32, #tpu.memory_space<hbm>> -> memref<3136x32xf32, #tpu.memory_space<hbm>>
        tpu.enqueue_dma source(%dma_start3A_16 : memref<3136x32xf32, #tpu.memory_space<hbm>>) target(%dma_start3A_14 : memref<3136x32xf32, #tpu.memory_space<vmem_shared>>) target_semaphore(%run_scoped3A : memref<!tpu.dma_semaphore, #tpu.memory_space<semaphore_mem>>)
        %dma_wait3A = arith.constant 0 : i32
        %dma_wait3A_17 = tpu.memref_slice %arg8[%multiple_of3A, %dma_wait3A] : memref<50176x32xf32, #tpu.memory_space<vmem_shared>> -> memref<3136x32xf32, #tpu.memory_space<vmem_shared>>
        %dma_wait3A_18 = arith.constant 0 : i32
        %dma_wait3A_19 = tpu.memref_slice %arg3[%multiple_of3A, %dma_wait3A_18] : memref<50176x32xf32, #tpu.memory_space<hbm>> -> memref<3136x32xf32, #tpu.memory_space<hbm>>
        tpu.wait_dma2 semaphore(%run_scoped3A : memref<!tpu.dma_semaphore, #tpu.memory_space<semaphore_mem>>) src(%dma_wait3A_19 : memref<3136x32xf32, #tpu.memory_space<hbm>>) dst(%dma_wait3A_17 : memref<3136x32xf32, #tpu.memory_space<vmem_shared>>)
        tpu.yield
      }) : () -> ()
      %barrier3A = arith.constant 0 : index
      tpu.barrier barrier_id(%barrier3A)
      %scan3A = arith.constant 0 : i32
      %scan3A_8 = arith.constant 0 : i32
      %scan3A_9 = arith.constant 8 : i32
      %scan3A_10 = arith.addi %scan3A_8, %scan3A_9 : i32
      %scan3A_11 = arith.constant 1 : i32
      scf.for %scan3A_14 = %scan3A_8 to %scan3A_10 step %scan3A_11  : i32 {
        %mul3A_15 = arith.constant 8 : i32
        %mul3A_16 = arith.muli %arg1, %mul3A_15 : i32
        %add3A = arith.addi %mul3A_16, %scan3A_14 : i32
        "tpu.region"() ({
          %run_scoped3A_98 = tpu.sem_alloc : memref<!tpu.dma_semaphore, #tpu.memory_space<semaphore_mem>>
          %dma_start3A_99 = arith.constant 0 : i32
          %dma_start3A_100 = arith.constant 0 : i32
          %dma_start3A_101 = tpu.memref_slice %arg4[%add3A, %dma_start3A_99, %dma_start3A_100] : memref<128x49x128xi32, #tpu.memory_space<hbm>> -> memref<1x49x128xi32, #tpu.memory_space<hbm>>
          %dma_start3A_102 = tpu.memref_squeeze %dma_start3A_101 : memref<1x49x128xi32, #tpu.memory_space<hbm>> -> memref<49x128xi32, #tpu.memory_space<hbm>>
          %dma_start3A_103 = arith.constant 0 : i32
          %dma_start3A_104 = arith.constant 0 : i32
          %dma_start3A_105 = tpu.memref_slice %arg4[%add3A, %dma_start3A_103, %dma_start3A_104] : memref<128x49x128xi32, #tpu.memory_space<hbm>> -> memref<1x49x128xi32, #tpu.memory_space<hbm>>
          %dma_start3A_106 = tpu.memref_squeeze %dma_start3A_105 : memref<1x49x128xi32, #tpu.memory_space<hbm>> -> memref<49x128xi32, #tpu.memory_space<hbm>>
          tpu.enqueue_dma source(%dma_start3A_106 : memref<49x128xi32, #tpu.memory_space<hbm>>) target(%arg9 : memref<49x128xi32, #tpu.memory_space<vmem>>) target_semaphore(%run_scoped3A_98 : memref<!tpu.dma_semaphore, #tpu.memory_space<semaphore_mem>>)
          %dma_wait3A_107 = arith.constant 0 : i32
          %dma_wait3A_108 = arith.constant 0 : i32
          %dma_wait3A_109 = tpu.memref_slice %arg4[%add3A, %dma_wait3A_107, %dma_wait3A_108] : memref<128x49x128xi32, #tpu.memory_space<hbm>> -> memref<1x49x128xi32, #tpu.memory_space<hbm>>
          %dma_wait3A_110 = tpu.memref_squeeze %dma_wait3A_109 : memref<1x49x128xi32, #tpu.memory_space<hbm>> -> memref<49x128xi32, #tpu.memory_space<hbm>>
          %dma_wait3A_111 = arith.constant 0 : i32
          %dma_wait3A_112 = arith.constant 0 : i32
          %dma_wait3A_113 = tpu.memref_slice %arg4[%add3A, %dma_wait3A_111, %dma_wait3A_112] : memref<128x49x128xi32, #tpu.memory_space<hbm>> -> memref<1x49x128xi32, #tpu.memory_space<hbm>>
          %dma_wait3A_114 = tpu.memref_squeeze %dma_wait3A_113 : memref<1x49x128xi32, #tpu.memory_space<hbm>> -> memref<49x128xi32, #tpu.memory_space<hbm>>
          tpu.wait_dma2 semaphore(%run_scoped3A_98 : memref<!tpu.dma_semaphore, #tpu.memory_space<semaphore_mem>>) src(%dma_wait3A_114 : memref<49x128xi32, #tpu.memory_space<hbm>>) dst(%arg9 : memref<49x128xi32, #tpu.memory_space<vmem>>)
          tpu.yield
        }) : () -> ()
        %mul3A_17 = arith.constant 8 : i32
        %mul3A_18 = arith.muli %arg1, %mul3A_17 : i32
        %add3A_19 = arith.addi %mul3A_18, %scan3A_14 : i32
        "tpu.region"() ({
          %run_scoped3A_98 = tpu.sem_alloc : memref<!tpu.dma_semaphore, #tpu.memory_space<semaphore_mem>>
          %dma_start3A_99 = arith.constant 0 : i32
          %dma_start3A_100 = arith.constant 0 : i32
          %dma_start3A_101 = tpu.memref_slice %arg5[%add3A_19, %dma_start3A_99, %dma_start3A_100] : memref<128x49x128xi32, #tpu.memory_space<hbm>> -> memref<1x49x128xi32, #tpu.memory_space<hbm>>
          %dma_start3A_102 = tpu.memref_squeeze %dma_start3A_101 : memref<1x49x128xi32, #tpu.memory_space<hbm>> -> memref<49x128xi32, #tpu.memory_space<hbm>>
          %dma_start3A_103 = arith.constant 0 : i32
          %dma_start3A_104 = arith.constant 0 : i32
          %dma_start3A_105 = tpu.memref_slice %arg5[%add3A_19, %dma_start3A_103, %dma_start3A_104] : memref<128x49x128xi32, #tpu.memory_space<hbm>> -> memref<1x49x128xi32, #tpu.memory_space<hbm>>
          %dma_start3A_106 = tpu.memref_squeeze %dma_start3A_105 : memref<1x49x128xi32, #tpu.memory_space<hbm>> -> memref<49x128xi32, #tpu.memory_space<hbm>>
          tpu.enqueue_dma source(%dma_start3A_106 : memref<49x128xi32, #tpu.memory_space<hbm>>) target(%arg10 : memref<49x128xi32, #tpu.memory_space<vmem>>) target_semaphore(%run_scoped3A_98 : memref<!tpu.dma_semaphore, #tpu.memory_space<semaphore_mem>>)
          %dma_wait3A_107 = arith.constant 0 : i32
          %dma_wait3A_108 = arith.constant 0 : i32
          %dma_wait3A_109 = tpu.memref_slice %arg5[%add3A_19, %dma_wait3A_107, %dma_wait3A_108] : memref<128x49x128xi32, #tpu.memory_space<hbm>> -> memref<1x49x128xi32, #tpu.memory_space<hbm>>
          %dma_wait3A_110 = tpu.memref_squeeze %dma_wait3A_109 : memref<1x49x128xi32, #tpu.memory_space<hbm>> -> memref<49x128xi32, #tpu.memory_space<hbm>>
          %dma_wait3A_111 = arith.constant 0 : i32
          %dma_wait3A_112 = arith.constant 0 : i32
          %dma_wait3A_113 = tpu.memref_slice %arg5[%add3A_19, %dma_wait3A_111, %dma_wait3A_112] : memref<128x49x128xi32, #tpu.memory_space<hbm>> -> memref<1x49x128xi32, #tpu.memory_space<hbm>>
          %dma_wait3A_114 = tpu.memref_squeeze %dma_wait3A_113 : memref<1x49x128xi32, #tpu.memory_space<hbm>> -> memref<49x128xi32, #tpu.memory_space<hbm>>
          tpu.wait_dma2 semaphore(%run_scoped3A_98 : memref<!tpu.dma_semaphore, #tpu.memory_space<semaphore_mem>>) src(%dma_wait3A_114 : memref<49x128xi32, #tpu.memory_space<hbm>>) dst(%arg10 : memref<49x128xi32, #tpu.memory_space<vmem>>)
          tpu.yield
        }) : () -> ()
        %dma_start3A = arith.constant 0 : i32
        %dma_start3A_20 = arith.constant 0 : i32
        %dma_start3A_21 = tpu.memref_slice %arg9[%dma_start3A, %dma_start3A_20] : memref<49x128xi32, #tpu.memory_space<vmem>> -> memref<1x128xi32, #tpu.memory_space<vmem>>
        %dma_start3A_22 = tpu.memref_squeeze %dma_start3A_21 : memref<1x128xi32, #tpu.memory_space<vmem>> -> memref<128xi32, #tpu.memory_space<vmem>>
        %dma_start3A_23 = arith.constant 0 : i32
        %dma_start3A_24 = arith.constant 0 : i32
        %dma_start3A_25 = tpu.memref_slice %arg3[%dma_start3A_23, %dma_start3A_24] : memref<50176x32xf32, #tpu.memory_space<hbm>> -> memref<50176x32xf32, #tpu.memory_space<hbm>>
        tpu.enqueue_indirect_dma source(%dma_start3A_25 : memref<50176x32xf32, #tpu.memory_space<hbm>>) target(%arg11 : memref<128x32xf32, #tpu.memory_space<vmem>>) offsets(%dma_start3A_22 : memref<128xi32, #tpu.memory_space<vmem>>) semaphore(%arg15 : memref<!tpu.dma_semaphore, #tpu.memory_space<semaphore_mem>>)
        %dma_start3A_26 = arith.constant 1 : i32
        %dma_start3A_27 = arith.constant 0 : i32
        %dma_start3A_28 = tpu.memref_slice %arg9[%dma_start3A_26, %dma_start3A_27] : memref<49x128xi32, #tpu.memory_space<vmem>> -> memref<1x128xi32, #tpu.memory_space<vmem>>
        %dma_start3A_29 = tpu.memref_squeeze %dma_start3A_28 : memref<1x128xi32, #tpu.memory_space<vmem>> -> memref<128xi32, #tpu.memory_space<vmem>>
        %dma_start3A_30 = arith.constant 0 : i32
        %dma_start3A_31 = arith.constant 0 : i32
        %dma_start3A_32 = tpu.memref_slice %arg3[%dma_start3A_30, %dma_start3A_31] : memref<50176x32xf32, #tpu.memory_space<hbm>> -> memref<50176x32xf32, #tpu.memory_space<hbm>>
        tpu.enqueue_indirect_dma source(%dma_start3A_32 : memref<50176x32xf32, #tpu.memory_space<hbm>>) target(%arg12 : memref<128x32xf32, #tpu.memory_space<vmem>>) offsets(%dma_start3A_29 : memref<128xi32, #tpu.memory_space<vmem>>) semaphore(%arg16 : memref<!tpu.dma_semaphore, #tpu.memory_space<semaphore_mem>>)
        %dma_start3A_33 = arith.constant 2 : i32
        %dma_start3A_34 = arith.constant 0 : i32
        %dma_start3A_35 = tpu.memref_slice %arg9[%dma_start3A_33, %dma_start3A_34] : memref<49x128xi32, #tpu.memory_space<vmem>> -> memref<1x128xi32, #tpu.memory_space<vmem>>
        %dma_start3A_36 = tpu.memref_squeeze %dma_start3A_35 : memref<1x128xi32, #tpu.memory_space<vmem>> -> memref<128xi32, #tpu.memory_space<vmem>>
        %dma_start3A_37 = arith.constant 0 : i32
        %dma_start3A_38 = arith.constant 0 : i32
        %dma_start3A_39 = tpu.memref_slice %arg3[%dma_start3A_37, %dma_start3A_38] : memref<50176x32xf32, #tpu.memory_space<hbm>> -> memref<50176x32xf32, #tpu.memory_space<hbm>>
        tpu.enqueue_indirect_dma source(%dma_start3A_39 : memref<50176x32xf32, #tpu.memory_space<hbm>>) target(%arg13 : memref<128x32xf32, #tpu.memory_space<vmem>>) offsets(%dma_start3A_36 : memref<128xi32, #tpu.memory_space<vmem>>) semaphore(%arg17 : memref<!tpu.dma_semaphore, #tpu.memory_space<semaphore_mem>>)
        %scan3A_40 = arith.constant 0 : i32
        %scan3A_41 = arith.constant 0 : i32
        %scan3A_42 = arith.constant 11 : i32
        %scan3A_43 = arith.addi %scan3A_41, %scan3A_42 : i32
        %scan3A_44 = arith.constant 1 : i32
        scf.for %scan3A_98 = %scan3A_41 to %scan3A_43 step %scan3A_44  : i32 {
          %mul3A_99 = arith.constant 4 : i32
          %mul3A_100 = arith.muli %scan3A_98, %mul3A_99 : i32
          %add3A_101 = arith.constant 3 : i32
          %add3A_102 = arith.addi %mul3A_100, %add3A_101 : i32
          %dma_start3A_103 = arith.constant 0 : i32
          %dma_start3A_104 = tpu.memref_slice %arg9[%add3A_102, %dma_start3A_103] : memref<49x128xi32, #tpu.memory_space<vmem>> -> memref<1x128xi32, #tpu.memory_space<vmem>>
          %dma_start3A_105 = tpu.memref_squeeze %dma_start3A_104 : memref<1x128xi32, #tpu.memory_space<vmem>> -> memref<128xi32, #tpu.memory_space<vmem>>
          %dma_start3A_106 = arith.constant 0 : i32
          %dma_start3A_107 = arith.constant 0 : i32
          %dma_start3A_108 = tpu.memref_slice %arg3[%dma_start3A_106, %dma_start3A_107] : memref<50176x32xf32, #tpu.memory_space<hbm>> -> memref<50176x32xf32, #tpu.memory_space<hbm>>
          tpu.enqueue_indirect_dma source(%dma_start3A_108 : memref<50176x32xf32, #tpu.memory_space<hbm>>) target(%arg14 : memref<128x32xf32, #tpu.memory_space<vmem>>) offsets(%dma_start3A_105 : memref<128xi32, #tpu.memory_space<vmem>>) semaphore(%arg18 : memref<!tpu.dma_semaphore, #tpu.memory_space<semaphore_mem>>)
          %dma_wait3A_109 = arith.constant 0 : i32
          %dma_wait3A_110 = tpu.memref_slice %arg9[%mul3A_100, %dma_wait3A_109] : memref<49x128xi32, #tpu.memory_space<vmem>> -> memref<1x128xi32, #tpu.memory_space<vmem>>
          %dma_wait3A_111 = tpu.memref_squeeze %dma_wait3A_110 : memref<1x128xi32, #tpu.memory_space<vmem>> -> memref<128xi32, #tpu.memory_space<vmem>>
          %dma_wait3A_112 = arith.constant 0 : i32
          %dma_wait3A_113 = arith.constant 0 : i32
          %dma_wait3A_114 = tpu.memref_slice %arg3[%dma_wait3A_112, %dma_wait3A_113] : memref<50176x32xf32, #tpu.memory_space<hbm>> -> memref<50176x32xf32, #tpu.memory_space<hbm>>
          tpu.wait_indirect_dma semaphore(%arg15 : memref<!tpu.dma_semaphore, #tpu.memory_space<semaphore_mem>>) src(%dma_wait3A_114 : memref<50176x32xf32, #tpu.memory_space<hbm>>) dst(%arg11 : memref<128x32xf32, #tpu.memory_space<vmem>>)
          "tpu.region"() ({
            %run_scoped3A_163 = tpu.sem_alloc : memref<!tpu.dma_semaphore, #tpu.memory_space<semaphore_mem>>
            %dma_start3A_164 = arith.constant 0 : i32
            %dma_start3A_165 = tpu.memref_slice %arg10[%mul3A_100, %dma_start3A_164] : memref<49x128xi32, #tpu.memory_space<vmem>> -> memref<1x128xi32, #tpu.memory_space<vmem>>
            %dma_start3A_166 = tpu.memref_squeeze %dma_start3A_165 : memref<1x128xi32, #tpu.memory_space<vmem>> -> memref<128xi32, #tpu.memory_space<vmem>>
            %dma_start3A_167 = arith.constant 0 : i32
            %dma_start3A_168 = arith.constant 0 : i32
            %dma_start3A_169 = tpu.memref_slice %arg8[%dma_start3A_167, %dma_start3A_168] : memref<50176x32xf32, #tpu.memory_space<vmem_shared>> -> memref<50176x32xf32, #tpu.memory_space<vmem_shared>>
            tpu.enqueue_indirect_dma source(%arg11 : memref<128x32xf32, #tpu.memory_space<vmem>>) target(%dma_start3A_169 : memref<50176x32xf32, #tpu.memory_space<vmem_shared>>) offsets(%dma_start3A_166 : memref<128xi32, #tpu.memory_space<vmem>>) semaphore(%run_scoped3A_163 : memref<!tpu.dma_semaphore, #tpu.memory_space<semaphore_mem>>) {add = true}
            %dma_wait3A_170 = arith.constant 0 : i32
            %dma_wait3A_171 = tpu.memref_slice %arg10[%mul3A_100, %dma_wait3A_170] : memref<49x128xi32, #tpu.memory_space<vmem>> -> memref<1x128xi32, #tpu.memory_space<vmem>>
            %dma_wait3A_172 = tpu.memref_squeeze %dma_wait3A_171 : memref<1x128xi32, #tpu.memory_space<vmem>> -> memref<128xi32, #tpu.memory_space<vmem>>
            %dma_wait3A_173 = arith.constant 0 : i32
            %dma_wait3A_174 = arith.constant 0 : i32
            %dma_wait3A_175 = tpu.memref_slice %arg8[%dma_wait3A_173, %dma_wait3A_174] : memref<50176x32xf32, #tpu.memory_space<vmem_shared>> -> memref<50176x32xf32, #tpu.memory_space<vmem_shared>>
            tpu.wait_indirect_dma semaphore(%run_scoped3A_163 : memref<!tpu.dma_semaphore, #tpu.memory_space<semaphore_mem>>) src(%arg11 : memref<128x32xf32, #tpu.memory_space<vmem>>) dst(%dma_wait3A_175 : memref<50176x32xf32, #tpu.memory_space<vmem_shared>>)
            tpu.yield
          }) : () -> ()
          %add3A_115 = arith.constant 4 : i32
          %add3A_116 = arith.addi %mul3A_100, %add3A_115 : i32
          %dma_start3A_117 = arith.constant 0 : i32
          %dma_start3A_118 = tpu.memref_slice %arg9[%add3A_116, %dma_start3A_117] : memref<49x128xi32, #tpu.memory_space<vmem>> -> memref<1x128xi32, #tpu.memory_space<vmem>>
          %dma_start3A_119 = tpu.memref_squeeze %dma_start3A_118 : memref<1x128xi32, #tpu.memory_space<vmem>> -> memref<128xi32, #tpu.memory_space<vmem>>
          %dma_start3A_120 = arith.constant 0 : i32
          %dma_start3A_121 = arith.constant 0 : i32
          %dma_start3A_122 = tpu.memref_slice %arg3[%dma_start3A_120, %dma_start3A_121] : memref<50176x32xf32, #tpu.memory_space<hbm>> -> memref<50176x32xf32, #tpu.memory_space<hbm>>
          tpu.enqueue_indirect_dma source(%dma_start3A_122 : memref<50176x32xf32, #tpu.memory_space<hbm>>) target(%arg11 : memref<128x32xf32, #tpu.memory_space<vmem>>) offsets(%dma_start3A_119 : memref<128xi32, #tpu.memory_space<vmem>>) semaphore(%arg15 : memref<!tpu.dma_semaphore, #tpu.memory_space<semaphore_mem>>)
          %add3A_123 = arith.constant 1 : i32
          %add3A_124 = arith.addi %mul3A_100, %add3A_123 : i32
          %dma_wait3A_125 = arith.constant 0 : i32
          %dma_wait3A_126 = tpu.memref_slice %arg9[%add3A_124, %dma_wait3A_125] : memref<49x128xi32, #tpu.memory_space<vmem>> -> memref<1x128xi32, #tpu.memory_space<vmem>>
          %dma_wait3A_127 = tpu.memref_squeeze %dma_wait3A_126 : memref<1x128xi32, #tpu.memory_space<vmem>> -> memref<128xi32, #tpu.memory_space<vmem>>
          %dma_wait3A_128 = arith.constant 0 : i32
          %dma_wait3A_129 = arith.constant 0 : i32
          %dma_wait3A_130 = tpu.memref_slice %arg3[%dma_wait3A_128, %dma_wait3A_129] : memref<50176x32xf32, #tpu.memory_space<hbm>> -> memref<50176x32xf32, #tpu.memory_space<hbm>>
          tpu.wait_indirect_dma semaphore(%arg16 : memref<!tpu.dma_semaphore, #tpu.memory_space<semaphore_mem>>) src(%dma_wait3A_130 : memref<50176x32xf32, #tpu.memory_space<hbm>>) dst(%arg12 : memref<128x32xf32, #tpu.memory_space<vmem>>)
          "tpu.region"() ({
            %run_scoped3A_163 = tpu.sem_alloc : memref<!tpu.dma_semaphore, #tpu.memory_space<semaphore_mem>>
            %dma_start3A_164 = arith.constant 0 : i32
            %dma_start3A_165 = tpu.memref_slice %arg10[%add3A_124, %dma_start3A_164] : memref<49x128xi32, #tpu.memory_space<vmem>> -> memref<1x128xi32, #tpu.memory_space<vmem>>
            %dma_start3A_166 = tpu.memref_squeeze %dma_start3A_165 : memref<1x128xi32, #tpu.memory_space<vmem>> -> memref<128xi32, #tpu.memory_space<vmem>>
            %dma_start3A_167 = arith.constant 0 : i32
            %dma_start3A_168 = arith.constant 0 : i32
            %dma_start3A_169 = tpu.memref_slice %arg8[%dma_start3A_167, %dma_start3A_168] : memref<50176x32xf32, #tpu.memory_space<vmem_shared>> -> memref<50176x32xf32, #tpu.memory_space<vmem_shared>>
            tpu.enqueue_indirect_dma source(%arg12 : memref<128x32xf32, #tpu.memory_space<vmem>>) target(%dma_start3A_169 : memref<50176x32xf32, #tpu.memory_space<vmem_shared>>) offsets(%dma_start3A_166 : memref<128xi32, #tpu.memory_space<vmem>>) semaphore(%run_scoped3A_163 : memref<!tpu.dma_semaphore, #tpu.memory_space<semaphore_mem>>) {add = true}
            %dma_wait3A_170 = arith.constant 0 : i32
            %dma_wait3A_171 = tpu.memref_slice %arg10[%add3A_124, %dma_wait3A_170] : memref<49x128xi32, #tpu.memory_space<vmem>> -> memref<1x128xi32, #tpu.memory_space<vmem>>
            %dma_wait3A_172 = tpu.memref_squeeze %dma_wait3A_171 : memref<1x128xi32, #tpu.memory_space<vmem>> -> memref<128xi32, #tpu.memory_space<vmem>>
            %dma_wait3A_173 = arith.constant 0 : i32
            %dma_wait3A_174 = arith.constant 0 : i32
            %dma_wait3A_175 = tpu.memref_slice %arg8[%dma_wait3A_173, %dma_wait3A_174] : memref<50176x32xf32, #tpu.memory_space<vmem_shared>> -> memref<50176x32xf32, #tpu.memory_space<vmem_shared>>
            tpu.wait_indirect_dma semaphore(%run_scoped3A_163 : memref<!tpu.dma_semaphore, #tpu.memory_space<semaphore_mem>>) src(%arg12 : memref<128x32xf32, #tpu.memory_space<vmem>>) dst(%dma_wait3A_175 : memref<50176x32xf32, #tpu.memory_space<vmem_shared>>)
            tpu.yield
          }) : () -> ()
          %add3A_131 = arith.constant 5 : i32
          %add3A_132 = arith.addi %mul3A_100, %add3A_131 : i32
          %dma_start3A_133 = arith.constant 0 : i32
          %dma_start3A_134 = tpu.memref_slice %arg9[%add3A_132, %dma_start3A_133] : memref<49x128xi32, #tpu.memory_space<vmem>> -> memref<1x128xi32, #tpu.memory_space<vmem>>
          %dma_start3A_135 = tpu.memref_squeeze %dma_start3A_134 : memref<1x128xi32, #tpu.memory_space<vmem>> -> memref<128xi32, #tpu.memory_space<vmem>>
          %dma_start3A_136 = arith.constant 0 : i32
          %dma_start3A_137 = arith.constant 0 : i32
          %dma_start3A_138 = tpu.memref_slice %arg3[%dma_start3A_136, %dma_start3A_137] : memref<50176x32xf32, #tpu.memory_space<hbm>> -> memref<50176x32xf32, #tpu.memory_space<hbm>>
          tpu.enqueue_indirect_dma source(%dma_start3A_138 : memref<50176x32xf32, #tpu.memory_space<hbm>>) target(%arg12 : memref<128x32xf32, #tpu.memory_space<vmem>>) offsets(%dma_start3A_135 : memref<128xi32, #tpu.memory_space<vmem>>) semaphore(%arg16 : memref<!tpu.dma_semaphore, #tpu.memory_space<semaphore_mem>>)
          %add3A_139 = arith.constant 2 : i32
          %add3A_140 = arith.addi %mul3A_100, %add3A_139 : i32
          %dma_wait3A_141 = arith.constant 0 : i32
          %dma_wait3A_142 = tpu.memref_slice %arg9[%add3A_140, %dma_wait3A_141] : memref<49x128xi32, #tpu.memory_space<vmem>> -> memref<1x128xi32, #tpu.memory_space<vmem>>
          %dma_wait3A_143 = tpu.memref_squeeze %dma_wait3A_142 : memref<1x128xi32, #tpu.memory_space<vmem>> -> memref<128xi32, #tpu.memory_space<vmem>>
          %dma_wait3A_144 = arith.constant 0 : i32
          %dma_wait3A_145 = arith.constant 0 : i32
          %dma_wait3A_146 = tpu.memref_slice %arg3[%dma_wait3A_144, %dma_wait3A_145] : memref<50176x32xf32, #tpu.memory_space<hbm>> -> memref<50176x32xf32, #tpu.memory_space<hbm>>
          tpu.wait_indirect_dma semaphore(%arg17 : memref<!tpu.dma_semaphore, #tpu.memory_space<semaphore_mem>>) src(%dma_wait3A_146 : memref<50176x32xf32, #tpu.memory_space<hbm>>) dst(%arg13 : memref<128x32xf32, #tpu.memory_space<vmem>>)
          "tpu.region"() ({
            %run_scoped3A_163 = tpu.sem_alloc : memref<!tpu.dma_semaphore, #tpu.memory_space<semaphore_mem>>
            %dma_start3A_164 = arith.constant 0 : i32
            %dma_start3A_165 = tpu.memref_slice %arg10[%add3A_140, %dma_start3A_164] : memref<49x128xi32, #tpu.memory_space<vmem>> -> memref<1x128xi32, #tpu.memory_space<vmem>>
            %dma_start3A_166 = tpu.memref_squeeze %dma_start3A_165 : memref<1x128xi32, #tpu.memory_space<vmem>> -> memref<128xi32, #tpu.memory_space<vmem>>
            %dma_start3A_167 = arith.constant 0 : i32
            %dma_start3A_168 = arith.constant 0 : i32
            %dma_start3A_169 = tpu.memref_slice %arg8[%dma_start3A_167, %dma_start3A_168] : memref<50176x32xf32, #tpu.memory_space<vmem_shared>> -> memref<50176x32xf32, #tpu.memory_space<vmem_shared>>
            tpu.enqueue_indirect_dma source(%arg13 : memref<128x32xf32, #tpu.memory_space<vmem>>) target(%dma_start3A_169 : memref<50176x32xf32, #tpu.memory_space<vmem_shared>>) offsets(%dma_start3A_166 : memref<128xi32, #tpu.memory_space<vmem>>) semaphore(%run_scoped3A_163 : memref<!tpu.dma_semaphore, #tpu.memory_space<semaphore_mem>>) {add = true}
            %dma_wait3A_170 = arith.constant 0 : i32
            %dma_wait3A_171 = tpu.memref_slice %arg10[%add3A_140, %dma_wait3A_170] : memref<49x128xi32, #tpu.memory_space<vmem>> -> memref<1x128xi32, #tpu.memory_space<vmem>>
            %dma_wait3A_172 = tpu.memref_squeeze %dma_wait3A_171 : memref<1x128xi32, #tpu.memory_space<vmem>> -> memref<128xi32, #tpu.memory_space<vmem>>
            %dma_wait3A_173 = arith.constant 0 : i32
            %dma_wait3A_174 = arith.constant 0 : i32
            %dma_wait3A_175 = tpu.memref_slice %arg8[%dma_wait3A_173, %dma_wait3A_174] : memref<50176x32xf32, #tpu.memory_space<vmem_shared>> -> memref<50176x32xf32, #tpu.memory_space<vmem_shared>>
            tpu.wait_indirect_dma semaphore(%run_scoped3A_163 : memref<!tpu.dma_semaphore, #tpu.memory_space<semaphore_mem>>) src(%arg13 : memref<128x32xf32, #tpu.memory_space<vmem>>) dst(%dma_wait3A_175 : memref<50176x32xf32, #tpu.memory_space<vmem_shared>>)
            tpu.yield
          }) : () -> ()
          %add3A_147 = arith.constant 6 : i32
          %add3A_148 = arith.addi %mul3A_100, %add3A_147 : i32
          %dma_start3A_149 = arith.constant 0 : i32
          %dma_start3A_150 = tpu.memref_slice %arg9[%add3A_148, %dma_start3A_149] : memref<49x128xi32, #tpu.memory_space<vmem>> -> memref<1x128xi32, #tpu.memory_space<vmem>>
          %dma_start3A_151 = tpu.memref_squeeze %dma_start3A_150 : memref<1x128xi32, #tpu.memory_space<vmem>> -> memref<128xi32, #tpu.memory_space<vmem>>
          %dma_start3A_152 = arith.constant 0 : i32
          %dma_start3A_153 = arith.constant 0 : i32
          %dma_start3A_154 = tpu.memref_slice %arg3[%dma_start3A_152, %dma_start3A_153] : memref<50176x32xf32, #tpu.memory_space<hbm>> -> memref<50176x32xf32, #tpu.memory_space<hbm>>
          tpu.enqueue_indirect_dma source(%dma_start3A_154 : memref<50176x32xf32, #tpu.memory_space<hbm>>) target(%arg13 : memref<128x32xf32, #tpu.memory_space<vmem>>) offsets(%dma_start3A_151 : memref<128xi32, #tpu.memory_space<vmem>>) semaphore(%arg17 : memref<!tpu.dma_semaphore, #tpu.memory_space<semaphore_mem>>)
          %add3A_155 = arith.constant 3 : i32
          %add3A_156 = arith.addi %mul3A_100, %add3A_155 : i32
          %dma_wait3A_157 = arith.constant 0 : i32
          %dma_wait3A_158 = tpu.memref_slice %arg9[%add3A_156, %dma_wait3A_157] : memref<49x128xi32, #tpu.memory_space<vmem>> -> memref<1x128xi32, #tpu.memory_space<vmem>>
          %dma_wait3A_159 = tpu.memref_squeeze %dma_wait3A_158 : memref<1x128xi32, #tpu.memory_space<vmem>> -> memref<128xi32, #tpu.memory_space<vmem>>
          %dma_wait3A_160 = arith.constant 0 : i32
          %dma_wait3A_161 = arith.constant 0 : i32
          %dma_wait3A_162 = tpu.memref_slice %arg3[%dma_wait3A_160, %dma_wait3A_161] : memref<50176x32xf32, #tpu.memory_space<hbm>> -> memref<50176x32xf32, #tpu.memory_space<hbm>>
          tpu.wait_indirect_dma semaphore(%arg18 : memref<!tpu.dma_semaphore, #tpu.memory_space<semaphore_mem>>) src(%dma_wait3A_162 : memref<50176x32xf32, #tpu.memory_space<hbm>>) dst(%arg14 : memref<128x32xf32, #tpu.memory_space<vmem>>)
          "tpu.region"() ({
            %run_scoped3A_163 = tpu.sem_alloc : memref<!tpu.dma_semaphore, #tpu.memory_space<semaphore_mem>>
            %dma_start3A_164 = arith.constant 0 : i32
            %dma_start3A_165 = tpu.memref_slice %arg10[%add3A_156, %dma_start3A_164] : memref<49x128xi32, #tpu.memory_space<vmem>> -> memref<1x128xi32, #tpu.memory_space<vmem>>
            %dma_start3A_166 = tpu.memref_squeeze %dma_start3A_165 : memref<1x128xi32, #tpu.memory_space<vmem>> -> memref<128xi32, #tpu.memory_space<vmem>>
            %dma_start3A_167 = arith.constant 0 : i32
            %dma_start3A_168 = arith.constant 0 : i32
            %dma_start3A_169 = tpu.memref_slice %arg8[%dma_start3A_167, %dma_start3A_168] : memref<50176x32xf32, #tpu.memory_space<vmem_shared>> -> memref<50176x32xf32, #tpu.memory_space<vmem_shared>>
            tpu.enqueue_indirect_dma source(%arg14 : memref<128x32xf32, #tpu.memory_space<vmem>>) target(%dma_start3A_169 : memref<50176x32xf32, #tpu.memory_space<vmem_shared>>) offsets(%dma_start3A_166 : memref<128xi32, #tpu.memory_space<vmem>>) semaphore(%run_scoped3A_163 : memref<!tpu.dma_semaphore, #tpu.memory_space<semaphore_mem>>) {add = true}
            %dma_wait3A_170 = arith.constant 0 : i32
            %dma_wait3A_171 = tpu.memref_slice %arg10[%add3A_156, %dma_wait3A_170] : memref<49x128xi32, #tpu.memory_space<vmem>> -> memref<1x128xi32, #tpu.memory_space<vmem>>
            %dma_wait3A_172 = tpu.memref_squeeze %dma_wait3A_171 : memref<1x128xi32, #tpu.memory_space<vmem>> -> memref<128xi32, #tpu.memory_space<vmem>>
            %dma_wait3A_173 = arith.constant 0 : i32
            %dma_wait3A_174 = arith.constant 0 : i32
            %dma_wait3A_175 = tpu.memref_slice %arg8[%dma_wait3A_173, %dma_wait3A_174] : memref<50176x32xf32, #tpu.memory_space<vmem_shared>> -> memref<50176x32xf32, #tpu.memory_space<vmem_shared>>
            tpu.wait_indirect_dma semaphore(%run_scoped3A_163 : memref<!tpu.dma_semaphore, #tpu.memory_space<semaphore_mem>>) src(%arg14 : memref<128x32xf32, #tpu.memory_space<vmem>>) dst(%dma_wait3A_175 : memref<50176x32xf32, #tpu.memory_space<vmem_shared>>)
            tpu.yield
          }) : () -> ()
        }
        %scan3A_45 = arith.constant 11 : i32
        %dma_start3A_46 = arith.constant 47 : i32
        %dma_start3A_47 = arith.constant 0 : i32
        %dma_start3A_48 = tpu.memref_slice %arg9[%dma_start3A_46, %dma_start3A_47] : memref<49x128xi32, #tpu.memory_space<vmem>> -> memref<1x128xi32, #tpu.memory_space<vmem>>
        %dma_start3A_49 = tpu.memref_squeeze %dma_start3A_48 : memref<1x128xi32, #tpu.memory_space<vmem>> -> memref<128xi32, #tpu.memory_space<vmem>>
        %dma_start3A_50 = arith.constant 0 : i32
        %dma_start3A_51 = arith.constant 0 : i32
        %dma_start3A_52 = tpu.memref_slice %arg3[%dma_start3A_50, %dma_start3A_51] : memref<50176x32xf32, #tpu.memory_space<hbm>> -> memref<50176x32xf32, #tpu.memory_space<hbm>>
        tpu.enqueue_indirect_dma source(%dma_start3A_52 : memref<50176x32xf32, #tpu.memory_space<hbm>>) target(%arg14 : memref<128x32xf32, #tpu.memory_space<vmem>>) offsets(%dma_start3A_49 : memref<128xi32, #tpu.memory_space<vmem>>) semaphore(%arg18 : memref<!tpu.dma_semaphore, #tpu.memory_space<semaphore_mem>>)
        %dma_wait3A = arith.constant 44 : i32
        %dma_wait3A_53 = arith.constant 0 : i32
        %dma_wait3A_54 = tpu.memref_slice %arg9[%dma_wait3A, %dma_wait3A_53] : memref<49x128xi32, #tpu.memory_space<vmem>> -> memref<1x128xi32, #tpu.memory_space<vmem>>
        %dma_wait3A_55 = tpu.memref_squeeze %dma_wait3A_54 : memref<1x128xi32, #tpu.memory_space<vmem>> -> memref<128xi32, #tpu.memory_space<vmem>>
        %dma_wait3A_56 = arith.constant 0 : i32
        %dma_wait3A_57 = arith.constant 0 : i32
        %dma_wait3A_58 = tpu.memref_slice %arg3[%dma_wait3A_56, %dma_wait3A_57] : memref<50176x32xf32, #tpu.memory_space<hbm>> -> memref<50176x32xf32, #tpu.memory_space<hbm>>
        tpu.wait_indirect_dma semaphore(%arg15 : memref<!tpu.dma_semaphore, #tpu.memory_space<semaphore_mem>>) src(%dma_wait3A_58 : memref<50176x32xf32, #tpu.memory_space<hbm>>) dst(%arg11 : memref<128x32xf32, #tpu.memory_space<vmem>>)
        %run_scoped3A = arith.constant 44 : i32
        "tpu.region"() ({
          %run_scoped3A_98 = tpu.sem_alloc : memref<!tpu.dma_semaphore, #tpu.memory_space<semaphore_mem>>
          %dma_start3A_99 = arith.constant 0 : i32
          %dma_start3A_100 = tpu.memref_slice %arg10[%run_scoped3A, %dma_start3A_99] : memref<49x128xi32, #tpu.memory_space<vmem>> -> memref<1x128xi32, #tpu.memory_space<vmem>>
          %dma_start3A_101 = tpu.memref_squeeze %dma_start3A_100 : memref<1x128xi32, #tpu.memory_space<vmem>> -> memref<128xi32, #tpu.memory_space<vmem>>
          %dma_start3A_102 = arith.constant 0 : i32
          %dma_start3A_103 = arith.constant 0 : i32
          %dma_start3A_104 = tpu.memref_slice %arg8[%dma_start3A_102, %dma_start3A_103] : memref<50176x32xf32, #tpu.memory_space<vmem_shared>> -> memref<50176x32xf32, #tpu.memory_space<vmem_shared>>
          tpu.enqueue_indirect_dma source(%arg11 : memref<128x32xf32, #tpu.memory_space<vmem>>) target(%dma_start3A_104 : memref<50176x32xf32, #tpu.memory_space<vmem_shared>>) offsets(%dma_start3A_101 : memref<128xi32, #tpu.memory_space<vmem>>) semaphore(%run_scoped3A_98 : memref<!tpu.dma_semaphore, #tpu.memory_space<semaphore_mem>>) {add = true}
          %dma_wait3A_105 = arith.constant 0 : i32
          %dma_wait3A_106 = tpu.memref_slice %arg10[%run_scoped3A, %dma_wait3A_105] : memref<49x128xi32, #tpu.memory_space<vmem>> -> memref<1x128xi32, #tpu.memory_space<vmem>>
          %dma_wait3A_107 = tpu.memref_squeeze %dma_wait3A_106 : memref<1x128xi32, #tpu.memory_space<vmem>> -> memref<128xi32, #tpu.memory_space<vmem>>
          %dma_wait3A_108 = arith.constant 0 : i32
          %dma_wait3A_109 = arith.constant 0 : i32
          %dma_wait3A_110 = tpu.memref_slice %arg8[%dma_wait3A_108, %dma_wait3A_109] : memref<50176x32xf32, #tpu.memory_space<vmem_shared>> -> memref<50176x32xf32, #tpu.memory_space<vmem_shared>>
          tpu.wait_indirect_dma semaphore(%run_scoped3A_98 : memref<!tpu.dma_semaphore, #tpu.memory_space<semaphore_mem>>) src(%arg11 : memref<128x32xf32, #tpu.memory_space<vmem>>) dst(%dma_wait3A_110 : memref<50176x32xf32, #tpu.memory_space<vmem_shared>>)
          tpu.yield
        }) : () -> ()
        %dma_start3A_59 = arith.constant 48 : i32
        %dma_start3A_60 = arith.constant 0 : i32
        %dma_start3A_61 = tpu.memref_slice %arg9[%dma_start3A_59, %dma_start3A_60] : memref<49x128xi32, #tpu.memory_space<vmem>> -> memref<1x128xi32, #tpu.memory_space<vmem>>
        %dma_start3A_62 = tpu.memref_squeeze %dma_start3A_61 : memref<1x128xi32, #tpu.memory_space<vmem>> -> memref<128xi32, #tpu.memory_space<vmem>>
        %dma_start3A_63 = arith.constant 0 : i32
        %dma_start3A_64 = arith.constant 0 : i32
        %dma_start3A_65 = tpu.memref_slice %arg3[%dma_start3A_63, %dma_start3A_64] : memref<50176x32xf32, #tpu.memory_space<hbm>> -> memref<50176x32xf32, #tpu.memory_space<hbm>>
        tpu.enqueue_indirect_dma source(%dma_start3A_65 : memref<50176x32xf32, #tpu.memory_space<hbm>>) target(%arg11 : memref<128x32xf32, #tpu.memory_space<vmem>>) offsets(%dma_start3A_62 : memref<128xi32, #tpu.memory_space<vmem>>) semaphore(%arg15 : memref<!tpu.dma_semaphore, #tpu.memory_space<semaphore_mem>>)
        %dma_wait3A_66 = arith.constant 45 : i32
        %dma_wait3A_67 = arith.constant 0 : i32
        %dma_wait3A_68 = tpu.memref_slice %arg9[%dma_wait3A_66, %dma_wait3A_67] : memref<49x128xi32, #tpu.memory_space<vmem>> -> memref<1x128xi32, #tpu.memory_space<vmem>>
        %dma_wait3A_69 = tpu.memref_squeeze %dma_wait3A_68 : memref<1x128xi32, #tpu.memory_space<vmem>> -> memref<128xi32, #tpu.memory_space<vmem>>
        %dma_wait3A_70 = arith.constant 0 : i32
        %dma_wait3A_71 = arith.constant 0 : i32
        %dma_wait3A_72 = tpu.memref_slice %arg3[%dma_wait3A_70, %dma_wait3A_71] : memref<50176x32xf32, #tpu.memory_space<hbm>> -> memref<50176x32xf32, #tpu.memory_space<hbm>>
        tpu.wait_indirect_dma semaphore(%arg16 : memref<!tpu.dma_semaphore, #tpu.memory_space<semaphore_mem>>) src(%dma_wait3A_72 : memref<50176x32xf32, #tpu.memory_space<hbm>>) dst(%arg12 : memref<128x32xf32, #tpu.memory_space<vmem>>)
        %run_scoped3A_73 = arith.constant 45 : i32
        "tpu.region"() ({
          %run_scoped3A_98 = tpu.sem_alloc : memref<!tpu.dma_semaphore, #tpu.memory_space<semaphore_mem>>
          %dma_start3A_99 = arith.constant 0 : i32
          %dma_start3A_100 = tpu.memref_slice %arg10[%run_scoped3A_73, %dma_start3A_99] : memref<49x128xi32, #tpu.memory_space<vmem>> -> memref<1x128xi32, #tpu.memory_space<vmem>>
          %dma_start3A_101 = tpu.memref_squeeze %dma_start3A_100 : memref<1x128xi32, #tpu.memory_space<vmem>> -> memref<128xi32, #tpu.memory_space<vmem>>
          %dma_start3A_102 = arith.constant 0 : i32
          %dma_start3A_103 = arith.constant 0 : i32
          %dma_start3A_104 = tpu.memref_slice %arg8[%dma_start3A_102, %dma_start3A_103] : memref<50176x32xf32, #tpu.memory_space<vmem_shared>> -> memref<50176x32xf32, #tpu.memory_space<vmem_shared>>
          tpu.enqueue_indirect_dma source(%arg12 : memref<128x32xf32, #tpu.memory_space<vmem>>) target(%dma_start3A_104 : memref<50176x32xf32, #tpu.memory_space<vmem_shared>>) offsets(%dma_start3A_101 : memref<128xi32, #tpu.memory_space<vmem>>) semaphore(%run_scoped3A_98 : memref<!tpu.dma_semaphore, #tpu.memory_space<semaphore_mem>>) {add = true}
          %dma_wait3A_105 = arith.constant 0 : i32
          %dma_wait3A_106 = tpu.memref_slice %arg10[%run_scoped3A_73, %dma_wait3A_105] : memref<49x128xi32, #tpu.memory_space<vmem>> -> memref<1x128xi32, #tpu.memory_space<vmem>>
          %dma_wait3A_107 = tpu.memref_squeeze %dma_wait3A_106 : memref<1x128xi32, #tpu.memory_space<vmem>> -> memref<128xi32, #tpu.memory_space<vmem>>
          %dma_wait3A_108 = arith.constant 0 : i32
          %dma_wait3A_109 = arith.constant 0 : i32
          %dma_wait3A_110 = tpu.memref_slice %arg8[%dma_wait3A_108, %dma_wait3A_109] : memref<50176x32xf32, #tpu.memory_space<vmem_shared>> -> memref<50176x32xf32, #tpu.memory_space<vmem_shared>>
          tpu.wait_indirect_dma semaphore(%run_scoped3A_98 : memref<!tpu.dma_semaphore, #tpu.memory_space<semaphore_mem>>) src(%arg12 : memref<128x32xf32, #tpu.memory_space<vmem>>) dst(%dma_wait3A_110 : memref<50176x32xf32, #tpu.memory_space<vmem_shared>>)
          tpu.yield
        }) : () -> ()
        %dma_wait3A_74 = arith.constant 46 : i32
        %dma_wait3A_75 = arith.constant 0 : i32
        %dma_wait3A_76 = tpu.memref_slice %arg9[%dma_wait3A_74, %dma_wait3A_75] : memref<49x128xi32, #tpu.memory_space<vmem>> -> memref<1x128xi32, #tpu.memory_space<vmem>>
        %dma_wait3A_77 = tpu.memref_squeeze %dma_wait3A_76 : memref<1x128xi32, #tpu.memory_space<vmem>> -> memref<128xi32, #tpu.memory_space<vmem>>
        %dma_wait3A_78 = arith.constant 0 : i32
        %dma_wait3A_79 = arith.constant 0 : i32
        %dma_wait3A_80 = tpu.memref_slice %arg3[%dma_wait3A_78, %dma_wait3A_79] : memref<50176x32xf32, #tpu.memory_space<hbm>> -> memref<50176x32xf32, #tpu.memory_space<hbm>>
        tpu.wait_indirect_dma semaphore(%arg17 : memref<!tpu.dma_semaphore, #tpu.memory_space<semaphore_mem>>) src(%dma_wait3A_80 : memref<50176x32xf32, #tpu.memory_space<hbm>>) dst(%arg13 : memref<128x32xf32, #tpu.memory_space<vmem>>)
        %run_scoped3A_81 = arith.constant 46 : i32
        "tpu.region"() ({
          %run_scoped3A_98 = tpu.sem_alloc : memref<!tpu.dma_semaphore, #tpu.memory_space<semaphore_mem>>
          %dma_start3A_99 = arith.constant 0 : i32
          %dma_start3A_100 = tpu.memref_slice %arg10[%run_scoped3A_81, %dma_start3A_99] : memref<49x128xi32, #tpu.memory_space<vmem>> -> memref<1x128xi32, #tpu.memory_space<vmem>>
          %dma_start3A_101 = tpu.memref_squeeze %dma_start3A_100 : memref<1x128xi32, #tpu.memory_space<vmem>> -> memref<128xi32, #tpu.memory_space<vmem>>
          %dma_start3A_102 = arith.constant 0 : i32
          %dma_start3A_103 = arith.constant 0 : i32
          %dma_start3A_104 = tpu.memref_slice %arg8[%dma_start3A_102, %dma_start3A_103] : memref<50176x32xf32, #tpu.memory_space<vmem_shared>> -> memref<50176x32xf32, #tpu.memory_space<vmem_shared>>
          tpu.enqueue_indirect_dma source(%arg13 : memref<128x32xf32, #tpu.memory_space<vmem>>) target(%dma_start3A_104 : memref<50176x32xf32, #tpu.memory_space<vmem_shared>>) offsets(%dma_start3A_101 : memref<128xi32, #tpu.memory_space<vmem>>) semaphore(%run_scoped3A_98 : memref<!tpu.dma_semaphore, #tpu.memory_space<semaphore_mem>>) {add = true}
          %dma_wait3A_105 = arith.constant 0 : i32
          %dma_wait3A_106 = tpu.memref_slice %arg10[%run_scoped3A_81, %dma_wait3A_105] : memref<49x128xi32, #tpu.memory_space<vmem>> -> memref<1x128xi32, #tpu.memory_space<vmem>>
          %dma_wait3A_107 = tpu.memref_squeeze %dma_wait3A_106 : memref<1x128xi32, #tpu.memory_space<vmem>> -> memref<128xi32, #tpu.memory_space<vmem>>
          %dma_wait3A_108 = arith.constant 0 : i32
          %dma_wait3A_109 = arith.constant 0 : i32
          %dma_wait3A_110 = tpu.memref_slice %arg8[%dma_wait3A_108, %dma_wait3A_109] : memref<50176x32xf32, #tpu.memory_space<vmem_shared>> -> memref<50176x32xf32, #tpu.memory_space<vmem_shared>>
          tpu.wait_indirect_dma semaphore(%run_scoped3A_98 : memref<!tpu.dma_semaphore, #tpu.memory_space<semaphore_mem>>) src(%arg13 : memref<128x32xf32, #tpu.memory_space<vmem>>) dst(%dma_wait3A_110 : memref<50176x32xf32, #tpu.memory_space<vmem_shared>>)
          tpu.yield
        }) : () -> ()
        %dma_wait3A_82 = arith.constant 47 : i32
        %dma_wait3A_83 = arith.constant 0 : i32
        %dma_wait3A_84 = tpu.memref_slice %arg9[%dma_wait3A_82, %dma_wait3A_83] : memref<49x128xi32, #tpu.memory_space<vmem>> -> memref<1x128xi32, #tpu.memory_space<vmem>>
        %dma_wait3A_85 = tpu.memref_squeeze %dma_wait3A_84 : memref<1x128xi32, #tpu.memory_space<vmem>> -> memref<128xi32, #tpu.memory_space<vmem>>
        %dma_wait3A_86 = arith.constant 0 : i32
        %dma_wait3A_87 = arith.constant 0 : i32
        %dma_wait3A_88 = tpu.memref_slice %arg3[%dma_wait3A_86, %dma_wait3A_87] : memref<50176x32xf32, #tpu.memory_space<hbm>> -> memref<50176x32xf32, #tpu.memory_space<hbm>>
        tpu.wait_indirect_dma semaphore(%arg18 : memref<!tpu.dma_semaphore, #tpu.memory_space<semaphore_mem>>) src(%dma_wait3A_88 : memref<50176x32xf32, #tpu.memory_space<hbm>>) dst(%arg14 : memref<128x32xf32, #tpu.memory_space<vmem>>)
        %run_scoped3A_89 = arith.constant 47 : i32
        "tpu.region"() ({
          %run_scoped3A_98 = tpu.sem_alloc : memref<!tpu.dma_semaphore, #tpu.memory_space<semaphore_mem>>
          %dma_start3A_99 = arith.constant 0 : i32
          %dma_start3A_100 = tpu.memref_slice %arg10[%run_scoped3A_89, %dma_start3A_99] : memref<49x128xi32, #tpu.memory_space<vmem>> -> memref<1x128xi32, #tpu.memory_space<vmem>>
          %dma_start3A_101 = tpu.memref_squeeze %dma_start3A_100 : memref<1x128xi32, #tpu.memory_space<vmem>> -> memref<128xi32, #tpu.memory_space<vmem>>
          %dma_start3A_102 = arith.constant 0 : i32
          %dma_start3A_103 = arith.constant 0 : i32
          %dma_start3A_104 = tpu.memref_slice %arg8[%dma_start3A_102, %dma_start3A_103] : memref<50176x32xf32, #tpu.memory_space<vmem_shared>> -> memref<50176x32xf32, #tpu.memory_space<vmem_shared>>
          tpu.enqueue_indirect_dma source(%arg14 : memref<128x32xf32, #tpu.memory_space<vmem>>) target(%dma_start3A_104 : memref<50176x32xf32, #tpu.memory_space<vmem_shared>>) offsets(%dma_start3A_101 : memref<128xi32, #tpu.memory_space<vmem>>) semaphore(%run_scoped3A_98 : memref<!tpu.dma_semaphore, #tpu.memory_space<semaphore_mem>>) {add = true}
          %dma_wait3A_105 = arith.constant 0 : i32
          %dma_wait3A_106 = tpu.memref_slice %arg10[%run_scoped3A_89, %dma_wait3A_105] : memref<49x128xi32, #tpu.memory_space<vmem>> -> memref<1x128xi32, #tpu.memory_space<vmem>>
          %dma_wait3A_107 = tpu.memref_squeeze %dma_wait3A_106 : memref<1x128xi32, #tpu.memory_space<vmem>> -> memref<128xi32, #tpu.memory_space<vmem>>
          %dma_wait3A_108 = arith.constant 0 : i32
          %dma_wait3A_109 = arith.constant 0 : i32
          %dma_wait3A_110 = tpu.memref_slice %arg8[%dma_wait3A_108, %dma_wait3A_109] : memref<50176x32xf32, #tpu.memory_space<vmem_shared>> -> memref<50176x32xf32, #tpu.memory_space<vmem_shared>>
          tpu.wait_indirect_dma semaphore(%run_scoped3A_98 : memref<!tpu.dma_semaphore, #tpu.memory_space<semaphore_mem>>) src(%arg14 : memref<128x32xf32, #tpu.memory_space<vmem>>) dst(%dma_wait3A_110 : memref<50176x32xf32, #tpu.memory_space<vmem_shared>>)
          tpu.yield
        }) : () -> ()
        %dma_wait3A_90 = arith.constant 48 : i32
        %dma_wait3A_91 = arith.constant 0 : i32
        %dma_wait3A_92 = tpu.memref_slice %arg9[%dma_wait3A_90, %dma_wait3A_91] : memref<49x128xi32, #tpu.memory_space<vmem>> -> memref<1x128xi32, #tpu.memory_space<vmem>>
        %dma_wait3A_93 = tpu.memref_squeeze %dma_wait3A_92 : memref<1x128xi32, #tpu.memory_space<vmem>> -> memref<128xi32, #tpu.memory_space<vmem>>
        %dma_wait3A_94 = arith.constant 0 : i32
        %dma_wait3A_95 = arith.constant 0 : i32
        %dma_wait3A_96 = tpu.memref_slice %arg3[%dma_wait3A_94, %dma_wait3A_95] : memref<50176x32xf32, #tpu.memory_space<hbm>> -> memref<50176x32xf32, #tpu.memory_space<hbm>>
        tpu.wait_indirect_dma semaphore(%arg15 : memref<!tpu.dma_semaphore, #tpu.memory_space<semaphore_mem>>) src(%dma_wait3A_96 : memref<50176x32xf32, #tpu.memory_space<hbm>>) dst(%arg11 : memref<128x32xf32, #tpu.memory_space<vmem>>)
        %run_scoped3A_97 = arith.constant 48 : i32
        "tpu.region"() ({
          %run_scoped3A_98 = tpu.sem_alloc : memref<!tpu.dma_semaphore, #tpu.memory_space<semaphore_mem>>
          %dma_start3A_99 = arith.constant 0 : i32
          %dma_start3A_100 = tpu.memref_slice %arg10[%run_scoped3A_97, %dma_start3A_99] : memref<49x128xi32, #tpu.memory_space<vmem>> -> memref<1x128xi32, #tpu.memory_space<vmem>>
          %dma_start3A_101 = tpu.memref_squeeze %dma_start3A_100 : memref<1x128xi32, #tpu.memory_space<vmem>> -> memref<128xi32, #tpu.memory_space<vmem>>
          %dma_start3A_102 = arith.constant 0 : i32
          %dma_start3A_103 = arith.constant 0 : i32
          %dma_start3A_104 = tpu.memref_slice %arg8[%dma_start3A_102, %dma_start3A_103] : memref<50176x32xf32, #tpu.memory_space<vmem_shared>> -> memref<50176x32xf32, #tpu.memory_space<vmem_shared>>
          tpu.enqueue_indirect_dma source(%arg11 : memref<128x32xf32, #tpu.memory_space<vmem>>) target(%dma_start3A_104 : memref<50176x32xf32, #tpu.memory_space<vmem_shared>>) offsets(%dma_start3A_101 : memref<128xi32, #tpu.memory_space<vmem>>) semaphore(%run_scoped3A_98 : memref<!tpu.dma_semaphore, #tpu.memory_space<semaphore_mem>>) {add = true}
          %dma_wait3A_105 = arith.constant 0 : i32
          %dma_wait3A_106 = tpu.memref_slice %arg10[%run_scoped3A_97, %dma_wait3A_105] : memref<49x128xi32, #tpu.memory_space<vmem>> -> memref<1x128xi32, #tpu.memory_space<vmem>>
          %dma_wait3A_107 = tpu.memref_squeeze %dma_wait3A_106 : memref<1x128xi32, #tpu.memory_space<vmem>> -> memref<128xi32, #tpu.memory_space<vmem>>
          %dma_wait3A_108 = arith.constant 0 : i32
          %dma_wait3A_109 = arith.constant 0 : i32
          %dma_wait3A_110 = tpu.memref_slice %arg8[%dma_wait3A_108, %dma_wait3A_109] : memref<50176x32xf32, #tpu.memory_space<vmem_shared>> -> memref<50176x32xf32, #tpu.memory_space<vmem_shared>>
          tpu.wait_indirect_dma semaphore(%run_scoped3A_98 : memref<!tpu.dma_semaphore, #tpu.memory_space<semaphore_mem>>) src(%arg11 : memref<128x32xf32, #tpu.memory_space<vmem>>) dst(%dma_wait3A_110 : memref<50176x32xf32, #tpu.memory_space<vmem_shared>>)
          tpu.yield
        }) : () -> ()
      }
      %scan3A_12 = arith.constant 8 : i32
      %barrier3A_13 = arith.constant 0 : index
      tpu.barrier barrier_id(%barrier3A_13)
      "tpu.region"() ({
        %run_scoped3A = tpu.sem_alloc : memref<!tpu.dma_semaphore, #tpu.memory_space<semaphore_mem>>
        %dma_start3A = arith.constant 0 : i32
        %dma_start3A_14 = tpu.memref_slice %arg7[%multiple_of3A, %dma_start3A] : memref<50176x32xf32, #tpu.memory_space<hbm>> -> memref<3136x32xf32, #tpu.memory_space<hbm>>
        %dma_start3A_15 = arith.constant 0 : i32
        %dma_start3A_16 = tpu.memref_slice %arg8[%multiple_of3A, %dma_start3A_15] : memref<50176x32xf32, #tpu.memory_space<vmem_shared>> -> memref<3136x32xf32, #tpu.memory_space<vmem_shared>>
        tpu.enqueue_dma source(%dma_start3A_16 : memref<3136x32xf32, #tpu.memory_space<vmem_shared>>) target(%dma_start3A_14 : memref<3136x32xf32, #tpu.memory_space<hbm>>) target_semaphore(%run_scoped3A : memref<!tpu.dma_semaphore, #tpu.memory_space<semaphore_mem>>)
        %dma_wait3A = arith.constant 0 : i32
        %dma_wait3A_17 = tpu.memref_slice %arg7[%multiple_of3A, %dma_wait3A] : memref<50176x32xf32, #tpu.memory_space<hbm>> -> memref<3136x32xf32, #tpu.memory_space<hbm>>
        %dma_wait3A_18 = arith.constant 0 : i32
        %dma_wait3A_19 = tpu.memref_slice %arg8[%multiple_of3A, %dma_wait3A_18] : memref<50176x32xf32, #tpu.memory_space<vmem_shared>> -> memref<3136x32xf32, #tpu.memory_space<vmem_shared>>
        tpu.wait_dma2 semaphore(%run_scoped3A : memref<!tpu.dma_semaphore, #tpu.memory_space<semaphore_mem>>) src(%dma_wait3A_19 : memref<3136x32xf32, #tpu.memory_space<vmem_shared>>) dst(%dma_wait3A_17 : memref<3136x32xf32, #tpu.memory_space<hbm>>)
        tpu.yield
      }) : () -> ()
    } else {
    }
    return
  }
}

module attributes {stable_mosaic.version = 14 : i64} {
  func.func @_tc_proj_body(%arg0: i32, %arg1: memref<2000x5xf32, #tpu.memory_space<vmem>>, %arg2: memref<5x64xf32, #tpu.memory_space<vmem>>, %arg3: memref<1x64xf32, #tpu.memory_space<vmem>>, %arg4: memref<64x64xf32, #tpu.memory_space<vmem>>, %arg5: memref<2000x16xf32, #tpu.memory_space<vmem>>, %arg6: memref<2000x16xf32, #tpu.memory_space<vmem>>, %arg7: memref<2000x64xf32, #tpu.memory_space<vmem>>, %arg8: memref<2000x1xf32, #tpu.memory_space<vmem>>, %arg9: memref<2000x32xf32, #tpu.memory_space<vmem>>, %arg10: memref<2000x32xf32, #tpu.memory_space<vmem>>) attributes {dimension_semantics = [#tpu.dimension_semantics<arbitrary>], iteration_bounds = array<i64: 25>, scalar_prefetch = 0 : i64, scratch_operands = 0 : i64, tpu.core_type = #tpu.core_type<tc>, window_params = [{transform_indices = @transform_0, window_bounds = array<i64: 2000, 5>}, {pipeline_mode = #tpu.pipeline_mode<synchronous>, transform_indices = @transform_1, window_bounds = array<i64: 5, 64>}, {pipeline_mode = #tpu.pipeline_mode<synchronous>, transform_indices = @transform_2, window_bounds = array<i64: 1, 64>}, {pipeline_mode = #tpu.pipeline_mode<synchronous>, transform_indices = @transform_3, window_bounds = array<i64: 64, 64>}, {transform_indices = @transform_4, window_bounds = array<i64: 2000, 16>}, {transform_indices = @transform_5, window_bounds = array<i64: 2000, 16>}, {transform_indices = @transform_6, window_bounds = array<i64: 2000, 64>}, {transform_indices = @transform_7, window_bounds = array<i64: 2000, 1>}, {transform_indices = @transform_8, window_bounds = array<i64: 2000, 32>}, {transform_indices = @transform_9, window_bounds = array<i64: 2000, 32>}]} {
    %get3A = arith.constant 0 : index
    %get3A_0 = arith.constant 0 : index
    %get3A_1 = vector.load %arg1[%get3A, %get3A_0] : memref<2000x5xf32, #tpu.memory_space<vmem>>, vector<2000x5xf32>
    %get3A_2 = arith.constant 0 : index
    %get3A_3 = arith.constant 0 : index
    %get3A_4 = vector.load %arg2[%get3A_2, %get3A_3] : memref<5x64xf32, #tpu.memory_space<vmem>>, vector<5x64xf32>
    %dot_general3A = arith.constant dense<0.000000e+00> : vector<2000x64xf32>
    %dot_general3A_5 = tpu.matmul %get3A_1, %get3A_4, %dot_general3A {dimension_numbers = #tpu.dot_dimension_numbers<[1], [0], [0], [1], [0, 0, 1, 1], [], []>, transpose_lhs_hint = false} : vector<2000x5xf32>, vector<5x64xf32>, vector<2000x64xf32> -> vector<2000x64xf32>
    %get3A_6 = arith.constant 0 : index
    %get3A_7 = arith.constant 0 : index
    %get3A_8 = vector.load %arg3[%get3A_6, %get3A_7] : memref<1x64xf32, #tpu.memory_space<vmem>>, vector<1x64xf32>
    %add3A = vector.broadcast %get3A_8 : vector<1x64xf32> to vector<2000x64xf32>
    %add3A_9 = arith.addf %dot_general3A_5, %add3A : vector<2000x64xf32>
    %get3A_10 = arith.constant 0 : index
    %get3A_11 = arith.constant 0 : index
    %get3A_12 = vector.load %arg5[%get3A_10, %get3A_11] : memref<2000x16xf32, #tpu.memory_space<vmem>>, vector<2000x16xf32>
    %slice3A = vector.extract_strided_slice %get3A_12 {offsets = [0, 0], sizes = [2000, 1], strides = [1, 1]} : vector<2000x16xf32> to vector<2000x1xf32>
    %get3A_13 = arith.constant 0 : index
    %get3A_14 = arith.constant 0 : index
    %get3A_15 = vector.load %arg6[%get3A_13, %get3A_14] : memref<2000x16xf32, #tpu.memory_space<vmem>>, vector<2000x16xf32>
    %slice3A_16 = vector.extract_strided_slice %get3A_15 {offsets = [0, 0], sizes = [2000, 1], strides = [1, 1]} : vector<2000x16xf32> to vector<2000x1xf32>
    %add3A_17 = arith.addf %slice3A, %slice3A_16 : vector<2000x1xf32>
    %add3A_18 = arith.constant 1.000000e+00 : f32
    %add3A_19 = vector.broadcast %add3A_18 : f32 to vector<2000x1xf32>
    %add3A_20 = arith.addf %add3A_17, %add3A_19 : vector<2000x1xf32>
    %rsqrt3A = math.rsqrt %add3A_20 : vector<2000x1xf32>
    %get3A_21 = arith.constant 0 : index
    %get3A_22 = arith.constant 0 : index
    %get3A_23 = vector.load %arg4[%get3A_21, %get3A_22] : memref<64x64xf32, #tpu.memory_space<vmem>>, vector<64x64xf32>
    %dot_general3A_24 = arith.constant dense<0.000000e+00> : vector<2000x64xf32>
    %dot_general3A_25 = tpu.matmul %add3A_9, %get3A_23, %dot_general3A_24 {dimension_numbers = #tpu.dot_dimension_numbers<[1], [0], [0], [1], [0, 0, 1, 1], [], []>, transpose_lhs_hint = false} : vector<2000x64xf32>, vector<64x64xf32>, vector<2000x64xf32> -> vector<2000x64xf32>
    %mul3A = vector.broadcast %rsqrt3A : vector<2000x1xf32> to vector<2000x64xf32>
    %mul3A_26 = arith.mulf %dot_general3A_25, %mul3A : vector<2000x64xf32>
    %swap3A = arith.constant 0 : index
    %swap3A_27 = arith.constant 0 : index
    %swap3A_28 = vector.load %arg7[%swap3A, %swap3A_27] : memref<2000x64xf32, #tpu.memory_space<vmem>>, vector<2000x64xf32>
    tpu.vector_store %arg7[%swap3A, %swap3A_27], %add3A_9 {strides = array<i32>} : memref<2000x64xf32, #tpu.memory_space<vmem>>, vector<2000x64xf32>,
    %swap3A_29 = arith.constant 0 : index
    %swap3A_30 = arith.constant 0 : index
    %swap3A_31 = vector.load %arg8[%swap3A_29, %swap3A_30] : memref<2000x1xf32, #tpu.memory_space<vmem>>, vector<2000x1xf32>
    tpu.vector_store %arg8[%swap3A_29, %swap3A_30], %rsqrt3A {strides = array<i32>} : memref<2000x1xf32, #tpu.memory_space<vmem>>, vector<2000x1xf32>,
    %slice3A_32 = vector.extract_strided_slice %mul3A_26 {offsets = [0, 0], sizes = [2000, 32], strides = [1, 1]} : vector<2000x64xf32> to vector<2000x32xf32>
    %swap3A_33 = arith.constant 0 : index
    %swap3A_34 = arith.constant 0 : index
    %swap3A_35 = vector.load %arg9[%swap3A_33, %swap3A_34] : memref<2000x32xf32, #tpu.memory_space<vmem>>, vector<2000x32xf32>
    tpu.vector_store %arg9[%swap3A_33, %swap3A_34], %slice3A_32 {strides = array<i32>} : memref<2000x32xf32, #tpu.memory_space<vmem>>, vector<2000x32xf32>,
    %slice3A_36 = vector.extract_strided_slice %mul3A_26 {offsets = [0, 32], sizes = [2000, 32], strides = [1, 1]} : vector<2000x64xf32> to vector<2000x32xf32>
    %swap3A_37 = arith.constant 0 : index
    %swap3A_38 = arith.constant 0 : index
    %swap3A_39 = vector.load %arg10[%swap3A_37, %swap3A_38] : memref<2000x32xf32, #tpu.memory_space<vmem>>, vector<2000x32xf32>
    tpu.vector_store %arg10[%swap3A_37, %swap3A_38], %slice3A_36 {strides = array<i32>} : memref<2000x32xf32, #tpu.memory_space<vmem>>, vector<2000x32xf32>,
    return
  }
  func.func @transform_0(%arg0: i32) -> (i32, i32) {
    %c0_i32 = arith.constant 0 : i32
    %c0_i32_0 = arith.constant 0 : i32
    return %arg0, %c0_i32 : i32, i32
  }
  func.func @transform_1(%arg0: i32) -> (i32, i32) {
    %c0_i32 = arith.constant 0 : i32
    %c0_i32_0 = arith.constant 0 : i32
    %c0_i32_1 = arith.constant 0 : i32
    return %c0_i32, %c0_i32_0 : i32, i32
  }
  func.func @transform_2(%arg0: i32) -> (i32, i32) {
    %c0_i32 = arith.constant 0 : i32
    %c0_i32_0 = arith.constant 0 : i32
    %c0_i32_1 = arith.constant 0 : i32
    return %c0_i32, %c0_i32_0 : i32, i32
  }
  func.func @transform_3(%arg0: i32) -> (i32, i32) {
    %c0_i32 = arith.constant 0 : i32
    %c0_i32_0 = arith.constant 0 : i32
    %c0_i32_1 = arith.constant 0 : i32
    return %c0_i32, %c0_i32_0 : i32, i32
  }
  func.func @transform_4(%arg0: i32) -> (i32, i32) {
    %c0_i32 = arith.constant 0 : i32
    %c0_i32_0 = arith.constant 0 : i32
    return %arg0, %c0_i32 : i32, i32
  }
  func.func @transform_5(%arg0: i32) -> (i32, i32) {
    %c0_i32 = arith.constant 0 : i32
    %c0_i32_0 = arith.constant 0 : i32
    return %arg0, %c0_i32 : i32, i32
  }
  func.func @transform_6(%arg0: i32) -> (i32, i32) {
    %c0_i32 = arith.constant 0 : i32
    %c0_i32_0 = arith.constant 0 : i32
    return %arg0, %c0_i32 : i32, i32
  }
  func.func @transform_7(%arg0: i32) -> (i32, i32) {
    %c0_i32 = arith.constant 0 : i32
    %c0_i32_0 = arith.constant 0 : i32
    return %arg0, %c0_i32 : i32, i32
  }
  func.func @transform_8(%arg0: i32) -> (i32, i32) {
    %c0_i32 = arith.constant 0 : i32
    %c0_i32_0 = arith.constant 0 : i32
    return %arg0, %c0_i32 : i32, i32
  }
  func.func @transform_9(%arg0: i32) -> (i32, i32) {
    %c0_i32 = arith.constant 0 : i32
    %c0_i32_0 = arith.constant 0 : i32
    return %arg0, %c0_i32 : i32, i32
  }
}

module attributes {stable_mosaic.version = 14 : i64} {
  func.func @_tc_fin_body(%arg0: i32, %arg1: memref<2000x64xf32, #tpu.memory_space<vmem>>, %arg2: memref<2000x32xf32, #tpu.memory_space<vmem>>, %arg3: memref<2000x32xf32, #tpu.memory_space<vmem>>, %arg4: memref<2000x1xf32, #tpu.memory_space<vmem>>, %arg5: memref<1x64xf32, #tpu.memory_space<vmem>>, %arg6: memref<1x64xf32, #tpu.memory_space<vmem>>, %arg7: memref<1x64xf32, #tpu.memory_space<vmem>>, %arg8: memref<2000x64xf32, #tpu.memory_space<vmem>>) attributes {dimension_semantics = [#tpu.dimension_semantics<arbitrary>], iteration_bounds = array<i64: 25>, scalar_prefetch = 0 : i64, scratch_operands = 0 : i64, tpu.core_type = #tpu.core_type<tc>, window_params = [{transform_indices = @transform_0, window_bounds = array<i64: 2000, 64>}, {transform_indices = @transform_1, window_bounds = array<i64: 2000, 32>}, {transform_indices = @transform_2, window_bounds = array<i64: 2000, 32>}, {transform_indices = @transform_3, window_bounds = array<i64: 2000, 1>}, {pipeline_mode = #tpu.pipeline_mode<synchronous>, transform_indices = @transform_4, window_bounds = array<i64: 1, 64>}, {pipeline_mode = #tpu.pipeline_mode<synchronous>, transform_indices = @transform_5, window_bounds = array<i64: 1, 64>}, {pipeline_mode = #tpu.pipeline_mode<synchronous>, transform_indices = @transform_6, window_bounds = array<i64: 1, 64>}, {transform_indices = @transform_7, window_bounds = array<i64: 2000, 64>}]} {
    %get3A = arith.constant 0 : index
    %get3A_0 = arith.constant 0 : index
    %get3A_1 = vector.load %arg2[%get3A, %get3A_0] : memref<2000x32xf32, #tpu.memory_space<vmem>>, vector<2000x32xf32>
    %get3A_2 = arith.constant 0 : index
    %get3A_3 = arith.constant 0 : index
    %get3A_4 = vector.load %arg3[%get3A_2, %get3A_3] : memref<2000x32xf32, #tpu.memory_space<vmem>>, vector<2000x32xf32>
    %concatenate3A = tpu.concatenate %get3A_1, %get3A_4 in 1 : vector<2000x32xf32>, vector<2000x32xf32> -> vector<2000x64xf32>
    %get3A_5 = arith.constant 0 : index
    %get3A_6 = arith.constant 0 : index
    %get3A_7 = vector.load %arg1[%get3A_5, %get3A_6] : memref<2000x64xf32, #tpu.memory_space<vmem>>, vector<2000x64xf32>
    %get3A_8 = arith.constant 0 : index
    %get3A_9 = arith.constant 0 : index
    %get3A_10 = vector.load %arg4[%get3A_8, %get3A_9] : memref<2000x1xf32, #tpu.memory_space<vmem>>, vector<2000x1xf32>
    %get3A_11 = arith.constant 0 : index
    %get3A_12 = arith.constant 0 : index
    %get3A_13 = vector.load %arg5[%get3A_11, %get3A_12] : memref<1x64xf32, #tpu.memory_space<vmem>>, vector<1x64xf32>
    %get3A_14 = arith.constant 0 : index
    %get3A_15 = arith.constant 0 : index
    %get3A_16 = vector.load %arg6[%get3A_14, %get3A_15] : memref<1x64xf32, #tpu.memory_space<vmem>>, vector<1x64xf32>
    %get3A_17 = arith.constant 0 : index
    %get3A_18 = arith.constant 0 : index
    %get3A_19 = vector.load %arg7[%get3A_17, %get3A_18] : memref<1x64xf32, #tpu.memory_space<vmem>>, vector<1x64xf32>
    %mul3A = vector.broadcast %get3A_10 : vector<2000x1xf32> to vector<2000x64xf32>
    %mul3A_20 = arith.mulf %mul3A, %concatenate3A : vector<2000x64xf32>
    %add3A = vector.broadcast %get3A_13 : vector<1x64xf32> to vector<2000x64xf32>
    %add3A_21 = arith.addf %mul3A_20, %add3A : vector<2000x64xf32>
    %reduce_sum3A = arith.constant dense<0.000000e+00> : vector<2000xf32>
    %reduce_sum3A_22 = vector.multi_reduction <add>, %add3A_21, %reduce_sum3A [1] : vector<2000x64xf32> to vector<2000xf32>
    %broadcast_in_dim3A = vector.shape_cast %reduce_sum3A_22 : vector<2000xf32> to vector<2000x1xf32>
    %div3A = arith.constant 6.400000e+01 : f32
    %div3A_23 = vector.broadcast %div3A : f32 to vector<2000x1xf32>
    %div3A_24 = arith.divf %broadcast_in_dim3A, %div3A_23 : vector<2000x1xf32>
    %sub3A = vector.broadcast %div3A_24 : vector<2000x1xf32> to vector<2000x64xf32>
    %sub3A_25 = arith.subf %add3A_21, %sub3A : vector<2000x64xf32>
    %integer_pow3A = arith.mulf %sub3A_25, %sub3A_25 : vector<2000x64xf32>
    %reduce_sum3A_26 = arith.constant dense<0.000000e+00> : vector<2000xf32>
    %reduce_sum3A_27 = vector.multi_reduction <add>, %integer_pow3A, %reduce_sum3A_26 [1] : vector<2000x64xf32> to vector<2000xf32>
    %broadcast_in_dim3A_28 = vector.shape_cast %reduce_sum3A_27 : vector<2000xf32> to vector<2000x1xf32>
    %div3A_29 = arith.constant 6.400000e+01 : f32
    %div3A_30 = vector.broadcast %div3A_29 : f32 to vector<2000x1xf32>
    %div3A_31 = arith.divf %broadcast_in_dim3A_28, %div3A_30 : vector<2000x1xf32>
    %sub3A_32 = vector.broadcast %div3A_24 : vector<2000x1xf32> to vector<2000x64xf32>
    %sub3A_33 = arith.subf %add3A_21, %sub3A_32 : vector<2000x64xf32>
    %add3A_34 = arith.constant 9.99999974E-6 : f32
    %add3A_35 = vector.broadcast %add3A_34 : f32 to vector<2000x1xf32>
    %add3A_36 = arith.addf %div3A_31, %add3A_35 : vector<2000x1xf32>
    %rsqrt3A = math.rsqrt %add3A_36 : vector<2000x1xf32>
    %mul3A_37 = vector.broadcast %rsqrt3A : vector<2000x1xf32> to vector<2000x64xf32>
    %mul3A_38 = arith.mulf %sub3A_33, %mul3A_37 : vector<2000x64xf32>
    %mul3A_39 = vector.broadcast %get3A_16 : vector<1x64xf32> to vector<2000x64xf32>
    %mul3A_40 = arith.mulf %mul3A_38, %mul3A_39 : vector<2000x64xf32>
    %add3A_41 = vector.broadcast %get3A_19 : vector<1x64xf32> to vector<2000x64xf32>
    %add3A_42 = arith.addf %mul3A_40, %add3A_41 : vector<2000x64xf32>
    %add3A_43 = arith.addf %get3A_7, %add3A_42 : vector<2000x64xf32>
    %swap3A = arith.constant 0 : index
    %swap3A_44 = arith.constant 0 : index
    %swap3A_45 = vector.load %arg8[%swap3A, %swap3A_44] : memref<2000x64xf32, #tpu.memory_space<vmem>>, vector<2000x64xf32>
    tpu.vector_store %arg8[%swap3A, %swap3A_44], %add3A_43 {strides = array<i32>} : memref<2000x64xf32, #tpu.memory_space<vmem>>, vector<2000x64xf32>,
    return
  }
  func.func @transform_0(%arg0: i32) -> (i32, i32) {
    %c0_i32 = arith.constant 0 : i32
    %c0_i32_0 = arith.constant 0 : i32
    return %arg0, %c0_i32 : i32, i32
  }
  func.func @transform_1(%arg0: i32) -> (i32, i32) {
    %c0_i32 = arith.constant 0 : i32
    %c0_i32_0 = arith.constant 0 : i32
    return %arg0, %c0_i32 : i32, i32
  }
  func.func @transform_2(%arg0: i32) -> (i32, i32) {
    %c0_i32 = arith.constant 0 : i32
    %c0_i32_0 = arith.constant 0 : i32
    return %arg0, %c0_i32 : i32, i32
  }
  func.func @transform_3(%arg0: i32) -> (i32, i32) {
    %c0_i32 = arith.constant 0 : i32
    %c0_i32_0 = arith.constant 0 : i32
    return %arg0, %c0_i32 : i32, i32
  }
  func.func @transform_4(%arg0: i32) -> (i32, i32) {
    %c0_i32 = arith.constant 0 : i32
    %c0_i32_0 = arith.constant 0 : i32
    %c0_i32_1 = arith.constant 0 : i32
    return %c0_i32, %c0_i32_0 : i32, i32
  }
  func.func @transform_5(%arg0: i32) -> (i32, i32) {
    %c0_i32 = arith.constant 0 : i32
    %c0_i32_0 = arith.constant 0 : i32
    %c0_i32_1 = arith.constant 0 : i32
    return %c0_i32, %c0_i32_0 : i32, i32
  }
  func.func @transform_6(%arg0: i32) -> (i32, i32) {
    %c0_i32 = arith.constant 0 : i32
    %c0_i32_0 = arith.constant 0 : i32
    %c0_i32_1 = arith.constant 0 : i32
    return %c0_i32, %c0_i32_0 : i32, i32
  }
  func.func @transform_7(%arg0: i32) -> (i32, i32) {
    %c0_i32 = arith.constant 0 : i32
    %c0_i32_0 = arith.constant 0 : i32
    return %arg0, %c0_i32 : i32, i32
  }
}

module attributes {stable_mosaic.version = 14 : i64} {
  func.func @_tc_mid_body(%arg0: i32, %arg1: memref<2000x64xf32, #tpu.memory_space<vmem>>, %arg2: memref<2000x32xf32, #tpu.memory_space<vmem>>, %arg3: memref<2000x32xf32, #tpu.memory_space<vmem>>, %arg4: memref<2000x1xf32, #tpu.memory_space<vmem>>, %arg5: memref<1x64xf32, #tpu.memory_space<vmem>>, %arg6: memref<1x64xf32, #tpu.memory_space<vmem>>, %arg7: memref<1x64xf32, #tpu.memory_space<vmem>>, %arg8: memref<64x64xf32, #tpu.memory_space<vmem>>, %arg9: memref<2000x64xf32, #tpu.memory_space<vmem>>, %arg10: memref<2000x32xf32, #tpu.memory_space<vmem>>, %arg11: memref<2000x32xf32, #tpu.memory_space<vmem>>) attributes {dimension_semantics = [#tpu.dimension_semantics<arbitrary>], iteration_bounds = array<i64: 25>, scalar_prefetch = 0 : i64, scratch_operands = 0 : i64, tpu.core_type = #tpu.core_type<tc>, window_params = [{transform_indices = @transform_0, window_bounds = array<i64: 2000, 64>}, {transform_indices = @transform_1, window_bounds = array<i64: 2000, 32>}, {transform_indices = @transform_2, window_bounds = array<i64: 2000, 32>}, {transform_indices = @transform_3, window_bounds = array<i64: 2000, 1>}, {pipeline_mode = #tpu.pipeline_mode<synchronous>, transform_indices = @transform_4, window_bounds = array<i64: 1, 64>}, {pipeline_mode = #tpu.pipeline_mode<synchronous>, transform_indices = @transform_5, window_bounds = array<i64: 1, 64>}, {pipeline_mode = #tpu.pipeline_mode<synchronous>, transform_indices = @transform_6, window_bounds = array<i64: 1, 64>}, {pipeline_mode = #tpu.pipeline_mode<synchronous>, transform_indices = @transform_7, window_bounds = array<i64: 64, 64>}, {transform_indices = @transform_8, window_bounds = array<i64: 2000, 64>}, {transform_indices = @transform_9, window_bounds = array<i64: 2000, 32>}, {transform_indices = @transform_10, window_bounds = array<i64: 2000, 32>}]} {
    %get3A = arith.constant 0 : index
    %get3A_0 = arith.constant 0 : index
    %get3A_1 = vector.load %arg2[%get3A, %get3A_0] : memref<2000x32xf32, #tpu.memory_space<vmem>>, vector<2000x32xf32>
    %get3A_2 = arith.constant 0 : index
    %get3A_3 = arith.constant 0 : index
    %get3A_4 = vector.load %arg3[%get3A_2, %get3A_3] : memref<2000x32xf32, #tpu.memory_space<vmem>>, vector<2000x32xf32>
    %concatenate3A = tpu.concatenate %get3A_1, %get3A_4 in 1 : vector<2000x32xf32>, vector<2000x32xf32> -> vector<2000x64xf32>
    %get3A_5 = arith.constant 0 : index
    %get3A_6 = arith.constant 0 : index
    %get3A_7 = vector.load %arg4[%get3A_5, %get3A_6] : memref<2000x1xf32, #tpu.memory_space<vmem>>, vector<2000x1xf32>
    %get3A_8 = arith.constant 0 : index
    %get3A_9 = arith.constant 0 : index
    %get3A_10 = vector.load %arg1[%get3A_8, %get3A_9] : memref<2000x64xf32, #tpu.memory_space<vmem>>, vector<2000x64xf32>
    %get3A_11 = arith.constant 0 : index
    %get3A_12 = arith.constant 0 : index
    %get3A_13 = vector.load %arg5[%get3A_11, %get3A_12] : memref<1x64xf32, #tpu.memory_space<vmem>>, vector<1x64xf32>
    %get3A_14 = arith.constant 0 : index
    %get3A_15 = arith.constant 0 : index
    %get3A_16 = vector.load %arg6[%get3A_14, %get3A_15] : memref<1x64xf32, #tpu.memory_space<vmem>>, vector<1x64xf32>
    %get3A_17 = arith.constant 0 : index
    %get3A_18 = arith.constant 0 : index
    %get3A_19 = vector.load %arg7[%get3A_17, %get3A_18] : memref<1x64xf32, #tpu.memory_space<vmem>>, vector<1x64xf32>
    %mul3A = vector.broadcast %get3A_7 : vector<2000x1xf32> to vector<2000x64xf32>
    %mul3A_20 = arith.mulf %mul3A, %concatenate3A : vector<2000x64xf32>
    %add3A = vector.broadcast %get3A_13 : vector<1x64xf32> to vector<2000x64xf32>
    %add3A_21 = arith.addf %mul3A_20, %add3A : vector<2000x64xf32>
    %reduce_sum3A = arith.constant dense<0.000000e+00> : vector<2000xf32>
    %reduce_sum3A_22 = vector.multi_reduction <add>, %add3A_21, %reduce_sum3A [1] : vector<2000x64xf32> to vector<2000xf32>
    %broadcast_in_dim3A = vector.shape_cast %reduce_sum3A_22 : vector<2000xf32> to vector<2000x1xf32>
    %div3A = arith.constant 6.400000e+01 : f32
    %div3A_23 = vector.broadcast %div3A : f32 to vector<2000x1xf32>
    %div3A_24 = arith.divf %broadcast_in_dim3A, %div3A_23 : vector<2000x1xf32>
    %sub3A = vector.broadcast %div3A_24 : vector<2000x1xf32> to vector<2000x64xf32>
    %sub3A_25 = arith.subf %add3A_21, %sub3A : vector<2000x64xf32>
    %integer_pow3A = arith.mulf %sub3A_25, %sub3A_25 : vector<2000x64xf32>
    %reduce_sum3A_26 = arith.constant dense<0.000000e+00> : vector<2000xf32>
    %reduce_sum3A_27 = vector.multi_reduction <add>, %integer_pow3A, %reduce_sum3A_26 [1] : vector<2000x64xf32> to vector<2000xf32>
    %broadcast_in_dim3A_28 = vector.shape_cast %reduce_sum3A_27 : vector<2000xf32> to vector<2000x1xf32>
    %div3A_29 = arith.constant 6.400000e+01 : f32
    %div3A_30 = vector.broadcast %div3A_29 : f32 to vector<2000x1xf32>
    %div3A_31 = arith.divf %broadcast_in_dim3A_28, %div3A_30 : vector<2000x1xf32>
    %sub3A_32 = vector.broadcast %div3A_24 : vector<2000x1xf32> to vector<2000x64xf32>
    %sub3A_33 = arith.subf %add3A_21, %sub3A_32 : vector<2000x64xf32>
    %add3A_34 = arith.constant 9.99999974E-6 : f32
    %add3A_35 = vector.broadcast %add3A_34 : f32 to vector<2000x1xf32>
    %add3A_36 = arith.addf %div3A_31, %add3A_35 : vector<2000x1xf32>
    %rsqrt3A = math.rsqrt %add3A_36 : vector<2000x1xf32>
    %mul3A_37 = vector.broadcast %rsqrt3A : vector<2000x1xf32> to vector<2000x64xf32>
    %mul3A_38 = arith.mulf %sub3A_33, %mul3A_37 : vector<2000x64xf32>
    %mul3A_39 = vector.broadcast %get3A_16 : vector<1x64xf32> to vector<2000x64xf32>
    %mul3A_40 = arith.mulf %mul3A_38, %mul3A_39 : vector<2000x64xf32>
    %add3A_41 = vector.broadcast %get3A_19 : vector<1x64xf32> to vector<2000x64xf32>
    %add3A_42 = arith.addf %mul3A_40, %add3A_41 : vector<2000x64xf32>
    %max3A = arith.constant 0.000000e+00 : f32
    %max3A_43 = vector.broadcast %max3A : f32 to vector<2000x64xf32>
    %max3A_44 = arith.maximumf %add3A_42, %max3A_43 : vector<2000x64xf32>
    %add3A_45 = arith.addf %get3A_10, %max3A_44 : vector<2000x64xf32>
    %get3A_46 = arith.constant 0 : index
    %get3A_47 = arith.constant 0 : index
    %get3A_48 = vector.load %arg8[%get3A_46, %get3A_47] : memref<64x64xf32, #tpu.memory_space<vmem>>, vector<64x64xf32>
    %dot_general3A = arith.constant dense<0.000000e+00> : vector<2000x64xf32>
    %dot_general3A_49 = tpu.matmul %add3A_45, %get3A_48, %dot_general3A {dimension_numbers = #tpu.dot_dimension_numbers<[1], [0], [0], [1], [0, 0, 1, 1], [], []>, transpose_lhs_hint = false} : vector<2000x64xf32>, vector<64x64xf32>, vector<2000x64xf32> -> vector<2000x64xf32>
    %mul3A_50 = vector.broadcast %get3A_7 : vector<2000x1xf32> to vector<2000x64xf32>
    %mul3A_51 = arith.mulf %dot_general3A_49, %mul3A_50 : vector<2000x64xf32>
    %swap3A = arith.constant 0 : index
    %swap3A_52 = arith.constant 0 : index
    %swap3A_53 = vector.load %arg9[%swap3A, %swap3A_52] : memref<2000x64xf32, #tpu.memory_space<vmem>>, vector<2000x64xf32>
    tpu.vector_store %arg9[%swap3A, %swap3A_52], %add3A_45 {strides = array<i32>} : memref<2000x64xf32, #tpu.memory_space<vmem>>, vector<2000x64xf32>,
    %slice3A = vector.extract_strided_slice %mul3A_51 {offsets = [0, 0], sizes = [2000, 32], strides = [1, 1]} : vector<2000x64xf32> to vector<2000x32xf32>
    %swap3A_54 = arith.constant 0 : index
    %swap3A_55 = arith.constant 0 : index
    %swap3A_56 = vector.load %arg10[%swap3A_54, %swap3A_55] : memref<2000x32xf32, #tpu.memory_space<vmem>>, vector<2000x32xf32>
    tpu.vector_store %arg10[%swap3A_54, %swap3A_55], %slice3A {strides = array<i32>} : memref<2000x32xf32, #tpu.memory_space<vmem>>, vector<2000x32xf32>,
    %slice3A_57 = vector.extract_strided_slice %mul3A_51 {offsets = [0, 32], sizes = [2000, 32], strides = [1, 1]} : vector<2000x64xf32> to vector<2000x32xf32>
    %swap3A_58 = arith.constant 0 : index
    %swap3A_59 = arith.constant 0 : index
    %swap3A_60 = vector.load %arg11[%swap3A_58, %swap3A_59] : memref<2000x32xf32, #tpu.memory_space<vmem>>, vector<2000x32xf32>
    tpu.vector_store %arg11[%swap3A_58, %swap3A_59], %slice3A_57 {strides = array<i32>} : memref<2000x32xf32, #tpu.memory_space<vmem>>, vector<2000x32xf32>,
    return
  }
  func.func @transform_0(%arg0: i32) -> (i32, i32) {
    %c0_i32 = arith.constant 0 : i32
    %c0_i32_0 = arith.constant 0 : i32
    return %arg0, %c0_i32 : i32, i32
  }
  func.func @transform_1(%arg0: i32) -> (i32, i32) {
    %c0_i32 = arith.constant 0 : i32
    %c0_i32_0 = arith.constant 0 : i32
    return %arg0, %c0_i32 : i32, i32
  }
  func.func @transform_2(%arg0: i32) -> (i32, i32) {
    %c0_i32 = arith.constant 0 : i32
    %c0_i32_0 = arith.constant 0 : i32
    return %arg0, %c0_i32 : i32, i32
  }
  func.func @transform_3(%arg0: i32) -> (i32, i32) {
    %c0_i32 = arith.constant 0 : i32
    %c0_i32_0 = arith.constant 0 : i32
    return %arg0, %c0_i32 : i32, i32
  }
  func.func @transform_4(%arg0: i32) -> (i32, i32) {
    %c0_i32 = arith.constant 0 : i32
    %c0_i32_0 = arith.constant 0 : i32
    %c0_i32_1 = arith.constant 0 : i32
    return %c0_i32, %c0_i32_0 : i32, i32
  }
  func.func @transform_5(%arg0: i32) -> (i32, i32) {
    %c0_i32 = arith.constant 0 : i32
    %c0_i32_0 = arith.constant 0 : i32
    %c0_i32_1 = arith.constant 0 : i32
    return %c0_i32, %c0_i32_0 : i32, i32
  }
  func.func @transform_6(%arg0: i32) -> (i32, i32) {
    %c0_i32 = arith.constant 0 : i32
    %c0_i32_0 = arith.constant 0 : i32
    %c0_i32_1 = arith.constant 0 : i32
    return %c0_i32, %c0_i32_0 : i32, i32
  }
  func.func @transform_7(%arg0: i32) -> (i32, i32) {
    %c0_i32 = arith.constant 0 : i32
    %c0_i32_0 = arith.constant 0 : i32
    %c0_i32_1 = arith.constant 0 : i32
    return %c0_i32, %c0_i32_0 : i32, i32
  }
  func.func @transform_8(%arg0: i32) -> (i32, i32) {
    %c0_i32 = arith.constant 0 : i32
    %c0_i32_0 = arith.constant 0 : i32
    return %arg0, %c0_i32 : i32, i32
  }
  func.func @transform_9(%arg0: i32) -> (i32, i32) {
    %c0_i32 = arith.constant 0 : i32
    %c0_i32_0 = arith.constant 0 : i32
    return %arg0, %c0_i32 : i32, i32
  }
  func.func @transform_10(%arg0: i32) -> (i32, i32) {
    %c0_i32 = arith.constant 0 : i32
    %c0_i32_0 = arith.constant 0 : i32
    return %arg0, %c0_i32 : i32, i32
  }
}

</mosaic_0001>

<sc_bundles>
// kernel: kernel.10.cloned.1.call-start
scs
__scs_entry_jumppad:
0x0: {  	(pc) =	sbr.rel $0x88, $3  }
0x1: {  	(tag) =	ssettag $0x0;
	lr =	simm.s32 $0x1  }
0x2: {  	[smem:$0x3F91] =	sst lr;
	_ =	strace $0xD0000000  }
0x3: {  	_ = 	snop  }
0x4: {  	_ = 	snop  }
0x5: {  	_ = 	snop  }
0x6: {  	_ = 	snop  }
0x7: {  	_ = 	snop  }
__scs_overlays_trampoline_lowered:
0x8: {  	[smem:$0x3FA0] =	sst s0  }
0x9: {  	[smem:$0x3FA1] =	sst s1  }
0xa: {  	[smem:$0x3FA2] =	sst s2  }
0xb: {  	[smem:$0x3FA3] =	sst s3  }
0xc: {  	[smem:$0x3FA4] =	sst s4  }
0xd: {  	[smem:$0x3FA5] =	sst s5  }
0xe: {  	[smem:$0x3FA6] =	sst s6  }
0xf: {  	[smem:$0x3FA7] =	sst s7  }
0x10: {  	[smem:$0x3FA8] =	sst s8  }
0x11: {  	[smem:$0x3FA9] =	sst s9;
	s0 =	simm.s32 @!p0 $0x0  }
0x12: {  	s1 =	sld [smem:$0x3F8F];
	s0 =	simm.s32 @p0 $0x1  }
0x13: {  	[smem:$0x3FAA] =	sst s0;
	s0 =	simm.s32 @!p1 $0x0  }
0x14: {  	s2 =	sld [smem:$0x3F8E];
	s0 =	simm.s32 @p1 $0x1  }
0x15: {  	[smem:$0x3FAB] =	sst s0;
	s0 =	simm.s32 @!p2 $0x0  }
0x16: {  	s3 =	sld [smem:$0x3FDB];
	s0 =	simm.s32 @p2 $0x1  }
0x17: {  	s4 =	simm.s32 $0x1BF5;
	[smem:$0x3FAD] =	sst s0  }
0x18: {  	s0 =	sld [smem:$0x3F90];
	_ =	swait.ge [sflag:s4], $0x0  }
0x19: {  	s7 =	sld [smem:$0x3F91]  }
0x1a: {  	s8 =	sadd.s32 $0xFFFFE003, lr  }
0x1b: {  	s9 =	sadd.s32 $0xFFFFFEF7, lr;
	s5 =	simm.s32 $0xFFFFFFFF;
	p2 =	slt.u32 s8, $0xFFFFF086  }
0x1c: {  	p1 =	slt.u32 s9, $0xF7A;
	s5 =	simm.s32 @!p2 $0x0  }
0x1d: {  	s5 =	simm.s32 @p1 $0x1;
	p0 =	seq.s32 s7, s2  }
0x1e: {  	s7 =	smul.u32 @!p0 $0xF7A, s2;
	p2 =	seq.s32 @!p0 s5, $0x0  }
0x1f: {  	s9 =	smul.u32 $0xF7A, s1;
	s8 =	simm.s32 @!p0 $0x1BF5;
	p2 =	por !p2, p0  }
0x20: {  	[sflag:s8] =	ssyncset.s32 @!p0 $0xFFFFF086;
	s6 =	sadd.s32 @!p0 s3, s7;
	s7 =	simm.s32 @!p0 $0x108  }
0x21: {  	s3 =	sadd.s32 s3, s9;
	s6 =	sadd.s32 @!p0 $0x88, s6;
	s7 =	simm.s32 @p2 $0x1082  }
0x22: {  	[simem:s7], [sflag:s8] =	dma.local @!p0 [hbm:s6], $0xF7A  }
0x23: {  	s9 =	sor.u32 $0xD0000000, s2;
	s6 =	simm.s32 $0x108;
	_ =	swait.ge @!p0 [sflag:s8], $0x0  }
0x24: {  	s3 =	sadd.s32 $0x88, s3;
	s6 =	simm.s32 @!p1 $0x1082;
	[sflag:s4] =	ssyncset.s32 $0xFFFFF086  }
0x25: {  	[simem:s6], [sflag:s4] =	dma.local [hbm:s3], $0xF7A  }
0x26: {  	[smem:$0x3F91] =	sst s1;
	(tag) =	ssettag s2;
	_ =	strace s9  }
0x27: {  	s1 =	sld [smem:$0x3FA1]  }
0x28: {  	s2 =	sld [smem:$0x3FA2]  }
0x29: {  	s4 =	sld [smem:$0x3FA4]  }
0x2a: {  	p0 =	seq.s32 s5, $0x0;
	s5 =	sld [smem:$0x3FA5]  }
0x2b: {  	s6 =	sld [smem:$0x3FA6]  }
0x2c: {  	s7 =	sld [smem:$0x3FA7]  }
0x2d: {  	s3 =	simm.s32 $0x108;
	s8 =	sld [smem:$0x3FA8]  }
0x2e: {  	s3 =	simm.s32 @!p0 $0x1082;
	s9 =	sld [smem:$0x3FA9]  }
0x2f: {  	lr =	sadd.s32 s0, s3;
	s0 =	sld [smem:$0x3FA0]  }
0x30: {  	s3 =	sld [smem:$0x3FA3]  }
0x31: {  	[smem:$0x3FAC] =	sst s10  }
0x32: {  	s10 =	sld [smem:$0x3FAA];
	_ =	sdelay $0x3  }
0x33: {  	p0 =	seq.s32 s10, $0x1;
	s10 =	sld [smem:$0x3FAC];
	_ =	sdelay $0x3  }
0x34: {  	[smem:$0x3FAC] =	sst s10  }
0x35: {  	s10 =	sld [smem:$0x3FAB];
	_ =	sdelay $0x3  }
0x36: {  	p1 =	seq.s32 s10, $0x1;
	s10 =	sld [smem:$0x3FAC];
	_ =	sdelay $0x3  }
0x37: {  	[smem:$0x3FAC] =	sst s10  }
0x38: {  	s10 =	sld [smem:$0x3FAD]  }
0x39: {  	_ = 	snop;
	(pc) =	sbr.ind lr, $3  }
0x3a: {  	_ = 	snop  }
0x3b: {  	_ = 	snop  }
0x3c: {  	p2 =	seq.s32 s10, $0x1;
	s10 =	sld [smem:$0x3FAC]  }
0x3d: {  	_ =	shalt  }
0x3e: {  	_ =	shalt  }
0x3f: {  	_ =	shalt  }
0x40: {  	_ =	shalt  }
0x41: {  	_ =	shalt  }
0x42: {  	_ =	shalt  }
0x43: {  	_ =	shalt  }
0x44: {  	_ =	shalt  }
0x45: {  	_ =	shalt  }
0x46: {  	_ =	shalt  }
0x47: {  	_ =	shalt  }
0x48: {  	_ =	shalt  }
0x49: {  	_ =	shalt  }
0x4a: {  	_ =	shalt  }
0x4b: {  	_ =	shalt  }
0x4c: {  	_ =	shalt  }
0x4d: {  	_ =	shalt  }
0x4e: {  	_ =	shalt  }
0x4f: {  	_ =	shalt  }
0x50: {  	_ =	shalt  }
0x51: {  	_ =	shalt  }
0x52: {  	_ =	shalt  }
0x53: {  	_ =	shalt  }
0x54: {  	_ =	shalt  }
0x55: {  	_ =	shalt  }
0x56: {  	_ =	shalt  }
0x57: {  	_ =	shalt  }
0x58: {  	_ =	shalt  }
0x59: {  	_ =	shalt  }
0x5a: {  	_ =	shalt  }
0x5b: {  	_ =	shalt  }
0x5c: {  	_ =	shalt  }
0x5d: {  	_ =	shalt  }
0x5e: {  	_ =	shalt  }
0x5f: {  	_ =	shalt  }
0x60: {  	_ =	shalt  }
0x61: {  	_ =	shalt  }
0x62: {  	_ =	shalt  }
0x63: {  	_ =	shalt  }
0x64: {  	_ =	shalt  }
0x65: {  	_ =	shalt  }
0x66: {  	_ =	shalt  }
0x67: {  	_ =	shalt  }
0x68: {  	_ =	shalt  }
0x69: {  	_ =	shalt  }
0x6a: {  	_ =	shalt  }
0x6b: {  	_ =	shalt  }
0x6c: {  	_ =	shalt  }
0x6d: {  	_ =	shalt  }
0x6e: {  	_ =	shalt  }
0x6f: {  	_ =	shalt  }
0x70: {  	_ =	shalt  }
0x71: {  	_ =	shalt  }
0x72: {  	_ =	shalt  }
0x73: {  	_ =	shalt  }
0x74: {  	_ =	shalt  }
0x75: {  	_ =	shalt  }
0x76: {  	_ =	shalt  }
0x77: {  	_ =	shalt  }
0x78: {  	_ =	shalt  }
0x79: {  	_ =	shalt  }
0x7a: {  	_ =	shalt  }
0x7b: {  	_ =	shalt  }
0x7c: {  	_ =	shalt  }
0x7d: {  	_ =	shalt  }
0x7e: {  	_ =	shalt  }
0x7f: {  	_ =	shalt  }
0x80: {  	_ =	shalt  }
0x81: {  	_ =	shalt  }
0x82: {  	_ =	shalt  }
0x83: {  	_ =	shalt  }
0x84: {  	_ =	shalt  }
0x85: {  	_ =	shalt  }
0x86: {  	_ =	shalt  }
0x87: {  	_ =	shalt  }
.Lfunc_end0:
.L_simem_size_0:
called_computation_lowered:
.L_overlay_start_0:
0x88: {  	s2 =	sld [smem:$0x3FD9]  }
0x89: {  	s3 =	sld [smem:$0x3FFE];
	_ =	sdelay $0x1  }
0x8a: {  	s1 =	srdreg.scid  }
0x8b: {  	s0 =	sand.u32 $0x1, s1  }
0x8c: {  	s17 =	sshll.u32 s0, $0xA;
	s2 =	sadd.s32 s3, s2  }
0x8d: {  	s2 =	sadd.s32 s2, s17  }
0x8e: {  	[smem:$0x3FB8] =	sst s2  }
0x8f: {  	_ = 	snop  }
0x90: {  	s2 =	sld [smem:$0x3FD0];
	(tm) =	ssettm $0x1  }
0x91: {  	s18 =	sld [smem:$0x3FFB];
	_ =	sdelay $0x3  }
0x92: {  	_ =	strace s18  }
0x93: {  	s3 =	sld [smem:$0x3FFC];
	_ =	sdelay $0x3  }
0x94: {  	_ =	strace s3  }
0x95: {  	s3 =	sld [smem:$0x3FFD];
	_ =	sdelay $0x3  }
0x96: {  	_ =	strace s3  }
0x97: {  	_ =	strace $0x8FFFFFFF  }
0x98: {  	s19 =	sld [smem:$0x3FDB];
	_ =	sdelay $0x1  }
0x99: {  	s4 =	simm.s32 $_scs_section_size  }
0x9a: {  	s5 =	simm.s32 $_size__tile_overlayer_lowered;
	s6 =	simm.s32 $_tile_overlayer_lowered  }
0x9b: {  	s22 =	simm.s32 $0x1BFF;
	s21 =	sshll.u32 s6, $0x1;
	s3 =	sadd.s32 s4, s19  }
0x9c: {  	s7 =	simm.s32 $0x0;
	s20 =	sshll.u32 s5, $0x1;
	s5 =	sadd.s32 s21, s3  }
0x9d: {  	[timem:s7], [sflag:s22] =	dma.local [hbm:s5], s20  }
0x9e: {  	_ =	swait.ge [sflag:s22], s20  }
0x9f: {  	s4 =	ssub.s32 $0x0, s20;
	[sflag:s22] =	ssyncset.done $0x0  }
0xa0: {  	[sflag:s22] =	ssyncadd.s32 s4;
	_ =	sdelay $0x1  }
0xa1: {  	s23 =	simm.s32 $0x1B8B  }
0xa2: {  	_ =	swait.ge [sflag:s23], $0x1  }
0xa3: {  	[sflag:s23] =	ssyncset.done $0x0  }
0xa4: {  	s25 =	simm.s32 $0x1B8E;
	s24 =	sld [smem:$0x3FFE];
	[sflag:s23] =	ssyncadd.s32 $0xFFFFFFFF  }
0xa5: {  	s26 =	simm.s32 $execute0_lowered;
	[smem:$0x3FD2] =	sst s25  }
0xa6: {  	s5 =	sshll.u32 s26, $0x1;
	_ =	strace $0x80000046;
	[dreg:$0x1] =	wrdreg $0xFFFFFFFF  }
0xa7: {  	s28 =	simm.s32 $_size_execute0_lowered;
	s3 =	sadd.s32 s3, s5;
	[dreg:$0x0] =	wrdreg $0x0  }
0xa8: {  	s5 =	sshll.u32 s28, $0x1;
	[dreg:$0x2] =	wrdreg s3  }
0xa9: {  	[dreg:$0x3] =	wrdreg s5  }
0xaa: {  	[dreg:$0x4] =	wrdreg $0xC0  }
0xab: {  	_ =	task [dreg:s7], $0x5FFFF  }
0xac: {  	[dreg:$0x1] =	wrdreg $0xFFFFFFFF  }
0xad: {  	[dreg:$0x0] =	wrdreg $0x60  }
0xae: {  	[dreg:$0x2] =	wrdreg s24  }
0xaf: {  	[dreg:$0x3] =	wrdreg s2  }
0xb0: {  	[dreg:$0x4] =	wrdreg $0x0  }
0xb1: {  	[dreg:$0x5] =	wrdreg $0x9  }
0xb2: {  	_ =	task.clear_ibuf [dreg:s7], $0x6FFFF;
	_ =	strace $0x90000046  }
0xb3: {  	s29 =	simm.s32 $0x9;
	_ =	strace $0x80000048  }
0xb4: {  	_ =	swait.ge [sflag:s29], $0x1  }
0xb5: {  	[sflag:s29] =	ssyncadd.s32 $0xFFFFFFFF  }
0xb6: {  	_ =	strace $0x90000048  }
0xb7: {  	_ =	sfence  }
0xb8: {  	s30 =	sld [smem:$0x0];
	_ =	sdelay $0x2  }
0xb9: {  	s31 =	sshll.u32 s1, $0xD;
	s1 =	sshrl.u32 s1, $0x2  }
0xba: {  	s3 =	sand.u32 $0x4000, s31;
	s1 =	sadd.s32 s1, s30  }
0xbb: {  	s0 =	sor.u32 s3, s0;
	s1 =	sshll.u32 s1, $0x11  }
0xbc: {  	s0 =	sor.u32 s1, s0  }
0xbd: {  	s0 =	sadd.s32 $0x8F2B, s0  }
0xbe: {  	[sflag:s0] =	ssyncadd.remote.s32 $0x1  }
0xbf: {  	_ =	sfence.sel $0xFFFF  }
0xc0: {  	[dreg:$0x0] =	wrdreg $0xFFFFFFFF;
	(pc) =	sbr.abs _section_cstart, $3  }
0xc1: {  	[dreg:$0x1] =	wrdreg $0xFFFFFFFF  }
0xc2: {  	_ =	task.clear_ibuf [dreg:s7], $0x2FFFF;
	_ =	strace $0x9FFFFFFF  }
0xc3: {  	(tm) =	ssettm $0x7FFFFFFF  }
tec
execute0_lowered:
.L_overlay_start_1:
0x0: {  	(tag) =	ssettag $0x1  }
0x1: {  	s1 =	srdreg.scid;
	s6 =	rddreg [dreg:$0x0]  }
0x2: {  	s0 =	stileid.u32;
	s11 =	rddreg [dreg:$0x1]  }
0x3: {  	s2 =	rddreg [dreg:$0x2];
	s16 =	simm.s32 $0xC400;
	s17 =	simm.s32 $0x80  }
0x4: {  	s18 =	simm.s32 $0x0;
	s7 =	sand.u32 $0x1, s1;
	s30 =	sshll.u32 s0, $0x3  }
0x5: {  	s1 =	rddreg [dreg:$0x3];
	s12 =	smul.u32 $0xC400, s0;
	s5 =	sadd.s32 $0x36600, s6  }
0x6: {  	s13 =	sadd.s32 $0x38000, s6;
	s14 =	sshll.u32 s0, $0x6;
	s3 =	sshll.u32 s7, $0x2  }
0x7: {  	s8 =	ssub.s32 $0x2, s7;
	p0 =	seq.s32 s7, $0x1;
	s14 =	sor.u32 $0x1C01, s14  }
0x8: {  	s4 =	sor.u32 s3, s30;
	s3 =	simm.s32 $0x0;
	s9 =	sshrl.u32 s8, $0x1  }
0x9: {  	s15 =	sadd.s32 s12, s2;
	s12 =	sshrl.u32 s12, $0x3;
	s11 =	smov.u32 @p0 s13  }
0xa: {  	s13 =	simm.s32 $0x1;
	s4 =	smul.u32 $0x310, s4;
	[smem:$0x7FF] =	sst s3  }
0xb: {  	s31 =	ssub.s32 s8, s9;
	s11 =	sadd.s32 s11, s12;
	s12 =	simm.s32 $0xDC80  }
0xc: {  	s15 =	sshrl.u32 s15, $0x3;
	_ =	strace $0x80000047;
	s10 =	sadd.s32 s4, s6  }
0xd: {  	s4 =	sadd.s32 $0x36400, s6;
	s6 =	smax.u32 s31, $0x1;
	s7 =	sadd.s32 $0x1DC00, s10  }
0xe: {  	s8 =	sadd.s32 $0x1DF10, s10;
	s9 =	sadd.s32 $0x1E220, s10;
	s10 =	sadd.s32 $0x1E530, s10  }
.LBB2_1:
0xf: {  	[tilespmem:s12], [sflag:$0x1] =	stream.linear.gather [hbm4b:s4+s3], $0x800, $0x38;
	[tilespmem:$0xE480] =	vst v63  }
0x10: {  	_ =	swait.ge [sflag:s13], $0x800  }
0x11: {  	[sflag:s13] =	ssyncset.done $0x0  }
0x12: {  	[sflag:s13] =	ssyncadd.s32 $0xFFFFF800  }
0x13: {  	[spmem:s15], [sflag:s14] =	dma.local [hbm:s5], $0x1880  }
0x14: {  	_ =	swait.ge [sflag:s13], $0x1880  }
0x15: {  	[sflag:s13] =	ssyncset.done $0x0  }
0x16: {  	[sflag:s13] =	ssyncadd.s32 $0xFFFFE780  }
0x17: {  	[bflag:$0x0] =	sbarrier.arrive $0xFFFF  }
0x18: {  	[tilespmem:s16], [sflag:$0x1] =	stream.linear.gather [hbm4b:s7+s3], $0x1880, $0x38;
	[tilespmem:$0xE480] =	vst v63  }
0x19: {  	_ =	swait.ge [sflag:s13], $0x1880  }
0x1a: {  	[sflag:s13] =	ssyncset.done $0x0  }
0x1b: {  	s19 =	simm.s32 $0xC400;
	[sflag:s13] =	ssyncadd.s32 $0xFFFFE780  }
0x1c: {  	[spmem:s2] =	stream.indirect.scatter.add.f32 [tilespmem:s12], [sflag:$0x1], $0x10, s19, s17, $0xb8;
	[tilespmem:$0xE480] =	vst v63  }
0x1d: {  	s19 =	simm.s32 $0x200;
	_ =	swait.ge [sflag:s13], $0x800  }
.LBB2_2:
0x1e: {  	s20 =	sshra.s32 s19, $0x2;
	[sflag:s13] =	ssyncset.done $0x0;
	p0 =	sne.s32 s19, $0x6000  }
.Ltmp0:
0x1f: {  	s20 =	sadd.s32 $0xC400, s20;
	[sflag:s13] =	ssyncadd.s32 $0xFFFFF800;
	(pc) =	sbr.rel @p0 .LBB2_2-.Ltmp0, $3  }
0x20: {  	[spmem:s2] =	stream.indirect.scatter.add.f32 [tilespmem:s12], [sflag:$0x1], $0x10, s20, s17, $0xb8;
	[tilespmem:$0xE480] =	vst v63  }
0x21: {  	s19 =	sadd.s32 $0x200, s19;
	_ =	sdelay $0x1  }
0x22: {  	_ =	swait.ge [sflag:s13], $0x800  }
0x23: {  	[sflag:s13] =	ssyncset.done $0x0  }
0x24: {  	s19 =	simm.s32 $0x0;
	[sflag:s13] =	ssyncadd.s32 $0xFFFFF800  }
0x25: {  	[tilespmem:s16], [sflag:$0x1] =	stream.linear.gather [hbm4b:s8+s19], $0x1880, $0x38;
	[tilespmem:$0xE480] =	vst v63  }
0x26: {  	_ =	swait.ge [sflag:s13], $0x1880  }
0x27: {  	[sflag:s13] =	ssyncset.done $0x0  }
0x28: {  	s31 =	simm.s32 $0xC400;
	[sflag:s13] =	ssyncadd.s32 $0xFFFFE780  }
0x29: {  	[spmem:s2] =	stream.indirect.scatter.add.f32 [tilespmem:s12], [sflag:$0x1], $0x10, s31, s17, $0xb8;
	[tilespmem:$0xE480] =	vst v63  }
0x2a: {  	s19 =	simm.s32 $0x200;
	_ =	swait.ge [sflag:s13], $0x800  }
.LBB2_4:
0x2b: {  	s20 =	sshra.s32 s19, $0x2;
	[sflag:s13] =	ssyncset.done $0x0;
	p0 =	sne.s32 s19, $0x6000  }
.Ltmp1:
0x2c: {  	s20 =	sadd.s32 $0xC400, s20;
	[sflag:s13] =	ssyncadd.s32 $0xFFFFF800;
	(pc) =	sbr.rel @p0 .LBB2_4-.Ltmp1, $3  }
0x2d: {  	[spmem:s2] =	stream.indirect.scatter.add.f32 [tilespmem:s12], [sflag:$0x1], $0x10, s20, s17, $0xb8;
	[tilespmem:$0xE480] =	vst v63  }
0x2e: {  	s19 =	sadd.s32 $0x200, s19;
	_ =	sdelay $0x1  }
0x2f: {  	_ =	swait.ge [sflag:s13], $0x800  }
0x30: {  	[sflag:s13] =	ssyncset.done $0x0  }
0x31: {  	s19 =	simm.s32 $0x0;
	[sflag:s13] =	ssyncadd.s32 $0xFFFFF800  }
0x32: {  	[tilespmem:s16], [sflag:$0x1] =	stream.linear.gather [hbm4b:s9+s19], $0x1880, $0x38;
	[tilespmem:$0xE480] =	vst v63  }
0x33: {  	_ =	swait.ge [sflag:s13], $0x1880  }
0x34: {  	[sflag:s13] =	ssyncset.done $0x0  }
0x35: {  	s31 =	simm.s32 $0xC400;
	[sflag:s13] =	ssyncadd.s32 $0xFFFFE780  }
0x36: {  	[spmem:s2] =	stream.indirect.scatter.add.f32 [tilespmem:s12], [sflag:$0x1], $0x10, s31, s17, $0xb8;
	[tilespmem:$0xE480] =	vst v63  }
0x37: {  	s19 =	simm.s32 $0x200;
	_ =	swait.ge [sflag:s13], $0x800  }
.LBB2_6:
0x38: {  	s20 =	sshra.s32 s19, $0x2;
	[sflag:s13] =	ssyncset.done $0x0;
	p0 =	sne.s32 s19, $0x6000  }
.Ltmp2:
0x39: {  	s20 =	sadd.s32 $0xC400, s20;
	[sflag:s13] =	ssyncadd.s32 $0xFFFFF800;
	(pc) =	sbr.rel @p0 .LBB2_6-.Ltmp2, $3  }
0x3a: {  	[spmem:s2] =	stream.indirect.scatter.add.f32 [tilespmem:s12], [sflag:$0x1], $0x10, s20, s17, $0xb8;
	[tilespmem:$0xE480] =	vst v63  }
0x3b: {  	s19 =	sadd.s32 $0x200, s19;
	_ =	sdelay $0x1  }
0x3c: {  	_ =	swait.ge [sflag:s13], $0x800  }
0x3d: {  	[sflag:s13] =	ssyncset.done $0x0  }
0x3e: {  	s19 =	simm.s32 $0x0;
	[sflag:s13] =	ssyncadd.s32 $0xFFFFF800  }
0x3f: {  	[tilespmem:s16], [sflag:$0x1] =	stream.linear.gather [hbm4b:s10+s19], $0x1880, $0x38;
	[tilespmem:$0xE480] =	vst v63  }
0x40: {  	_ =	swait.ge [sflag:s13], $0x1880  }
0x41: {  	[sflag:s13] =	ssyncset.done $0x0  }
0x42: {  	s31 =	simm.s32 $0xC400;
	[sflag:s13] =	ssyncadd.s32 $0xFFFFE780  }
0x43: {  	[spmem:s2] =	stream.indirect.scatter.add.f32 [tilespmem:s12], [sflag:$0x1], $0x10, s31, s17, $0xb8;
	[tilespmem:$0xE480] =	vst v63  }
0x44: {  	s19 =	simm.s32 $0x200;
	_ =	swait.ge [sflag:s13], $0x800  }
.LBB2_8:
0x45: {  	s20 =	sshra.s32 s19, $0x2;
	[sflag:s13] =	ssyncset.done $0x0;
	p0 =	sne.s32 s19, $0x6000  }
.Ltmp3:
0x46: {  	s20 =	sadd.s32 $0xC400, s20;
	[sflag:s13] =	ssyncadd.s32 $0xFFFFF800;
	(pc) =	sbr.rel @p0 .LBB2_8-.Ltmp3, $3  }
0x47: {  	[spmem:s2] =	stream.indirect.scatter.add.f32 [tilespmem:s12], [sflag:$0x1], $0x10, s20, s17, $0xb8;
	[tilespmem:$0xE480] =	vst v63  }
0x48: {  	s19 =	sadd.s32 $0x200, s19;
	_ =	sdelay $0x1  }
0x49: {  	_ =	swait.ge [sflag:s13], $0x800  }
0x4a: {  	[sflag:s13] =	ssyncset.done $0x0;
	s18 =	sadd.s32 $0x1, s18  }
0x4b: {  	[sflag:s13] =	ssyncadd.s32 $0xFFFFF800;
	p0 =	sne.s32 s18, s6  }
.Ltmp4:
0x4c: {  	[bflag:$0x0] =	sbarrier.arrive $0xFFFF;
	(pc) =	sbr.rel @p0 .LBB2_1-.Ltmp4, $4  }
0x4d: {  	[hbm:s11], [sflag:s14] =	dma.local [spmem:s15], $0x1880  }
0x4e: {  	_ =	swait.ge [sflag:s13], $0x1880  }
0x4f: {  	[sflag:s13] =	ssyncset.done $0x0  }
0x50: {  	[sflag:s13] =	ssyncadd.s32 $0xFFFFE780  }
0x51: {  	_ =	sfence.sel $0x180000  }
0x52: {  	[bflag:$0x0] =	sbarrier.arrive $0xFFFF  }
0x53: {  	p0 =	sne.s32 s0, $0x0;
	_ =	strace $0x90000047  }
0x54: {  	s0 =	sadd.s32 @!p0 $0x100000, s1;
	[bflag:$0x2] =	sbarrier.arrive $0xFFFF  }
0x55: {  	[sflag:s0] =	ssyncadd.tile.s32 @!p0 $0x1;
	_ =	shalt  }
.Lfunc_end2:
_tile_overlayer_lowered:
.L_overlay_start_2:
0x56: {  	(tag) =	ssettag $0x2  }
0x57: {  	s0 =	rddreg [dreg:$0x0];
	s2 =	stileid.u32  }
0x58: {  	s1 =	rddreg [dreg:$0x1];
	p0 =	sne.s32 s2, $0x0  }
0x59: {  	s3 =	rddreg [dreg:$0x2];
	[bflag:$0x3] =	sbarrier.arrive $0xFFFF;
	s2 =	simm.s32 @!p0 $0x1C01  }
0x5a: {  	[timem:s3], [sflag:s2] =	dma.local @!p0 [hbm:s0], s1  }
0x5b: {  	s0 =	simm.s32 @!p0 $0x1  }
0x5c: {  	_ =	swait.ge @!p0 [sflag:s0], s1  }
0x5d: {  	s1 =	ssub.s32 @!p0 $0x0, s1;
	[sflag:s0] =	ssyncset.done @!p0 $0x0  }
0x5e: {  	[sflag:s0] =	ssyncadd.s32 @!p0 s1  }
0x5f: {  	[bflag:$0x3] =	sbarrier.arrive $0xFFFF  }
0x60: {  	_ =	shalt  }

// kernel: kernel.13.cloned.1.call-start
scs
__scs_entry_jumppad:
0x0: {  	(pc) =	sbr.rel $0x88, $3  }
0x1: {  	(tag) =	ssettag $0x0;
	lr =	simm.s32 $0x1  }
0x2: {  	[smem:$0x3F91] =	sst lr;
	_ =	strace $0xD0000000  }
0x3: {  	_ = 	snop  }
0x4: {  	_ = 	snop  }
0x5: {  	_ = 	snop  }
0x6: {  	_ = 	snop  }
0x7: {  	_ = 	snop  }
__scs_overlays_trampoline_lowered:
0x8: {  	[smem:$0x3FA0] =	sst s0  }
0x9: {  	[smem:$0x3FA1] =	sst s1  }
0xa: {  	[smem:$0x3FA2] =	sst s2  }
0xb: {  	[smem:$0x3FA3] =	sst s3  }
0xc: {  	[smem:$0x3FA4] =	sst s4  }
0xd: {  	[smem:$0x3FA5] =	sst s5  }
0xe: {  	[smem:$0x3FA6] =	sst s6  }
0xf: {  	[smem:$0x3FA7] =	sst s7  }
0x10: {  	[smem:$0x3FA8] =	sst s8  }
0x11: {  	[smem:$0x3FA9] =	sst s9;
	s0 =	simm.s32 @!p0 $0x0  }
0x12: {  	s1 =	sld [smem:$0x3F8F];
	s0 =	simm.s32 @p0 $0x1  }
0x13: {  	[smem:$0x3FAA] =	sst s0;
	s0 =	simm.s32 @!p1 $0x0  }
0x14: {  	s2 =	sld [smem:$0x3F8E];
	s0 =	simm.s32 @p1 $0x1  }
0x15: {  	[smem:$0x3FAB] =	sst s0;
	s0 =	simm.s32 @!p2 $0x0  }
0x16: {  	s3 =	sld [smem:$0x3FDB];
	s0 =	simm.s32 @p2 $0x1  }
0x17: {  	s4 =	simm.s32 $0x1BF5;
	[smem:$0x3FAD] =	sst s0  }
0x18: {  	s0 =	sld [smem:$0x3F90];
	_ =	swait.ge [sflag:s4], $0x0  }
0x19: {  	s7 =	sld [smem:$0x3F91]  }
0x1a: {  	s8 =	sadd.s32 $0xFFFFE003, lr  }
0x1b: {  	s9 =	sadd.s32 $0xFFFFFEF7, lr;
	s5 =	simm.s32 $0xFFFFFFFF;
	p2 =	slt.u32 s8, $0xFFFFF086  }
0x1c: {  	p1 =	slt.u32 s9, $0xF7A;
	s5 =	simm.s32 @!p2 $0x0  }
0x1d: {  	s5 =	simm.s32 @p1 $0x1;
	p0 =	seq.s32 s7, s2  }
0x1e: {  	s7 =	smul.u32 @!p0 $0xF7A, s2;
	p2 =	seq.s32 @!p0 s5, $0x0  }
0x1f: {  	s9 =	smul.u32 $0xF7A, s1;
	s8 =	simm.s32 @!p0 $0x1BF5;
	p2 =	por !p2, p0  }
0x20: {  	[sflag:s8] =	ssyncset.s32 @!p0 $0xFFFFF086;
	s6 =	sadd.s32 @!p0 s3, s7;
	s7 =	simm.s32 @!p0 $0x108  }
0x21: {  	s3 =	sadd.s32 s3, s9;
	s6 =	sadd.s32 @!p0 $0x88, s6;
	s7 =	simm.s32 @p2 $0x1082  }
0x22: {  	[simem:s7], [sflag:s8] =	dma.local @!p0 [hbm:s6], $0xF7A  }
0x23: {  	s9 =	sor.u32 $0xD0000000, s2;
	s6 =	simm.s32 $0x108;
	_ =	swait.ge @!p0 [sflag:s8], $0x0  }
0x24: {  	s3 =	sadd.s32 $0x88, s3;
	s6 =	simm.s32 @!p1 $0x1082;
	[sflag:s4] =	ssyncset.s32 $0xFFFFF086  }
0x25: {  	[simem:s6], [sflag:s4] =	dma.local [hbm:s3], $0xF7A  }
0x26: {  	[smem:$0x3F91] =	sst s1;
	(tag) =	ssettag s2;
	_ =	strace s9  }
0x27: {  	s1 =	sld [smem:$0x3FA1]  }
0x28: {  	s2 =	sld [smem:$0x3FA2]  }
0x29: {  	s4 =	sld [smem:$0x3FA4]  }
0x2a: {  	p0 =	seq.s32 s5, $0x0;
	s5 =	sld [smem:$0x3FA5]  }
0x2b: {  	s6 =	sld [smem:$0x3FA6]  }
0x2c: {  	s7 =	sld [smem:$0x3FA7]  }
0x2d: {  	s3 =	simm.s32 $0x108;
	s8 =	sld [smem:$0x3FA8]  }
0x2e: {  	s3 =	simm.s32 @!p0 $0x1082;
	s9 =	sld [smem:$0x3FA9]  }
0x2f: {  	lr =	sadd.s32 s0, s3;
	s0 =	sld [smem:$0x3FA0]  }
0x30: {  	s3 =	sld [smem:$0x3FA3]  }
0x31: {  	[smem:$0x3FAC] =	sst s10  }
0x32: {  	s10 =	sld [smem:$0x3FAA];
	_ =	sdelay $0x3  }
0x33: {  	p0 =	seq.s32 s10, $0x1;
	s10 =	sld [smem:$0x3FAC];
	_ =	sdelay $0x3  }
0x34: {  	[smem:$0x3FAC] =	sst s10  }
0x35: {  	s10 =	sld [smem:$0x3FAB];
	_ =	sdelay $0x3  }
0x36: {  	p1 =	seq.s32 s10, $0x1;
	s10 =	sld [smem:$0x3FAC];
	_ =	sdelay $0x3  }
0x37: {  	[smem:$0x3FAC] =	sst s10  }
0x38: {  	s10 =	sld [smem:$0x3FAD]  }
0x39: {  	_ = 	snop;
	(pc) =	sbr.ind lr, $3  }
0x3a: {  	_ = 	snop  }
0x3b: {  	_ = 	snop  }
0x3c: {  	p2 =	seq.s32 s10, $0x1;
	s10 =	sld [smem:$0x3FAC]  }
0x3d: {  	_ =	shalt  }
0x3e: {  	_ =	shalt  }
0x3f: {  	_ =	shalt  }
0x40: {  	_ =	shalt  }
0x41: {  	_ =	shalt  }
0x42: {  	_ =	shalt  }
0x43: {  	_ =	shalt  }
0x44: {  	_ =	shalt  }
0x45: {  	_ =	shalt  }
0x46: {  	_ =	shalt  }
0x47: {  	_ =	shalt  }
0x48: {  	_ =	shalt  }
0x49: {  	_ =	shalt  }
0x4a: {  	_ =	shalt  }
0x4b: {  	_ =	shalt  }
0x4c: {  	_ =	shalt  }
0x4d: {  	_ =	shalt  }
0x4e: {  	_ =	shalt  }
0x4f: {  	_ =	shalt  }
0x50: {  	_ =	shalt  }
0x51: {  	_ =	shalt  }
0x52: {  	_ =	shalt  }
0x53: {  	_ =	shalt  }
0x54: {  	_ =	shalt  }
0x55: {  	_ =	shalt  }
0x56: {  	_ =	shalt  }
0x57: {  	_ =	shalt  }
0x58: {  	_ =	shalt  }
0x59: {  	_ =	shalt  }
0x5a: {  	_ =	shalt  }
0x5b: {  	_ =	shalt  }
0x5c: {  	_ =	shalt  }
0x5d: {  	_ =	shalt  }
0x5e: {  	_ =	shalt  }
0x5f: {  	_ =	shalt  }
0x60: {  	_ =	shalt  }
0x61: {  	_ =	shalt  }
0x62: {  	_ =	shalt  }
0x63: {  	_ =	shalt  }
0x64: {  	_ =	shalt  }
0x65: {  	_ =	shalt  }
0x66: {  	_ =	shalt  }
0x67: {  	_ =	shalt  }
0x68: {  	_ =	shalt  }
0x69: {  	_ =	shalt  }
0x6a: {  	_ =	shalt  }
0x6b: {  	_ =	shalt  }
0x6c: {  	_ =	shalt  }
0x6d: {  	_ =	shalt  }
0x6e: {  	_ =	shalt  }
0x6f: {  	_ =	shalt  }
0x70: {  	_ =	shalt  }
0x71: {  	_ =	shalt  }
0x72: {  	_ =	shalt  }
0x73: {  	_ =	shalt  }
0x74: {  	_ =	shalt  }
0x75: {  	_ =	shalt  }
0x76: {  	_ =	shalt  }
0x77: {  	_ =	shalt  }
0x78: {  	_ =	shalt  }
0x79: {  	_ =	shalt  }
0x7a: {  	_ =	shalt  }
0x7b: {  	_ =	shalt  }
0x7c: {  	_ =	shalt  }
0x7d: {  	_ =	shalt  }
0x7e: {  	_ =	shalt  }
0x7f: {  	_ =	shalt  }
0x80: {  	_ =	shalt  }
0x81: {  	_ =	shalt  }
0x82: {  	_ =	shalt  }
0x83: {  	_ =	shalt  }
0x84: {  	_ =	shalt  }
0x85: {  	_ =	shalt  }
0x86: {  	_ =	shalt  }
0x87: {  	_ =	shalt  }
.Lfunc_end0:
.L_simem_size_0:
called_computation.1_lowered:
.L_overlay_start_0:
0x88: {  	s2 =	sld [smem:$0x3FD9]  }
0x89: {  	s3 =	sld [smem:$0x3FFE];
	_ =	sdelay $0x1  }
0x8a: {  	s1 =	srdreg.scid  }
0x8b: {  	s0 =	sand.u32 $0x1, s1  }
0x8c: {  	s17 =	sshll.u32 s0, $0xA;
	s2 =	sadd.s32 s3, s2  }
0x8d: {  	s2 =	sadd.s32 s2, s17  }
0x8e: {  	[smem:$0x3FB8] =	sst s2  }
0x8f: {  	_ = 	snop  }
0x90: {  	s2 =	sld [smem:$0x3FD0];
	(tm) =	ssettm $0x1  }
0x91: {  	s18 =	sld [smem:$0x3FFB];
	_ =	sdelay $0x3  }
0x92: {  	_ =	strace s18  }
0x93: {  	s3 =	sld [smem:$0x3FFC];
	_ =	sdelay $0x3  }
0x94: {  	_ =	strace s3  }
0x95: {  	s3 =	sld [smem:$0x3FFD];
	_ =	sdelay $0x3  }
0x96: {  	_ =	strace s3  }
0x97: {  	_ =	strace $0x8FFFFFFF  }
0x98: {  	s19 =	sld [smem:$0x3FDB];
	_ =	sdelay $0x1  }
0x99: {  	s4 =	simm.s32 $_scs_section_size  }
0x9a: {  	s5 =	simm.s32 $_size__tile_overlayer_lowered;
	s6 =	simm.s32 $_tile_overlayer_lowered  }
0x9b: {  	s22 =	simm.s32 $0x1BFF;
	s21 =	sshll.u32 s6, $0x1;
	s3 =	sadd.s32 s4, s19  }
0x9c: {  	s7 =	simm.s32 $0x0;
	s20 =	sshll.u32 s5, $0x1;
	s5 =	sadd.s32 s21, s3  }
0x9d: {  	[timem:s7], [sflag:s22] =	dma.local [hbm:s5], s20  }
0x9e: {  	_ =	swait.ge [sflag:s22], s20  }
0x9f: {  	s4 =	ssub.s32 $0x0, s20;
	[sflag:s22] =	ssyncset.done $0x0  }
0xa0: {  	[sflag:s22] =	ssyncadd.s32 s4;
	_ =	sdelay $0x1  }
0xa1: {  	s23 =	simm.s32 $0x1B8B  }
0xa2: {  	_ =	swait.ge [sflag:s23], $0x1  }
0xa3: {  	[sflag:s23] =	ssyncset.done $0x0  }
0xa4: {  	s25 =	simm.s32 $0x1B8E;
	s24 =	sld [smem:$0x3FFE];
	[sflag:s23] =	ssyncadd.s32 $0xFFFFFFFF  }
0xa5: {  	s26 =	simm.s32 $execute0_lowered;
	[smem:$0x3FD2] =	sst s25  }
0xa6: {  	s5 =	sshll.u32 s26, $0x1;
	_ =	strace $0x80000049;
	[dreg:$0x1] =	wrdreg $0xFFFFFFFF  }
0xa7: {  	s28 =	simm.s32 $_size_execute0_lowered;
	s3 =	sadd.s32 s3, s5;
	[dreg:$0x0] =	wrdreg $0x0  }
0xa8: {  	s5 =	sshll.u32 s28, $0x1;
	[dreg:$0x2] =	wrdreg s3  }
0xa9: {  	[dreg:$0x3] =	wrdreg s5  }
0xaa: {  	[dreg:$0x4] =	wrdreg $0xC0  }
0xab: {  	_ =	task [dreg:s7], $0x5FFFF  }
0xac: {  	[dreg:$0x1] =	wrdreg $0xFFFFFFFF  }
0xad: {  	[dreg:$0x0] =	wrdreg $0x60  }
0xae: {  	[dreg:$0x2] =	wrdreg s2  }
0xaf: {  	[dreg:$0x3] =	wrdreg s24  }
0xb0: {  	[dreg:$0x4] =	wrdreg $0x0  }
0xb1: {  	[dreg:$0x5] =	wrdreg $0x9  }
0xb2: {  	_ =	task.clear_ibuf [dreg:s7], $0x6FFFF;
	_ =	strace $0x90000049  }
0xb3: {  	s29 =	simm.s32 $0x9;
	_ =	strace $0x8000004B  }
0xb4: {  	_ =	swait.ge [sflag:s29], $0x1  }
0xb5: {  	[sflag:s29] =	ssyncadd.s32 $0xFFFFFFFF  }
0xb6: {  	_ =	strace $0x9000004B  }
0xb7: {  	_ =	sfence  }
0xb8: {  	s30 =	sld [smem:$0x0];
	_ =	sdelay $0x2  }
0xb9: {  	s31 =	sshll.u32 s1, $0xD;
	s1 =	sshrl.u32 s1, $0x2  }
0xba: {  	s3 =	sand.u32 $0x4000, s31;
	s1 =	sadd.s32 s1, s30  }
0xbb: {  	s0 =	sor.u32 s3, s0;
	s1 =	sshll.u32 s1, $0x11  }
0xbc: {  	s0 =	sor.u32 s1, s0  }
0xbd: {  	s0 =	sadd.s32 $0x8F2B, s0  }
0xbe: {  	[sflag:s0] =	ssyncadd.remote.s32 $0x1  }
0xbf: {  	_ =	sfence.sel $0xFFFF  }
0xc0: {  	[dreg:$0x0] =	wrdreg $0xFFFFFFFF;
	(pc) =	sbr.abs _section_cstart, $3  }
0xc1: {  	[dreg:$0x1] =	wrdreg $0xFFFFFFFF  }
0xc2: {  	_ =	task.clear_ibuf [dreg:s7], $0x2FFFF;
	_ =	strace $0x9FFFFFFF  }
0xc3: {  	(tm) =	ssettm $0x7FFFFFFF  }
tec
execute0_lowered:
.L_overlay_start_1:
0x0: {  	(tag) =	ssettag $0x1  }
0x1: {  	s1 =	rddreg [dreg:$0x0]  }
0x2: {  	s0 =	rddreg [dreg:$0x1]  }
0x3: {  	s2 =	rddreg [dreg:$0x2];
	s10 =	simm.s32 $0x0;
	s3 =	srdreg.scid  }
0x4: {  	s11 =	stileid.u32;
	s18 =	simm.s32 $0x5;
	s19 =	simm.s32 $0x18800  }
0x5: {  	s28 =	simm.s32 $0x1E900;
	s29 =	simm.s32 $0x1;
	s30 =	simm.s32 $0x2  }
0x6: {  	s31 =	simm.s32 $0x3;
	s13 =	simm.s32 $0x1B780;
	s14 =	simm.s32 $0x1B800  }
0x7: {  	s15 =	simm.s32 $0x1B880;
	[smem:$0x7FF] =	sst s10;
	s5 =	sadd.s32 $0x36400, s0  }
0x8: {  	s3 =	sand.u32 $0x1, s3;
	s6 =	sadd.s32 $0x5400, s0;
	s8 =	smul.u32 $0x18800, s11  }
0x9: {  	s7 =	sadd.s32 $0x1DC00, s0;
	s9 =	sadd.s32 $0x98400, s0;
	s0 =	sadd.s32 $0x67400, s0  }
0xa: {  	s12 =	sshll.u32 s11, $0x3;
	_ =	strace $0x8000004A;
	[dreg:$0x5] =	wrdreg s9  }
0xb: {  	s25 =	sshll.u32 s11, $0x6;
	s11 =	simm.s32 $0x1A000;
	[dreg:$0x6] =	wrdreg s0  }
0xc: {  	s4 =	ssub.s32 $0x2, s3;
	p0 =	seq.s32 s3, $0x1;
	[dreg:$0xa] =	wrdreg s25  }
0xd: {  	s26 =	sor.u32 $0x1C05, s25;
	s9 =	simm.s32 $0x1B700;
	s20 =	sshrl.u32 s4, $0x1  }
0xe: {  	s22 =	sshrl.u32 s8, $0x3;
	s23 =	sadd.s32 s8, s2;
	[dreg:$0xc] =	wrdreg s26  }
0xf: {  	s26 =	simm.s32 $0x1D900;
	s8 =	simm.s32 $0x1B680;
	s21 =	ssub.s32 s4, s20  }
.Ltmp0:
0x10: {  	s24 =	sadd.s32 s1, s22;
	[dreg:$0x7] =	wrdreg s22;
	(pc) =	sbr.rel .LBB2_1-.Ltmp0, $4  }
0x11: {  	s4 =	sadd.s32 s5, s22;
	s16 =	sshrl.u32 s23, $0x3;
	[dreg:$0x8] =	wrdreg s24  }
0x12: {  	s22 =	simm.s32 $0x1B900;
	[dreg:$0x9] =	wrdreg s4;
	s0 =	smax.u32 s21, $0x1  }
0x13: {  	s21 =	simm.s32 $0x80;
	s24 =	simm.s32 $0x1C900;
	[dreg:$0xd] =	wrdreg s16  }
0x14: {  	s4 =	simm.s32 $0x19F80;
	[dreg:$0xb] =	wrdreg s0;
	s0 =	simm.s32 $0x4  }
.LBB2_12:
0x15: {  	s16 =	rddreg [dreg:$0x7];
	[bflag:$0x0] =	sbarrier.arrive $0xFFFF  }
0x16: {  	s3 =	sadd.s32 s3, s16;
	s16 =	rddreg [dreg:$0xd]  }
0x17: {  	[hbm:s3], [sflag:s17] =	dma.local [spmem:s16], $0x3100  }
0x18: {  	_ =	swait.ge [sflag:s18], $0x3100  }
0x19: {  	s10 =	sadd.s32 $0x1, s10;
	s25 =	rddreg [dreg:$0xb]  }
0x1a: {  	p1 =	sne.s32 s10, s25  }
.Ltmp1:
0x1b: {  	_ = 	snop;
	(pc) =	sbr.rel @!p1 .LBB2_13-.Ltmp1, $3  }
0x1c: {  	_ =	sdelay $0x1  }
0x1d: {  	[sflag:s18] =	ssyncset.done $0x0  }
0x1e: {  	[sflag:s18] =	ssyncadd.s32 $0xFFFFCF00  }
.LBB2_1:
.Ltmp2:
0x1f: {  	(pc) =	sbr.rel @!p0 .LBB2_2-.Ltmp2, $2  }
0x20: {  	_ =	sdelay $0x2  }
0x21: {  	[dreg:$0x4] =	wrdreg s10  }
0x22: {  	s3 =	rddreg [dreg:$0x9]  }
0x23: {  	s10 =	rddreg [dreg:$0xc]  }
0x24: {  	[spmem:s16], [sflag:s10] =	dma.local [hbm:s3], $0x3100  }
0x25: {  	_ =	swait.ge [sflag:s18], $0x3100  }
0x26: {  	[sflag:s18] =	ssyncset.done $0x0  }
0x27: {  	[sflag:s18] =	ssyncadd.s32 $0xFFFFCF00  }
0x28: {  	s10 =	simm.s32 $0x0;
	s16 =	simm.s32 $0x0;
	[bflag:$0x0] =	sbarrier.arrive $0xFFFF  }
.LBB2_8:
0x29: {  	s3 =	sadd.s32 s12, s16  }
0x2a: {  	s3 =	smul.u32 $0x310, s3;
	_ =	sdelay $0x1  }
0x2b: {  	s17 =	sadd.s32 s6, s3  }
0x2c: {  	[tilespmem:s19], [sflag:$0x5] =	stream.linear.gather [hbm4b:s17+s10], $0x1880, $0x38;
	[tilespmem:$0x1F900] =	vst v63  }
0x2d: {  	_ =	swait.ge [sflag:s18], $0x1880  }
0x2e: {  	[sflag:s18] =	ssyncset.done $0x0  }
0x2f: {  	s20 =	simm.s32 $0x1A080;
	s3 =	sadd.s32 s7, s3;
	[sflag:s18] =	ssyncadd.s32 $0xFFFFE780  }
0x30: {  	[tilespmem:s20], [sflag:$0x5] =	stream.linear.gather [hbm4b:s3+s10], $0x1880, $0x38;
	[tilespmem:$0x1F900] =	vst v63  }
0x31: {  	_ =	swait.ge [sflag:s18], $0x1880  }
0x32: {  	[sflag:s18] =	ssyncset.done $0x0  }
0x33: {  	[sflag:s18] =	ssyncadd.s32 $0xFFFFE780  }
0x34: {  	[tilespmem:s22], [sflag:$0x1] =	stream.indirect.gather [hbm4b:s5+s21], $0x20, s19, s21, $0xb8;
	[tilespmem:$0x1F900] =	vst v63  }
0x35: {  	s23 =	simm.s32 $0x18880  }
0x36: {  	[tilespmem:s24], [sflag:$0x2] =	stream.indirect.gather [hbm4b:s5+s21], $0x20, s23, s21, $0xb8;
	[tilespmem:$0x1F900] =	vst v63  }
0x37: {  	s25 =	simm.s32 $0x18900  }
0x38: {  	[tilespmem:s26], [sflag:$0x3] =	stream.indirect.gather [hbm4b:s5+s21], $0x20, s25, s21, $0xb8;
	[tilespmem:$0x1F900] =	vst v63  }
0x39: {  	s17 =	simm.s32 $0x18980  }
0x3a: {  	[tilespmem:s28], [sflag:$0x4] =	stream.indirect.gather [hbm4b:s5+s21], $0x20, s17, s21, $0xb8;
	[tilespmem:$0x1F900] =	vst v63  }
0x3b: {  	_ =	swait.ge [sflag:s29], $0x1000  }
0x3c: {  	[sflag:s29] =	ssyncset.done $0x0  }
0x3d: {  	s20 =	simm.s32 $0x1A080;
	[sflag:s29] =	ssyncadd.s32 $0xFFFFF000  }
0x3e: {  	[spmem:s2] =	stream.indirect.scatter.add.f32 [tilespmem:s22], [sflag:$0x5], $0x20, s20, s21, $0xb8;
	[tilespmem:$0x1F900] =	vst v63  }
0x3f: {  	_ =	swait.ge [sflag:s18], $0x1000  }
0x40: {  	[sflag:s18] =	ssyncset.done $0x0  }
0x41: {  	s23 =	simm.s32 $0x18A00;
	[sflag:s18] =	ssyncadd.s32 $0xFFFFF000  }
0x42: {  	[tilespmem:s22], [sflag:$0x1] =	stream.indirect.gather [hbm4b:s5+s21], $0x20, s23, s21, $0xb8;
	[tilespmem:$0x1F900] =	vst v63  }
0x43: {  	_ =	swait.ge [sflag:s30], $0x1000  }
0x44: {  	[sflag:s30] =	ssyncset.done $0x0  }
0x45: {  	s25 =	simm.s32 $0x1A100;
	[sflag:s30] =	ssyncadd.s32 $0xFFFFF000  }
0x46: {  	[spmem:s2] =	stream.indirect.scatter.add.f32 [tilespmem:s24], [sflag:$0x5], $0x20, s25, s21, $0xb8;
	[tilespmem:$0x1F900] =	vst v63  }
0x47: {  	_ =	swait.ge [sflag:s18], $0x1000  }
0x48: {  	[sflag:s18] =	ssyncset.done $0x0  }
0x49: {  	s17 =	simm.s32 $0x18A80;
	[sflag:s18] =	ssyncadd.s32 $0xFFFFF000  }
0x4a: {  	[tilespmem:s24], [sflag:$0x2] =	stream.indirect.gather [hbm4b:s5+s21], $0x20, s17, s21, $0xb8;
	[tilespmem:$0x1F900] =	vst v63  }
0x4b: {  	_ =	swait.ge [sflag:s31], $0x1000  }
0x4c: {  	[sflag:s31] =	ssyncset.done $0x0  }
0x4d: {  	s20 =	simm.s32 $0x1A180;
	[sflag:s31] =	ssyncadd.s32 $0xFFFFF000  }
0x4e: {  	[spmem:s2] =	stream.indirect.scatter.add.f32 [tilespmem:s26], [sflag:$0x5], $0x20, s20, s21, $0xb8;
	[tilespmem:$0x1F900] =	vst v63  }
0x4f: {  	_ =	swait.ge [sflag:s18], $0x1000  }
0x50: {  	[sflag:s18] =	ssyncset.done $0x0  }
0x51: {  	s23 =	simm.s32 $0x18B00;
	[sflag:s18] =	ssyncadd.s32 $0xFFFFF000  }
0x52: {  	[tilespmem:s26], [sflag:$0x3] =	stream.indirect.gather [hbm4b:s5+s21], $0x20, s23, s21, $0xb8;
	[tilespmem:$0x1F900] =	vst v63  }
0x53: {  	_ =	swait.ge [sflag:s0], $0x1000  }
0x54: {  	[sflag:s0] =	ssyncset.done $0x0  }
0x55: {  	s25 =	simm.s32 $0x1A200;
	[sflag:s0] =	ssyncadd.s32 $0xFFFFF000  }
0x56: {  	[spmem:s2] =	stream.indirect.scatter.add.f32 [tilespmem:s28], [sflag:$0x5], $0x20, s25, s21, $0xb8;
	[tilespmem:$0x1F900] =	vst v63  }
0x57: {  	_ =	swait.ge [sflag:s18], $0x1000  }
0x58: {  	s17 =	simm.s32 $0x200;
	s23 =	simm.s32 $0x1000;
	[sflag:s18] =	ssyncset.done $0x0  }
.LBB2_9:
0x59: {  	s25 =	sadd.s32 $0x18980, s17  }
0x5a: {  	[sflag:s18] =	ssyncadd.s32 $0xFFFFF000;
	s20 =	smov.u32 s23;
	s3 =	sadd.s32 $0x800, s23  }
0x5b: {  	[tilespmem:s28], [sflag:$0x4] =	stream.indirect.gather [hbm4b:s5+s21], $0x20, s25, s21, $0xb8;
	[tilespmem:$0x1F900] =	vst v63  }
0x5c: {  	p1 =	sne.s32 s23, $0x5000;
	_ =	swait.ge [sflag:s29], $0x1000  }
0x5d: {  	[sflag:s29] =	ssyncset.done $0x0  }
0x5e: {  	s23 =	sadd.s32 $0x1A080, s17;
	[sflag:s29] =	ssyncadd.s32 $0xFFFFF000  }
0x5f: {  	[spmem:s2] =	stream.indirect.scatter.add.f32 [tilespmem:s22], [sflag:$0x5], $0x20, s23, s21, $0xb8;
	[tilespmem:$0x1F900] =	vst v63  }
0x60: {  	_ =	swait.ge [sflag:s18], $0x1000  }
0x61: {  	[sflag:s18] =	ssyncset.done $0x0  }
0x62: {  	s23 =	sadd.s32 $0x18A00, s17;
	[sflag:s18] =	ssyncadd.s32 $0xFFFFF000  }
0x63: {  	[tilespmem:s22], [sflag:$0x1] =	stream.indirect.gather [hbm4b:s5+s21], $0x20, s23, s21, $0xb8;
	[tilespmem:$0x1F900] =	vst v63  }
0x64: {  	_ =	swait.ge [sflag:s30], $0x1000  }
0x65: {  	[sflag:s30] =	ssyncset.done $0x0  }
0x66: {  	s23 =	sadd.s32 $0x1A100, s17;
	[sflag:s30] =	ssyncadd.s32 $0xFFFFF000  }
0x67: {  	[spmem:s2] =	stream.indirect.scatter.add.f32 [tilespmem:s24], [sflag:$0x5], $0x20, s23, s21, $0xb8;
	[tilespmem:$0x1F900] =	vst v63  }
0x68: {  	_ =	swait.ge [sflag:s18], $0x1000  }
0x69: {  	[sflag:s18] =	ssyncset.done $0x0  }
0x6a: {  	s23 =	sadd.s32 $0x18A80, s17;
	[sflag:s18] =	ssyncadd.s32 $0xFFFFF000  }
0x6b: {  	[tilespmem:s24], [sflag:$0x2] =	stream.indirect.gather [hbm4b:s5+s21], $0x20, s23, s21, $0xb8;
	[tilespmem:$0x1F900] =	vst v63  }
0x6c: {  	_ =	swait.ge [sflag:s31], $0x1000  }
0x6d: {  	[sflag:s31] =	ssyncset.done $0x0  }
0x6e: {  	s23 =	sadd.s32 $0x1A180, s17;
	[sflag:s31] =	ssyncadd.s32 $0xFFFFF000  }
0x6f: {  	[spmem:s2] =	stream.indirect.scatter.add.f32 [tilespmem:s26], [sflag:$0x5], $0x20, s23, s21, $0xb8;
	[tilespmem:$0x1F900] =	vst v63  }
0x70: {  	_ =	swait.ge [sflag:s18], $0x1000  }
0x71: {  	[sflag:s18] =	ssyncset.done $0x0  }
0x72: {  	s23 =	sadd.s32 $0x18B00, s17;
	[sflag:s18] =	ssyncadd.s32 $0xFFFFF000  }
0x73: {  	[tilespmem:s26], [sflag:$0x3] =	stream.indirect.gather [hbm4b:s5+s21], $0x20, s23, s21, $0xb8;
	[tilespmem:$0x1F900] =	vst v63  }
0x74: {  	_ =	swait.ge [sflag:s0], $0x1000  }
.Ltmp3:
0x75: {  	[sflag:s0] =	ssyncset.done $0x0;
	(pc) =	sbr.rel @p1 .LBB2_9-.Ltmp3, $4  }
0x76: {  	s17 =	sadd.s32 $0x1A200, s17;
	[sflag:s0] =	ssyncadd.s32 $0xFFFFF000  }
0x77: {  	[spmem:s2] =	stream.indirect.scatter.add.f32 [tilespmem:s28], [sflag:$0x5], $0x20, s17, s21, $0xb8;
	[tilespmem:$0x1F900] =	vst v63  }
0x78: {  	_ =	swait.ge [sflag:s18], $0x1000  }
0x79: {  	s23 =	smov.u32 s3;
	s17 =	sshra.s32 s20, $0x2;
	[sflag:s18] =	ssyncset.done $0x0  }
0x7a: {  	s3 =	sadd.s32 $0x18980, s17;
	[sflag:s18] =	ssyncadd.s32 $0xFFFFF000  }
0x7b: {  	[tilespmem:s28], [sflag:$0x4] =	stream.indirect.gather [hbm4b:s5+s21], $0x20, s3, s21, $0xb8;
	[tilespmem:$0x1F900] =	vst v63  }
0x7c: {  	_ =	swait.ge [sflag:s29], $0x1000  }
0x7d: {  	[sflag:s29] =	ssyncset.done $0x0  }
0x7e: {  	s25 =	sadd.s32 $0x1A080, s17;
	[sflag:s29] =	ssyncadd.s32 $0xFFFFF000  }
0x7f: {  	[spmem:s2] =	stream.indirect.scatter.add.f32 [tilespmem:s22], [sflag:$0x5], $0x20, s25, s21, $0xb8;
	[tilespmem:$0x1F900] =	vst v63  }
0x80: {  	_ =	swait.ge [sflag:s18], $0x1000  }
0x81: {  	[sflag:s18] =	ssyncset.done $0x0  }
0x82: {  	s20 =	sadd.s32 $0x18A00, s17;
	[sflag:s18] =	ssyncadd.s32 $0xFFFFF000  }
0x83: {  	[tilespmem:s22], [sflag:$0x1] =	stream.indirect.gather [hbm4b:s5+s21], $0x20, s20, s21, $0xb8;
	[tilespmem:$0x1F900] =	vst v63  }
0x84: {  	_ =	swait.ge [sflag:s30], $0x1000  }
0x85: {  	[sflag:s30] =	ssyncset.done $0x0  }
0x86: {  	s23 =	sadd.s32 $0x1A100, s17;
	[sflag:s30] =	ssyncadd.s32 $0xFFFFF000  }
0x87: {  	[spmem:s2] =	stream.indirect.scatter.add.f32 [tilespmem:s24], [sflag:$0x5], $0x20, s23, s21, $0xb8;
	[tilespmem:$0x1F900] =	vst v63  }
0x88: {  	_ =	swait.ge [sflag:s18], $0x1000  }
0x89: {  	[sflag:s18] =	ssyncset.done $0x0  }
0x8a: {  	s25 =	sadd.s32 $0x18A80, s17;
	[sflag:s18] =	ssyncadd.s32 $0xFFFFF000  }
0x8b: {  	[tilespmem:s24], [sflag:$0x2] =	stream.indirect.gather [hbm4b:s5+s21], $0x20, s25, s21, $0xb8;
	[tilespmem:$0x1F900] =	vst v63  }
0x8c: {  	_ =	swait.ge [sflag:s31], $0x1000  }
0x8d: {  	[sflag:s31] =	ssyncset.done $0x0  }
0x8e: {  	s20 =	sadd.s32 $0x1A180, s17;
	[sflag:s31] =	ssyncadd.s32 $0xFFFFF000  }
0x8f: {  	[spmem:s2] =	stream.indirect.scatter.add.f32 [tilespmem:s26], [sflag:$0x5], $0x20, s20, s21, $0xb8;
	[tilespmem:$0x1F900] =	vst v63  }
0x90: {  	_ =	swait.ge [sflag:s18], $0x1000  }
0x91: {  	[sflag:s18] =	ssyncset.done $0x0  }
0x92: {  	s23 =	sadd.s32 $0x18B00, s17;
	[sflag:s18] =	ssyncadd.s32 $0xFFFFF000  }
0x93: {  	[tilespmem:s26], [sflag:$0x3] =	stream.indirect.gather [hbm4b:s5+s21], $0x20, s23, s21, $0xb8;
	[tilespmem:$0x1F900] =	vst v63  }
0x94: {  	_ =	swait.ge [sflag:s0], $0x1000  }
0x95: {  	[sflag:s0] =	ssyncset.done $0x0  }
0x96: {  	s25 =	sadd.s32 $0x1A200, s17;
	[sflag:s0] =	ssyncadd.s32 $0xFFFFF000  }
0x97: {  	[spmem:s2] =	stream.indirect.scatter.add.f32 [tilespmem:s28], [sflag:$0x5], $0x20, s25, s21, $0xb8;
	[tilespmem:$0x1F900] =	vst v63  }
0x98: {  	_ =	swait.ge [sflag:s18], $0x1000  }
0x99: {  	[sflag:s18] =	ssyncset.done $0x0  }
0x9a: {  	[sflag:s18] =	ssyncadd.s32 $0xFFFFF000  }
0x9b: {  	[tilespmem:s28], [sflag:$0x4] =	stream.indirect.gather [hbm4b:s5+s21], $0x20, s4, s21, $0xb8;
	[tilespmem:$0x1F900] =	vst v63  }
0x9c: {  	_ =	swait.ge [sflag:s29], $0x1000  }
0x9d: {  	[sflag:s29] =	ssyncset.done $0x0  }
0x9e: {  	[sflag:s29] =	ssyncadd.s32 $0xFFFFF000  }
0x9f: {  	[spmem:s2] =	stream.indirect.scatter.add.f32 [tilespmem:s22], [sflag:$0x5], $0x20, s8, s21, $0xb8;
	[tilespmem:$0x1F900] =	vst v63  }
0xa0: {  	_ =	swait.ge [sflag:s18], $0x1000  }
0xa1: {  	[sflag:s18] =	ssyncset.done $0x0  }
0xa2: {  	[sflag:s18] =	ssyncadd.s32 $0xFFFFF000  }
0xa3: {  	[tilespmem:s22], [sflag:$0x1] =	stream.indirect.gather [hbm4b:s5+s21], $0x20, s11, s21, $0xb8;
	[tilespmem:$0x1F900] =	vst v63  }
0xa4: {  	_ =	swait.ge [sflag:s30], $0x1000  }
0xa5: {  	[sflag:s30] =	ssyncset.done $0x0  }
0xa6: {  	[sflag:s30] =	ssyncadd.s32 $0xFFFFF000  }
0xa7: {  	[spmem:s2] =	stream.indirect.scatter.add.f32 [tilespmem:s24], [sflag:$0x5], $0x20, s9, s21, $0xb8;
	[tilespmem:$0x1F900] =	vst v63  }
0xa8: {  	_ =	swait.ge [sflag:s18], $0x1000  }
0xa9: {  	[sflag:s18] =	ssyncset.done $0x0  }
0xaa: {  	[sflag:s18] =	ssyncadd.s32 $0xFFFFF000  }
0xab: {  	_ =	swait.ge [sflag:s31], $0x1000  }
0xac: {  	[sflag:s31] =	ssyncset.done $0x0  }
0xad: {  	[sflag:s31] =	ssyncadd.s32 $0xFFFFF000  }
0xae: {  	[spmem:s2] =	stream.indirect.scatter.add.f32 [tilespmem:s26], [sflag:$0x5], $0x20, s13, s21, $0xb8;
	[tilespmem:$0x1F900] =	vst v63  }
0xaf: {  	_ =	swait.ge [sflag:s18], $0x1000  }
0xb0: {  	[sflag:s18] =	ssyncset.done $0x0  }
0xb1: {  	[sflag:s18] =	ssyncadd.s32 $0xFFFFF000  }
0xb2: {  	_ =	swait.ge [sflag:s0], $0x1000  }
0xb3: {  	[sflag:s0] =	ssyncset.done $0x0  }
0xb4: {  	[sflag:s0] =	ssyncadd.s32 $0xFFFFF000  }
0xb5: {  	[spmem:s2] =	stream.indirect.scatter.add.f32 [tilespmem:s28], [sflag:$0x5], $0x20, s14, s21, $0xb8;
	[tilespmem:$0x1F900] =	vst v63  }
0xb6: {  	_ =	swait.ge [sflag:s18], $0x1000  }
0xb7: {  	[sflag:s18] =	ssyncset.done $0x0  }
0xb8: {  	[sflag:s18] =	ssyncadd.s32 $0xFFFFF000  }
0xb9: {  	s16 =	sadd.s32 $0x1, s16;
	_ =	swait.ge [sflag:s29], $0x1000  }
0xba: {  	p1 =	sne.s32 s16, $0x8;
	[sflag:s29] =	ssyncset.done $0x0  }
.Ltmp4:
0xbb: {  	[sflag:s29] =	ssyncadd.s32 $0xFFFFF000;
	(pc) =	sbr.rel @p1 .LBB2_8-.Ltmp4, $4  }
0xbc: {  	[spmem:s2] =	stream.indirect.scatter.add.f32 [tilespmem:s22], [sflag:$0x5], $0x20, s15, s21, $0xb8;
	[tilespmem:$0x1F900] =	vst v63  }
0xbd: {  	_ =	swait.ge [sflag:s18], $0x1000  }
0xbe: {  	[sflag:s18] =	ssyncset.done $0x0  }
0xbf: {  	[sflag:s18] =	ssyncadd.s32 $0xFFFFF000  }
.Ltmp5:
0xc0: {  	(pc) =	sbr.rel .LBB2_12-.Ltmp5, $4  }
0xc1: {  	_ = 	snop  }
0xc2: {  	s3 =	rddreg [dreg:$0x6]  }
0xc3: {  	s17 =	rddreg [dreg:$0xc]  }
0xc4: {  	s10 =	rddreg [dreg:$0x4]  }
.LBB2_2:
0xc5: {  	s3 =	rddreg [dreg:$0xa]  }
0xc6: {  	s25 =	rddreg [dreg:$0x8];
	s10 =	sor.u32 $0x1C05, s3  }
0xc7: {  	[dreg:$0xe] =	wrdreg s10  }
0xc8: {  	[spmem:s16], [sflag:s10] =	dma.local [hbm:s25], $0x3100  }
0xc9: {  	_ =	swait.ge [sflag:s18], $0x3100  }
0xca: {  	[sflag:s18] =	ssyncset.done $0x0  }
0xcb: {  	[sflag:s18] =	ssyncadd.s32 $0xFFFFCF00  }
0xcc: {  	s17 =	simm.s32 $0x0;
	s10 =	simm.s32 $0x0;
	[bflag:$0x0] =	sbarrier.arrive $0xFFFF  }
.LBB2_3:
0xcd: {  	s3 =	sadd.s32 s12, s17  }
0xce: {  	s3 =	smul.u32 $0x310, s3;
	_ =	sdelay $0x1  }
0xcf: {  	s16 =	sadd.s32 s6, s3  }
0xd0: {  	[tilespmem:s19], [sflag:$0x5] =	stream.linear.gather [hbm4b:s16+s10], $0x1880, $0x38;
	[tilespmem:$0x1F900] =	vst v63  }
0xd1: {  	_ =	swait.ge [sflag:s18], $0x1880  }
0xd2: {  	[sflag:s18] =	ssyncset.done $0x0  }
0xd3: {  	s20 =	simm.s32 $0x1A080;
	s3 =	sadd.s32 s7, s3;
	[sflag:s18] =	ssyncadd.s32 $0xFFFFE780  }
0xd4: {  	[tilespmem:s20], [sflag:$0x5] =	stream.linear.gather [hbm4b:s3+s10], $0x1880, $0x38;
	[tilespmem:$0x1F900] =	vst v63  }
0xd5: {  	_ =	swait.ge [sflag:s18], $0x1880  }
0xd6: {  	[sflag:s18] =	ssyncset.done $0x0  }
0xd7: {  	[sflag:s18] =	ssyncadd.s32 $0xFFFFE780  }
0xd8: {  	[tilespmem:s22], [sflag:$0x1] =	stream.indirect.gather [hbm4b:s1+s21], $0x20, s19, s21, $0xb8;
	[tilespmem:$0x1F900] =	vst v63  }
0xd9: {  	s23 =	simm.s32 $0x18880  }
0xda: {  	[tilespmem:s24], [sflag:$0x2] =	stream.indirect.gather [hbm4b:s1+s21], $0x20, s23, s21, $0xb8;
	[tilespmem:$0x1F900] =	vst v63  }
0xdb: {  	s25 =	simm.s32 $0x18900  }
0xdc: {  	[tilespmem:s26], [sflag:$0x3] =	stream.indirect.gather [hbm4b:s1+s21], $0x20, s25, s21, $0xb8;
	[tilespmem:$0x1F900] =	vst v63  }
0xdd: {  	s16 =	simm.s32 $0x18980  }
0xde: {  	[tilespmem:s28], [sflag:$0x4] =	stream.indirect.gather [hbm4b:s1+s21], $0x20, s16, s21, $0xb8;
	[tilespmem:$0x1F900] =	vst v63  }
0xdf: {  	_ =	swait.ge [sflag:s29], $0x1000  }
0xe0: {  	[sflag:s29] =	ssyncset.done $0x0  }
0xe1: {  	s20 =	simm.s32 $0x1A080;
	[sflag:s29] =	ssyncadd.s32 $0xFFFFF000  }
0xe2: {  	[spmem:s2] =	stream.indirect.scatter.add.f32 [tilespmem:s22], [sflag:$0x5], $0x20, s20, s21, $0xb8;
	[tilespmem:$0x1F900] =	vst v63  }
0xe3: {  	_ =	swait.ge [sflag:s18], $0x1000  }
0xe4: {  	[sflag:s18] =	ssyncset.done $0x0  }
0xe5: {  	s23 =	simm.s32 $0x18A00;
	[sflag:s18] =	ssyncadd.s32 $0xFFFFF000  }
0xe6: {  	[tilespmem:s22], [sflag:$0x1] =	stream.indirect.gather [hbm4b:s1+s21], $0x20, s23, s21, $0xb8;
	[tilespmem:$0x1F900] =	vst v63  }
0xe7: {  	_ =	swait.ge [sflag:s30], $0x1000  }
0xe8: {  	[sflag:s30] =	ssyncset.done $0x0  }
0xe9: {  	s25 =	simm.s32 $0x1A100;
	[sflag:s30] =	ssyncadd.s32 $0xFFFFF000  }
0xea: {  	[spmem:s2] =	stream.indirect.scatter.add.f32 [tilespmem:s24], [sflag:$0x5], $0x20, s25, s21, $0xb8;
	[tilespmem:$0x1F900] =	vst v63  }
0xeb: {  	_ =	swait.ge [sflag:s18], $0x1000  }
0xec: {  	[sflag:s18] =	ssyncset.done $0x0  }
0xed: {  	s16 =	simm.s32 $0x18A80;
	[sflag:s18] =	ssyncadd.s32 $0xFFFFF000  }
0xee: {  	[tilespmem:s24], [sflag:$0x2] =	stream.indirect.gather [hbm4b:s1+s21], $0x20, s16, s21, $0xb8;
	[tilespmem:$0x1F900] =	vst v63  }
0xef: {  	_ =	swait.ge [sflag:s31], $0x1000  }
0xf0: {  	[sflag:s31] =	ssyncset.done $0x0  }
0xf1: {  	s20 =	simm.s32 $0x1A180;
	[sflag:s31] =	ssyncadd.s32 $0xFFFFF000  }
0xf2: {  	[spmem:s2] =	stream.indirect.scatter.add.f32 [tilespmem:s26], [sflag:$0x5], $0x20, s20, s21, $0xb8;
	[tilespmem:$0x1F900] =	vst v63  }
0xf3: {  	_ =	swait.ge [sflag:s18], $0x1000  }
0xf4: {  	[sflag:s18] =	ssyncset.done $0x0  }
0xf5: {  	s23 =	simm.s32 $0x18B00;
	[sflag:s18] =	ssyncadd.s32 $0xFFFFF000  }
0xf6: {  	[tilespmem:s26], [sflag:$0x3] =	stream.indirect.gather [hbm4b:s1+s21], $0x20, s23, s21, $0xb8;
	[tilespmem:$0x1F900] =	vst v63  }
0xf7: {  	_ =	swait.ge [sflag:s0], $0x1000  }
0xf8: {  	[sflag:s0] =	ssyncset.done $0x0  }
0xf9: {  	s25 =	simm.s32 $0x1A200;
	[sflag:s0] =	ssyncadd.s32 $0xFFFFF000  }
0xfa: {  	[spmem:s2] =	stream.indirect.scatter.add.f32 [tilespmem:s28], [sflag:$0x5], $0x20, s25, s21, $0xb8;
	[tilespmem:$0x1F900] =	vst v63  }
0xfb: {  	_ =	swait.ge [sflag:s18], $0x1000  }
0xfc: {  	s3 =	simm.s32 $0x1000;
	s16 =	simm.s32 $0x200;
	[sflag:s18] =	ssyncset.done $0x0  }
.LBB2_4:
0xfd: {  	s25 =	sadd.s32 $0x18980, s16  }
0xfe: {  	[sflag:s18] =	ssyncadd.s32 $0xFFFFF000;
	s20 =	smov.u32 s3;
	s23 =	sadd.s32 $0x800, s3  }
0xff: {  	[tilespmem:s28], [sflag:$0x4] =	stream.indirect.gather [hbm4b:s1+s21], $0x20, s25, s21, $0xb8;
	[tilespmem:$0x1F900] =	vst v63  }
0x100: {  	p1 =	sne.s32 s3, $0x5000;
	_ =	swait.ge [sflag:s29], $0x1000  }
0x101: {  	[sflag:s29] =	ssyncset.done $0x0  }
0x102: {  	s3 =	sadd.s32 $0x1A080, s16;
	[sflag:s29] =	ssyncadd.s32 $0xFFFFF000  }
0x103: {  	[spmem:s2] =	stream.indirect.scatter.add.f32 [tilespmem:s22], [sflag:$0x5], $0x20, s3, s21, $0xb8;
	[tilespmem:$0x1F900] =	vst v63  }
0x104: {  	_ =	swait.ge [sflag:s18], $0x1000  }
0x105: {  	[sflag:s18] =	ssyncset.done $0x0  }
0x106: {  	s3 =	sadd.s32 $0x18A00, s16;
	[sflag:s18] =	ssyncadd.s32 $0xFFFFF000  }
0x107: {  	[tilespmem:s22], [sflag:$0x1] =	stream.indirect.gather [hbm4b:s1+s21], $0x20, s3, s21, $0xb8;
	[tilespmem:$0x1F900] =	vst v63  }
0x108: {  	_ =	swait.ge [sflag:s30], $0x1000  }
0x109: {  	[sflag:s30] =	ssyncset.done $0x0  }
0x10a: {  	s3 =	sadd.s32 $0x1A100, s16;
	[sflag:s30] =	ssyncadd.s32 $0xFFFFF000  }
0x10b: {  	[spmem:s2] =	stream.indirect.scatter.add.f32 [tilespmem:s24], [sflag:$0x5], $0x20, s3, s21, $0xb8;
	[tilespmem:$0x1F900] =	vst v63  }
0x10c: {  	_ =	swait.ge [sflag:s18], $0x1000  }
0x10d: {  	[sflag:s18] =	ssyncset.done $0x0  }
0x10e: {  	s3 =	sadd.s32 $0x18A80, s16;
	[sflag:s18] =	ssyncadd.s32 $0xFFFFF000  }
0x10f: {  	[tilespmem:s24], [sflag:$0x2] =	stream.indirect.gather [hbm4b:s1+s21], $0x20, s3, s21, $0xb8;
	[tilespmem:$0x1F900] =	vst v63  }
0x110: {  	_ =	swait.ge [sflag:s31], $0x1000  }
0x111: {  	[sflag:s31] =	ssyncset.done $0x0  }
0x112: {  	s3 =	sadd.s32 $0x1A180, s16;
	[sflag:s31] =	ssyncadd.s32 $0xFFFFF000  }
0x113: {  	[spmem:s2] =	stream.indirect.scatter.add.f32 [tilespmem:s26], [sflag:$0x5], $0x20, s3, s21, $0xb8;
	[tilespmem:$0x1F900] =	vst v63  }
0x114: {  	_ =	swait.ge [sflag:s18], $0x1000  }
0x115: {  	[sflag:s18] =	ssyncset.done $0x0  }
0x116: {  	s3 =	sadd.s32 $0x18B00, s16;
	[sflag:s18] =	ssyncadd.s32 $0xFFFFF000  }
0x117: {  	[tilespmem:s26], [sflag:$0x3] =	stream.indirect.gather [hbm4b:s1+s21], $0x20, s3, s21, $0xb8;
	[tilespmem:$0x1F900] =	vst v63  }
0x118: {  	_ =	swait.ge [sflag:s0], $0x1000  }
.Ltmp6:
0x119: {  	[sflag:s0] =	ssyncset.done $0x0;
	(pc) =	sbr.rel @p1 .LBB2_4-.Ltmp6, $4  }
0x11a: {  	s3 =	sadd.s32 $0x1A200, s16;
	[sflag:s0] =	ssyncadd.s32 $0xFFFFF000  }
0x11b: {  	[spmem:s2] =	stream.indirect.scatter.add.f32 [tilespmem:s28], [sflag:$0x5], $0x20, s3, s21, $0xb8;
	[tilespmem:$0x1F900] =	vst v63  }
0x11c: {  	_ =	swait.ge [sflag:s18], $0x1000  }
0x11d: {  	s16 =	sshra.s32 s20, $0x2;
	s3 =	smov.u32 s23;
	[sflag:s18] =	ssyncset.done $0x0  }
0x11e: {  	s3 =	sadd.s32 $0x18980, s16;
	[sflag:s18] =	ssyncadd.s32 $0xFFFFF000  }
0x11f: {  	[tilespmem:s28], [sflag:$0x4] =	stream.indirect.gather [hbm4b:s1+s21], $0x20, s3, s21, $0xb8;
	[tilespmem:$0x1F900] =	vst v63  }
0x120: {  	_ =	swait.ge [sflag:s29], $0x1000  }
0x121: {  	[sflag:s29] =	ssyncset.done $0x0  }
0x122: {  	s25 =	sadd.s32 $0x1A080, s16;
	[sflag:s29] =	ssyncadd.s32 $0xFFFFF000  }
0x123: {  	[spmem:s2] =	stream.indirect.scatter.add.f32 [tilespmem:s22], [sflag:$0x5], $0x20, s25, s21, $0xb8;
	[tilespmem:$0x1F900] =	vst v63  }
0x124: {  	_ =	swait.ge [sflag:s18], $0x1000  }
0x125: {  	[sflag:s18] =	ssyncset.done $0x0  }
0x126: {  	s20 =	sadd.s32 $0x18A00, s16;
	[sflag:s18] =	ssyncadd.s32 $0xFFFFF000  }
0x127: {  	[tilespmem:s22], [sflag:$0x1] =	stream.indirect.gather [hbm4b:s1+s21], $0x20, s20, s21, $0xb8;
	[tilespmem:$0x1F900] =	vst v63  }
0x128: {  	_ =	swait.ge [sflag:s30], $0x1000  }
0x129: {  	[sflag:s30] =	ssyncset.done $0x0  }
0x12a: {  	s23 =	sadd.s32 $0x1A100, s16;
	[sflag:s30] =	ssyncadd.s32 $0xFFFFF000  }
0x12b: {  	[spmem:s2] =	stream.indirect.scatter.add.f32 [tilespmem:s24], [sflag:$0x5], $0x20, s23, s21, $0xb8;
	[tilespmem:$0x1F900] =	vst v63  }
0x12c: {  	_ =	swait.ge [sflag:s18], $0x1000  }
0x12d: {  	[sflag:s18] =	ssyncset.done $0x0  }
0x12e: {  	s25 =	sadd.s32 $0x18A80, s16;
	[sflag:s18] =	ssyncadd.s32 $0xFFFFF000  }
0x12f: {  	[tilespmem:s24], [sflag:$0x2] =	stream.indirect.gather [hbm4b:s1+s21], $0x20, s25, s21, $0xb8;
	[tilespmem:$0x1F900] =	vst v63  }
0x130: {  	_ =	swait.ge [sflag:s31], $0x1000  }
0x131: {  	[sflag:s31] =	ssyncset.done $0x0  }
0x132: {  	s20 =	sadd.s32 $0x1A180, s16;
	[sflag:s31] =	ssyncadd.s32 $0xFFFFF000  }
0x133: {  	[spmem:s2] =	stream.indirect.scatter.add.f32 [tilespmem:s26], [sflag:$0x5], $0x20, s20, s21, $0xb8;
	[tilespmem:$0x1F900] =	vst v63  }
0x134: {  	_ =	swait.ge [sflag:s18], $0x1000  }
0x135: {  	[sflag:s18] =	ssyncset.done $0x0  }
0x136: {  	s23 =	sadd.s32 $0x18B00, s16;
	[sflag:s18] =	ssyncadd.s32 $0xFFFFF000  }
0x137: {  	[tilespmem:s26], [sflag:$0x3] =	stream.indirect.gather [hbm4b:s1+s21], $0x20, s23, s21, $0xb8;
	[tilespmem:$0x1F900] =	vst v63  }
0x138: {  	_ =	swait.ge [sflag:s0], $0x1000  }
0x139: {  	[sflag:s0] =	ssyncset.done $0x0  }
0x13a: {  	s25 =	sadd.s32 $0x1A200, s16;
	[sflag:s0] =	ssyncadd.s32 $0xFFFFF000  }
0x13b: {  	[spmem:s2] =	stream.indirect.scatter.add.f32 [tilespmem:s28], [sflag:$0x5], $0x20, s25, s21, $0xb8;
	[tilespmem:$0x1F900] =	vst v63  }
0x13c: {  	_ =	swait.ge [sflag:s18], $0x1000  }
0x13d: {  	[sflag:s18] =	ssyncset.done $0x0  }
0x13e: {  	[sflag:s18] =	ssyncadd.s32 $0xFFFFF000  }
0x13f: {  	[tilespmem:s28], [sflag:$0x4] =	stream.indirect.gather [hbm4b:s1+s21], $0x20, s4, s21, $0xb8;
	[tilespmem:$0x1F900] =	vst v63  }
0x140: {  	_ =	swait.ge [sflag:s29], $0x1000  }
0x141: {  	[sflag:s29] =	ssyncset.done $0x0  }
0x142: {  	[sflag:s29] =	ssyncadd.s32 $0xFFFFF000  }
0x143: {  	[spmem:s2] =	stream.indirect.scatter.add.f32 [tilespmem:s22], [sflag:$0x5], $0x20, s8, s21, $0xb8;
	[tilespmem:$0x1F900] =	vst v63  }
0x144: {  	_ =	swait.ge [sflag:s18], $0x1000  }
0x145: {  	[sflag:s18] =	ssyncset.done $0x0  }
0x146: {  	[sflag:s18] =	ssyncadd.s32 $0xFFFFF000  }
0x147: {  	[tilespmem:s22], [sflag:$0x1] =	stream.indirect.gather [hbm4b:s1+s21], $0x20, s11, s21, $0xb8;
	[tilespmem:$0x1F900] =	vst v63  }
0x148: {  	_ =	swait.ge [sflag:s30], $0x1000  }
0x149: {  	[sflag:s30] =	ssyncset.done $0x0  }
0x14a: {  	[sflag:s30] =	ssyncadd.s32 $0xFFFFF000  }
0x14b: {  	[spmem:s2] =	stream.indirect.scatter.add.f32 [tilespmem:s24], [sflag:$0x5], $0x20, s9, s21, $0xb8;
	[tilespmem:$0x1F900] =	vst v63  }
0x14c: {  	_ =	swait.ge [sflag:s18], $0x1000  }
0x14d: {  	[sflag:s18] =	ssyncset.done $0x0  }
0x14e: {  	[sflag:s18] =	ssyncadd.s32 $0xFFFFF000  }
0x14f: {  	_ =	swait.ge [sflag:s31], $0x1000  }
0x150: {  	[sflag:s31] =	ssyncset.done $0x0  }
0x151: {  	[sflag:s31] =	ssyncadd.s32 $0xFFFFF000  }
0x152: {  	[spmem:s2] =	stream.indirect.scatter.add.f32 [tilespmem:s26], [sflag:$0x5], $0x20, s13, s21, $0xb8;
	[tilespmem:$0x1F900] =	vst v63  }
0x153: {  	_ =	swait.ge [sflag:s18], $0x1000  }
0x154: {  	[sflag:s18] =	ssyncset.done $0x0  }
0x155: {  	[sflag:s18] =	ssyncadd.s32 $0xFFFFF000  }
0x156: {  	_ =	swait.ge [sflag:s0], $0x1000  }
0x157: {  	[sflag:s0] =	ssyncset.done $0x0  }
0x158: {  	[sflag:s0] =	ssyncadd.s32 $0xFFFFF000  }
0x159: {  	[spmem:s2] =	stream.indirect.scatter.add.f32 [tilespmem:s28], [sflag:$0x5], $0x20, s14, s21, $0xb8;
	[tilespmem:$0x1F900] =	vst v63  }
0x15a: {  	_ =	swait.ge [sflag:s18], $0x1000  }
0x15b: {  	[sflag:s18] =	ssyncset.done $0x0  }
0x15c: {  	[sflag:s18] =	ssyncadd.s32 $0xFFFFF000  }
0x15d: {  	s17 =	sadd.s32 $0x1, s17;
	_ =	swait.ge [sflag:s29], $0x1000  }
0x15e: {  	p1 =	seq.s32 s17, $0x8;
	[sflag:s29] =	ssyncset.done $0x0  }
.Ltmp7:
0x15f: {  	[sflag:s29] =	ssyncadd.s32 $0xFFFFF000;
	(pc) =	sbr.rel @!p1 .LBB2_3-.Ltmp7, $4  }
0x160: {  	[spmem:s2] =	stream.indirect.scatter.add.f32 [tilespmem:s22], [sflag:$0x5], $0x20, s15, s21, $0xb8;
	[tilespmem:$0x1F900] =	vst v63  }
0x161: {  	_ =	swait.ge [sflag:s18], $0x1000  }
0x162: {  	[sflag:s18] =	ssyncset.done $0x0  }
0x163: {  	[sflag:s18] =	ssyncadd.s32 $0xFFFFF000  }
.Ltmp8:
0x164: {  	(pc) =	sbr.rel .LBB2_12-.Ltmp8, $4  }
0x165: {  	_ = 	snop  }
0x166: {  	s3 =	rddreg [dreg:$0x5]  }
0x167: {  	s10 =	rddreg [dreg:$0x4]  }
0x168: {  	s17 =	rddreg [dreg:$0xe]  }
.LBB2_13:
0x169: {  	_ =	sfence.sel $0x180000  }
0x16a: {  	[bflag:$0x0] =	sbarrier.arrive $0xFFFF  }
0x16b: {  	_ =	strace $0x9000004A  }
0x16c: {  	s0 =	stileid.u32;
	[bflag:$0x2] =	sbarrier.arrive $0xFFFF  }
0x16d: {  	p0 =	sne.s32 s0, $0x0;
	s0 =	rddreg [dreg:$0x3]  }
0x16e: {  	s0 =	sadd.s32 @!p0 $0x100000, s0  }
0x16f: {  	[sflag:s0] =	ssyncadd.tile.s32 @!p0 $0x1;
	_ =	shalt  }
.Lfunc_end2:
_tile_overlayer_lowered:
.L_overlay_start_2:
0x170: {  	(tag) =	ssettag $0x2  }
0x171: {  	s0 =	rddreg [dreg:$0x0];
	s2 =	stileid.u32  }
0x172: {  	s1 =	rddreg [dreg:$0x1];
	p0 =	sne.s32 s2, $0x0  }
0x173: {  	s3 =	rddreg [dreg:$0x2];
	[bflag:$0x3] =	sbarrier.arrive $0xFFFF;
	s2 =	simm.s32 @!p0 $0x1C05  }
0x174: {  	[timem:s3], [sflag:s2] =	dma.local @!p0 [hbm:s0], s1  }
0x175: {  	s0 =	simm.s32 @!p0 $0x5  }
0x176: {  	_ =	swait.ge @!p0 [sflag:s0], s1  }
0x177: {  	s1 =	ssub.s32 @!p0 $0x0, s1;
	[sflag:s0] =	ssyncset.done @!p0 $0x0  }
0x178: {  	[sflag:s0] =	ssyncadd.s32 @!p0 s1  }
0x179: {  	[bflag:$0x3] =	sbarrier.arrive $0xFFFF  }
0x17a: {  	_ =	shalt  }

// kernel: kernel.16.cloned.1.call-start
scs
__scs_entry_jumppad:
0x0: {  	(pc) =	sbr.rel $0x88, $3  }
0x1: {  	(tag) =	ssettag $0x0;
	lr =	simm.s32 $0x1  }
0x2: {  	[smem:$0x3F91] =	sst lr;
	_ =	strace $0xD0000000  }
0x3: {  	_ = 	snop  }
0x4: {  	_ = 	snop  }
0x5: {  	_ = 	snop  }
0x6: {  	_ = 	snop  }
0x7: {  	_ = 	snop  }
__scs_overlays_trampoline_lowered:
0x8: {  	[smem:$0x3FA0] =	sst s0  }
0x9: {  	[smem:$0x3FA1] =	sst s1  }
0xa: {  	[smem:$0x3FA2] =	sst s2  }
0xb: {  	[smem:$0x3FA3] =	sst s3  }
0xc: {  	[smem:$0x3FA4] =	sst s4  }
0xd: {  	[smem:$0x3FA5] =	sst s5  }
0xe: {  	[smem:$0x3FA6] =	sst s6  }
0xf: {  	[smem:$0x3FA7] =	sst s7  }
0x10: {  	[smem:$0x3FA8] =	sst s8  }
0x11: {  	[smem:$0x3FA9] =	sst s9;
	s0 =	simm.s32 @!p0 $0x0  }
0x12: {  	s1 =	sld [smem:$0x3F8F];
	s0 =	simm.s32 @p0 $0x1  }
0x13: {  	[smem:$0x3FAA] =	sst s0;
	s0 =	simm.s32 @!p1 $0x0  }
0x14: {  	s2 =	sld [smem:$0x3F8E];
	s0 =	simm.s32 @p1 $0x1  }
0x15: {  	[smem:$0x3FAB] =	sst s0;
	s0 =	simm.s32 @!p2 $0x0  }
0x16: {  	s3 =	sld [smem:$0x3FDB];
	s0 =	simm.s32 @p2 $0x1  }
0x17: {  	s4 =	simm.s32 $0x1BF5;
	[smem:$0x3FAD] =	sst s0  }
0x18: {  	s0 =	sld [smem:$0x3F90];
	_ =	swait.ge [sflag:s4], $0x0  }
0x19: {  	s7 =	sld [smem:$0x3F91]  }
0x1a: {  	s8 =	sadd.s32 $0xFFFFE003, lr  }
0x1b: {  	s9 =	sadd.s32 $0xFFFFFEF7, lr;
	s5 =	simm.s32 $0xFFFFFFFF;
	p2 =	slt.u32 s8, $0xFFFFF086  }
0x1c: {  	p1 =	slt.u32 s9, $0xF7A;
	s5 =	simm.s32 @!p2 $0x0  }
0x1d: {  	s5 =	simm.s32 @p1 $0x1;
	p0 =	seq.s32 s7, s2  }
0x1e: {  	s7 =	smul.u32 @!p0 $0xF7A, s2;
	p2 =	seq.s32 @!p0 s5, $0x0  }
0x1f: {  	s9 =	smul.u32 $0xF7A, s1;
	s8 =	simm.s32 @!p0 $0x1BF5;
	p2 =	por !p2, p0  }
0x20: {  	[sflag:s8] =	ssyncset.s32 @!p0 $0xFFFFF086;
	s6 =	sadd.s32 @!p0 s3, s7;
	s7 =	simm.s32 @!p0 $0x108  }
0x21: {  	s3 =	sadd.s32 s3, s9;
	s6 =	sadd.s32 @!p0 $0x88, s6;
	s7 =	simm.s32 @p2 $0x1082  }
0x22: {  	[simem:s7], [sflag:s8] =	dma.local @!p0 [hbm:s6], $0xF7A  }
0x23: {  	s9 =	sor.u32 $0xD0000000, s2;
	s6 =	simm.s32 $0x108;
	_ =	swait.ge @!p0 [sflag:s8], $0x0  }
0x24: {  	s3 =	sadd.s32 $0x88, s3;
	s6 =	simm.s32 @!p1 $0x1082;
	[sflag:s4] =	ssyncset.s32 $0xFFFFF086  }
0x25: {  	[simem:s6], [sflag:s4] =	dma.local [hbm:s3], $0xF7A  }
0x26: {  	[smem:$0x3F91] =	sst s1;
	(tag) =	ssettag s2;
	_ =	strace s9  }
0x27: {  	s1 =	sld [smem:$0x3FA1]  }
0x28: {  	s2 =	sld [smem:$0x3FA2]  }
0x29: {  	s4 =	sld [smem:$0x3FA4]  }
0x2a: {  	p0 =	seq.s32 s5, $0x0;
	s5 =	sld [smem:$0x3FA5]  }
0x2b: {  	s6 =	sld [smem:$0x3FA6]  }
0x2c: {  	s7 =	sld [smem:$0x3FA7]  }
0x2d: {  	s3 =	simm.s32 $0x108;
	s8 =	sld [smem:$0x3FA8]  }
0x2e: {  	s3 =	simm.s32 @!p0 $0x1082;
	s9 =	sld [smem:$0x3FA9]  }
0x2f: {  	lr =	sadd.s32 s0, s3;
	s0 =	sld [smem:$0x3FA0]  }
0x30: {  	s3 =	sld [smem:$0x3FA3]  }
0x31: {  	[smem:$0x3FAC] =	sst s10  }
0x32: {  	s10 =	sld [smem:$0x3FAA];
	_ =	sdelay $0x3  }
0x33: {  	p0 =	seq.s32 s10, $0x1;
	s10 =	sld [smem:$0x3FAC];
	_ =	sdelay $0x3  }
0x34: {  	[smem:$0x3FAC] =	sst s10  }
0x35: {  	s10 =	sld [smem:$0x3FAB];
	_ =	sdelay $0x3  }
0x36: {  	p1 =	seq.s32 s10, $0x1;
	s10 =	sld [smem:$0x3FAC];
	_ =	sdelay $0x3  }
0x37: {  	[smem:$0x3FAC] =	sst s10  }
0x38: {  	s10 =	sld [smem:$0x3FAD]  }
0x39: {  	_ = 	snop;
	(pc) =	sbr.ind lr, $3  }
0x3a: {  	_ = 	snop  }
0x3b: {  	_ = 	snop  }
0x3c: {  	p2 =	seq.s32 s10, $0x1;
	s10 =	sld [smem:$0x3FAC]  }
0x3d: {  	_ =	shalt  }
0x3e: {  	_ =	shalt  }
0x3f: {  	_ =	shalt  }
0x40: {  	_ =	shalt  }
0x41: {  	_ =	shalt  }
0x42: {  	_ =	shalt  }
0x43: {  	_ =	shalt  }
0x44: {  	_ =	shalt  }
0x45: {  	_ =	shalt  }
0x46: {  	_ =	shalt  }
0x47: {  	_ =	shalt  }
0x48: {  	_ =	shalt  }
0x49: {  	_ =	shalt  }
0x4a: {  	_ =	shalt  }
0x4b: {  	_ =	shalt  }
0x4c: {  	_ =	shalt  }
0x4d: {  	_ =	shalt  }
0x4e: {  	_ =	shalt  }
0x4f: {  	_ =	shalt  }
0x50: {  	_ =	shalt  }
0x51: {  	_ =	shalt  }
0x52: {  	_ =	shalt  }
0x53: {  	_ =	shalt  }
0x54: {  	_ =	shalt  }
0x55: {  	_ =	shalt  }
0x56: {  	_ =	shalt  }
0x57: {  	_ =	shalt  }
0x58: {  	_ =	shalt  }
0x59: {  	_ =	shalt  }
0x5a: {  	_ =	shalt  }
0x5b: {  	_ =	shalt  }
0x5c: {  	_ =	shalt  }
0x5d: {  	_ =	shalt  }
0x5e: {  	_ =	shalt  }
0x5f: {  	_ =	shalt  }
0x60: {  	_ =	shalt  }
0x61: {  	_ =	shalt  }
0x62: {  	_ =	shalt  }
0x63: {  	_ =	shalt  }
0x64: {  	_ =	shalt  }
0x65: {  	_ =	shalt  }
0x66: {  	_ =	shalt  }
0x67: {  	_ =	shalt  }
0x68: {  	_ =	shalt  }
0x69: {  	_ =	shalt  }
0x6a: {  	_ =	shalt  }
0x6b: {  	_ =	shalt  }
0x6c: {  	_ =	shalt  }
0x6d: {  	_ =	shalt  }
0x6e: {  	_ =	shalt  }
0x6f: {  	_ =	shalt  }
0x70: {  	_ =	shalt  }
0x71: {  	_ =	shalt  }
0x72: {  	_ =	shalt  }
0x73: {  	_ =	shalt  }
0x74: {  	_ =	shalt  }
0x75: {  	_ =	shalt  }
0x76: {  	_ =	shalt  }
0x77: {  	_ =	shalt  }
0x78: {  	_ =	shalt  }
0x79: {  	_ =	shalt  }
0x7a: {  	_ =	shalt  }
0x7b: {  	_ =	shalt  }
0x7c: {  	_ =	shalt  }
0x7d: {  	_ =	shalt  }
0x7e: {  	_ =	shalt  }
0x7f: {  	_ =	shalt  }
0x80: {  	_ =	shalt  }
0x81: {  	_ =	shalt  }
0x82: {  	_ =	shalt  }
0x83: {  	_ =	shalt  }
0x84: {  	_ =	shalt  }
0x85: {  	_ =	shalt  }
0x86: {  	_ =	shalt  }
0x87: {  	_ =	shalt  }
.Lfunc_end0:
.L_simem_size_0:
called_computation.2_lowered:
.L_overlay_start_0:
0x88: {  	s2 =	sld [smem:$0x3FD9]  }
0x89: {  	s3 =	sld [smem:$0x3FFE];
	_ =	sdelay $0x1  }
0x8a: {  	s1 =	srdreg.scid  }
0x8b: {  	s0 =	sand.u32 $0x1, s1  }
0x8c: {  	s17 =	sshll.u32 s0, $0xA;
	s2 =	sadd.s32 s3, s2  }
0x8d: {  	s2 =	sadd.s32 s2, s17  }
0x8e: {  	[smem:$0x3FB8] =	sst s2  }
0x8f: {  	_ = 	snop  }
0x90: {  	s2 =	sld [smem:$0x3FD0];
	(tm) =	ssettm $0x1  }
0x91: {  	s18 =	sld [smem:$0x3FFB];
	_ =	sdelay $0x3  }
0x92: {  	_ =	strace s18  }
0x93: {  	s3 =	sld [smem:$0x3FFC];
	_ =	sdelay $0x3  }
0x94: {  	_ =	strace s3  }
0x95: {  	s3 =	sld [smem:$0x3FFD];
	_ =	sdelay $0x3  }
0x96: {  	_ =	strace s3  }
0x97: {  	_ =	strace $0x8FFFFFFF  }
0x98: {  	s19 =	sld [smem:$0x3FDB];
	_ =	sdelay $0x1  }
0x99: {  	s4 =	simm.s32 $_scs_section_size  }
0x9a: {  	s5 =	simm.s32 $_size__tile_overlayer_lowered;
	s6 =	simm.s32 $_tile_overlayer_lowered  }
0x9b: {  	s22 =	simm.s32 $0x1BFF;
	s21 =	sshll.u32 s6, $0x1;
	s3 =	sadd.s32 s4, s19  }
0x9c: {  	s7 =	simm.s32 $0x0;
	s20 =	sshll.u32 s5, $0x1;
	s5 =	sadd.s32 s21, s3  }
0x9d: {  	[timem:s7], [sflag:s22] =	dma.local [hbm:s5], s20  }
0x9e: {  	_ =	swait.ge [sflag:s22], s20  }
0x9f: {  	s4 =	ssub.s32 $0x0, s20;
	[sflag:s22] =	ssyncset.done $0x0  }
0xa0: {  	[sflag:s22] =	ssyncadd.s32 s4;
	_ =	sdelay $0x1  }
0xa1: {  	s23 =	simm.s32 $0x1B8B  }
0xa2: {  	_ =	swait.ge [sflag:s23], $0x1  }
0xa3: {  	[sflag:s23] =	ssyncset.done $0x0  }
0xa4: {  	s25 =	simm.s32 $0x1B8E;
	s24 =	sld [smem:$0x3FFE];
	[sflag:s23] =	ssyncadd.s32 $0xFFFFFFFF  }
0xa5: {  	s26 =	simm.s32 $execute0_lowered;
	[smem:$0x3FD2] =	sst s25  }
0xa6: {  	s5 =	sshll.u32 s26, $0x1;
	_ =	strace $0x8000004C;
	[dreg:$0x1] =	wrdreg $0xFFFFFFFF  }
0xa7: {  	s28 =	simm.s32 $_size_execute0_lowered;
	s3 =	sadd.s32 s3, s5;
	[dreg:$0x0] =	wrdreg $0x0  }
0xa8: {  	s5 =	sshll.u32 s28, $0x1;
	[dreg:$0x2] =	wrdreg s3  }
0xa9: {  	[dreg:$0x3] =	wrdreg s5  }
0xaa: {  	[dreg:$0x4] =	wrdreg $0xC0  }
0xab: {  	_ =	task [dreg:s7], $0x5FFFF  }
0xac: {  	[dreg:$0x1] =	wrdreg $0xFFFFFFFF  }
0xad: {  	[dreg:$0x0] =	wrdreg $0x60  }
0xae: {  	[dreg:$0x2] =	wrdreg s2  }
0xaf: {  	[dreg:$0x3] =	wrdreg s24  }
0xb0: {  	[dreg:$0x4] =	wrdreg $0x0  }
0xb1: {  	[dreg:$0x5] =	wrdreg $0x9  }
0xb2: {  	_ =	task.clear_ibuf [dreg:s7], $0x6FFFF;
	_ =	strace $0x9000004C  }
0xb3: {  	s29 =	simm.s32 $0x9;
	_ =	strace $0x8000004E  }
0xb4: {  	_ =	swait.ge [sflag:s29], $0x1  }
0xb5: {  	[sflag:s29] =	ssyncadd.s32 $0xFFFFFFFF  }
0xb6: {  	_ =	strace $0x9000004E  }
0xb7: {  	_ =	sfence  }
0xb8: {  	s30 =	sld [smem:$0x0];
	_ =	sdelay $0x2  }
0xb9: {  	s31 =	sshll.u32 s1, $0xD;
	s1 =	sshrl.u32 s1, $0x2  }
0xba: {  	s3 =	sand.u32 $0x4000, s31;
	s1 =	sadd.s32 s1, s30  }
0xbb: {  	s0 =	sor.u32 s3, s0;
	s1 =	sshll.u32 s1, $0x11  }
0xbc: {  	s0 =	sor.u32 s1, s0  }
0xbd: {  	s0 =	sadd.s32 $0x8F2B, s0  }
0xbe: {  	[sflag:s0] =	ssyncadd.remote.s32 $0x1  }
0xbf: {  	_ =	sfence.sel $0xFFFF  }
0xc0: {  	[dreg:$0x0] =	wrdreg $0xFFFFFFFF;
	(pc) =	sbr.abs _section_cstart, $3  }
0xc1: {  	[dreg:$0x1] =	wrdreg $0xFFFFFFFF  }
0xc2: {  	_ =	task.clear_ibuf [dreg:s7], $0x2FFFF;
	_ =	strace $0x9FFFFFFF  }
0xc3: {  	(tm) =	ssettm $0x7FFFFFFF  }
tec
execute0_lowered:
.L_overlay_start_1:
0x0: {  	(tag) =	ssettag $0x1  }
0x1: {  	s1 =	rddreg [dreg:$0x0]  }
0x2: {  	s0 =	rddreg [dreg:$0x1]  }
0x3: {  	s2 =	rddreg [dreg:$0x2];
	s10 =	simm.s32 $0x0;
	s3 =	srdreg.scid  }
0x4: {  	s11 =	stileid.u32;
	s18 =	simm.s32 $0x5;
	s19 =	simm.s32 $0x18800  }
0x5: {  	s28 =	simm.s32 $0x1E900;
	s29 =	simm.s32 $0x1;
	s30 =	simm.s32 $0x2  }
0x6: {  	s31 =	simm.s32 $0x3;
	s13 =	simm.s32 $0x1B780;
	s14 =	simm.s32 $0x1B800  }
0x7: {  	s15 =	simm.s32 $0x1B880;
	[smem:$0x7FF] =	sst s10;
	s5 =	sadd.s32 $0x36400, s0  }
0x8: {  	s3 =	sand.u32 $0x1, s3;
	s6 =	sadd.s32 $0x5400, s0;
	s8 =	smul.u32 $0x18800, s11  }
0x9: {  	s7 =	sadd.s32 $0x1DC00, s0;
	s9 =	sadd.s32 $0x98400, s0;
	s0 =	sadd.s32 $0x67400, s0  }
0xa: {  	s12 =	sshll.u32 s11, $0x3;
	_ =	strace $0x8000004D;
	[dreg:$0x5] =	wrdreg s9  }
0xb: {  	s25 =	sshll.u32 s11, $0x6;
	s11 =	simm.s32 $0x1A000;
	[dreg:$0x6] =	wrdreg s0  }
0xc: {  	s4 =	ssub.s32 $0x2, s3;
	p0 =	seq.s32 s3, $0x1;
	[dreg:$0xa] =	wrdreg s25  }
0xd: {  	s26 =	sor.u32 $0x1C05, s25;
	s9 =	simm.s32 $0x1B700;
	s20 =	sshrl.u32 s4, $0x1  }
0xe: {  	s22 =	sshrl.u32 s8, $0x3;
	s23 =	sadd.s32 s8, s2;
	[dreg:$0xc] =	wrdreg s26  }
0xf: {  	s26 =	simm.s32 $0x1D900;
	s8 =	simm.s32 $0x1B680;
	s21 =	ssub.s32 s4, s20  }
.Ltmp0:
0x10: {  	s24 =	sadd.s32 s1, s22;
	[dreg:$0x7] =	wrdreg s22;
	(pc) =	sbr.rel .LBB2_1-.Ltmp0, $4  }
0x11: {  	s4 =	sadd.s32 s5, s22;
	s16 =	sshrl.u32 s23, $0x3;
	[dreg:$0x8] =	wrdreg s24  }
0x12: {  	s22 =	simm.s32 $0x1B900;
	[dreg:$0x9] =	wrdreg s4;
	s0 =	smax.u32 s21, $0x1  }
0x13: {  	s21 =	simm.s32 $0x80;
	s24 =	simm.s32 $0x1C900;
	[dreg:$0xd] =	wrdreg s16  }
0x14: {  	s4 =	simm.s32 $0x19F80;
	[dreg:$0xb] =	wrdreg s0;
	s0 =	simm.s32 $0x4  }
.LBB2_12:
0x15: {  	s16 =	rddreg [dreg:$0x7];
	[bflag:$0x0] =	sbarrier.arrive $0xFFFF  }
0x16: {  	s3 =	sadd.s32 s3, s16;
	s16 =	rddreg [dreg:$0xd]  }
0x17: {  	[hbm:s3], [sflag:s17] =	dma.local [spmem:s16], $0x3100  }
0x18: {  	_ =	swait.ge [sflag:s18], $0x3100  }
0x19: {  	s10 =	sadd.s32 $0x1, s10;
	s25 =	rddreg [dreg:$0xb]  }
0x1a: {  	p1 =	sne.s32 s10, s25  }
.Ltmp1:
0x1b: {  	_ = 	snop;
	(pc) =	sbr.rel @!p1 .LBB2_13-.Ltmp1, $3  }
0x1c: {  	_ =	sdelay $0x1  }
0x1d: {  	[sflag:s18] =	ssyncset.done $0x0  }
0x1e: {  	[sflag:s18] =	ssyncadd.s32 $0xFFFFCF00  }
.LBB2_1:
.Ltmp2:
0x1f: {  	(pc) =	sbr.rel @!p0 .LBB2_2-.Ltmp2, $2  }
0x20: {  	_ =	sdelay $0x2  }
0x21: {  	[dreg:$0x4] =	wrdreg s10  }
0x22: {  	s3 =	rddreg [dreg:$0x9]  }
0x23: {  	s10 =	rddreg [dreg:$0xc]  }
0x24: {  	[spmem:s16], [sflag:s10] =	dma.local [hbm:s3], $0x3100  }
0x25: {  	_ =	swait.ge [sflag:s18], $0x3100  }
0x26: {  	[sflag:s18] =	ssyncset.done $0x0  }
0x27: {  	[sflag:s18] =	ssyncadd.s32 $0xFFFFCF00  }
0x28: {  	s10 =	simm.s32 $0x0;
	s16 =	simm.s32 $0x0;
	[bflag:$0x0] =	sbarrier.arrive $0xFFFF  }
.LBB2_8:
0x29: {  	s3 =	sadd.s32 s12, s16  }
0x2a: {  	s3 =	smul.u32 $0x310, s3;
	_ =	sdelay $0x1  }
0x2b: {  	s17 =	sadd.s32 s6, s3  }
0x2c: {  	[tilespmem:s19], [sflag:$0x5] =	stream.linear.gather [hbm4b:s17+s10], $0x1880, $0x38;
	[tilespmem:$0x1F900] =	vst v63  }
0x2d: {  	_ =	swait.ge [sflag:s18], $0x1880  }
0x2e: {  	[sflag:s18] =	ssyncset.done $0x0  }
0x2f: {  	s20 =	simm.s32 $0x1A080;
	s3 =	sadd.s32 s7, s3;
	[sflag:s18] =	ssyncadd.s32 $0xFFFFE780  }
0x30: {  	[tilespmem:s20], [sflag:$0x5] =	stream.linear.gather [hbm4b:s3+s10], $0x1880, $0x38;
	[tilespmem:$0x1F900] =	vst v63  }
0x31: {  	_ =	swait.ge [sflag:s18], $0x1880  }
0x32: {  	[sflag:s18] =	ssyncset.done $0x0  }
0x33: {  	[sflag:s18] =	ssyncadd.s32 $0xFFFFE780  }
0x34: {  	[tilespmem:s22], [sflag:$0x1] =	stream.indirect.gather [hbm4b:s5+s21], $0x20, s19, s21, $0xb8;
	[tilespmem:$0x1F900] =	vst v63  }
0x35: {  	s23 =	simm.s32 $0x18880  }
0x36: {  	[tilespmem:s24], [sflag:$0x2] =	stream.indirect.gather [hbm4b:s5+s21], $0x20, s23, s21, $0xb8;
	[tilespmem:$0x1F900] =	vst v63  }
0x37: {  	s25 =	simm.s32 $0x18900  }
0x38: {  	[tilespmem:s26], [sflag:$0x3] =	stream.indirect.gather [hbm4b:s5+s21], $0x20, s25, s21, $0xb8;
	[tilespmem:$0x1F900] =	vst v63  }
0x39: {  	s17 =	simm.s32 $0x18980  }
0x3a: {  	[tilespmem:s28], [sflag:$0x4] =	stream.indirect.gather [hbm4b:s5+s21], $0x20, s17, s21, $0xb8;
	[tilespmem:$0x1F900] =	vst v63  }
0x3b: {  	_ =	swait.ge [sflag:s29], $0x1000  }
0x3c: {  	[sflag:s29] =	ssyncset.done $0x0  }
0x3d: {  	s20 =	simm.s32 $0x1A080;
	[sflag:s29] =	ssyncadd.s32 $0xFFFFF000  }
0x3e: {  	[spmem:s2] =	stream.indirect.scatter.add.f32 [tilespmem:s22], [sflag:$0x5], $0x20, s20, s21, $0xb8;
	[tilespmem:$0x1F900] =	vst v63  }
0x3f: {  	_ =	swait.ge [sflag:s18], $0x1000  }
0x40: {  	[sflag:s18] =	ssyncset.done $0x0  }
0x41: {  	s23 =	simm.s32 $0x18A00;
	[sflag:s18] =	ssyncadd.s32 $0xFFFFF000  }
0x42: {  	[tilespmem:s22], [sflag:$0x1] =	stream.indirect.gather [hbm4b:s5+s21], $0x20, s23, s21, $0xb8;
	[tilespmem:$0x1F900] =	vst v63  }
0x43: {  	_ =	swait.ge [sflag:s30], $0x1000  }
0x44: {  	[sflag:s30] =	ssyncset.done $0x0  }
0x45: {  	s25 =	simm.s32 $0x1A100;
	[sflag:s30] =	ssyncadd.s32 $0xFFFFF000  }
0x46: {  	[spmem:s2] =	stream.indirect.scatter.add.f32 [tilespmem:s24], [sflag:$0x5], $0x20, s25, s21, $0xb8;
	[tilespmem:$0x1F900] =	vst v63  }
0x47: {  	_ =	swait.ge [sflag:s18], $0x1000  }
0x48: {  	[sflag:s18] =	ssyncset.done $0x0  }
0x49: {  	s17 =	simm.s32 $0x18A80;
	[sflag:s18] =	ssyncadd.s32 $0xFFFFF000  }
0x4a: {  	[tilespmem:s24], [sflag:$0x2] =	stream.indirect.gather [hbm4b:s5+s21], $0x20, s17, s21, $0xb8;
	[tilespmem:$0x1F900] =	vst v63  }
0x4b: {  	_ =	swait.ge [sflag:s31], $0x1000  }
0x4c: {  	[sflag:s31] =	ssyncset.done $0x0  }
0x4d: {  	s20 =	simm.s32 $0x1A180;
	[sflag:s31] =	ssyncadd.s32 $0xFFFFF000  }
0x4e: {  	[spmem:s2] =	stream.indirect.scatter.add.f32 [tilespmem:s26], [sflag:$0x5], $0x20, s20, s21, $0xb8;
	[tilespmem:$0x1F900] =	vst v63  }
0x4f: {  	_ =	swait.ge [sflag:s18], $0x1000  }
0x50: {  	[sflag:s18] =	ssyncset.done $0x0  }
0x51: {  	s23 =	simm.s32 $0x18B00;
	[sflag:s18] =	ssyncadd.s32 $0xFFFFF000  }
0x52: {  	[tilespmem:s26], [sflag:$0x3] =	stream.indirect.gather [hbm4b:s5+s21], $0x20, s23, s21, $0xb8;
	[tilespmem:$0x1F900] =	vst v63  }
0x53: {  	_ =	swait.ge [sflag:s0], $0x1000  }
0x54: {  	[sflag:s0] =	ssyncset.done $0x0  }
0x55: {  	s25 =	simm.s32 $0x1A200;
	[sflag:s0] =	ssyncadd.s32 $0xFFFFF000  }
0x56: {  	[spmem:s2] =	stream.indirect.scatter.add.f32 [tilespmem:s28], [sflag:$0x5], $0x20, s25, s21, $0xb8;
	[tilespmem:$0x1F900] =	vst v63  }
0x57: {  	_ =	swait.ge [sflag:s18], $0x1000  }
0x58: {  	s17 =	simm.s32 $0x200;
	s23 =	simm.s32 $0x1000;
	[sflag:s18] =	ssyncset.done $0x0  }
.LBB2_9:
0x59: {  	s25 =	sadd.s32 $0x18980, s17  }
0x5a: {  	[sflag:s18] =	ssyncadd.s32 $0xFFFFF000;
	s20 =	smov.u32 s23;
	s3 =	sadd.s32 $0x800, s23  }
0x5b: {  	[tilespmem:s28], [sflag:$0x4] =	stream.indirect.gather [hbm4b:s5+s21], $0x20, s25, s21, $0xb8;
	[tilespmem:$0x1F900] =	vst v63  }
0x5c: {  	p1 =	sne.s32 s23, $0x5000;
	_ =	swait.ge [sflag:s29], $0x1000  }
0x5d: {  	[sflag:s29] =	ssyncset.done $0x0  }
0x5e: {  	s23 =	sadd.s32 $0x1A080, s17;
	[sflag:s29] =	ssyncadd.s32 $0xFFFFF000  }
0x5f: {  	[spmem:s2] =	stream.indirect.scatter.add.f32 [tilespmem:s22], [sflag:$0x5], $0x20, s23, s21, $0xb8;
	[tilespmem:$0x1F900] =	vst v63  }
0x60: {  	_ =	swait.ge [sflag:s18], $0x1000  }
0x61: {  	[sflag:s18] =	ssyncset.done $0x0  }
0x62: {  	s23 =	sadd.s32 $0x18A00, s17;
	[sflag:s18] =	ssyncadd.s32 $0xFFFFF000  }
0x63: {  	[tilespmem:s22], [sflag:$0x1] =	stream.indirect.gather [hbm4b:s5+s21], $0x20, s23, s21, $0xb8;
	[tilespmem:$0x1F900] =	vst v63  }
0x64: {  	_ =	swait.ge [sflag:s30], $0x1000  }
0x65: {  	[sflag:s30] =	ssyncset.done $0x0  }
0x66: {  	s23 =	sadd.s32 $0x1A100, s17;
	[sflag:s30] =	ssyncadd.s32 $0xFFFFF000  }
0x67: {  	[spmem:s2] =	stream.indirect.scatter.add.f32 [tilespmem:s24], [sflag:$0x5], $0x20, s23, s21, $0xb8;
	[tilespmem:$0x1F900] =	vst v63  }
0x68: {  	_ =	swait.ge [sflag:s18], $0x1000  }
0x69: {  	[sflag:s18] =	ssyncset.done $0x0  }
0x6a: {  	s23 =	sadd.s32 $0x18A80, s17;
	[sflag:s18] =	ssyncadd.s32 $0xFFFFF000  }
0x6b: {  	[tilespmem:s24], [sflag:$0x2] =	stream.indirect.gather [hbm4b:s5+s21], $0x20, s23, s21, $0xb8;
	[tilespmem:$0x1F900] =	vst v63  }
0x6c: {  	_ =	swait.ge [sflag:s31], $0x1000  }
0x6d: {  	[sflag:s31] =	ssyncset.done $0x0  }
0x6e: {  	s23 =	sadd.s32 $0x1A180, s17;
	[sflag:s31] =	ssyncadd.s32 $0xFFFFF000  }
0x6f: {  	[spmem:s2] =	stream.indirect.scatter.add.f32 [tilespmem:s26], [sflag:$0x5], $0x20, s23, s21, $0xb8;
	[tilespmem:$0x1F900] =	vst v63  }
0x70: {  	_ =	swait.ge [sflag:s18], $0x1000  }
0x71: {  	[sflag:s18] =	ssyncset.done $0x0  }
0x72: {  	s23 =	sadd.s32 $0x18B00, s17;
	[sflag:s18] =	ssyncadd.s32 $0xFFFFF000  }
0x73: {  	[tilespmem:s26], [sflag:$0x3] =	stream.indirect.gather [hbm4b:s5+s21], $0x20, s23, s21, $0xb8;
	[tilespmem:$0x1F900] =	vst v63  }
0x74: {  	_ =	swait.ge [sflag:s0], $0x1000  }
.Ltmp3:
0x75: {  	[sflag:s0] =	ssyncset.done $0x0;
	(pc) =	sbr.rel @p1 .LBB2_9-.Ltmp3, $4  }
0x76: {  	s17 =	sadd.s32 $0x1A200, s17;
	[sflag:s0] =	ssyncadd.s32 $0xFFFFF000  }
0x77: {  	[spmem:s2] =	stream.indirect.scatter.add.f32 [tilespmem:s28], [sflag:$0x5], $0x20, s17, s21, $0xb8;
	[tilespmem:$0x1F900] =	vst v63  }
0x78: {  	_ =	swait.ge [sflag:s18], $0x1000  }
0x79: {  	s23 =	smov.u32 s3;
	s17 =	sshra.s32 s20, $0x2;
	[sflag:s18] =	ssyncset.done $0x0  }
0x7a: {  	s3 =	sadd.s32 $0x18980, s17;
	[sflag:s18] =	ssyncadd.s32 $0xFFFFF000  }
0x7b: {  	[tilespmem:s28], [sflag:$0x4] =	stream.indirect.gather [hbm4b:s5+s21], $0x20, s3, s21, $0xb8;
	[tilespmem:$0x1F900] =	vst v63  }
0x7c: {  	_ =	swait.ge [sflag:s29], $0x1000  }
0x7d: {  	[sflag:s29] =	ssyncset.done $0x0  }
0x7e: {  	s25 =	sadd.s32 $0x1A080, s17;
	[sflag:s29] =	ssyncadd.s32 $0xFFFFF000  }
0x7f: {  	[spmem:s2] =	stream.indirect.scatter.add.f32 [tilespmem:s22], [sflag:$0x5], $0x20, s25, s21, $0xb8;
	[tilespmem:$0x1F900] =	vst v63  }
0x80: {  	_ =	swait.ge [sflag:s18], $0x1000  }
0x81: {  	[sflag:s18] =	ssyncset.done $0x0  }
0x82: {  	s20 =	sadd.s32 $0x18A00, s17;
	[sflag:s18] =	ssyncadd.s32 $0xFFFFF000  }
0x83: {  	[tilespmem:s22], [sflag:$0x1] =	stream.indirect.gather [hbm4b:s5+s21], $0x20, s20, s21, $0xb8;
	[tilespmem:$0x1F900] =	vst v63  }
0x84: {  	_ =	swait.ge [sflag:s30], $0x1000  }
0x85: {  	[sflag:s30] =	ssyncset.done $0x0  }
0x86: {  	s23 =	sadd.s32 $0x1A100, s17;
	[sflag:s30] =	ssyncadd.s32 $0xFFFFF000  }
0x87: {  	[spmem:s2] =	stream.indirect.scatter.add.f32 [tilespmem:s24], [sflag:$0x5], $0x20, s23, s21, $0xb8;
	[tilespmem:$0x1F900] =	vst v63  }
0x88: {  	_ =	swait.ge [sflag:s18], $0x1000  }
0x89: {  	[sflag:s18] =	ssyncset.done $0x0  }
0x8a: {  	s25 =	sadd.s32 $0x18A80, s17;
	[sflag:s18] =	ssyncadd.s32 $0xFFFFF000  }
0x8b: {  	[tilespmem:s24], [sflag:$0x2] =	stream.indirect.gather [hbm4b:s5+s21], $0x20, s25, s21, $0xb8;
	[tilespmem:$0x1F900] =	vst v63  }
0x8c: {  	_ =	swait.ge [sflag:s31], $0x1000  }
0x8d: {  	[sflag:s31] =	ssyncset.done $0x0  }
0x8e: {  	s20 =	sadd.s32 $0x1A180, s17;
	[sflag:s31] =	ssyncadd.s32 $0xFFFFF000  }
0x8f: {  	[spmem:s2] =	stream.indirect.scatter.add.f32 [tilespmem:s26], [sflag:$0x5], $0x20, s20, s21, $0xb8;
	[tilespmem:$0x1F900] =	vst v63  }
0x90: {  	_ =	swait.ge [sflag:s18], $0x1000  }
0x91: {  	[sflag:s18] =	ssyncset.done $0x0  }
0x92: {  	s23 =	sadd.s32 $0x18B00, s17;
	[sflag:s18] =	ssyncadd.s32 $0xFFFFF000  }
0x93: {  	[tilespmem:s26], [sflag:$0x3] =	stream.indirect.gather [hbm4b:s5+s21], $0x20, s23, s21, $0xb8;
	[tilespmem:$0x1F900] =	vst v63  }
0x94: {  	_ =	swait.ge [sflag:s0], $0x1000  }
0x95: {  	[sflag:s0] =	ssyncset.done $0x0  }
0x96: {  	s25 =	sadd.s32 $0x1A200, s17;
	[sflag:s0] =	ssyncadd.s32 $0xFFFFF000  }
0x97: {  	[spmem:s2] =	stream.indirect.scatter.add.f32 [tilespmem:s28], [sflag:$0x5], $0x20, s25, s21, $0xb8;
	[tilespmem:$0x1F900] =	vst v63  }
0x98: {  	_ =	swait.ge [sflag:s18], $0x1000  }
0x99: {  	[sflag:s18] =	ssyncset.done $0x0  }
0x9a: {  	[sflag:s18] =	ssyncadd.s32 $0xFFFFF000  }
0x9b: {  	[tilespmem:s28], [sflag:$0x4] =	stream.indirect.gather [hbm4b:s5+s21], $0x20, s4, s21, $0xb8;
	[tilespmem:$0x1F900] =	vst v63  }
0x9c: {  	_ =	swait.ge [sflag:s29], $0x1000  }
0x9d: {  	[sflag:s29] =	ssyncset.done $0x0  }
0x9e: {  	[sflag:s29] =	ssyncadd.s32 $0xFFFFF000  }
0x9f: {  	[spmem:s2] =	stream.indirect.scatter.add.f32 [tilespmem:s22], [sflag:$0x5], $0x20, s8, s21, $0xb8;
	[tilespmem:$0x1F900] =	vst v63  }
0xa0: {  	_ =	swait.ge [sflag:s18], $0x1000  }
0xa1: {  	[sflag:s18] =	ssyncset.done $0x0  }
0xa2: {  	[sflag:s18] =	ssyncadd.s32 $0xFFFFF000  }
0xa3: {  	[tilespmem:s22], [sflag:$0x1] =	stream.indirect.gather [hbm4b:s5+s21], $0x20, s11, s21, $0xb8;
	[tilespmem:$0x1F900] =	vst v63  }
0xa4: {  	_ =	swait.ge [sflag:s30], $0x1000  }
0xa5: {  	[sflag:s30] =	ssyncset.done $0x0  }
0xa6: {  	[sflag:s30] =	ssyncadd.s32 $0xFFFFF000  }
0xa7: {  	[spmem:s2] =	stream.indirect.scatter.add.f32 [tilespmem:s24], [sflag:$0x5], $0x20, s9, s21, $0xb8;
	[tilespmem:$0x1F900] =	vst v63  }
0xa8: {  	_ =	swait.ge [sflag:s18], $0x1000  }
0xa9: {  	[sflag:s18] =	ssyncset.done $0x0  }
0xaa: {  	[sflag:s18] =	ssyncadd.s32 $0xFFFFF000  }
0xab: {  	_ =	swait.ge [sflag:s31], $0x1000  }
0xac: {  	[sflag:s31] =	ssyncset.done $0x0  }
0xad: {  	[sflag:s31] =	ssyncadd.s32 $0xFFFFF000  }
0xae: {  	[spmem:s2] =	stream.indirect.scatter.add.f32 [tilespmem:s26], [sflag:$0x5], $0x20, s13, s21, $0xb8;
	[tilespmem:$0x1F900] =	vst v63  }
0xaf: {  	_ =	swait.ge [sflag:s18], $0x1000  }
0xb0: {  	[sflag:s18] =	ssyncset.done $0x0  }
0xb1: {  	[sflag:s18] =	ssyncadd.s32 $0xFFFFF000  }
0xb2: {  	_ =	swait.ge [sflag:s0], $0x1000  }
0xb3: {  	[sflag:s0] =	ssyncset.done $0x0  }
0xb4: {  	[sflag:s0] =	ssyncadd.s32 $0xFFFFF000  }
0xb5: {  	[spmem:s2] =	stream.indirect.scatter.add.f32 [tilespmem:s28], [sflag:$0x5], $0x20, s14, s21, $0xb8;
	[tilespmem:$0x1F900] =	vst v63  }
0xb6: {  	_ =	swait.ge [sflag:s18], $0x1000  }
0xb7: {  	[sflag:s18] =	ssyncset.done $0x0  }
0xb8: {  	[sflag:s18] =	ssyncadd.s32 $0xFFFFF000  }
0xb9: {  	s16 =	sadd.s32 $0x1, s16;
	_ =	swait.ge [sflag:s29], $0x1000  }
0xba: {  	p1 =	sne.s32 s16, $0x8;
	[sflag:s29] =	ssyncset.done $0x0  }
.Ltmp4:
0xbb: {  	[sflag:s29] =	ssyncadd.s32 $0xFFFFF000;
	(pc) =	sbr.rel @p1 .LBB2_8-.Ltmp4, $4  }
0xbc: {  	[spmem:s2] =	stream.indirect.scatter.add.f32 [tilespmem:s22], [sflag:$0x5], $0x20, s15, s21, $0xb8;
	[tilespmem:$0x1F900] =	vst v63  }
0xbd: {  	_ =	swait.ge [sflag:s18], $0x1000  }
0xbe: {  	[sflag:s18] =	ssyncset.done $0x0  }
0xbf: {  	[sflag:s18] =	ssyncadd.s32 $0xFFFFF000  }
.Ltmp5:
0xc0: {  	(pc) =	sbr.rel .LBB2_12-.Ltmp5, $4  }
0xc1: {  	_ = 	snop  }
0xc2: {  	s3 =	rddreg [dreg:$0x6]  }
0xc3: {  	s17 =	rddreg [dreg:$0xc]  }
0xc4: {  	s10 =	rddreg [dreg:$0x4]  }
.LBB2_2:
0xc5: {  	s3 =	rddreg [dreg:$0xa]  }
0xc6: {  	s25 =	rddreg [dreg:$0x8];
	s10 =	sor.u32 $0x1C05, s3  }
0xc7: {  	[dreg:$0xe] =	wrdreg s10  }
0xc8: {  	[spmem:s16], [sflag:s10] =	dma.local [hbm:s25], $0x3100  }
0xc9: {  	_ =	swait.ge [sflag:s18], $0x3100  }
0xca: {  	[sflag:s18] =	ssyncset.done $0x0  }
0xcb: {  	[sflag:s18] =	ssyncadd.s32 $0xFFFFCF00  }
0xcc: {  	s17 =	simm.s32 $0x0;
	s10 =	simm.s32 $0x0;
	[bflag:$0x0] =	sbarrier.arrive $0xFFFF  }
.LBB2_3:
0xcd: {  	s3 =	sadd.s32 s12, s17  }
0xce: {  	s3 =	smul.u32 $0x310, s3;
	_ =	sdelay $0x1  }
0xcf: {  	s16 =	sadd.s32 s6, s3  }
0xd0: {  	[tilespmem:s19], [sflag:$0x5] =	stream.linear.gather [hbm4b:s16+s10], $0x1880, $0x38;
	[tilespmem:$0x1F900] =	vst v63  }
0xd1: {  	_ =	swait.ge [sflag:s18], $0x1880  }
0xd2: {  	[sflag:s18] =	ssyncset.done $0x0  }
0xd3: {  	s20 =	simm.s32 $0x1A080;
	s3 =	sadd.s32 s7, s3;
	[sflag:s18] =	ssyncadd.s32 $0xFFFFE780  }
0xd4: {  	[tilespmem:s20], [sflag:$0x5] =	stream.linear.gather [hbm4b:s3+s10], $0x1880, $0x38;
	[tilespmem:$0x1F900] =	vst v63  }
0xd5: {  	_ =	swait.ge [sflag:s18], $0x1880  }
0xd6: {  	[sflag:s18] =	ssyncset.done $0x0  }
0xd7: {  	[sflag:s18] =	ssyncadd.s32 $0xFFFFE780  }
0xd8: {  	[tilespmem:s22], [sflag:$0x1] =	stream.indirect.gather [hbm4b:s1+s21], $0x20, s19, s21, $0xb8;
	[tilespmem:$0x1F900] =	vst v63  }
0xd9: {  	s23 =	simm.s32 $0x18880  }
0xda: {  	[tilespmem:s24], [sflag:$0x2] =	stream.indirect.gather [hbm4b:s1+s21], $0x20, s23, s21, $0xb8;
	[tilespmem:$0x1F900] =	vst v63  }
0xdb: {  	s25 =	simm.s32 $0x18900  }
0xdc: {  	[tilespmem:s26], [sflag:$0x3] =	stream.indirect.gather [hbm4b:s1+s21], $0x20, s25, s21, $0xb8;
	[tilespmem:$0x1F900] =	vst v63  }
0xdd: {  	s16 =	simm.s32 $0x18980  }
0xde: {  	[tilespmem:s28], [sflag:$0x4] =	stream.indirect.gather [hbm4b:s1+s21], $0x20, s16, s21, $0xb8;
	[tilespmem:$0x1F900] =	vst v63  }
0xdf: {  	_ =	swait.ge [sflag:s29], $0x1000  }
0xe0: {  	[sflag:s29] =	ssyncset.done $0x0  }
0xe1: {  	s20 =	simm.s32 $0x1A080;
	[sflag:s29] =	ssyncadd.s32 $0xFFFFF000  }
0xe2: {  	[spmem:s2] =	stream.indirect.scatter.add.f32 [tilespmem:s22], [sflag:$0x5], $0x20, s20, s21, $0xb8;
	[tilespmem:$0x1F900] =	vst v63  }
0xe3: {  	_ =	swait.ge [sflag:s18], $0x1000  }
0xe4: {  	[sflag:s18] =	ssyncset.done $0x0  }
0xe5: {  	s23 =	simm.s32 $0x18A00;
	[sflag:s18] =	ssyncadd.s32 $0xFFFFF000  }
0xe6: {  	[tilespmem:s22], [sflag:$0x1] =	stream.indirect.gather [hbm4b:s1+s21], $0x20, s23, s21, $0xb8;
	[tilespmem:$0x1F900] =	vst v63  }
0xe7: {  	_ =	swait.ge [sflag:s30], $0x1000  }
0xe8: {  	[sflag:s30] =	ssyncset.done $0x0  }
0xe9: {  	s25 =	simm.s32 $0x1A100;
	[sflag:s30] =	ssyncadd.s32 $0xFFFFF000  }
0xea: {  	[spmem:s2] =	stream.indirect.scatter.add.f32 [tilespmem:s24], [sflag:$0x5], $0x20, s25, s21, $0xb8;
	[tilespmem:$0x1F900] =	vst v63  }
0xeb: {  	_ =	swait.ge [sflag:s18], $0x1000  }
0xec: {  	[sflag:s18] =	ssyncset.done $0x0  }
0xed: {  	s16 =	simm.s32 $0x18A80;
	[sflag:s18] =	ssyncadd.s32 $0xFFFFF000  }
0xee: {  	[tilespmem:s24], [sflag:$0x2] =	stream.indirect.gather [hbm4b:s1+s21], $0x20, s16, s21, $0xb8;
	[tilespmem:$0x1F900] =	vst v63  }
0xef: {  	_ =	swait.ge [sflag:s31], $0x1000  }
0xf0: {  	[sflag:s31] =	ssyncset.done $0x0  }
0xf1: {  	s20 =	simm.s32 $0x1A180;
	[sflag:s31] =	ssyncadd.s32 $0xFFFFF000  }
0xf2: {  	[spmem:s2] =	stream.indirect.scatter.add.f32 [tilespmem:s26], [sflag:$0x5], $0x20, s20, s21, $0xb8;
	[tilespmem:$0x1F900] =	vst v63  }
0xf3: {  	_ =	swait.ge [sflag:s18], $0x1000  }
0xf4: {  	[sflag:s18] =	ssyncset.done $0x0  }
0xf5: {  	s23 =	simm.s32 $0x18B00;
	[sflag:s18] =	ssyncadd.s32 $0xFFFFF000  }
0xf6: {  	[tilespmem:s26], [sflag:$0x3] =	stream.indirect.gather [hbm4b:s1+s21], $0x20, s23, s21, $0xb8;
	[tilespmem:$0x1F900] =	vst v63  }
0xf7: {  	_ =	swait.ge [sflag:s0], $0x1000  }
0xf8: {  	[sflag:s0] =	ssyncset.done $0x0  }
0xf9: {  	s25 =	simm.s32 $0x1A200;
	[sflag:s0] =	ssyncadd.s32 $0xFFFFF000  }
0xfa: {  	[spmem:s2] =	stream.indirect.scatter.add.f32 [tilespmem:s28], [sflag:$0x5], $0x20, s25, s21, $0xb8;
	[tilespmem:$0x1F900] =	vst v63  }
0xfb: {  	_ =	swait.ge [sflag:s18], $0x1000  }
0xfc: {  	s3 =	simm.s32 $0x1000;
	s16 =	simm.s32 $0x200;
	[sflag:s18] =	ssyncset.done $0x0  }
.LBB2_4:
0xfd: {  	s25 =	sadd.s32 $0x18980, s16  }
0xfe: {  	[sflag:s18] =	ssyncadd.s32 $0xFFFFF000;
	s20 =	smov.u32 s3;
	s23 =	sadd.s32 $0x800, s3  }
0xff: {  	[tilespmem:s28], [sflag:$0x4] =	stream.indirect.gather [hbm4b:s1+s21], $0x20, s25, s21, $0xb8;
	[tilespmem:$0x1F900] =	vst v63  }
0x100: {  	p1 =	sne.s32 s3, $0x5000;
	_ =	swait.ge [sflag:s29], $0x1000  }
0x101: {  	[sflag:s29] =	ssyncset.done $0x0  }
0x102: {  	s3 =	sadd.s32 $0x1A080, s16;
	[sflag:s29] =	ssyncadd.s32 $0xFFFFF000  }
0x103: {  	[spmem:s2] =	stream.indirect.scatter.add.f32 [tilespmem:s22], [sflag:$0x5], $0x20, s3, s21, $0xb8;
	[tilespmem:$0x1F900] =	vst v63  }
0x104: {  	_ =	swait.ge [sflag:s18], $0x1000  }
0x105: {  	[sflag:s18] =	ssyncset.done $0x0  }
0x106: {  	s3 =	sadd.s32 $0x18A00, s16;
	[sflag:s18] =	ssyncadd.s32 $0xFFFFF000  }
0x107: {  	[tilespmem:s22], [sflag:$0x1] =	stream.indirect.gather [hbm4b:s1+s21], $0x20, s3, s21, $0xb8;
	[tilespmem:$0x1F900] =	vst v63  }
0x108: {  	_ =	swait.ge [sflag:s30], $0x1000  }
0x109: {  	[sflag:s30] =	ssyncset.done $0x0  }
0x10a: {  	s3 =	sadd.s32 $0x1A100, s16;
	[sflag:s30] =	ssyncadd.s32 $0xFFFFF000  }
0x10b: {  	[spmem:s2] =	stream.indirect.scatter.add.f32 [tilespmem:s24], [sflag:$0x5], $0x20, s3, s21, $0xb8;
	[tilespmem:$0x1F900] =	vst v63  }
0x10c: {  	_ =	swait.ge [sflag:s18], $0x1000  }
0x10d: {  	[sflag:s18] =	ssyncset.done $0x0  }
0x10e: {  	s3 =	sadd.s32 $0x18A80, s16;
	[sflag:s18] =	ssyncadd.s32 $0xFFFFF000  }
0x10f: {  	[tilespmem:s24], [sflag:$0x2] =	stream.indirect.gather [hbm4b:s1+s21], $0x20, s3, s21, $0xb8;
	[tilespmem:$0x1F900] =	vst v63  }
0x110: {  	_ =	swait.ge [sflag:s31], $0x1000  }
0x111: {  	[sflag:s31] =	ssyncset.done $0x0  }
0x112: {  	s3 =	sadd.s32 $0x1A180, s16;
	[sflag:s31] =	ssyncadd.s32 $0xFFFFF000  }
0x113: {  	[spmem:s2] =	stream.indirect.scatter.add.f32 [tilespmem:s26], [sflag:$0x5], $0x20, s3, s21, $0xb8;
	[tilespmem:$0x1F900] =	vst v63  }
0x114: {  	_ =	swait.ge [sflag:s18], $0x1000  }
0x115: {  	[sflag:s18] =	ssyncset.done $0x0  }
0x116: {  	s3 =	sadd.s32 $0x18B00, s16;
	[sflag:s18] =	ssyncadd.s32 $0xFFFFF000  }
0x117: {  	[tilespmem:s26], [sflag:$0x3] =	stream.indirect.gather [hbm4b:s1+s21], $0x20, s3, s21, $0xb8;
	[tilespmem:$0x1F900] =	vst v63  }
0x118: {  	_ =	swait.ge [sflag:s0], $0x1000  }
.Ltmp6:
0x119: {  	[sflag:s0] =	ssyncset.done $0x0;
	(pc) =	sbr.rel @p1 .LBB2_4-.Ltmp6, $4  }
0x11a: {  	s3 =	sadd.s32 $0x1A200, s16;
	[sflag:s0] =	ssyncadd.s32 $0xFFFFF000  }
0x11b: {  	[spmem:s2] =	stream.indirect.scatter.add.f32 [tilespmem:s28], [sflag:$0x5], $0x20, s3, s21, $0xb8;
	[tilespmem:$0x1F900] =	vst v63  }
0x11c: {  	_ =	swait.ge [sflag:s18], $0x1000  }
0x11d: {  	s16 =	sshra.s32 s20, $0x2;
	s3 =	smov.u32 s23;
	[sflag:s18] =	ssyncset.done $0x0  }
0x11e: {  	s3 =	sadd.s32 $0x18980, s16;
	[sflag:s18] =	ssyncadd.s32 $0xFFFFF000  }
0x11f: {  	[tilespmem:s28], [sflag:$0x4] =	stream.indirect.gather [hbm4b:s1+s21], $0x20, s3, s21, $0xb8;
	[tilespmem:$0x1F900] =	vst v63  }
0x120: {  	_ =	swait.ge [sflag:s29], $0x1000  }
0x121: {  	[sflag:s29] =	ssyncset.done $0x0  }
0x122: {  	s25 =	sadd.s32 $0x1A080, s16;
	[sflag:s29] =	ssyncadd.s32 $0xFFFFF000  }
0x123: {  	[spmem:s2] =	stream.indirect.scatter.add.f32 [tilespmem:s22], [sflag:$0x5], $0x20, s25, s21, $0xb8;
	[tilespmem:$0x1F900] =	vst v63  }
0x124: {  	_ =	swait.ge [sflag:s18], $0x1000  }
0x125: {  	[sflag:s18] =	ssyncset.done $0x0  }
0x126: {  	s20 =	sadd.s32 $0x18A00, s16;
	[sflag:s18] =	ssyncadd.s32 $0xFFFFF000  }
0x127: {  	[tilespmem:s22], [sflag:$0x1] =	stream.indirect.gather [hbm4b:s1+s21], $0x20, s20, s21, $0xb8;
	[tilespmem:$0x1F900] =	vst v63  }
0x128: {  	_ =	swait.ge [sflag:s30], $0x1000  }
0x129: {  	[sflag:s30] =	ssyncset.done $0x0  }
0x12a: {  	s23 =	sadd.s32 $0x1A100, s16;
	[sflag:s30] =	ssyncadd.s32 $0xFFFFF000  }
0x12b: {  	[spmem:s2] =	stream.indirect.scatter.add.f32 [tilespmem:s24], [sflag:$0x5], $0x20, s23, s21, $0xb8;
	[tilespmem:$0x1F900] =	vst v63  }
0x12c: {  	_ =	swait.ge [sflag:s18], $0x1000  }
0x12d: {  	[sflag:s18] =	ssyncset.done $0x0  }
0x12e: {  	s25 =	sadd.s32 $0x18A80, s16;
	[sflag:s18] =	ssyncadd.s32 $0xFFFFF000  }
0x12f: {  	[tilespmem:s24], [sflag:$0x2] =	stream.indirect.gather [hbm4b:s1+s21], $0x20, s25, s21, $0xb8;
	[tilespmem:$0x1F900] =	vst v63  }
0x130: {  	_ =	swait.ge [sflag:s31], $0x1000  }
0x131: {  	[sflag:s31] =	ssyncset.done $0x0  }
0x132: {  	s20 =	sadd.s32 $0x1A180, s16;
	[sflag:s31] =	ssyncadd.s32 $0xFFFFF000  }
0x133: {  	[spmem:s2] =	stream.indirect.scatter.add.f32 [tilespmem:s26], [sflag:$0x5], $0x20, s20, s21, $0xb8;
	[tilespmem:$0x1F900] =	vst v63  }
0x134: {  	_ =	swait.ge [sflag:s18], $0x1000  }
0x135: {  	[sflag:s18] =	ssyncset.done $0x0  }
0x136: {  	s23 =	sadd.s32 $0x18B00, s16;
	[sflag:s18] =	ssyncadd.s32 $0xFFFFF000  }
0x137: {  	[tilespmem:s26], [sflag:$0x3] =	stream.indirect.gather [hbm4b:s1+s21], $0x20, s23, s21, $0xb8;
	[tilespmem:$0x1F900] =	vst v63  }
0x138: {  	_ =	swait.ge [sflag:s0], $0x1000  }
0x139: {  	[sflag:s0] =	ssyncset.done $0x0  }
0x13a: {  	s25 =	sadd.s32 $0x1A200, s16;
	[sflag:s0] =	ssyncadd.s32 $0xFFFFF000  }
0x13b: {  	[spmem:s2] =	stream.indirect.scatter.add.f32 [tilespmem:s28], [sflag:$0x5], $0x20, s25, s21, $0xb8;
	[tilespmem:$0x1F900] =	vst v63  }
0x13c: {  	_ =	swait.ge [sflag:s18], $0x1000  }
0x13d: {  	[sflag:s18] =	ssyncset.done $0x0  }
0x13e: {  	[sflag:s18] =	ssyncadd.s32 $0xFFFFF000  }
0x13f: {  	[tilespmem:s28], [sflag:$0x4] =	stream.indirect.gather [hbm4b:s1+s21], $0x20, s4, s21, $0xb8;
	[tilespmem:$0x1F900] =	vst v63  }
0x140: {  	_ =	swait.ge [sflag:s29], $0x1000  }
0x141: {  	[sflag:s29] =	ssyncset.done $0x0  }
0x142: {  	[sflag:s29] =	ssyncadd.s32 $0xFFFFF000  }
0x143: {  	[spmem:s2] =	stream.indirect.scatter.add.f32 [tilespmem:s22], [sflag:$0x5], $0x20, s8, s21, $0xb8;
	[tilespmem:$0x1F900] =	vst v63  }
0x144: {  	_ =	swait.ge [sflag:s18], $0x1000  }
0x145: {  	[sflag:s18] =	ssyncset.done $0x0  }
0x146: {  	[sflag:s18] =	ssyncadd.s32 $0xFFFFF000  }
0x147: {  	[tilespmem:s22], [sflag:$0x1] =	stream.indirect.gather [hbm4b:s1+s21], $0x20, s11, s21, $0xb8;
	[tilespmem:$0x1F900] =	vst v63  }
0x148: {  	_ =	swait.ge [sflag:s30], $0x1000  }
0x149: {  	[sflag:s30] =	ssyncset.done $0x0  }
0x14a: {  	[sflag:s30] =	ssyncadd.s32 $0xFFFFF000  }
0x14b: {  	[spmem:s2] =	stream.indirect.scatter.add.f32 [tilespmem:s24], [sflag:$0x5], $0x20, s9, s21, $0xb8;
	[tilespmem:$0x1F900] =	vst v63  }
0x14c: {  	_ =	swait.ge [sflag:s18], $0x1000  }
0x14d: {  	[sflag:s18] =	ssyncset.done $0x0  }
0x14e: {  	[sflag:s18] =	ssyncadd.s32 $0xFFFFF000  }
0x14f: {  	_ =	swait.ge [sflag:s31], $0x1000  }
0x150: {  	[sflag:s31] =	ssyncset.done $0x0  }
0x151: {  	[sflag:s31] =	ssyncadd.s32 $0xFFFFF000  }
0x152: {  	[spmem:s2] =	stream.indirect.scatter.add.f32 [tilespmem:s26], [sflag:$0x5], $0x20, s13, s21, $0xb8;
	[tilespmem:$0x1F900] =	vst v63  }
0x153: {  	_ =	swait.ge [sflag:s18], $0x1000  }
0x154: {  	[sflag:s18] =	ssyncset.done $0x0  }
0x155: {  	[sflag:s18] =	ssyncadd.s32 $0xFFFFF000  }
0x156: {  	_ =	swait.ge [sflag:s0], $0x1000  }
0x157: {  	[sflag:s0] =	ssyncset.done $0x0  }
0x158: {  	[sflag:s0] =	ssyncadd.s32 $0xFFFFF000  }
0x159: {  	[spmem:s2] =	stream.indirect.scatter.add.f32 [tilespmem:s28], [sflag:$0x5], $0x20, s14, s21, $0xb8;
	[tilespmem:$0x1F900] =	vst v63  }
0x15a: {  	_ =	swait.ge [sflag:s18], $0x1000  }
0x15b: {  	[sflag:s18] =	ssyncset.done $0x0  }
0x15c: {  	[sflag:s18] =	ssyncadd.s32 $0xFFFFF000  }
0x15d: {  	s17 =	sadd.s32 $0x1, s17;
	_ =	swait.ge [sflag:s29], $0x1000  }
0x15e: {  	p1 =	seq.s32 s17, $0x8;
	[sflag:s29] =	ssyncset.done $0x0  }
.Ltmp7:
0x15f: {  	[sflag:s29] =	ssyncadd.s32 $0xFFFFF000;
	(pc) =	sbr.rel @!p1 .LBB2_3-.Ltmp7, $4  }
0x160: {  	[spmem:s2] =	stream.indirect.scatter.add.f32 [tilespmem:s22], [sflag:$0x5], $0x20, s15, s21, $0xb8;
	[tilespmem:$0x1F900] =	vst v63  }
0x161: {  	_ =	swait.ge [sflag:s18], $0x1000  }
0x162: {  	[sflag:s18] =	ssyncset.done $0x0  }
0x163: {  	[sflag:s18] =	ssyncadd.s32 $0xFFFFF000  }
.Ltmp8:
0x164: {  	(pc) =	sbr.rel .LBB2_12-.Ltmp8, $4  }
0x165: {  	_ = 	snop  }
0x166: {  	s3 =	rddreg [dreg:$0x5]  }
0x167: {  	s10 =	rddreg [dreg:$0x4]  }
0x168: {  	s17 =	rddreg [dreg:$0xe]  }
.LBB2_13:
0x169: {  	_ =	sfence.sel $0x180000  }
0x16a: {  	[bflag:$0x0] =	sbarrier.arrive $0xFFFF  }
0x16b: {  	_ =	strace $0x9000004D  }
0x16c: {  	s0 =	stileid.u32;
	[bflag:$0x2] =	sbarrier.arrive $0xFFFF  }
0x16d: {  	p0 =	sne.s32 s0, $0x0;
	s0 =	rddreg [dreg:$0x3]  }
0x16e: {  	s0 =	sadd.s32 @!p0 $0x100000, s0  }
0x16f: {  	[sflag:s0] =	ssyncadd.tile.s32 @!p0 $0x1;
	_ =	shalt  }
.Lfunc_end2:
_tile_overlayer_lowered:
.L_overlay_start_2:
0x170: {  	(tag) =	ssettag $0x2  }
0x171: {  	s0 =	rddreg [dreg:$0x0];
	s2 =	stileid.u32  }
0x172: {  	s1 =	rddreg [dreg:$0x1];
	p0 =	sne.s32 s2, $0x0  }
0x173: {  	s3 =	rddreg [dreg:$0x2];
	[bflag:$0x3] =	sbarrier.arrive $0xFFFF;
	s2 =	simm.s32 @!p0 $0x1C05  }
0x174: {  	[timem:s3], [sflag:s2] =	dma.local @!p0 [hbm:s0], s1  }
0x175: {  	s0 =	simm.s32 @!p0 $0x5  }
0x176: {  	_ =	swait.ge @!p0 [sflag:s0], s1  }
0x177: {  	s1 =	ssub.s32 @!p0 $0x0, s1;
	[sflag:s0] =	ssyncset.done @!p0 $0x0  }
0x178: {  	[sflag:s0] =	ssyncadd.s32 @!p0 s1  }
0x179: {  	[bflag:$0x3] =	sbarrier.arrive $0xFFFF  }
0x17a: {  	_ =	shalt  }

// kernel: kernel.19.cloned.1.call-start
scs
__scs_entry_jumppad:
0x0: {  	(pc) =	sbr.rel $0x88, $3  }
0x1: {  	(tag) =	ssettag $0x0;
	lr =	simm.s32 $0x1  }
0x2: {  	[smem:$0x3F91] =	sst lr;
	_ =	strace $0xD0000000  }
0x3: {  	_ = 	snop  }
0x4: {  	_ = 	snop  }
0x5: {  	_ = 	snop  }
0x6: {  	_ = 	snop  }
0x7: {  	_ = 	snop  }
__scs_overlays_trampoline_lowered:
0x8: {  	[smem:$0x3FA0] =	sst s0  }
0x9: {  	[smem:$0x3FA1] =	sst s1  }
0xa: {  	[smem:$0x3FA2] =	sst s2  }
0xb: {  	[smem:$0x3FA3] =	sst s3  }
0xc: {  	[smem:$0x3FA4] =	sst s4  }
0xd: {  	[smem:$0x3FA5] =	sst s5  }
0xe: {  	[smem:$0x3FA6] =	sst s6  }
0xf: {  	[smem:$0x3FA7] =	sst s7  }
0x10: {  	[smem:$0x3FA8] =	sst s8  }
0x11: {  	[smem:$0x3FA9] =	sst s9;
	s0 =	simm.s32 @!p0 $0x0  }
0x12: {  	s1 =	sld [smem:$0x3F8F];
	s0 =	simm.s32 @p0 $0x1  }
0x13: {  	[smem:$0x3FAA] =	sst s0;
	s0 =	simm.s32 @!p1 $0x0  }
0x14: {  	s2 =	sld [smem:$0x3F8E];
	s0 =	simm.s32 @p1 $0x1  }
0x15: {  	[smem:$0x3FAB] =	sst s0;
	s0 =	simm.s32 @!p2 $0x0  }
0x16: {  	s3 =	sld [smem:$0x3FDB];
	s0 =	simm.s32 @p2 $0x1  }
0x17: {  	s4 =	simm.s32 $0x1BF5;
	[smem:$0x3FAD] =	sst s0  }
0x18: {  	s0 =	sld [smem:$0x3F90];
	_ =	swait.ge [sflag:s4], $0x0  }
0x19: {  	s7 =	sld [smem:$0x3F91]  }
0x1a: {  	s8 =	sadd.s32 $0xFFFFE003, lr  }
0x1b: {  	s9 =	sadd.s32 $0xFFFFFEF7, lr;
	s5 =	simm.s32 $0xFFFFFFFF;
	p2 =	slt.u32 s8, $0xFFFFF086  }
0x1c: {  	p1 =	slt.u32 s9, $0xF7A;
	s5 =	simm.s32 @!p2 $0x0  }
0x1d: {  	s5 =	simm.s32 @p1 $0x1;
	p0 =	seq.s32 s7, s2  }
0x1e: {  	s7 =	smul.u32 @!p0 $0xF7A, s2;
	p2 =	seq.s32 @!p0 s5, $0x0  }
0x1f: {  	s9 =	smul.u32 $0xF7A, s1;
	s8 =	simm.s32 @!p0 $0x1BF5;
	p2 =	por !p2, p0  }
0x20: {  	[sflag:s8] =	ssyncset.s32 @!p0 $0xFFFFF086;
	s6 =	sadd.s32 @!p0 s3, s7;
	s7 =	simm.s32 @!p0 $0x108  }
0x21: {  	s3 =	sadd.s32 s3, s9;
	s6 =	sadd.s32 @!p0 $0x88, s6;
	s7 =	simm.s32 @p2 $0x1082  }
0x22: {  	[simem:s7], [sflag:s8] =	dma.local @!p0 [hbm:s6], $0xF7A  }
0x23: {  	s9 =	sor.u32 $0xD0000000, s2;
	s6 =	simm.s32 $0x108;
	_ =	swait.ge @!p0 [sflag:s8], $0x0  }
0x24: {  	s3 =	sadd.s32 $0x88, s3;
	s6 =	simm.s32 @!p1 $0x1082;
	[sflag:s4] =	ssyncset.s32 $0xFFFFF086  }
0x25: {  	[simem:s6], [sflag:s4] =	dma.local [hbm:s3], $0xF7A  }
0x26: {  	[smem:$0x3F91] =	sst s1;
	(tag) =	ssettag s2;
	_ =	strace s9  }
0x27: {  	s1 =	sld [smem:$0x3FA1]  }
0x28: {  	s2 =	sld [smem:$0x3FA2]  }
0x29: {  	s4 =	sld [smem:$0x3FA4]  }
0x2a: {  	p0 =	seq.s32 s5, $0x0;
	s5 =	sld [smem:$0x3FA5]  }
0x2b: {  	s6 =	sld [smem:$0x3FA6]  }
0x2c: {  	s7 =	sld [smem:$0x3FA7]  }
0x2d: {  	s3 =	simm.s32 $0x108;
	s8 =	sld [smem:$0x3FA8]  }
0x2e: {  	s3 =	simm.s32 @!p0 $0x1082;
	s9 =	sld [smem:$0x3FA9]  }
0x2f: {  	lr =	sadd.s32 s0, s3;
	s0 =	sld [smem:$0x3FA0]  }
0x30: {  	s3 =	sld [smem:$0x3FA3]  }
0x31: {  	[smem:$0x3FAC] =	sst s10  }
0x32: {  	s10 =	sld [smem:$0x3FAA];
	_ =	sdelay $0x3  }
0x33: {  	p0 =	seq.s32 s10, $0x1;
	s10 =	sld [smem:$0x3FAC];
	_ =	sdelay $0x3  }
0x34: {  	[smem:$0x3FAC] =	sst s10  }
0x35: {  	s10 =	sld [smem:$0x3FAB];
	_ =	sdelay $0x3  }
0x36: {  	p1 =	seq.s32 s10, $0x1;
	s10 =	sld [smem:$0x3FAC];
	_ =	sdelay $0x3  }
0x37: {  	[smem:$0x3FAC] =	sst s10  }
0x38: {  	s10 =	sld [smem:$0x3FAD]  }
0x39: {  	_ = 	snop;
	(pc) =	sbr.ind lr, $3  }
0x3a: {  	_ = 	snop  }
0x3b: {  	_ = 	snop  }
0x3c: {  	p2 =	seq.s32 s10, $0x1;
	s10 =	sld [smem:$0x3FAC]  }
0x3d: {  	_ =	shalt  }
0x3e: {  	_ =	shalt  }
0x3f: {  	_ =	shalt  }
0x40: {  	_ =	shalt  }
0x41: {  	_ =	shalt  }
0x42: {  	_ =	shalt  }
0x43: {  	_ =	shalt  }
0x44: {  	_ =	shalt  }
0x45: {  	_ =	shalt  }
0x46: {  	_ =	shalt  }
0x47: {  	_ =	shalt  }
0x48: {  	_ =	shalt  }
0x49: {  	_ =	shalt  }
0x4a: {  	_ =	shalt  }
0x4b: {  	_ =	shalt  }
0x4c: {  	_ =	shalt  }
0x4d: {  	_ =	shalt  }
0x4e: {  	_ =	shalt  }
0x4f: {  	_ =	shalt  }
0x50: {  	_ =	shalt  }
0x51: {  	_ =	shalt  }
0x52: {  	_ =	shalt  }
0x53: {  	_ =	shalt  }
0x54: {  	_ =	shalt  }
0x55: {  	_ =	shalt  }
0x56: {  	_ =	shalt  }
0x57: {  	_ =	shalt  }
0x58: {  	_ =	shalt  }
0x59: {  	_ =	shalt  }
0x5a: {  	_ =	shalt  }
0x5b: {  	_ =	shalt  }
0x5c: {  	_ =	shalt  }
0x5d: {  	_ =	shalt  }
0x5e: {  	_ =	shalt  }
0x5f: {  	_ =	shalt  }
0x60: {  	_ =	shalt  }
0x61: {  	_ =	shalt  }
0x62: {  	_ =	shalt  }
0x63: {  	_ =	shalt  }
0x64: {  	_ =	shalt  }
0x65: {  	_ =	shalt  }
0x66: {  	_ =	shalt  }
0x67: {  	_ =	shalt  }
0x68: {  	_ =	shalt  }
0x69: {  	_ =	shalt  }
0x6a: {  	_ =	shalt  }
0x6b: {  	_ =	shalt  }
0x6c: {  	_ =	shalt  }
0x6d: {  	_ =	shalt  }
0x6e: {  	_ =	shalt  }
0x6f: {  	_ =	shalt  }
0x70: {  	_ =	shalt  }
0x71: {  	_ =	shalt  }
0x72: {  	_ =	shalt  }
0x73: {  	_ =	shalt  }
0x74: {  	_ =	shalt  }
0x75: {  	_ =	shalt  }
0x76: {  	_ =	shalt  }
0x77: {  	_ =	shalt  }
0x78: {  	_ =	shalt  }
0x79: {  	_ =	shalt  }
0x7a: {  	_ =	shalt  }
0x7b: {  	_ =	shalt  }
0x7c: {  	_ =	shalt  }
0x7d: {  	_ =	shalt  }
0x7e: {  	_ =	shalt  }
0x7f: {  	_ =	shalt  }
0x80: {  	_ =	shalt  }
0x81: {  	_ =	shalt  }
0x82: {  	_ =	shalt  }
0x83: {  	_ =	shalt  }
0x84: {  	_ =	shalt  }
0x85: {  	_ =	shalt  }
0x86: {  	_ =	shalt  }
0x87: {  	_ =	shalt  }
.Lfunc_end0:
.L_simem_size_0:
called_computation.3_lowered:
.L_overlay_start_0:
0x88: {  	s2 =	sld [smem:$0x3FD9]  }
0x89: {  	s3 =	sld [smem:$0x3FFE];
	_ =	sdelay $0x1  }
0x8a: {  	s1 =	srdreg.scid  }
0x8b: {  	s0 =	sand.u32 $0x1, s1  }
0x8c: {  	s17 =	sshll.u32 s0, $0xA;
	s2 =	sadd.s32 s3, s2  }
0x8d: {  	s2 =	sadd.s32 s2, s17  }
0x8e: {  	[smem:$0x3FB8] =	sst s2  }
0x8f: {  	_ = 	snop  }
0x90: {  	s2 =	sld [smem:$0x3FD0];
	(tm) =	ssettm $0x1  }
0x91: {  	s18 =	sld [smem:$0x3FFB];
	_ =	sdelay $0x3  }
0x92: {  	_ =	strace s18  }
0x93: {  	s3 =	sld [smem:$0x3FFC];
	_ =	sdelay $0x3  }
0x94: {  	_ =	strace s3  }
0x95: {  	s3 =	sld [smem:$0x3FFD];
	_ =	sdelay $0x3  }
0x96: {  	_ =	strace s3  }
0x97: {  	_ =	strace $0x8FFFFFFF  }
0x98: {  	s19 =	sld [smem:$0x3FDB];
	_ =	sdelay $0x1  }
0x99: {  	s4 =	simm.s32 $_scs_section_size  }
0x9a: {  	s5 =	simm.s32 $_size__tile_overlayer_lowered;
	s6 =	simm.s32 $_tile_overlayer_lowered  }
0x9b: {  	s22 =	simm.s32 $0x1BFF;
	s21 =	sshll.u32 s6, $0x1;
	s3 =	sadd.s32 s4, s19  }
0x9c: {  	s7 =	simm.s32 $0x0;
	s20 =	sshll.u32 s5, $0x1;
	s5 =	sadd.s32 s21, s3  }
0x9d: {  	[timem:s7], [sflag:s22] =	dma.local [hbm:s5], s20  }
0x9e: {  	_ =	swait.ge [sflag:s22], s20  }
0x9f: {  	s4 =	ssub.s32 $0x0, s20;
	[sflag:s22] =	ssyncset.done $0x0  }
0xa0: {  	[sflag:s22] =	ssyncadd.s32 s4;
	_ =	sdelay $0x1  }
0xa1: {  	s23 =	simm.s32 $0x1B8B  }
0xa2: {  	_ =	swait.ge [sflag:s23], $0x1  }
0xa3: {  	[sflag:s23] =	ssyncset.done $0x0  }
0xa4: {  	s25 =	simm.s32 $0x1B8E;
	s24 =	sld [smem:$0x3FFE];
	[sflag:s23] =	ssyncadd.s32 $0xFFFFFFFF  }
0xa5: {  	s26 =	simm.s32 $execute0_lowered;
	[smem:$0x3FD2] =	sst s25  }
0xa6: {  	s5 =	sshll.u32 s26, $0x1;
	_ =	strace $0x8000004F;
	[dreg:$0x1] =	wrdreg $0xFFFFFFFF  }
0xa7: {  	s28 =	simm.s32 $_size_execute0_lowered;
	s3 =	sadd.s32 s3, s5;
	[dreg:$0x0] =	wrdreg $0x0  }
0xa8: {  	s5 =	sshll.u32 s28, $0x1;
	[dreg:$0x2] =	wrdreg s3  }
0xa9: {  	[dreg:$0x3] =	wrdreg s5  }
0xaa: {  	[dreg:$0x4] =	wrdreg $0xC0  }
0xab: {  	_ =	task [dreg:s7], $0x5FFFF  }
0xac: {  	[dreg:$0x1] =	wrdreg $0xFFFFFFFF  }
0xad: {  	[dreg:$0x0] =	wrdreg $0x60  }
0xae: {  	[dreg:$0x2] =	wrdreg s2  }
0xaf: {  	[dreg:$0x3] =	wrdreg s24  }
0xb0: {  	[dreg:$0x4] =	wrdreg $0x0  }
0xb1: {  	[dreg:$0x5] =	wrdreg $0x9  }
0xb2: {  	_ =	task.clear_ibuf [dreg:s7], $0x6FFFF;
	_ =	strace $0x9000004F  }
0xb3: {  	s29 =	simm.s32 $0x9;
	_ =	strace $0x80000051  }
0xb4: {  	_ =	swait.ge [sflag:s29], $0x1  }
0xb5: {  	[sflag:s29] =	ssyncadd.s32 $0xFFFFFFFF  }
0xb6: {  	_ =	strace $0x90000051  }
0xb7: {  	_ =	sfence  }
0xb8: {  	s30 =	sld [smem:$0x0];
	_ =	sdelay $0x2  }
0xb9: {  	s31 =	sshll.u32 s1, $0xD;
	s1 =	sshrl.u32 s1, $0x2  }
0xba: {  	s3 =	sand.u32 $0x4000, s31;
	s1 =	sadd.s32 s1, s30  }
0xbb: {  	s0 =	sor.u32 s3, s0;
	s1 =	sshll.u32 s1, $0x11  }
0xbc: {  	s0 =	sor.u32 s1, s0  }
0xbd: {  	s0 =	sadd.s32 $0x8F2B, s0  }
0xbe: {  	[sflag:s0] =	ssyncadd.remote.s32 $0x1  }
0xbf: {  	_ =	sfence.sel $0xFFFF  }
0xc0: {  	[dreg:$0x0] =	wrdreg $0xFFFFFFFF;
	(pc) =	sbr.abs _section_cstart, $3  }
0xc1: {  	[dreg:$0x1] =	wrdreg $0xFFFFFFFF  }
0xc2: {  	_ =	task.clear_ibuf [dreg:s7], $0x2FFFF;
	_ =	strace $0x9FFFFFFF  }
0xc3: {  	(tm) =	ssettm $0x7FFFFFFF  }
tec
execute0_lowered:
.L_overlay_start_1:
0x0: {  	(tag) =	ssettag $0x1  }
0x1: {  	s1 =	rddreg [dreg:$0x0]  }
0x2: {  	s0 =	rddreg [dreg:$0x1]  }
0x3: {  	s2 =	rddreg [dreg:$0x2];
	s10 =	simm.s32 $0x0;
	s3 =	srdreg.scid  }
0x4: {  	s11 =	stileid.u32;
	s18 =	simm.s32 $0x5;
	s19 =	simm.s32 $0x18800  }
0x5: {  	s28 =	simm.s32 $0x1E900;
	s29 =	simm.s32 $0x1;
	s30 =	simm.s32 $0x2  }
0x6: {  	s31 =	simm.s32 $0x3;
	s13 =	simm.s32 $0x1B780;
	s14 =	simm.s32 $0x1B800  }
0x7: {  	s15 =	simm.s32 $0x1B880;
	[smem:$0x7FF] =	sst s10;
	s5 =	sadd.s32 $0x49CA00, s0  }
0x8: {  	s3 =	sand.u32 $0x1, s3;
	s6 =	sadd.s32 $0x5400, s0;
	s8 =	smul.u32 $0x18800, s11  }
0x9: {  	s7 =	sadd.s32 $0x1DC00, s0;
	s9 =	sadd.s32 $0x67400, s0;
	s0 =	sadd.s32 $0x36400, s0  }
0xa: {  	s12 =	sshll.u32 s11, $0x3;
	_ =	strace $0x80000050;
	[dreg:$0x5] =	wrdreg s9  }
0xb: {  	s25 =	sshll.u32 s11, $0x6;
	s11 =	simm.s32 $0x1A000;
	[dreg:$0x6] =	wrdreg s0  }
0xc: {  	s4 =	ssub.s32 $0x2, s3;
	p0 =	seq.s32 s3, $0x1;
	[dreg:$0xa] =	wrdreg s25  }
0xd: {  	s26 =	sor.u32 $0x1C05, s25;
	s9 =	simm.s32 $0x1B700;
	s20 =	sshrl.u32 s4, $0x1  }
0xe: {  	s22 =	sshrl.u32 s8, $0x3;
	s23 =	sadd.s32 s8, s2;
	[dreg:$0xc] =	wrdreg s26  }
0xf: {  	s26 =	simm.s32 $0x1D900;
	s8 =	simm.s32 $0x1B680;
	s21 =	ssub.s32 s4, s20  }
.Ltmp0:
0x10: {  	s24 =	sadd.s32 s1, s22;
	[dreg:$0x7] =	wrdreg s22;
	(pc) =	sbr.rel .LBB2_1-.Ltmp0, $4  }
0x11: {  	s4 =	sadd.s32 s5, s22;
	s16 =	sshrl.u32 s23, $0x3;
	[dreg:$0x8] =	wrdreg s24  }
0x12: {  	s22 =	simm.s32 $0x1B900;
	[dreg:$0x9] =	wrdreg s4;
	s0 =	smax.u32 s21, $0x1  }
0x13: {  	s21 =	simm.s32 $0x80;
	s24 =	simm.s32 $0x1C900;
	[dreg:$0xd] =	wrdreg s16  }
0x14: {  	s4 =	simm.s32 $0x19F80;
	[dreg:$0xb] =	wrdreg s0;
	s0 =	simm.s32 $0x4  }
.LBB2_12:
0x15: {  	s16 =	rddreg [dreg:$0x7];
	[bflag:$0x0] =	sbarrier.arrive $0xFFFF  }
0x16: {  	s3 =	sadd.s32 s3, s16;
	s16 =	rddreg [dreg:$0xd]  }
0x17: {  	[hbm:s3], [sflag:s17] =	dma.local [spmem:s16], $0x3100  }
0x18: {  	_ =	swait.ge [sflag:s18], $0x3100  }
0x19: {  	s10 =	sadd.s32 $0x1, s10;
	s25 =	rddreg [dreg:$0xb]  }
0x1a: {  	p1 =	sne.s32 s10, s25  }
.Ltmp1:
0x1b: {  	_ = 	snop;
	(pc) =	sbr.rel @!p1 .LBB2_13-.Ltmp1, $3  }
0x1c: {  	_ =	sdelay $0x1  }
0x1d: {  	[sflag:s18] =	ssyncset.done $0x0  }
0x1e: {  	[sflag:s18] =	ssyncadd.s32 $0xFFFFCF00  }
.LBB2_1:
.Ltmp2:
0x1f: {  	(pc) =	sbr.rel @!p0 .LBB2_2-.Ltmp2, $2  }
0x20: {  	_ =	sdelay $0x2  }
0x21: {  	[dreg:$0x4] =	wrdreg s10  }
0x22: {  	s3 =	rddreg [dreg:$0x9]  }
0x23: {  	s10 =	rddreg [dreg:$0xc]  }
0x24: {  	[spmem:s16], [sflag:s10] =	dma.local [hbm:s3], $0x3100  }
0x25: {  	_ =	swait.ge [sflag:s18], $0x3100  }
0x26: {  	[sflag:s18] =	ssyncset.done $0x0  }
0x27: {  	[sflag:s18] =	ssyncadd.s32 $0xFFFFCF00  }
0x28: {  	s10 =	simm.s32 $0x0;
	s16 =	simm.s32 $0x0;
	[bflag:$0x0] =	sbarrier.arrive $0xFFFF  }
.LBB2_8:
0x29: {  	s3 =	sadd.s32 s12, s16  }
0x2a: {  	s3 =	smul.u32 $0x310, s3;
	_ =	sdelay $0x1  }
0x2b: {  	s17 =	sadd.s32 s6, s3  }
0x2c: {  	[tilespmem:s19], [sflag:$0x5] =	stream.linear.gather [hbm4b:s17+s10], $0x1880, $0x38;
	[tilespmem:$0x1F900] =	vst v63  }
0x2d: {  	_ =	swait.ge [sflag:s18], $0x1880  }
0x2e: {  	[sflag:s18] =	ssyncset.done $0x0  }
0x2f: {  	s20 =	simm.s32 $0x1A080;
	s3 =	sadd.s32 s7, s3;
	[sflag:s18] =	ssyncadd.s32 $0xFFFFE780  }
0x30: {  	[tilespmem:s20], [sflag:$0x5] =	stream.linear.gather [hbm4b:s3+s10], $0x1880, $0x38;
	[tilespmem:$0x1F900] =	vst v63  }
0x31: {  	_ =	swait.ge [sflag:s18], $0x1880  }
0x32: {  	[sflag:s18] =	ssyncset.done $0x0  }
0x33: {  	[sflag:s18] =	ssyncadd.s32 $0xFFFFE780  }
0x34: {  	[tilespmem:s22], [sflag:$0x1] =	stream.indirect.gather [hbm4b:s5+s21], $0x20, s19, s21, $0xb8;
	[tilespmem:$0x1F900] =	vst v63  }
0x35: {  	s23 =	simm.s32 $0x18880  }
0x36: {  	[tilespmem:s24], [sflag:$0x2] =	stream.indirect.gather [hbm4b:s5+s21], $0x20, s23, s21, $0xb8;
	[tilespmem:$0x1F900] =	vst v63  }
0x37: {  	s25 =	simm.s32 $0x18900  }
0x38: {  	[tilespmem:s26], [sflag:$0x3] =	stream.indirect.gather [hbm4b:s5+s21], $0x20, s25, s21, $0xb8;
	[tilespmem:$0x1F900] =	vst v63  }
0x39: {  	s17 =	simm.s32 $0x18980  }
0x3a: {  	[tilespmem:s28], [sflag:$0x4] =	stream.indirect.gather [hbm4b:s5+s21], $0x20, s17, s21, $0xb8;
	[tilespmem:$0x1F900] =	vst v63  }
0x3b: {  	_ =	swait.ge [sflag:s29], $0x1000  }
0x3c: {  	[sflag:s29] =	ssyncset.done $0x0  }
0x3d: {  	s20 =	simm.s32 $0x1A080;
	[sflag:s29] =	ssyncadd.s32 $0xFFFFF000  }
0x3e: {  	[spmem:s2] =	stream.indirect.scatter.add.f32 [tilespmem:s22], [sflag:$0x5], $0x20, s20, s21, $0xb8;
	[tilespmem:$0x1F900] =	vst v63  }
0x3f: {  	_ =	swait.ge [sflag:s18], $0x1000  }
0x40: {  	[sflag:s18] =	ssyncset.done $0x0  }
0x41: {  	s23 =	simm.s32 $0x18A00;
	[sflag:s18] =	ssyncadd.s32 $0xFFFFF000  }
0x42: {  	[tilespmem:s22], [sflag:$0x1] =	stream.indirect.gather [hbm4b:s5+s21], $0x20, s23, s21, $0xb8;
	[tilespmem:$0x1F900] =	vst v63  }
0x43: {  	_ =	swait.ge [sflag:s30], $0x1000  }
0x44: {  	[sflag:s30] =	ssyncset.done $0x0  }
0x45: {  	s25 =	simm.s32 $0x1A100;
	[sflag:s30] =	ssyncadd.s32 $0xFFFFF000  }
0x46: {  	[spmem:s2] =	stream.indirect.scatter.add.f32 [tilespmem:s24], [sflag:$0x5], $0x20, s25, s21, $0xb8;
	[tilespmem:$0x1F900] =	vst v63  }
0x47: {  	_ =	swait.ge [sflag:s18], $0x1000  }
0x48: {  	[sflag:s18] =	ssyncset.done $0x0  }
0x49: {  	s17 =	simm.s32 $0x18A80;
	[sflag:s18] =	ssyncadd.s32 $0xFFFFF000  }
0x4a: {  	[tilespmem:s24], [sflag:$0x2] =	stream.indirect.gather [hbm4b:s5+s21], $0x20, s17, s21, $0xb8;
	[tilespmem:$0x1F900] =	vst v63  }
0x4b: {  	_ =	swait.ge [sflag:s31], $0x1000  }
0x4c: {  	[sflag:s31] =	ssyncset.done $0x0  }
0x4d: {  	s20 =	simm.s32 $0x1A180;
	[sflag:s31] =	ssyncadd.s32 $0xFFFFF000  }
0x4e: {  	[spmem:s2] =	stream.indirect.scatter.add.f32 [tilespmem:s26], [sflag:$0x5], $0x20, s20, s21, $0xb8;
	[tilespmem:$0x1F900] =	vst v63  }
0x4f: {  	_ =	swait.ge [sflag:s18], $0x1000  }
0x50: {  	[sflag:s18] =	ssyncset.done $0x0  }
0x51: {  	s23 =	simm.s32 $0x18B00;
	[sflag:s18] =	ssyncadd.s32 $0xFFFFF000  }
0x52: {  	[tilespmem:s26], [sflag:$0x3] =	stream.indirect.gather [hbm4b:s5+s21], $0x20, s23, s21, $0xb8;
	[tilespmem:$0x1F900] =	vst v63  }
0x53: {  	_ =	swait.ge [sflag:s0], $0x1000  }
0x54: {  	[sflag:s0] =	ssyncset.done $0x0  }
0x55: {  	s25 =	simm.s32 $0x1A200;
	[sflag:s0] =	ssyncadd.s32 $0xFFFFF000  }
0x56: {  	[spmem:s2] =	stream.indirect.scatter.add.f32 [tilespmem:s28], [sflag:$0x5], $0x20, s25, s21, $0xb8;
	[tilespmem:$0x1F900] =	vst v63  }
0x57: {  	_ =	swait.ge [sflag:s18], $0x1000  }
0x58: {  	s17 =	simm.s32 $0x200;
	s23 =	simm.s32 $0x1000;
	[sflag:s18] =	ssyncset.done $0x0  }
.LBB2_9:
0x59: {  	s25 =	sadd.s32 $0x18980, s17  }
0x5a: {  	[sflag:s18] =	ssyncadd.s32 $0xFFFFF000;
	s20 =	smov.u32 s23;
	s3 =	sadd.s32 $0x800, s23  }
0x5b: {  	[tilespmem:s28], [sflag:$0x4] =	stream.indirect.gather [hbm4b:s5+s21], $0x20, s25, s21, $0xb8;
	[tilespmem:$0x1F900] =	vst v63  }
0x5c: {  	p1 =	sne.s32 s23, $0x5000;
	_ =	swait.ge [sflag:s29], $0x1000  }
0x5d: {  	[sflag:s29] =	ssyncset.done $0x0  }
0x5e: {  	s23 =	sadd.s32 $0x1A080, s17;
	[sflag:s29] =	ssyncadd.s32 $0xFFFFF000  }
0x5f: {  	[spmem:s2] =	stream.indirect.scatter.add.f32 [tilespmem:s22], [sflag:$0x5], $0x20, s23, s21, $0xb8;
	[tilespmem:$0x1F900] =	vst v63  }
0x60: {  	_ =	swait.ge [sflag:s18], $0x1000  }
0x61: {  	[sflag:s18] =	ssyncset.done $0x0  }
0x62: {  	s23 =	sadd.s32 $0x18A00, s17;
	[sflag:s18] =	ssyncadd.s32 $0xFFFFF000  }
0x63: {  	[tilespmem:s22], [sflag:$0x1] =	stream.indirect.gather [hbm4b:s5+s21], $0x20, s23, s21, $0xb8;
	[tilespmem:$0x1F900] =	vst v63  }
0x64: {  	_ =	swait.ge [sflag:s30], $0x1000  }
0x65: {  	[sflag:s30] =	ssyncset.done $0x0  }
0x66: {  	s23 =	sadd.s32 $0x1A100, s17;
	[sflag:s30] =	ssyncadd.s32 $0xFFFFF000  }
0x67: {  	[spmem:s2] =	stream.indirect.scatter.add.f32 [tilespmem:s24], [sflag:$0x5], $0x20, s23, s21, $0xb8;
	[tilespmem:$0x1F900] =	vst v63  }
0x68: {  	_ =	swait.ge [sflag:s18], $0x1000  }
0x69: {  	[sflag:s18] =	ssyncset.done $0x0  }
0x6a: {  	s23 =	sadd.s32 $0x18A80, s17;
	[sflag:s18] =	ssyncadd.s32 $0xFFFFF000  }
0x6b: {  	[tilespmem:s24], [sflag:$0x2] =	stream.indirect.gather [hbm4b:s5+s21], $0x20, s23, s21, $0xb8;
	[tilespmem:$0x1F900] =	vst v63  }
0x6c: {  	_ =	swait.ge [sflag:s31], $0x1000  }
0x6d: {  	[sflag:s31] =	ssyncset.done $0x0  }
0x6e: {  	s23 =	sadd.s32 $0x1A180, s17;
	[sflag:s31] =	ssyncadd.s32 $0xFFFFF000  }
0x6f: {  	[spmem:s2] =	stream.indirect.scatter.add.f32 [tilespmem:s26], [sflag:$0x5], $0x20, s23, s21, $0xb8;
	[tilespmem:$0x1F900] =	vst v63  }
0x70: {  	_ =	swait.ge [sflag:s18], $0x1000  }
0x71: {  	[sflag:s18] =	ssyncset.done $0x0  }
0x72: {  	s23 =	sadd.s32 $0x18B00, s17;
	[sflag:s18] =	ssyncadd.s32 $0xFFFFF000  }
0x73: {  	[tilespmem:s26], [sflag:$0x3] =	stream.indirect.gather [hbm4b:s5+s21], $0x20, s23, s21, $0xb8;
	[tilespmem:$0x1F900] =	vst v63  }
0x74: {  	_ =	swait.ge [sflag:s0], $0x1000  }
.Ltmp3:
0x75: {  	[sflag:s0] =	ssyncset.done $0x0;
	(pc) =	sbr.rel @p1 .LBB2_9-.Ltmp3, $4  }
0x76: {  	s17 =	sadd.s32 $0x1A200, s17;
	[sflag:s0] =	ssyncadd.s32 $0xFFFFF000  }
0x77: {  	[spmem:s2] =	stream.indirect.scatter.add.f32 [tilespmem:s28], [sflag:$0x5], $0x20, s17, s21, $0xb8;
	[tilespmem:$0x1F900] =	vst v63  }
0x78: {  	_ =	swait.ge [sflag:s18], $0x1000  }
0x79: {  	s23 =	smov.u32 s3;
	s17 =	sshra.s32 s20, $0x2;
	[sflag:s18] =	ssyncset.done $0x0  }
0x7a: {  	s3 =	sadd.s32 $0x18980, s17;
	[sflag:s18] =	ssyncadd.s32 $0xFFFFF000  }
0x7b: {  	[tilespmem:s28], [sflag:$0x4] =	stream.indirect.gather [hbm4b:s5+s21], $0x20, s3, s21, $0xb8;
	[tilespmem:$0x1F900] =	vst v63  }
0x7c: {  	_ =	swait.ge [sflag:s29], $0x1000  }
0x7d: {  	[sflag:s29] =	ssyncset.done $0x0  }
0x7e: {  	s25 =	sadd.s32 $0x1A080, s17;
	[sflag:s29] =	ssyncadd.s32 $0xFFFFF000  }
0x7f: {  	[spmem:s2] =	stream.indirect.scatter.add.f32 [tilespmem:s22], [sflag:$0x5], $0x20, s25, s21, $0xb8;
	[tilespmem:$0x1F900] =	vst v63  }
0x80: {  	_ =	swait.ge [sflag:s18], $0x1000  }
0x81: {  	[sflag:s18] =	ssyncset.done $0x0  }
0x82: {  	s20 =	sadd.s32 $0x18A00, s17;
	[sflag:s18] =	ssyncadd.s32 $0xFFFFF000  }
0x83: {  	[tilespmem:s22], [sflag:$0x1] =	stream.indirect.gather [hbm4b:s5+s21], $0x20, s20, s21, $0xb8;
	[tilespmem:$0x1F900] =	vst v63  }
0x84: {  	_ =	swait.ge [sflag:s30], $0x1000  }
0x85: {  	[sflag:s30] =	ssyncset.done $0x0  }
0x86: {  	s23 =	sadd.s32 $0x1A100, s17;
	[sflag:s30] =	ssyncadd.s32 $0xFFFFF000  }
0x87: {  	[spmem:s2] =	stream.indirect.scatter.add.f32 [tilespmem:s24], [sflag:$0x5], $0x20, s23, s21, $0xb8;
	[tilespmem:$0x1F900] =	vst v63  }
0x88: {  	_ =	swait.ge [sflag:s18], $0x1000  }
0x89: {  	[sflag:s18] =	ssyncset.done $0x0  }
0x8a: {  	s25 =	sadd.s32 $0x18A80, s17;
	[sflag:s18] =	ssyncadd.s32 $0xFFFFF000  }
0x8b: {  	[tilespmem:s24], [sflag:$0x2] =	stream.indirect.gather [hbm4b:s5+s21], $0x20, s25, s21, $0xb8;
	[tilespmem:$0x1F900] =	vst v63  }
0x8c: {  	_ =	swait.ge [sflag:s31], $0x1000  }
0x8d: {  	[sflag:s31] =	ssyncset.done $0x0  }
0x8e: {  	s20 =	sadd.s32 $0x1A180, s17;
	[sflag:s31] =	ssyncadd.s32 $0xFFFFF000  }
0x8f: {  	[spmem:s2] =	stream.indirect.scatter.add.f32 [tilespmem:s26], [sflag:$0x5], $0x20, s20, s21, $0xb8;
	[tilespmem:$0x1F900] =	vst v63  }
0x90: {  	_ =	swait.ge [sflag:s18], $0x1000  }
0x91: {  	[sflag:s18] =	ssyncset.done $0x0  }
0x92: {  	s23 =	sadd.s32 $0x18B00, s17;
	[sflag:s18] =	ssyncadd.s32 $0xFFFFF000  }
0x93: {  	[tilespmem:s26], [sflag:$0x3] =	stream.indirect.gather [hbm4b:s5+s21], $0x20, s23, s21, $0xb8;
	[tilespmem:$0x1F900] =	vst v63  }
0x94: {  	_ =	swait.ge [sflag:s0], $0x1000  }
0x95: {  	[sflag:s0] =	ssyncset.done $0x0  }
0x96: {  	s25 =	sadd.s32 $0x1A200, s17;
	[sflag:s0] =	ssyncadd.s32 $0xFFFFF000  }
0x97: {  	[spmem:s2] =	stream.indirect.scatter.add.f32 [tilespmem:s28], [sflag:$0x5], $0x20, s25, s21, $0xb8;
	[tilespmem:$0x1F900] =	vst v63  }
0x98: {  	_ =	swait.ge [sflag:s18], $0x1000  }
0x99: {  	[sflag:s18] =	ssyncset.done $0x0  }
0x9a: {  	[sflag:s18] =	ssyncadd.s32 $0xFFFFF000  }
0x9b: {  	[tilespmem:s28], [sflag:$0x4] =	stream.indirect.gather [hbm4b:s5+s21], $0x20, s4, s21, $0xb8;
	[tilespmem:$0x1F900] =	vst v63  }
0x9c: {  	_ =	swait.ge [sflag:s29], $0x1000  }
0x9d: {  	[sflag:s29] =	ssyncset.done $0x0  }
0x9e: {  	[sflag:s29] =	ssyncadd.s32 $0xFFFFF000  }
0x9f: {  	[spmem:s2] =	stream.indirect.scatter.add.f32 [tilespmem:s22], [sflag:$0x5], $0x20, s8, s21, $0xb8;
	[tilespmem:$0x1F900] =	vst v63  }
0xa0: {  	_ =	swait.ge [sflag:s18], $0x1000  }
0xa1: {  	[sflag:s18] =	ssyncset.done $0x0  }
0xa2: {  	[sflag:s18] =	ssyncadd.s32 $0xFFFFF000  }
0xa3: {  	[tilespmem:s22], [sflag:$0x1] =	stream.indirect.gather [hbm4b:s5+s21], $0x20, s11, s21, $0xb8;
	[tilespmem:$0x1F900] =	vst v63  }
0xa4: {  	_ =	swait.ge [sflag:s30], $0x1000  }
0xa5: {  	[sflag:s30] =	ssyncset.done $0x0  }
0xa6: {  	[sflag:s30] =	ssyncadd.s32 $0xFFFFF000  }
0xa7: {  	[spmem:s2] =	stream.indirect.scatter.add.f32 [tilespmem:s24], [sflag:$0x5], $0x20, s9, s21, $0xb8;
	[tilespmem:$0x1F900] =	vst v63  }
0xa8: {  	_ =	swait.ge [sflag:s18], $0x1000  }
0xa9: {  	[sflag:s18] =	ssyncset.done $0x0  }
0xaa: {  	[sflag:s18] =	ssyncadd.s32 $0xFFFFF000  }
0xab: {  	_ =	swait.ge [sflag:s31], $0x1000  }
0xac: {  	[sflag:s31] =	ssyncset.done $0x0  }
0xad: {  	[sflag:s31] =	ssyncadd.s32 $0xFFFFF000  }
0xae: {  	[spmem:s2] =	stream.indirect.scatter.add.f32 [tilespmem:s26], [sflag:$0x5], $0x20, s13, s21, $0xb8;
	[tilespmem:$0x1F900] =	vst v63  }
0xaf: {  	_ =	swait.ge [sflag:s18], $0x1000  }
0xb0: {  	[sflag:s18] =	ssyncset.done $0x0  }
0xb1: {  	[sflag:s18] =	ssyncadd.s32 $0xFFFFF000  }
0xb2: {  	_ =	swait.ge [sflag:s0], $0x1000  }
0xb3: {  	[sflag:s0] =	ssyncset.done $0x0  }
0xb4: {  	[sflag:s0] =	ssyncadd.s32 $0xFFFFF000  }
0xb5: {  	[spmem:s2] =	stream.indirect.scatter.add.f32 [tilespmem:s28], [sflag:$0x5], $0x20, s14, s21, $0xb8;
	[tilespmem:$0x1F900] =	vst v63  }
0xb6: {  	_ =	swait.ge [sflag:s18], $0x1000  }
0xb7: {  	[sflag:s18] =	ssyncset.done $0x0  }
0xb8: {  	[sflag:s18] =	ssyncadd.s32 $0xFFFFF000  }
0xb9: {  	s16 =	sadd.s32 $0x1, s16;
	_ =	swait.ge [sflag:s29], $0x1000  }
0xba: {  	p1 =	sne.s32 s16, $0x8;
	[sflag:s29] =	ssyncset.done $0x0  }
.Ltmp4:
0xbb: {  	[sflag:s29] =	ssyncadd.s32 $0xFFFFF000;
	(pc) =	sbr.rel @p1 .LBB2_8-.Ltmp4, $4  }
0xbc: {  	[spmem:s2] =	stream.indirect.scatter.add.f32 [tilespmem:s22], [sflag:$0x5], $0x20, s15, s21, $0xb8;
	[tilespmem:$0x1F900] =	vst v63  }
0xbd: {  	_ =	swait.ge [sflag:s18], $0x1000  }
0xbe: {  	[sflag:s18] =	ssyncset.done $0x0  }
0xbf: {  	[sflag:s18] =	ssyncadd.s32 $0xFFFFF000  }
.Ltmp5:
0xc0: {  	(pc) =	sbr.rel .LBB2_12-.Ltmp5, $4  }
0xc1: {  	_ = 	snop  }
0xc2: {  	s3 =	rddreg [dreg:$0x6]  }
0xc3: {  	s17 =	rddreg [dreg:$0xc]  }
0xc4: {  	s10 =	rddreg [dreg:$0x4]  }
.LBB2_2:
0xc5: {  	s3 =	rddreg [dreg:$0xa]  }
0xc6: {  	s25 =	rddreg [dreg:$0x8];
	s10 =	sor.u32 $0x1C05, s3  }
0xc7: {  	[dreg:$0xe] =	wrdreg s10  }
0xc8: {  	[spmem:s16], [sflag:s10] =	dma.local [hbm:s25], $0x3100  }
0xc9: {  	_ =	swait.ge [sflag:s18], $0x3100  }
0xca: {  	[sflag:s18] =	ssyncset.done $0x0  }
0xcb: {  	[sflag:s18] =	ssyncadd.s32 $0xFFFFCF00  }
0xcc: {  	s17 =	simm.s32 $0x0;
	s10 =	simm.s32 $0x0;
	[bflag:$0x0] =	sbarrier.arrive $0xFFFF  }
.LBB2_3:
0xcd: {  	s3 =	sadd.s32 s12, s17  }
0xce: {  	s3 =	smul.u32 $0x310, s3;
	_ =	sdelay $0x1  }
0xcf: {  	s16 =	sadd.s32 s6, s3  }
0xd0: {  	[tilespmem:s19], [sflag:$0x5] =	stream.linear.gather [hbm4b:s16+s10], $0x1880, $0x38;
	[tilespmem:$0x1F900] =	vst v63  }
0xd1: {  	_ =	swait.ge [sflag:s18], $0x1880  }
0xd2: {  	[sflag:s18] =	ssyncset.done $0x0  }
0xd3: {  	s20 =	simm.s32 $0x1A080;
	s3 =	sadd.s32 s7, s3;
	[sflag:s18] =	ssyncadd.s32 $0xFFFFE780  }
0xd4: {  	[tilespmem:s20], [sflag:$0x5] =	stream.linear.gather [hbm4b:s3+s10], $0x1880, $0x38;
	[tilespmem:$0x1F900] =	vst v63  }
0xd5: {  	_ =	swait.ge [sflag:s18], $0x1880  }
0xd6: {  	[sflag:s18] =	ssyncset.done $0x0  }
0xd7: {  	[sflag:s18] =	ssyncadd.s32 $0xFFFFE780  }
0xd8: {  	[tilespmem:s22], [sflag:$0x1] =	stream.indirect.gather [hbm4b:s1+s21], $0x20, s19, s21, $0xb8;
	[tilespmem:$0x1F900] =	vst v63  }
0xd9: {  	s23 =	simm.s32 $0x18880  }
0xda: {  	[tilespmem:s24], [sflag:$0x2] =	stream.indirect.gather [hbm4b:s1+s21], $0x20, s23, s21, $0xb8;
	[tilespmem:$0x1F900] =	vst v63  }
0xdb: {  	s25 =	simm.s32 $0x18900  }
0xdc: {  	[tilespmem:s26], [sflag:$0x3] =	stream.indirect.gather [hbm4b:s1+s21], $0x20, s25, s21, $0xb8;
	[tilespmem:$0x1F900] =	vst v63  }
0xdd: {  	s16 =	simm.s32 $0x18980  }
0xde: {  	[tilespmem:s28], [sflag:$0x4] =	stream.indirect.gather [hbm4b:s1+s21], $0x20, s16, s21, $0xb8;
	[tilespmem:$0x1F900] =	vst v63  }
0xdf: {  	_ =	swait.ge [sflag:s29], $0x1000  }
0xe0: {  	[sflag:s29] =	ssyncset.done $0x0  }
0xe1: {  	s20 =	simm.s32 $0x1A080;
	[sflag:s29] =	ssyncadd.s32 $0xFFFFF000  }
0xe2: {  	[spmem:s2] =	stream.indirect.scatter.add.f32 [tilespmem:s22], [sflag:$0x5], $0x20, s20, s21, $0xb8;
	[tilespmem:$0x1F900] =	vst v63  }
0xe3: {  	_ =	swait.ge [sflag:s18], $0x1000  }
0xe4: {  	[sflag:s18] =	ssyncset.done $0x0  }
0xe5: {  	s23 =	simm.s32 $0x18A00;
	[sflag:s18] =	ssyncadd.s32 $0xFFFFF000  }
0xe6: {  	[tilespmem:s22], [sflag:$0x1] =	stream.indirect.gather [hbm4b:s1+s21], $0x20, s23, s21, $0xb8;
	[tilespmem:$0x1F900] =	vst v63  }
0xe7: {  	_ =	swait.ge [sflag:s30], $0x1000  }
0xe8: {  	[sflag:s30] =	ssyncset.done $0x0  }
0xe9: {  	s25 =	simm.s32 $0x1A100;
	[sflag:s30] =	ssyncadd.s32 $0xFFFFF000  }
0xea: {  	[spmem:s2] =	stream.indirect.scatter.add.f32 [tilespmem:s24], [sflag:$0x5], $0x20, s25, s21, $0xb8;
	[tilespmem:$0x1F900] =	vst v63  }
0xeb: {  	_ =	swait.ge [sflag:s18], $0x1000  }
0xec: {  	[sflag:s18] =	ssyncset.done $0x0  }
0xed: {  	s16 =	simm.s32 $0x18A80;
	[sflag:s18] =	ssyncadd.s32 $0xFFFFF000  }
0xee: {  	[tilespmem:s24], [sflag:$0x2] =	stream.indirect.gather [hbm4b:s1+s21], $0x20, s16, s21, $0xb8;
	[tilespmem:$0x1F900] =	vst v63  }
0xef: {  	_ =	swait.ge [sflag:s31], $0x1000  }
0xf0: {  	[sflag:s31] =	ssyncset.done $0x0  }
0xf1: {  	s20 =	simm.s32 $0x1A180;
	[sflag:s31] =	ssyncadd.s32 $0xFFFFF000  }
0xf2: {  	[spmem:s2] =	stream.indirect.scatter.add.f32 [tilespmem:s26], [sflag:$0x5], $0x20, s20, s21, $0xb8;
	[tilespmem:$0x1F900] =	vst v63  }
0xf3: {  	_ =	swait.ge [sflag:s18], $0x1000  }
0xf4: {  	[sflag:s18] =	ssyncset.done $0x0  }
0xf5: {  	s23 =	simm.s32 $0x18B00;
	[sflag:s18] =	ssyncadd.s32 $0xFFFFF000  }
0xf6: {  	[tilespmem:s26], [sflag:$0x3] =	stream.indirect.gather [hbm4b:s1+s21], $0x20, s23, s21, $0xb8;
	[tilespmem:$0x1F900] =	vst v63  }
0xf7: {  	_ =	swait.ge [sflag:s0], $0x1000  }
0xf8: {  	[sflag:s0] =	ssyncset.done $0x0  }
0xf9: {  	s25 =	simm.s32 $0x1A200;
	[sflag:s0] =	ssyncadd.s32 $0xFFFFF000  }
0xfa: {  	[spmem:s2] =	stream.indirect.scatter.add.f32 [tilespmem:s28], [sflag:$0x5], $0x20, s25, s21, $0xb8;
	[tilespmem:$0x1F900] =	vst v63  }
0xfb: {  	_ =	swait.ge [sflag:s18], $0x1000  }
0xfc: {  	s3 =	simm.s32 $0x1000;
	s16 =	simm.s32 $0x200;
	[sflag:s18] =	ssyncset.done $0x0  }
.LBB2_4:
0xfd: {  	s25 =	sadd.s32 $0x18980, s16  }
0xfe: {  	[sflag:s18] =	ssyncadd.s32 $0xFFFFF000;
	s20 =	smov.u32 s3;
	s23 =	sadd.s32 $0x800, s3  }
0xff: {  	[tilespmem:s28], [sflag:$0x4] =	stream.indirect.gather [hbm4b:s1+s21], $0x20, s25, s21, $0xb8;
	[tilespmem:$0x1F900] =	vst v63  }
0x100: {  	p1 =	sne.s32 s3, $0x5000;
	_ =	swait.ge [sflag:s29], $0x1000  }
0x101: {  	[sflag:s29] =	ssyncset.done $0x0  }
0x102: {  	s3 =	sadd.s32 $0x1A080, s16;
	[sflag:s29] =	ssyncadd.s32 $0xFFFFF000  }
0x103: {  	[spmem:s2] =	stream.indirect.scatter.add.f32 [tilespmem:s22], [sflag:$0x5], $0x20, s3, s21, $0xb8;
	[tilespmem:$0x1F900] =	vst v63  }
0x104: {  	_ =	swait.ge [sflag:s18], $0x1000  }
0x105: {  	[sflag:s18] =	ssyncset.done $0x0  }
0x106: {  	s3 =	sadd.s32 $0x18A00, s16;
	[sflag:s18] =	ssyncadd.s32 $0xFFFFF000  }
0x107: {  	[tilespmem:s22], [sflag:$0x1] =	stream.indirect.gather [hbm4b:s1+s21], $0x20, s3, s21, $0xb8;
	[tilespmem:$0x1F900] =	vst v63  }
0x108: {  	_ =	swait.ge [sflag:s30], $0x1000  }
0x109: {  	[sflag:s30] =	ssyncset.done $0x0  }
0x10a: {  	s3 =	sadd.s32 $0x1A100, s16;
	[sflag:s30] =	ssyncadd.s32 $0xFFFFF000  }
0x10b: {  	[spmem:s2] =	stream.indirect.scatter.add.f32 [tilespmem:s24], [sflag:$0x5], $0x20, s3, s21, $0xb8;
	[tilespmem:$0x1F900] =	vst v63  }
0x10c: {  	_ =	swait.ge [sflag:s18], $0x1000  }
0x10d: {  	[sflag:s18] =	ssyncset.done $0x0  }
0x10e: {  	s3 =	sadd.s32 $0x18A80, s16;
	[sflag:s18] =	ssyncadd.s32 $0xFFFFF000  }
0x10f: {  	[tilespmem:s24], [sflag:$0x2] =	stream.indirect.gather [hbm4b:s1+s21], $0x20, s3, s21, $0xb8;
	[tilespmem:$0x1F900] =	vst v63  }
0x110: {  	_ =	swait.ge [sflag:s31], $0x1000  }
0x111: {  	[sflag:s31] =	ssyncset.done $0x0  }
0x112: {  	s3 =	sadd.s32 $0x1A180, s16;
	[sflag:s31] =	ssyncadd.s32 $0xFFFFF000  }
0x113: {  	[spmem:s2] =	stream.indirect.scatter.add.f32 [tilespmem:s26], [sflag:$0x5], $0x20, s3, s21, $0xb8;
	[tilespmem:$0x1F900] =	vst v63  }
0x114: {  	_ =	swait.ge [sflag:s18], $0x1000  }
0x115: {  	[sflag:s18] =	ssyncset.done $0x0  }
0x116: {  	s3 =	sadd.s32 $0x18B00, s16;
	[sflag:s18] =	ssyncadd.s32 $0xFFFFF000  }
0x117: {  	[tilespmem:s26], [sflag:$0x3] =	stream.indirect.gather [hbm4b:s1+s21], $0x20, s3, s21, $0xb8;
	[tilespmem:$0x1F900] =	vst v63  }
0x118: {  	_ =	swait.ge [sflag:s0], $0x1000  }
.Ltmp6:
0x119: {  	[sflag:s0] =	ssyncset.done $0x0;
	(pc) =	sbr.rel @p1 .LBB2_4-.Ltmp6, $4  }
0x11a: {  	s3 =	sadd.s32 $0x1A200, s16;
	[sflag:s0] =	ssyncadd.s32 $0xFFFFF000  }
0x11b: {  	[spmem:s2] =	stream.indirect.scatter.add.f32 [tilespmem:s28], [sflag:$0x5], $0x20, s3, s21, $0xb8;
	[tilespmem:$0x1F900] =	vst v63  }
0x11c: {  	_ =	swait.ge [sflag:s18], $0x1000  }
0x11d: {  	s16 =	sshra.s32 s20, $0x2;
	s3 =	smov.u32 s23;
	[sflag:s18] =	ssyncset.done $0x0  }
0x11e: {  	s3 =	sadd.s32 $0x18980, s16;
	[sflag:s18] =	ssyncadd.s32 $0xFFFFF000  }
0x11f: {  	[tilespmem:s28], [sflag:$0x4] =	stream.indirect.gather [hbm4b:s1+s21], $0x20, s3, s21, $0xb8;
	[tilespmem:$0x1F900] =	vst v63  }
0x120: {  	_ =	swait.ge [sflag:s29], $0x1000  }
0x121: {  	[sflag:s29] =	ssyncset.done $0x0  }
0x122: {  	s25 =	sadd.s32 $0x1A080, s16;
	[sflag:s29] =	ssyncadd.s32 $0xFFFFF000  }
0x123: {  	[spmem:s2] =	stream.indirect.scatter.add.f32 [tilespmem:s22], [sflag:$0x5], $0x20, s25, s21, $0xb8;
	[tilespmem:$0x1F900] =	vst v63  }
0x124: {  	_ =	swait.ge [sflag:s18], $0x1000  }
0x125: {  	[sflag:s18] =	ssyncset.done $0x0  }
0x126: {  	s20 =	sadd.s32 $0x18A00, s16;
	[sflag:s18] =	ssyncadd.s32 $0xFFFFF000  }
0x127: {  	[tilespmem:s22], [sflag:$0x1] =	stream.indirect.gather [hbm4b:s1+s21], $0x20, s20, s21, $0xb8;
	[tilespmem:$0x1F900] =	vst v63  }
0x128: {  	_ =	swait.ge [sflag:s30], $0x1000  }
0x129: {  	[sflag:s30] =	ssyncset.done $0x0  }
0x12a: {  	s23 =	sadd.s32 $0x1A100, s16;
	[sflag:s30] =	ssyncadd.s32 $0xFFFFF000  }
0x12b: {  	[spmem:s2] =	stream.indirect.scatter.add.f32 [tilespmem:s24], [sflag:$0x5], $0x20, s23, s21, $0xb8;
	[tilespmem:$0x1F900] =	vst v63  }
0x12c: {  	_ =	swait.ge [sflag:s18], $0x1000  }
0x12d: {  	[sflag:s18] =	ssyncset.done $0x0  }
0x12e: {  	s25 =	sadd.s32 $0x18A80, s16;
	[sflag:s18] =	ssyncadd.s32 $0xFFFFF000  }
0x12f: {  	[tilespmem:s24], [sflag:$0x2] =	stream.indirect.gather [hbm4b:s1+s21], $0x20, s25, s21, $0xb8;
	[tilespmem:$0x1F900] =	vst v63  }
0x130: {  	_ =	swait.ge [sflag:s31], $0x1000  }
0x131: {  	[sflag:s31] =	ssyncset.done $0x0  }
0x132: {  	s20 =	sadd.s32 $0x1A180, s16;
	[sflag:s31] =	ssyncadd.s32 $0xFFFFF000  }
0x133: {  	[spmem:s2] =	stream.indirect.scatter.add.f32 [tilespmem:s26], [sflag:$0x5], $0x20, s20, s21, $0xb8;
	[tilespmem:$0x1F900] =	vst v63  }
0x134: {  	_ =	swait.ge [sflag:s18], $0x1000  }
0x135: {  	[sflag:s18] =	ssyncset.done $0x0  }
0x136: {  	s23 =	sadd.s32 $0x18B00, s16;
	[sflag:s18] =	ssyncadd.s32 $0xFFFFF000  }
0x137: {  	[tilespmem:s26], [sflag:$0x3] =	stream.indirect.gather [hbm4b:s1+s21], $0x20, s23, s21, $0xb8;
	[tilespmem:$0x1F900] =	vst v63  }
0x138: {  	_ =	swait.ge [sflag:s0], $0x1000  }
0x139: {  	[sflag:s0] =	ssyncset.done $0x0  }
0x13a: {  	s25 =	sadd.s32 $0x1A200, s16;
	[sflag:s0] =	ssyncadd.s32 $0xFFFFF000  }
0x13b: {  	[spmem:s2] =	stream.indirect.scatter.add.f32 [tilespmem:s28], [sflag:$0x5], $0x20, s25, s21, $0xb8;
	[tilespmem:$0x1F900] =	vst v63  }
0x13c: {  	_ =	swait.ge [sflag:s18], $0x1000  }
0x13d: {  	[sflag:s18] =	ssyncset.done $0x0  }
0x13e: {  	[sflag:s18] =	ssyncadd.s32 $0xFFFFF000  }
0x13f: {  	[tilespmem:s28], [sflag:$0x4] =	stream.indirect.gather [hbm4b:s1+s21], $0x20, s4, s21, $0xb8;
	[tilespmem:$0x1F900] =	vst v63  }
0x140: {  	_ =	swait.ge [sflag:s29], $0x1000  }
0x141: {  	[sflag:s29] =	ssyncset.done $0x0  }
0x142: {  	[sflag:s29] =	ssyncadd.s32 $0xFFFFF000  }
0x143: {  	[spmem:s2] =	stream.indirect.scatter.add.f32 [tilespmem:s22], [sflag:$0x5], $0x20, s8, s21, $0xb8;
	[tilespmem:$0x1F900] =	vst v63  }
0x144: {  	_ =	swait.ge [sflag:s18], $0x1000  }
0x145: {  	[sflag:s18] =	ssyncset.done $0x0  }
0x146: {  	[sflag:s18] =	ssyncadd.s32 $0xFFFFF000  }
0x147: {  	[tilespmem:s22], [sflag:$0x1] =	stream.indirect.gather [hbm4b:s1+s21], $0x20, s11, s21, $0xb8;
	[tilespmem:$0x1F900] =	vst v63  }
0x148: {  	_ =	swait.ge [sflag:s30], $0x1000  }
0x149: {  	[sflag:s30] =	ssyncset.done $0x0  }
0x14a: {  	[sflag:s30] =	ssyncadd.s32 $0xFFFFF000  }
0x14b: {  	[spmem:s2] =	stream.indirect.scatter.add.f32 [tilespmem:s24], [sflag:$0x5], $0x20, s9, s21, $0xb8;
	[tilespmem:$0x1F900] =	vst v63  }
0x14c: {  	_ =	swait.ge [sflag:s18], $0x1000  }
0x14d: {  	[sflag:s18] =	ssyncset.done $0x0  }
0x14e: {  	[sflag:s18] =	ssyncadd.s32 $0xFFFFF000  }
0x14f: {  	_ =	swait.ge [sflag:s31], $0x1000  }
0x150: {  	[sflag:s31] =	ssyncset.done $0x0  }
0x151: {  	[sflag:s31] =	ssyncadd.s32 $0xFFFFF000  }
0x152: {  	[spmem:s2] =	stream.indirect.scatter.add.f32 [tilespmem:s26], [sflag:$0x5], $0x20, s13, s21, $0xb8;
	[tilespmem:$0x1F900] =	vst v63  }
0x153: {  	_ =	swait.ge [sflag:s18], $0x1000  }
0x154: {  	[sflag:s18] =	ssyncset.done $0x0  }
0x155: {  	[sflag:s18] =	ssyncadd.s32 $0xFFFFF000  }
0x156: {  	_ =	swait.ge [sflag:s0], $0x1000  }
0x157: {  	[sflag:s0] =	ssyncset.done $0x0  }
0x158: {  	[sflag:s0] =	ssyncadd.s32 $0xFFFFF000  }
0x159: {  	[spmem:s2] =	stream.indirect.scatter.add.f32 [tilespmem:s28], [sflag:$0x5], $0x20, s14, s21, $0xb8;
	[tilespmem:$0x1F900] =	vst v63  }
0x15a: {  	_ =	swait.ge [sflag:s18], $0x1000  }
0x15b: {  	[sflag:s18] =	ssyncset.done $0x0  }
0x15c: {  	[sflag:s18] =	ssyncadd.s32 $0xFFFFF000  }
0x15d: {  	s17 =	sadd.s32 $0x1, s17;
	_ =	swait.ge [sflag:s29], $0x1000  }
0x15e: {  	p1 =	seq.s32 s17, $0x8;
	[sflag:s29] =	ssyncset.done $0x0  }
.Ltmp7:
0x15f: {  	[sflag:s29] =	ssyncadd.s32 $0xFFFFF000;
	(pc) =	sbr.rel @!p1 .LBB2_3-.Ltmp7, $4  }
0x160: {  	[spmem:s2] =	stream.indirect.scatter.add.f32 [tilespmem:s22], [sflag:$0x5], $0x20, s15, s21, $0xb8;
	[tilespmem:$0x1F900] =	vst v63  }
0x161: {  	_ =	swait.ge [sflag:s18], $0x1000  }
0x162: {  	[sflag:s18] =	ssyncset.done $0x0  }
0x163: {  	[sflag:s18] =	ssyncadd.s32 $0xFFFFF000  }
.Ltmp8:
0x164: {  	(pc) =	sbr.rel .LBB2_12-.Ltmp8, $4  }
0x165: {  	_ = 	snop  }
0x166: {  	s3 =	rddreg [dreg:$0x5]  }
0x167: {  	s10 =	rddreg [dreg:$0x4]  }
0x168: {  	s17 =	rddreg [dreg:$0xe]  }
.LBB2_13:
0x169: {  	_ =	sfence.sel $0x180000  }
0x16a: {  	[bflag:$0x0] =	sbarrier.arrive $0xFFFF  }
0x16b: {  	_ =	strace $0x90000050  }
0x16c: {  	s0 =	stileid.u32;
	[bflag:$0x2] =	sbarrier.arrive $0xFFFF  }
0x16d: {  	p0 =	sne.s32 s0, $0x0;
	s0 =	rddreg [dreg:$0x3]  }
0x16e: {  	s0 =	sadd.s32 @!p0 $0x100000, s0  }
0x16f: {  	[sflag:s0] =	ssyncadd.tile.s32 @!p0 $0x1;
	_ =	shalt  }
.Lfunc_end2:
_tile_overlayer_lowered:
.L_overlay_start_2:
0x170: {  	(tag) =	ssettag $0x2  }
0x171: {  	s0 =	rddreg [dreg:$0x0];
	s2 =	stileid.u32  }
0x172: {  	s1 =	rddreg [dreg:$0x1];
	p0 =	sne.s32 s2, $0x0  }
0x173: {  	s3 =	rddreg [dreg:$0x2];
	[bflag:$0x3] =	sbarrier.arrive $0xFFFF;
	s2 =	simm.s32 @!p0 $0x1C05  }
0x174: {  	[timem:s3], [sflag:s2] =	dma.local @!p0 [hbm:s0], s1  }
0x175: {  	s0 =	simm.s32 @!p0 $0x5  }
0x176: {  	_ =	swait.ge @!p0 [sflag:s0], s1  }
0x177: {  	s1 =	ssub.s32 @!p0 $0x0, s1;
	[sflag:s0] =	ssyncset.done @!p0 $0x0  }
0x178: {  	[sflag:s0] =	ssyncadd.s32 @!p0 s1  }
0x179: {  	[bflag:$0x3] =	sbarrier.arrive $0xFFFF  }
0x17a: {  	_ =	shalt  }

</sc_bundles>
